<compile_context>
chip_gen: v7x
topology: tpu7x:2x2x1
jax: 0.10.2.dev20260603
libtpu: 0.0.44.dev20260713+nightly
codegen_flags: <defaults>
</compile_context>

<pallas_src>
import functools

import jax
import jax.numpy as jnp
from jax import lax
from jax.experimental import pallas as pl
from jax.experimental.pallas import tpu as pltpu
from jax.experimental.pallas import tpu_sc as plsc

_N = 10000
_E = 160000
_C = 64

_NC = 2
_NS = 16
_NW = _NC * _NS
_EPW = _E // _NW
_CH = 128
_NFULL = _EPW // _CH
_TAIL = _EPW - _NFULL * _CH
_RPT = _N // _NS
_W = 128

_HALVES = ((0, _E),)


def _make_gather_body(base, epw):
    nfull, tail = epw // _CH, epw % _CH
    assert nfull % 2 == 1 and tail > 0

    def body(x_hbm, idx_hbm, out_hbm, idx_all, rows0, rows1, rows_t,
             sem0, sem1):
        c = lax.axis_index("c")
        s = lax.axis_index("s")
        wid = s * _NC + c
        wbase = base + wid * epw
        pltpu.sync_copy(idx_hbm.at[pl.ds(pl.multiple_of(wbase, 8), epw)],
                        idx_all)

        def gst(j, buf, sem):
            pltpu.async_copy(x_hbm.at[idx_all.at[pl.ds(j * _CH, _CH)]],
                             buf, sem)

        def gwt(buf, sem):
            pltpu.make_async_copy(
                x_hbm.at[idx_all.at[pl.ds(0, _CH)]], buf, sem).wait()

        def wb(j, buf):
            pltpu.sync_copy(
                buf, out_hbm.at[pl.ds(pl.multiple_of(wbase + j * _CH, 8),
                                      _CH)])

        gst(0, rows0, sem0)

        def pair(p, carry):
            j = 2 * p
            gst(j + 1, rows1, sem1)
            gwt(rows0, sem0)
            wb(j, rows0)
            gst(j + 2, rows0, sem0)
            gwt(rows1, sem1)
            wb(j + 1, rows1)
            return carry

        lax.fori_loop(0, nfull // 2, pair, 0)
        gwt(rows0, sem0)
        wb(nfull - 1, rows0)
        offt = pl.multiple_of(wbase + nfull * _CH, 8)
        pltpu.async_copy(x_hbm.at[idx_all.at[pl.ds(nfull * _CH, tail)]],
                         rows_t, sem0).wait()
        pltpu.sync_copy(rows_t, out_hbm.at[pl.ds(offt, tail)])

    return body, tail


def _make_scatter_body(base, epw):
    nfull, tail = epw // _CH, epw % _CH
    assert nfull % 2 == 1 and tail > 0

    def body(msg_hbm, dst_hbm, zero_hbm, parts_hbm, idx0, idx1, rows0, rows1,
             idx_t, rows_t, agg_sh, si0, si1, sm0, sm1):
        c = lax.axis_index("c")
        s = lax.axis_index("s")
        wid = s * _NC + c
        wbase = base + wid * epw

        def lst(j, ib, rb, si, sm):
            off = pl.multiple_of(wbase + j * _CH, 8)
            pltpu.async_copy(dst_hbm.at[pl.ds(off, _CH)], ib, si)
            pltpu.async_copy(msg_hbm.at[pl.ds(off, _CH)], rb, sm)

        def lwt(ib, rb, si, sm):
            off0 = pl.multiple_of(wbase, 8)
            pltpu.make_async_copy(dst_hbm.at[pl.ds(off0, _CH)], ib, si).wait()
            pltpu.make_async_copy(msg_hbm.at[pl.ds(off0, _CH)], rb, sm).wait()

        lst(0, idx0, rows0, si0, sm0)
        r0 = pl.multiple_of(s * 632, 8)
        pltpu.sync_copy(zero_hbm.at[pl.ds(0, 520)], agg_sh.at[pl.ds(r0, 520)])

        @pl.when(s < _NS - 1)
        def _init_rest():
            pltpu.sync_copy(zero_hbm.at[pl.ds(520, 112)],
                            agg_sh.at[pl.ds(pl.multiple_of(r0 + 520, 8), 112)])

        plsc.subcore_barrier()

        def pair(p, carry):
            j = 2 * p
            lst(j + 1, idx1, rows1, si1, sm1)
            lwt(idx0, rows0, si0, sm0)
            pltpu.sync_copy(rows0, agg_sh.at[idx0], add=True)
            lst(j + 2, idx0, rows0, si0, sm0)
            lwt(idx1, rows1, si1, sm1)
            pltpu.sync_copy(rows1, agg_sh.at[idx1], add=True)
            return carry

        lax.fori_loop(0, nfull // 2, pair, 0)
        lwt(idx0, rows0, si0, sm0)
        pltpu.sync_copy(rows0, agg_sh.at[idx0], add=True)
        offt = pl.multiple_of(wbase + nfull * _CH, 8)
        pltpu.sync_copy(dst_hbm.at[pl.ds(offt, tail)], idx_t)
        pltpu.sync_copy(msg_hbm.at[pl.ds(offt, tail)], rows_t)
        pltpu.sync_copy(rows_t, agg_sh.at[idx_t], add=True)
        plsc.subcore_barrier()
        ro = pl.multiple_of(s * 632, 8)
        po = pl.multiple_of(c * _N + s * 632, 8)
        pltpu.sync_copy(agg_sh.at[pl.ds(ro, 520)],
                        parts_hbm.at[pl.ds(po, 520)])

        @pl.when(s < _NS - 1)
        def _out_rest():
            pltpu.sync_copy(
                agg_sh.at[pl.ds(pl.multiple_of(ro + 520, 8), 112)],
                parts_hbm.at[pl.ds(pl.multiple_of(po + 520, 8), 112)])

    return body, tail


@functools.lru_cache(maxsize=None)
def _sc_kernels():
    mesh = plsc.VectorSubcoreMesh(core_axis_name="c", subcore_axis_name="s")
    params = pltpu.CompilerParams(use_tc_tiling_on_sc=True)
    kernels = []
    for base, n_edges in _HALVES:
        epw = n_edges // _NW
        gbody, gtail = _make_gather_body(base, epw)
        gather = pl.kernel(
            gbody,
            mesh=mesh,
            compiler_params=params,
            out_type=jax.ShapeDtypeStruct((_E, _W), jnp.float32),
            scratch_types=[
                pltpu.VMEM((epw,), jnp.int32),
                pltpu.VMEM((_CH, _W), jnp.float32),
                pltpu.VMEM((_CH, _W), jnp.float32),
                pltpu.VMEM((max(gtail, 8), _W), jnp.float32),
                pltpu.SemaphoreType.DMA,
                pltpu.SemaphoreType.DMA,
            ],
        )
        sbody, stail = _make_scatter_body(base, epw)
        scatter = pl.kernel(
            sbody,
            mesh=mesh,
            compiler_params=params,
            out_type=jax.ShapeDtypeStruct((2 * _N, _W), jnp.float32),
            scratch_types=[
                pltpu.VMEM((_CH,), jnp.int32),
                pltpu.VMEM((_CH,), jnp.int32),
                pltpu.VMEM((_CH, _W), jnp.float32),
                pltpu.VMEM((_CH, _W), jnp.float32),
                pltpu.VMEM((max(stail, 8),), jnp.int32),
                pltpu.VMEM((max(stail, 8), _W), jnp.float32),
                pltpu.VMEM_SHARED((_N, _W), jnp.float32),
                pltpu.SemaphoreType.DMA,
                pltpu.SemaphoreType.DMA,
                pltpu.SemaphoreType.DMA,
                pltpu.SemaphoreType.DMA,
            ],
        )
        kernels.append((gather, scatter))
    return kernels


_BE = 8192
_BH = 256


def _edge_half(ea, xj, W2T):
    eaT = ea.T.astype(jnp.float32)
    xjT = xj.T
    rep = jnp.broadcast_to(xjT[:, None, :],
                           (_C, _C, _BH)).reshape(_C * _C, _BH)
    eaT_t = jnp.tile(eaT, (_C, 1))
    u = (rep * eaT_t).astype(jnp.bfloat16)
    u_full = jnp.concatenate([u, xjT.astype(jnp.bfloat16)], axis=0)
    msgT = jnp.dot(W2T, u_full,
                   preferred_element_type=jnp.float32)
    return msgT.T


def _edge_body(ea_ref, xj_ref, W2T_ref, msg_ref):
    W2T = W2T_ref[...]
    zer = jnp.zeros((_BH, _W - _C), jnp.float32)
    for h in range(_BE // _BH):
        sl = pl.ds(h * _BH, _BH)
        m = _edge_half(ea_ref[sl, :], xj_ref[sl, :][:, :_C], W2T)
        msg_ref[sl, :] = jnp.concatenate([m, zer], axis=1)


def _edge_call(ea, xj, W2T_bf16, blk0, n_edges):
    bmap = lambda i, b=blk0: (i + b, 0)
    return pl.pallas_call(
        _edge_body,
        grid=(pl.cdiv(n_edges, _BE),),
        in_specs=[
            pl.BlockSpec((_BE, _C), bmap),
            pl.BlockSpec((_BE, _W), bmap),
            pl.BlockSpec((_C, _C * _C + _C), lambda i: (0, 0)),
        ],
        out_specs=pl.BlockSpec((_BE, _W), bmap),
        out_shape=jax.ShapeDtypeStruct((_E, _W), jnp.float32),
    )(ea, xj, W2T_bf16)


_BN = 2000


def _combine_body(p_ref, x_ref, lwT_ref, b_ref, o_ref):
    s_ = (p_ref[0][:, :_C] + p_ref[1][:, :_C] + b_ref[...]
          + jnp.dot(x_ref[...][:, :_C], lwT_ref[...],
                    preferred_element_type=jnp.float32))
    h = jnp.maximum(s_, 0.0)
    o_ref[...] = jnp.concatenate(
        [h, jnp.zeros((_BN, _W - _C), jnp.float32)], axis=1)


def _combine_call(parts, x, lwT, b_row):
    return pl.pallas_call(
        _combine_body,
        grid=(_N // _BN,),
        in_specs=[
            pl.BlockSpec((2, _BN, _W), lambda i: (0, i, 0)),
            pl.BlockSpec((_BN, _W), lambda i: (i, 0)),
            pl.BlockSpec((_C, _C), lambda i: (0, 0)),
            pl.BlockSpec((1, _C), lambda i: (0, 0)),
        ],
        out_specs=pl.BlockSpec((_BN, _W), lambda i: (i, 0)),
        out_shape=jax.ShapeDtypeStruct((_N, _W), jnp.float32),
    )(parts, x, lwT, b_row)


def _combine_final_body(p_ref, x_ref, lwT_ref, b_ref, woT_ref, bo_ref, o_ref):
    s_ = (p_ref[0][:, :_C] + p_ref[1][:, :_C] + b_ref[...]
          + jnp.dot(x_ref[...][:, :_C], lwT_ref[...],
                    preferred_element_type=jnp.float32))
    h = jnp.maximum(s_, 0.0)
    o_ref[...] = jnp.dot(h, woT_ref[...],
                         preferred_element_type=jnp.float32) + bo_ref[...]


def _combine_final_call(parts, x, lwT, b_row, woT, bo_row):
    return pl.pallas_call(
        _combine_final_body,
        grid=(_N // _BN,),
        in_specs=[
            pl.BlockSpec((2, _BN, _W), lambda i: (0, i, 0)),
            pl.BlockSpec((_BN, _W), lambda i: (i, 0)),
            pl.BlockSpec((_C, _C), lambda i: (0, 0)),
            pl.BlockSpec((1, _C), lambda i: (0, 0)),
            pl.BlockSpec((_C, _C), lambda i: (0, 0)),
            pl.BlockSpec((1, _C), lambda i: (0, 0)),
        ],
        out_specs=pl.BlockSpec((_BN, _C), lambda i: (i, 0)),
        out_shape=jax.ShapeDtypeStruct((_N, _C), jnp.float32),
    )(parts, x, lwT, b_row, woT, bo_row)


def kernel(feature, edge_index, edge_attr, nn_W0, nn_b0, lin_W0, bias0,
           nn_W1, nn_b1, lin_W1, bias1, W_out, b_out):
    src = edge_index[0]
    dst = edge_index[1]
    zero_init = jnp.zeros((632, _W), jnp.float32)
    halves = _sc_kernels()

    def layer(x, nn_W, nn_b):
        W2T = nn_W.reshape(_C, _C, _C).transpose(1, 0, 2).reshape(_C, _C * _C)
        nbmT = nn_b.reshape(_C, _C).T
        W2T = jnp.concatenate([W2T, nbmT], axis=1).astype(jnp.bfloat16)
        gather, scatter = halves[0]
        xj = gather(x, src)
        msg = _edge_call(ea_b, xj, W2T, 0, _E)
        return scatter(msg, dst, zero_init).reshape(2, _N, _W)

    ea_b = edge_attr.astype(jnp.bfloat16)
    feat_pad = jnp.concatenate(
        [feature, jnp.zeros((_N, _W - _C), jnp.float32)], axis=1)
    p0 = layer(feat_pad, nn_W0, nn_b0)
    x1 = _combine_call(p0, feat_pad, lin_W0.T, bias0.reshape(1, _C))
    p1 = layer(x1, nn_W1, nn_b1)
    out = _combine_final_call(p1, x1, lin_W1.T, bias1.reshape(1, _C),
                              W_out.T, b_out.reshape(1, _C))
    return out

# --- scband reference (transcript-rebuilt; emitter-appended) ---
"""Pipeline reference for scband-mpnn-e-4612794876383 (READ-ONLY COPY).

The authoritative reference and input builder live on the scoring server;
editing this copy changes nothing except your own understanding.
"""

import jax, jax.numpy as jnp
import numpy as np

N = 10000
E = 160000
C = 64


def _mpnn_conv(x, edge_index, edge_attr, nn_W, nn_b, lin_W, bias):
    # PyG MessagePassing (flow=source_to_target): x_j = x[edge_index[0]], aggregate at edge_index[1]
    src = edge_index[0]
    dst = edge_index[1]
    # message: weight = nn(edge_attr).view(-1, in_c, out_c); msg = x_j @ weight (per-edge)
    w = edge_attr @ nn_W.T + nn_b               # [E, in_c*out_c]
    w = w.reshape(-1, C, C)                      # [E, in_c, out_c]
    x_j = jnp.take(x, src, axis=0)               # [E, in_c]
    msg = jnp.einsum('ei,eio->eo', x_j, w)       # [E, out_c]
    agg = jax.ops.segment_sum(msg, dst, num_segments=x.shape[0])  # aggr='add'
    # root weight (bias=False linear) + bias
    return agg + x @ lin_W.T + bias


def setup_inputs(seed: int = 0) -> dict:
    key = jax.random.key(seed)
    ks = jax.random.split(key, 12)
    inp = {}
    inp['feature'] = jax.random.normal(ks[0], (N, C), dtype=jnp.float32)
    inp['edge_index'] = jax.random.randint(ks[1], (2, E), 0, N, dtype=jnp.int32)
    inp['edge_attr'] = jax.random.normal(ks[2], (E, C), dtype=jnp.float32)
    # layer 0 params: nn = Linear(64, 64*64), lin = Linear(64, 64, bias=False), bias[64]
    inp['nn_W0'] = jax.random.normal(ks[3], (C * C, C), dtype=jnp.float32) * 0.05
    inp['nn_b0'] = jax.random.normal(ks[4], (C * C,), dtype=jnp.float32) * 0.05
    inp['lin_W0'] = jax.random.normal(ks[5], (C, C), dtype=jnp.float32) * 0.05
    inp['bias0'] = jnp.zeros((C,), dtype=jnp.float32)
    # layer 1 params
    inp['nn_W1'] = jax.random.normal(ks[6], (C * C, C), dtype=jnp.float32) * 0.05
    inp['nn_b1'] = jax.random.normal(ks[7], (C * C,), dtype=jnp.float32) * 0.05
    inp['lin_W1'] = jax.random.normal(ks[8], (C, C), dtype=jnp.float32) * 0.05
    inp['bias1'] = jnp.zeros((C,), dtype=jnp.float32)
    # final torch.nn.Linear(64, out_channels=64)
    inp['W_out'] = jax.random.normal(ks[9], (C, C), dtype=jnp.float32) * 0.05
    inp['b_out'] = jax.random.normal(ks[10], (C,), dtype=jnp.float32) * 0.05
    return inp


def reference(feature, edge_index, edge_attr, nn_W0, nn_b0, lin_W0, bias0, nn_W1, nn_b1, lin_W1, bias1, W_out, b_out):
    x = jax.nn.relu(_mpnn_conv(feature, edge_index, edge_attr, nn_W0, nn_b0, lin_W0, bias0))
    x = jax.nn.relu(_mpnn_conv(x, edge_index, edge_attr, nn_W1, nn_b1, lin_W1, bias1))
    return x @ W_out.T + b_out

if __name__ == "__main__":
    import jax
    _d = setup_inputs()
    print(jax.jit(kernel)(*tuple(_d.values())))

</pallas_src>

<mosaic_0001>
#map = affine_map<(d0, d1) -> (0, 0)>
#map1 = affine_map<(d0, d1) -> (0)>
module attributes {stable_mosaic.version = 14 : i64} {
  func.func @body(%arg0: i32, %arg1: i32, %arg2: memref<10000x128xf32, #tpu.memory_space<hbm>>, %arg3: memref<160000xi32, #tpu.memory_space<hbm>>, %arg4: memref<160000x128xf32, #tpu.memory_space<hbm>>, %arg5: memref<5000xi32, #tpu.memory_space<vmem>>, %arg6: memref<128x128xf32, #tpu.memory_space<vmem>>, %arg7: memref<128x128xf32, #tpu.memory_space<vmem>>, %arg8: memref<8x128xf32, #tpu.memory_space<vmem>>, %arg9: memref<!tpu.dma_semaphore, #tpu.memory_space<semaphore_mem>>, %arg10: memref<!tpu.dma_semaphore, #tpu.memory_space<semaphore_mem>>) attributes {dimension_semantics = [#tpu.dimension_semantics<core_parallel>, #tpu.dimension_semantics<subcore_parallel>], iteration_bounds = array<i64: 2, 16>, scalar_prefetch = 0 : i64, scratch_operands = 6 : i64, tpu.core_type = #tpu.core_type<sc_vector_subcore>, window_params = [{transform_indices = #map}, {transform_indices = #map1}, {transform_indices = #map}]} {
    %mul3A = arith.constant 2 : i32
    %mul3A_0 = arith.muli %arg1, %mul3A : i32
    %add3A = arith.addi %mul3A_0, %arg0 : i32
    %mul3A_1 = arith.constant 5000 : i32
    %mul3A_2 = arith.muli %add3A, %mul3A_1 : i32
    %add3A_3 = arith.constant 0 : i32
    %add3A_4 = arith.addi %add3A_3, %mul3A_2 : i32
    %multiple_of3A = tpu.assume_multiple %add3A_4, 8 : i32
    "tpu.region"() ({
      %run_scoped3A = tpu.sem_alloc : memref<!tpu.dma_semaphore, #tpu.memory_space<semaphore_mem>>
      %dma_start3A_34 = tpu.memref_slice %arg3[%multiple_of3A] : memref<160000xi32, #tpu.memory_space<hbm>> -> memref<5000xi32, #tpu.memory_space<hbm>>
      %dma_start3A_35 = tpu.memref_slice %arg3[%multiple_of3A] : memref<160000xi32, #tpu.memory_space<hbm>> -> memref<5000xi32, #tpu.memory_space<hbm>>
      tpu.enqueue_dma source(%dma_start3A_35 : memref<5000xi32, #tpu.memory_space<hbm>>) target(%arg5 : memref<5000xi32, #tpu.memory_space<vmem>>) target_semaphore(%run_scoped3A : memref<!tpu.dma_semaphore, #tpu.memory_space<semaphore_mem>>)
      %dma_wait3A_36 = tpu.memref_slice %arg3[%multiple_of3A] : memref<160000xi32, #tpu.memory_space<hbm>> -> memref<5000xi32, #tpu.memory_space<hbm>>
      %dma_wait3A_37 = tpu.memref_slice %arg3[%multiple_of3A] : memref<160000xi32, #tpu.memory_space<hbm>> -> memref<5000xi32, #tpu.memory_space<hbm>>
      tpu.wait_dma2 semaphore(%run_scoped3A : memref<!tpu.dma_semaphore, #tpu.memory_space<semaphore_mem>>) src(%dma_wait3A_37 : memref<5000xi32, #tpu.memory_space<hbm>>) dst(%arg5 : memref<5000xi32, #tpu.memory_space<vmem>>)
      tpu.yield
    }) : () -> ()
    %dma_start3A = arith.constant 0 : i32
    %dma_start3A_5 = tpu.memref_slice %arg5[%dma_start3A] : memref<5000xi32, #tpu.memory_space<vmem>> -> memref<128xi32, #tpu.memory_space<vmem>>
    %dma_start3A_6 = arith.constant 0 : i32
    %dma_start3A_7 = arith.constant 0 : i32
    %dma_start3A_8 = tpu.memref_slice %arg2[%dma_start3A_6, %dma_start3A_7] : memref<10000x128xf32, #tpu.memory_space<hbm>> -> memref<10000x128xf32, #tpu.memory_space<hbm>>
    tpu.enqueue_indirect_dma source(%dma_start3A_8 : memref<10000x128xf32, #tpu.memory_space<hbm>>) target(%arg6 : memref<128x128xf32, #tpu.memory_space<vmem>>) offsets(%dma_start3A_5 : memref<128xi32, #tpu.memory_space<vmem>>) semaphore(%arg9 : memref<!tpu.dma_semaphore, #tpu.memory_space<semaphore_mem>>)
    %scan3A = arith.constant 0 : i32
    %scan3A_9 = arith.constant 0 : i32
    %scan3A_10 = arith.constant 19 : i32
    %scan3A_11 = arith.addi %scan3A_9, %scan3A_10 : i32
    %scan3A_12 = arith.constant 1 : i32
    scf.for %scan3A_34 = %scan3A_9 to %scan3A_11 step %scan3A_12  : i32 {
      %mul3A_35 = arith.constant 2 : i32
      %mul3A_36 = arith.muli %mul3A_35, %scan3A_34 : i32
      %add3A_37 = arith.constant 1 : i32
      %add3A_38 = arith.addi %mul3A_36, %add3A_37 : i32
      %mul3A_39 = arith.constant 128 : i32
      %mul3A_40 = arith.muli %add3A_38, %mul3A_39 : i32
      %dma_start3A_41 = tpu.memref_slice %arg5[%mul3A_40] : memref<5000xi32, #tpu.memory_space<vmem>> -> memref<128xi32, #tpu.memory_space<vmem>>
      %dma_start3A_42 = arith.constant 0 : i32
      %dma_start3A_43 = arith.constant 0 : i32
      %dma_start3A_44 = tpu.memref_slice %arg2[%dma_start3A_42, %dma_start3A_43] : memref<10000x128xf32, #tpu.memory_space<hbm>> -> memref<10000x128xf32, #tpu.memory_space<hbm>>
      tpu.enqueue_indirect_dma source(%dma_start3A_44 : memref<10000x128xf32, #tpu.memory_space<hbm>>) target(%arg7 : memref<128x128xf32, #tpu.memory_space<vmem>>) offsets(%dma_start3A_41 : memref<128xi32, #tpu.memory_space<vmem>>) semaphore(%arg10 : memref<!tpu.dma_semaphore, #tpu.memory_space<semaphore_mem>>)
      %dma_wait3A_45 = arith.constant 0 : i32
      %dma_wait3A_46 = tpu.memref_slice %arg5[%dma_wait3A_45] : memref<5000xi32, #tpu.memory_space<vmem>> -> memref<128xi32, #tpu.memory_space<vmem>>
      %dma_wait3A_47 = arith.constant 0 : i32
      %dma_wait3A_48 = arith.constant 0 : i32
      %dma_wait3A_49 = tpu.memref_slice %arg2[%dma_wait3A_47, %dma_wait3A_48] : memref<10000x128xf32, #tpu.memory_space<hbm>> -> memref<10000x128xf32, #tpu.memory_space<hbm>>
      tpu.wait_indirect_dma semaphore(%arg9 : memref<!tpu.dma_semaphore, #tpu.memory_space<semaphore_mem>>) src(%dma_wait3A_49 : memref<10000x128xf32, #tpu.memory_space<hbm>>) dst(%arg6 : memref<128x128xf32, #tpu.memory_space<vmem>>)
      %mul3A_50 = arith.constant 128 : i32
      %mul3A_51 = arith.muli %mul3A_36, %mul3A_50 : i32
      %add3A_52 = arith.addi %add3A_4, %mul3A_51 : i32
      %multiple_of3A_53 = tpu.assume_multiple %add3A_52, 8 : i32
      "tpu.region"() ({
        %run_scoped3A = tpu.sem_alloc : memref<!tpu.dma_semaphore, #tpu.memory_space<semaphore_mem>>
        %dma_start3A_73 = arith.constant 0 : i32
        %dma_start3A_74 = tpu.memref_slice %arg4[%multiple_of3A_53, %dma_start3A_73] : memref<160000x128xf32, #tpu.memory_space<hbm>> -> memref<128x128xf32, #tpu.memory_space<hbm>>
        %dma_start3A_75 = arith.constant 0 : i32
        %dma_start3A_76 = tpu.memref_slice %arg4[%multiple_of3A_53, %dma_start3A_75] : memref<160000x128xf32, #tpu.memory_space<hbm>> -> memref<128x128xf32, #tpu.memory_space<hbm>>
        tpu.enqueue_dma source(%arg6 : memref<128x128xf32, #tpu.memory_space<vmem>>) target(%dma_start3A_76 : memref<128x128xf32, #tpu.memory_space<hbm>>) target_semaphore(%run_scoped3A : memref<!tpu.dma_semaphore, #tpu.memory_space<semaphore_mem>>)
        %dma_wait3A_77 = arith.constant 0 : i32
        %dma_wait3A_78 = tpu.memref_slice %arg4[%multiple_of3A_53, %dma_wait3A_77] : memref<160000x128xf32, #tpu.memory_space<hbm>> -> memref<128x128xf32, #tpu.memory_space<hbm>>
        %dma_wait3A_79 = arith.constant 0 : i32
        %dma_wait3A_80 = tpu.memref_slice %arg4[%multiple_of3A_53, %dma_wait3A_79] : memref<160000x128xf32, #tpu.memory_space<hbm>> -> memref<128x128xf32, #tpu.memory_space<hbm>>
        tpu.wait_dma2 semaphore(%run_scoped3A : memref<!tpu.dma_semaphore, #tpu.memory_space<semaphore_mem>>) src(%arg6 : memref<128x128xf32, #tpu.memory_space<vmem>>) dst(%dma_wait3A_80 : memref<128x128xf32, #tpu.memory_space<hbm>>)
        tpu.yield
      }) : () -> ()
      %add3A_54 = arith.constant 2 : i32
      %add3A_55 = arith.addi %mul3A_36, %add3A_54 : i32
      %mul3A_56 = arith.constant 128 : i32
      %mul3A_57 = arith.muli %add3A_55, %mul3A_56 : i32
      %dma_start3A_58 = tpu.memref_slice %arg5[%mul3A_57] : memref<5000xi32, #tpu.memory_space<vmem>> -> memref<128xi32, #tpu.memory_space<vmem>>
      %dma_start3A_59 = arith.constant 0 : i32
      %dma_start3A_60 = arith.constant 0 : i32
      %dma_start3A_61 = tpu.memref_slice %arg2[%dma_start3A_59, %dma_start3A_60] : memref<10000x128xf32, #tpu.memory_space<hbm>> -> memref<10000x128xf32, #tpu.memory_space<hbm>>
      tpu.enqueue_indirect_dma source(%dma_start3A_61 : memref<10000x128xf32, #tpu.memory_space<hbm>>) target(%arg6 : memref<128x128xf32, #tpu.memory_space<vmem>>) offsets(%dma_start3A_58 : memref<128xi32, #tpu.memory_space<vmem>>) semaphore(%arg9 : memref<!tpu.dma_semaphore, #tpu.memory_space<semaphore_mem>>)
      %dma_wait3A_62 = arith.constant 0 : i32
      %dma_wait3A_63 = tpu.memref_slice %arg5[%dma_wait3A_62] : memref<5000xi32, #tpu.memory_space<vmem>> -> memref<128xi32, #tpu.memory_space<vmem>>
      %dma_wait3A_64 = arith.constant 0 : i32
      %dma_wait3A_65 = arith.constant 0 : i32
      %dma_wait3A_66 = tpu.memref_slice %arg2[%dma_wait3A_64, %dma_wait3A_65] : memref<10000x128xf32, #tpu.memory_space<hbm>> -> memref<10000x128xf32, #tpu.memory_space<hbm>>
      tpu.wait_indirect_dma semaphore(%arg10 : memref<!tpu.dma_semaphore, #tpu.memory_space<semaphore_mem>>) src(%dma_wait3A_66 : memref<10000x128xf32, #tpu.memory_space<hbm>>) dst(%arg7 : memref<128x128xf32, #tpu.memory_space<vmem>>)
      %add3A_67 = arith.constant 1 : i32
      %add3A_68 = arith.addi %mul3A_36, %add3A_67 : i32
      %mul3A_69 = arith.constant 128 : i32
      %mul3A_70 = arith.muli %add3A_68, %mul3A_69 : i32
      %add3A_71 = arith.addi %add3A_4, %mul3A_70 : i32
      %multiple_of3A_72 = tpu.assume_multiple %add3A_71, 8 : i32
      "tpu.region"() ({
        %run_scoped3A = tpu.sem_alloc : memref<!tpu.dma_semaphore, #tpu.memory_space<semaphore_mem>>
        %dma_start3A_73 = arith.constant 0 : i32
        %dma_start3A_74 = tpu.memref_slice %arg4[%multiple_of3A_72, %dma_start3A_73] : memref<160000x128xf32, #tpu.memory_space<hbm>> -> memref<128x128xf32, #tpu.memory_space<hbm>>
        %dma_start3A_75 = arith.constant 0 : i32
        %dma_start3A_76 = tpu.memref_slice %arg4[%multiple_of3A_72, %dma_start3A_75] : memref<160000x128xf32, #tpu.memory_space<hbm>> -> memref<128x128xf32, #tpu.memory_space<hbm>>
        tpu.enqueue_dma source(%arg7 : memref<128x128xf32, #tpu.memory_space<vmem>>) target(%dma_start3A_76 : memref<128x128xf32, #tpu.memory_space<hbm>>) target_semaphore(%run_scoped3A : memref<!tpu.dma_semaphore, #tpu.memory_space<semaphore_mem>>)
        %dma_wait3A_77 = arith.constant 0 : i32
        %dma_wait3A_78 = tpu.memref_slice %arg4[%multiple_of3A_72, %dma_wait3A_77] : memref<160000x128xf32, #tpu.memory_space<hbm>> -> memref<128x128xf32, #tpu.memory_space<hbm>>
        %dma_wait3A_79 = arith.constant 0 : i32
        %dma_wait3A_80 = tpu.memref_slice %arg4[%multiple_of3A_72, %dma_wait3A_79] : memref<160000x128xf32, #tpu.memory_space<hbm>> -> memref<128x128xf32, #tpu.memory_space<hbm>>
        tpu.wait_dma2 semaphore(%run_scoped3A : memref<!tpu.dma_semaphore, #tpu.memory_space<semaphore_mem>>) src(%arg7 : memref<128x128xf32, #tpu.memory_space<vmem>>) dst(%dma_wait3A_80 : memref<128x128xf32, #tpu.memory_space<hbm>>)
        tpu.yield
      }) : () -> ()
    }
    %scan3A_13 = arith.constant 19 : i32
    %dma_wait3A = arith.constant 0 : i32
    %dma_wait3A_14 = tpu.memref_slice %arg5[%dma_wait3A] : memref<5000xi32, #tpu.memory_space<vmem>> -> memref<128xi32, #tpu.memory_space<vmem>>
    %dma_wait3A_15 = arith.constant 0 : i32
    %dma_wait3A_16 = arith.constant 0 : i32
    %dma_wait3A_17 = tpu.memref_slice %arg2[%dma_wait3A_15, %dma_wait3A_16] : memref<10000x128xf32, #tpu.memory_space<hbm>> -> memref<10000x128xf32, #tpu.memory_space<hbm>>
    tpu.wait_indirect_dma semaphore(%arg9 : memref<!tpu.dma_semaphore, #tpu.memory_space<semaphore_mem>>) src(%dma_wait3A_17 : memref<10000x128xf32, #tpu.memory_space<hbm>>) dst(%arg6 : memref<128x128xf32, #tpu.memory_space<vmem>>)
    %add3A_18 = arith.constant 4864 : i32
    %add3A_19 = arith.addi %add3A_4, %add3A_18 : i32
    %multiple_of3A_20 = tpu.assume_multiple %add3A_19, 8 : i32
    "tpu.region"() ({
      %run_scoped3A = tpu.sem_alloc : memref<!tpu.dma_semaphore, #tpu.memory_space<semaphore_mem>>
      %dma_start3A_34 = arith.constant 0 : i32
      %dma_start3A_35 = tpu.memref_slice %arg4[%multiple_of3A_20, %dma_start3A_34] : memref<160000x128xf32, #tpu.memory_space<hbm>> -> memref<128x128xf32, #tpu.memory_space<hbm>>
      %dma_start3A_36 = arith.constant 0 : i32
      %dma_start3A_37 = tpu.memref_slice %arg4[%multiple_of3A_20, %dma_start3A_36] : memref<160000x128xf32, #tpu.memory_space<hbm>> -> memref<128x128xf32, #tpu.memory_space<hbm>>
      tpu.enqueue_dma source(%arg6 : memref<128x128xf32, #tpu.memory_space<vmem>>) target(%dma_start3A_37 : memref<128x128xf32, #tpu.memory_space<hbm>>) target_semaphore(%run_scoped3A : memref<!tpu.dma_semaphore, #tpu.memory_space<semaphore_mem>>)
      %dma_wait3A_38 = arith.constant 0 : i32
      %dma_wait3A_39 = tpu.memref_slice %arg4[%multiple_of3A_20, %dma_wait3A_38] : memref<160000x128xf32, #tpu.memory_space<hbm>> -> memref<128x128xf32, #tpu.memory_space<hbm>>
      %dma_wait3A_40 = arith.constant 0 : i32
      %dma_wait3A_41 = tpu.memref_slice %arg4[%multiple_of3A_20, %dma_wait3A_40] : memref<160000x128xf32, #tpu.memory_space<hbm>> -> memref<128x128xf32, #tpu.memory_space<hbm>>
      tpu.wait_dma2 semaphore(%run_scoped3A : memref<!tpu.dma_semaphore, #tpu.memory_space<semaphore_mem>>) src(%arg6 : memref<128x128xf32, #tpu.memory_space<vmem>>) dst(%dma_wait3A_41 : memref<128x128xf32, #tpu.memory_space<hbm>>)
      tpu.yield
    }) : () -> ()
    %add3A_21 = arith.constant 4992 : i32
    %add3A_22 = arith.addi %add3A_4, %add3A_21 : i32
    %multiple_of3A_23 = tpu.assume_multiple %add3A_22, 8 : i32
    %dma_start3A_24 = arith.constant 4992 : i32
    %dma_start3A_25 = tpu.memref_slice %arg5[%dma_start3A_24] : memref<5000xi32, #tpu.memory_space<vmem>> -> memref<8xi32, #tpu.memory_space<vmem>>
    %dma_start3A_26 = arith.constant 0 : i32
    %dma_start3A_27 = arith.constant 0 : i32
    %dma_start3A_28 = tpu.memref_slice %arg2[%dma_start3A_26, %dma_start3A_27] : memref<10000x128xf32, #tpu.memory_space<hbm>> -> memref<10000x128xf32, #tpu.memory_space<hbm>>
    tpu.enqueue_indirect_dma source(%dma_start3A_28 : memref<10000x128xf32, #tpu.memory_space<hbm>>) target(%arg8 : memref<8x128xf32, #tpu.memory_space<vmem>>) offsets(%dma_start3A_25 : memref<8xi32, #tpu.memory_space<vmem>>) semaphore(%arg9 : memref<!tpu.dma_semaphore, #tpu.memory_space<semaphore_mem>>)
    %dma_wait3A_29 = arith.constant 4992 : i32
    %dma_wait3A_30 = tpu.memref_slice %arg5[%dma_wait3A_29] : memref<5000xi32, #tpu.memory_space<vmem>> -> memref<8xi32, #tpu.memory_space<vmem>>
    %dma_wait3A_31 = arith.constant 0 : i32
    %dma_wait3A_32 = arith.constant 0 : i32
    %dma_wait3A_33 = tpu.memref_slice %arg2[%dma_wait3A_31, %dma_wait3A_32] : memref<10000x128xf32, #tpu.memory_space<hbm>> -> memref<10000x128xf32, #tpu.memory_space<hbm>>
    tpu.wait_indirect_dma semaphore(%arg9 : memref<!tpu.dma_semaphore, #tpu.memory_space<semaphore_mem>>) src(%dma_wait3A_33 : memref<10000x128xf32, #tpu.memory_space<hbm>>) dst(%arg8 : memref<8x128xf32, #tpu.memory_space<vmem>>)
    "tpu.region"() ({
      %run_scoped3A = tpu.sem_alloc : memref<!tpu.dma_semaphore, #tpu.memory_space<semaphore_mem>>
      %dma_start3A_34 = arith.constant 0 : i32
      %dma_start3A_35 = tpu.memref_slice %arg4[%multiple_of3A_23, %dma_start3A_34] : memref<160000x128xf32, #tpu.memory_space<hbm>> -> memref<8x128xf32, #tpu.memory_space<hbm>>
      %dma_start3A_36 = arith.constant 0 : i32
      %dma_start3A_37 = tpu.memref_slice %arg4[%multiple_of3A_23, %dma_start3A_36] : memref<160000x128xf32, #tpu.memory_space<hbm>> -> memref<8x128xf32, #tpu.memory_space<hbm>>
      tpu.enqueue_dma source(%arg8 : memref<8x128xf32, #tpu.memory_space<vmem>>) target(%dma_start3A_37 : memref<8x128xf32, #tpu.memory_space<hbm>>) target_semaphore(%run_scoped3A : memref<!tpu.dma_semaphore, #tpu.memory_space<semaphore_mem>>)
      %dma_wait3A_38 = arith.constant 0 : i32
      %dma_wait3A_39 = tpu.memref_slice %arg4[%multiple_of3A_23, %dma_wait3A_38] : memref<160000x128xf32, #tpu.memory_space<hbm>> -> memref<8x128xf32, #tpu.memory_space<hbm>>
      %dma_wait3A_40 = arith.constant 0 : i32
      %dma_wait3A_41 = tpu.memref_slice %arg4[%multiple_of3A_23, %dma_wait3A_40] : memref<160000x128xf32, #tpu.memory_space<hbm>> -> memref<8x128xf32, #tpu.memory_space<hbm>>
      tpu.wait_dma2 semaphore(%run_scoped3A : memref<!tpu.dma_semaphore, #tpu.memory_space<semaphore_mem>>) src(%arg8 : memref<8x128xf32, #tpu.memory_space<vmem>>) dst(%dma_wait3A_41 : memref<8x128xf32, #tpu.memory_space<hbm>>)
      tpu.yield
    }) : () -> ()
    return
  }
}

#map = affine_map<(d0, d1) -> (0, 0)>
#map1 = affine_map<(d0, d1) -> (0)>
module attributes {stable_mosaic.version = 14 : i64} {
  func.func @body(%arg0: i32, %arg1: i32, %arg2: memref<10000x128xf32, #tpu.memory_space<hbm>>, %arg3: memref<160000xi32, #tpu.memory_space<hbm>>, %arg4: memref<160000x128xf32, #tpu.memory_space<hbm>>, %arg5: memref<5000xi32, #tpu.memory_space<vmem>>, %arg6: memref<128x128xf32, #tpu.memory_space<vmem>>, %arg7: memref<128x128xf32, #tpu.memory_space<vmem>>, %arg8: memref<8x128xf32, #tpu.memory_space<vmem>>, %arg9: memref<!tpu.dma_semaphore, #tpu.memory_space<semaphore_mem>>, %arg10: memref<!tpu.dma_semaphore, #tpu.memory_space<semaphore_mem>>) attributes {dimension_semantics = [#tpu.dimension_semantics<core_parallel>, #tpu.dimension_semantics<subcore_parallel>], iteration_bounds = array<i64: 2, 16>, scalar_prefetch = 0 : i64, scratch_operands = 6 : i64, tpu.core_type = #tpu.core_type<sc_vector_subcore>, window_params = [{transform_indices = #map}, {transform_indices = #map1}, {transform_indices = #map}]} {
    %mul3A = arith.constant 2 : i32
    %mul3A_0 = arith.muli %arg1, %mul3A : i32
    %add3A = arith.addi %mul3A_0, %arg0 : i32
    %mul3A_1 = arith.constant 5000 : i32
    %mul3A_2 = arith.muli %add3A, %mul3A_1 : i32
    %add3A_3 = arith.constant 0 : i32
    %add3A_4 = arith.addi %add3A_3, %mul3A_2 : i32
    %multiple_of3A = tpu.assume_multiple %add3A_4, 8 : i32
    "tpu.region"() ({
      %run_scoped3A = tpu.sem_alloc : memref<!tpu.dma_semaphore, #tpu.memory_space<semaphore_mem>>
      %dma_start3A_34 = tpu.memref_slice %arg3[%multiple_of3A] : memref<160000xi32, #tpu.memory_space<hbm>> -> memref<5000xi32, #tpu.memory_space<hbm>>
      %dma_start3A_35 = tpu.memref_slice %arg3[%multiple_of3A] : memref<160000xi32, #tpu.memory_space<hbm>> -> memref<5000xi32, #tpu.memory_space<hbm>>
      tpu.enqueue_dma source(%dma_start3A_35 : memref<5000xi32, #tpu.memory_space<hbm>>) target(%arg5 : memref<5000xi32, #tpu.memory_space<vmem>>) target_semaphore(%run_scoped3A : memref<!tpu.dma_semaphore, #tpu.memory_space<semaphore_mem>>)
      %dma_wait3A_36 = tpu.memref_slice %arg3[%multiple_of3A] : memref<160000xi32, #tpu.memory_space<hbm>> -> memref<5000xi32, #tpu.memory_space<hbm>>
      %dma_wait3A_37 = tpu.memref_slice %arg3[%multiple_of3A] : memref<160000xi32, #tpu.memory_space<hbm>> -> memref<5000xi32, #tpu.memory_space<hbm>>
      tpu.wait_dma2 semaphore(%run_scoped3A : memref<!tpu.dma_semaphore, #tpu.memory_space<semaphore_mem>>) src(%dma_wait3A_37 : memref<5000xi32, #tpu.memory_space<hbm>>) dst(%arg5 : memref<5000xi32, #tpu.memory_space<vmem>>)
      tpu.yield
    }) : () -> ()
    %dma_start3A = arith.constant 0 : i32
    %dma_start3A_5 = tpu.memref_slice %arg5[%dma_start3A] : memref<5000xi32, #tpu.memory_space<vmem>> -> memref<128xi32, #tpu.memory_space<vmem>>
    %dma_start3A_6 = arith.constant 0 : i32
    %dma_start3A_7 = arith.constant 0 : i32
    %dma_start3A_8 = tpu.memref_slice %arg2[%dma_start3A_6, %dma_start3A_7] : memref<10000x128xf32, #tpu.memory_space<hbm>> -> memref<10000x128xf32, #tpu.memory_space<hbm>>
    tpu.enqueue_indirect_dma source(%dma_start3A_8 : memref<10000x128xf32, #tpu.memory_space<hbm>>) target(%arg6 : memref<128x128xf32, #tpu.memory_space<vmem>>) offsets(%dma_start3A_5 : memref<128xi32, #tpu.memory_space<vmem>>) semaphore(%arg9 : memref<!tpu.dma_semaphore, #tpu.memory_space<semaphore_mem>>)
    %scan3A = arith.constant 0 : i32
    %scan3A_9 = arith.constant 0 : i32
    %scan3A_10 = arith.constant 19 : i32
    %scan3A_11 = arith.addi %scan3A_9, %scan3A_10 : i32
    %scan3A_12 = arith.constant 1 : i32
    scf.for %scan3A_34 = %scan3A_9 to %scan3A_11 step %scan3A_12  : i32 {
      %mul3A_35 = arith.constant 2 : i32
      %mul3A_36 = arith.muli %mul3A_35, %scan3A_34 : i32
      %add3A_37 = arith.constant 1 : i32
      %add3A_38 = arith.addi %mul3A_36, %add3A_37 : i32
      %mul3A_39 = arith.constant 128 : i32
      %mul3A_40 = arith.muli %add3A_38, %mul3A_39 : i32
      %dma_start3A_41 = tpu.memref_slice %arg5[%mul3A_40] : memref<5000xi32, #tpu.memory_space<vmem>> -> memref<128xi32, #tpu.memory_space<vmem>>
      %dma_start3A_42 = arith.constant 0 : i32
      %dma_start3A_43 = arith.constant 0 : i32
      %dma_start3A_44 = tpu.memref_slice %arg2[%dma_start3A_42, %dma_start3A_43] : memref<10000x128xf32, #tpu.memory_space<hbm>> -> memref<10000x128xf32, #tpu.memory_space<hbm>>
      tpu.enqueue_indirect_dma source(%dma_start3A_44 : memref<10000x128xf32, #tpu.memory_space<hbm>>) target(%arg7 : memref<128x128xf32, #tpu.memory_space<vmem>>) offsets(%dma_start3A_41 : memref<128xi32, #tpu.memory_space<vmem>>) semaphore(%arg10 : memref<!tpu.dma_semaphore, #tpu.memory_space<semaphore_mem>>)
      %dma_wait3A_45 = arith.constant 0 : i32
      %dma_wait3A_46 = tpu.memref_slice %arg5[%dma_wait3A_45] : memref<5000xi32, #tpu.memory_space<vmem>> -> memref<128xi32, #tpu.memory_space<vmem>>
      %dma_wait3A_47 = arith.constant 0 : i32
      %dma_wait3A_48 = arith.constant 0 : i32
      %dma_wait3A_49 = tpu.memref_slice %arg2[%dma_wait3A_47, %dma_wait3A_48] : memref<10000x128xf32, #tpu.memory_space<hbm>> -> memref<10000x128xf32, #tpu.memory_space<hbm>>
      tpu.wait_indirect_dma semaphore(%arg9 : memref<!tpu.dma_semaphore, #tpu.memory_space<semaphore_mem>>) src(%dma_wait3A_49 : memref<10000x128xf32, #tpu.memory_space<hbm>>) dst(%arg6 : memref<128x128xf32, #tpu.memory_space<vmem>>)
      %mul3A_50 = arith.constant 128 : i32
      %mul3A_51 = arith.muli %mul3A_36, %mul3A_50 : i32
      %add3A_52 = arith.addi %add3A_4, %mul3A_51 : i32
      %multiple_of3A_53 = tpu.assume_multiple %add3A_52, 8 : i32
      "tpu.region"() ({
        %run_scoped3A = tpu.sem_alloc : memref<!tpu.dma_semaphore, #tpu.memory_space<semaphore_mem>>
        %dma_start3A_73 = arith.constant 0 : i32
        %dma_start3A_74 = tpu.memref_slice %arg4[%multiple_of3A_53, %dma_start3A_73] : memref<160000x128xf32, #tpu.memory_space<hbm>> -> memref<128x128xf32, #tpu.memory_space<hbm>>
        %dma_start3A_75 = arith.constant 0 : i32
        %dma_start3A_76 = tpu.memref_slice %arg4[%multiple_of3A_53, %dma_start3A_75] : memref<160000x128xf32, #tpu.memory_space<hbm>> -> memref<128x128xf32, #tpu.memory_space<hbm>>
        tpu.enqueue_dma source(%arg6 : memref<128x128xf32, #tpu.memory_space<vmem>>) target(%dma_start3A_76 : memref<128x128xf32, #tpu.memory_space<hbm>>) target_semaphore(%run_scoped3A : memref<!tpu.dma_semaphore, #tpu.memory_space<semaphore_mem>>)
        %dma_wait3A_77 = arith.constant 0 : i32
        %dma_wait3A_78 = tpu.memref_slice %arg4[%multiple_of3A_53, %dma_wait3A_77] : memref<160000x128xf32, #tpu.memory_space<hbm>> -> memref<128x128xf32, #tpu.memory_space<hbm>>
        %dma_wait3A_79 = arith.constant 0 : i32
        %dma_wait3A_80 = tpu.memref_slice %arg4[%multiple_of3A_53, %dma_wait3A_79] : memref<160000x128xf32, #tpu.memory_space<hbm>> -> memref<128x128xf32, #tpu.memory_space<hbm>>
        tpu.wait_dma2 semaphore(%run_scoped3A : memref<!tpu.dma_semaphore, #tpu.memory_space<semaphore_mem>>) src(%arg6 : memref<128x128xf32, #tpu.memory_space<vmem>>) dst(%dma_wait3A_80 : memref<128x128xf32, #tpu.memory_space<hbm>>)
        tpu.yield
      }) : () -> ()
      %add3A_54 = arith.constant 2 : i32
      %add3A_55 = arith.addi %mul3A_36, %add3A_54 : i32
      %mul3A_56 = arith.constant 128 : i32
      %mul3A_57 = arith.muli %add3A_55, %mul3A_56 : i32
      %dma_start3A_58 = tpu.memref_slice %arg5[%mul3A_57] : memref<5000xi32, #tpu.memory_space<vmem>> -> memref<128xi32, #tpu.memory_space<vmem>>
      %dma_start3A_59 = arith.constant 0 : i32
      %dma_start3A_60 = arith.constant 0 : i32
      %dma_start3A_61 = tpu.memref_slice %arg2[%dma_start3A_59, %dma_start3A_60] : memref<10000x128xf32, #tpu.memory_space<hbm>> -> memref<10000x128xf32, #tpu.memory_space<hbm>>
      tpu.enqueue_indirect_dma source(%dma_start3A_61 : memref<10000x128xf32, #tpu.memory_space<hbm>>) target(%arg6 : memref<128x128xf32, #tpu.memory_space<vmem>>) offsets(%dma_start3A_58 : memref<128xi32, #tpu.memory_space<vmem>>) semaphore(%arg9 : memref<!tpu.dma_semaphore, #tpu.memory_space<semaphore_mem>>)
      %dma_wait3A_62 = arith.constant 0 : i32
      %dma_wait3A_63 = tpu.memref_slice %arg5[%dma_wait3A_62] : memref<5000xi32, #tpu.memory_space<vmem>> -> memref<128xi32, #tpu.memory_space<vmem>>
      %dma_wait3A_64 = arith.constant 0 : i32
      %dma_wait3A_65 = arith.constant 0 : i32
      %dma_wait3A_66 = tpu.memref_slice %arg2[%dma_wait3A_64, %dma_wait3A_65] : memref<10000x128xf32, #tpu.memory_space<hbm>> -> memref<10000x128xf32, #tpu.memory_space<hbm>>
      tpu.wait_indirect_dma semaphore(%arg10 : memref<!tpu.dma_semaphore, #tpu.memory_space<semaphore_mem>>) src(%dma_wait3A_66 : memref<10000x128xf32, #tpu.memory_space<hbm>>) dst(%arg7 : memref<128x128xf32, #tpu.memory_space<vmem>>)
      %add3A_67 = arith.constant 1 : i32
      %add3A_68 = arith.addi %mul3A_36, %add3A_67 : i32
      %mul3A_69 = arith.constant 128 : i32
      %mul3A_70 = arith.muli %add3A_68, %mul3A_69 : i32
      %add3A_71 = arith.addi %add3A_4, %mul3A_70 : i32
      %multiple_of3A_72 = tpu.assume_multiple %add3A_71, 8 : i32
      "tpu.region"() ({
        %run_scoped3A = tpu.sem_alloc : memref<!tpu.dma_semaphore, #tpu.memory_space<semaphore_mem>>
        %dma_start3A_73 = arith.constant 0 : i32
        %dma_start3A_74 = tpu.memref_slice %arg4[%multiple_of3A_72, %dma_start3A_73] : memref<160000x128xf32, #tpu.memory_space<hbm>> -> memref<128x128xf32, #tpu.memory_space<hbm>>
        %dma_start3A_75 = arith.constant 0 : i32
        %dma_start3A_76 = tpu.memref_slice %arg4[%multiple_of3A_72, %dma_start3A_75] : memref<160000x128xf32, #tpu.memory_space<hbm>> -> memref<128x128xf32, #tpu.memory_space<hbm>>
        tpu.enqueue_dma source(%arg7 : memref<128x128xf32, #tpu.memory_space<vmem>>) target(%dma_start3A_76 : memref<128x128xf32, #tpu.memory_space<hbm>>) target_semaphore(%run_scoped3A : memref<!tpu.dma_semaphore, #tpu.memory_space<semaphore_mem>>)
        %dma_wait3A_77 = arith.constant 0 : i32
        %dma_wait3A_78 = tpu.memref_slice %arg4[%multiple_of3A_72, %dma_wait3A_77] : memref<160000x128xf32, #tpu.memory_space<hbm>> -> memref<128x128xf32, #tpu.memory_space<hbm>>
        %dma_wait3A_79 = arith.constant 0 : i32
        %dma_wait3A_80 = tpu.memref_slice %arg4[%multiple_of3A_72, %dma_wait3A_79] : memref<160000x128xf32, #tpu.memory_space<hbm>> -> memref<128x128xf32, #tpu.memory_space<hbm>>
        tpu.wait_dma2 semaphore(%run_scoped3A : memref<!tpu.dma_semaphore, #tpu.memory_space<semaphore_mem>>) src(%arg7 : memref<128x128xf32, #tpu.memory_space<vmem>>) dst(%dma_wait3A_80 : memref<128x128xf32, #tpu.memory_space<hbm>>)
        tpu.yield
      }) : () -> ()
    }
    %scan3A_13 = arith.constant 19 : i32
    %dma_wait3A = arith.constant 0 : i32
    %dma_wait3A_14 = tpu.memref_slice %arg5[%dma_wait3A] : memref<5000xi32, #tpu.memory_space<vmem>> -> memref<128xi32, #tpu.memory_space<vmem>>
    %dma_wait3A_15 = arith.constant 0 : i32
    %dma_wait3A_16 = arith.constant 0 : i32
    %dma_wait3A_17 = tpu.memref_slice %arg2[%dma_wait3A_15, %dma_wait3A_16] : memref<10000x128xf32, #tpu.memory_space<hbm>> -> memref<10000x128xf32, #tpu.memory_space<hbm>>
    tpu.wait_indirect_dma semaphore(%arg9 : memref<!tpu.dma_semaphore, #tpu.memory_space<semaphore_mem>>) src(%dma_wait3A_17 : memref<10000x128xf32, #tpu.memory_space<hbm>>) dst(%arg6 : memref<128x128xf32, #tpu.memory_space<vmem>>)
    %add3A_18 = arith.constant 4864 : i32
    %add3A_19 = arith.addi %add3A_4, %add3A_18 : i32
    %multiple_of3A_20 = tpu.assume_multiple %add3A_19, 8 : i32
    "tpu.region"() ({
      %run_scoped3A = tpu.sem_alloc : memref<!tpu.dma_semaphore, #tpu.memory_space<semaphore_mem>>
      %dma_start3A_34 = arith.constant 0 : i32
      %dma_start3A_35 = tpu.memref_slice %arg4[%multiple_of3A_20, %dma_start3A_34] : memref<160000x128xf32, #tpu.memory_space<hbm>> -> memref<128x128xf32, #tpu.memory_space<hbm>>
      %dma_start3A_36 = arith.constant 0 : i32
      %dma_start3A_37 = tpu.memref_slice %arg4[%multiple_of3A_20, %dma_start3A_36] : memref<160000x128xf32, #tpu.memory_space<hbm>> -> memref<128x128xf32, #tpu.memory_space<hbm>>
      tpu.enqueue_dma source(%arg6 : memref<128x128xf32, #tpu.memory_space<vmem>>) target(%dma_start3A_37 : memref<128x128xf32, #tpu.memory_space<hbm>>) target_semaphore(%run_scoped3A : memref<!tpu.dma_semaphore, #tpu.memory_space<semaphore_mem>>)
      %dma_wait3A_38 = arith.constant 0 : i32
      %dma_wait3A_39 = tpu.memref_slice %arg4[%multiple_of3A_20, %dma_wait3A_38] : memref<160000x128xf32, #tpu.memory_space<hbm>> -> memref<128x128xf32, #tpu.memory_space<hbm>>
      %dma_wait3A_40 = arith.constant 0 : i32
      %dma_wait3A_41 = tpu.memref_slice %arg4[%multiple_of3A_20, %dma_wait3A_40] : memref<160000x128xf32, #tpu.memory_space<hbm>> -> memref<128x128xf32, #tpu.memory_space<hbm>>
      tpu.wait_dma2 semaphore(%run_scoped3A : memref<!tpu.dma_semaphore, #tpu.memory_space<semaphore_mem>>) src(%arg6 : memref<128x128xf32, #tpu.memory_space<vmem>>) dst(%dma_wait3A_41 : memref<128x128xf32, #tpu.memory_space<hbm>>)
      tpu.yield
    }) : () -> ()
    %add3A_21 = arith.constant 4992 : i32
    %add3A_22 = arith.addi %add3A_4, %add3A_21 : i32
    %multiple_of3A_23 = tpu.assume_multiple %add3A_22, 8 : i32
    %dma_start3A_24 = arith.constant 4992 : i32
    %dma_start3A_25 = tpu.memref_slice %arg5[%dma_start3A_24] : memref<5000xi32, #tpu.memory_space<vmem>> -> memref<8xi32, #tpu.memory_space<vmem>>
    %dma_start3A_26 = arith.constant 0 : i32
    %dma_start3A_27 = arith.constant 0 : i32
    %dma_start3A_28 = tpu.memref_slice %arg2[%dma_start3A_26, %dma_start3A_27] : memref<10000x128xf32, #tpu.memory_space<hbm>> -> memref<10000x128xf32, #tpu.memory_space<hbm>>
    tpu.enqueue_indirect_dma source(%dma_start3A_28 : memref<10000x128xf32, #tpu.memory_space<hbm>>) target(%arg8 : memref<8x128xf32, #tpu.memory_space<vmem>>) offsets(%dma_start3A_25 : memref<8xi32, #tpu.memory_space<vmem>>) semaphore(%arg9 : memref<!tpu.dma_semaphore, #tpu.memory_space<semaphore_mem>>)
    %dma_wait3A_29 = arith.constant 4992 : i32
    %dma_wait3A_30 = tpu.memref_slice %arg5[%dma_wait3A_29] : memref<5000xi32, #tpu.memory_space<vmem>> -> memref<8xi32, #tpu.memory_space<vmem>>
    %dma_wait3A_31 = arith.constant 0 : i32
    %dma_wait3A_32 = arith.constant 0 : i32
    %dma_wait3A_33 = tpu.memref_slice %arg2[%dma_wait3A_31, %dma_wait3A_32] : memref<10000x128xf32, #tpu.memory_space<hbm>> -> memref<10000x128xf32, #tpu.memory_space<hbm>>
    tpu.wait_indirect_dma semaphore(%arg9 : memref<!tpu.dma_semaphore, #tpu.memory_space<semaphore_mem>>) src(%dma_wait3A_33 : memref<10000x128xf32, #tpu.memory_space<hbm>>) dst(%arg8 : memref<8x128xf32, #tpu.memory_space<vmem>>)
    "tpu.region"() ({
      %run_scoped3A = tpu.sem_alloc : memref<!tpu.dma_semaphore, #tpu.memory_space<semaphore_mem>>
      %dma_start3A_34 = arith.constant 0 : i32
      %dma_start3A_35 = tpu.memref_slice %arg4[%multiple_of3A_23, %dma_start3A_34] : memref<160000x128xf32, #tpu.memory_space<hbm>> -> memref<8x128xf32, #tpu.memory_space<hbm>>
      %dma_start3A_36 = arith.constant 0 : i32
      %dma_start3A_37 = tpu.memref_slice %arg4[%multiple_of3A_23, %dma_start3A_36] : memref<160000x128xf32, #tpu.memory_space<hbm>> -> memref<8x128xf32, #tpu.memory_space<hbm>>
      tpu.enqueue_dma source(%arg8 : memref<8x128xf32, #tpu.memory_space<vmem>>) target(%dma_start3A_37 : memref<8x128xf32, #tpu.memory_space<hbm>>) target_semaphore(%run_scoped3A : memref<!tpu.dma_semaphore, #tpu.memory_space<semaphore_mem>>)
      %dma_wait3A_38 = arith.constant 0 : i32
      %dma_wait3A_39 = tpu.memref_slice %arg4[%multiple_of3A_23, %dma_wait3A_38] : memref<160000x128xf32, #tpu.memory_space<hbm>> -> memref<8x128xf32, #tpu.memory_space<hbm>>
      %dma_wait3A_40 = arith.constant 0 : i32
      %dma_wait3A_41 = tpu.memref_slice %arg4[%multiple_of3A_23, %dma_wait3A_40] : memref<160000x128xf32, #tpu.memory_space<hbm>> -> memref<8x128xf32, #tpu.memory_space<hbm>>
      tpu.wait_dma2 semaphore(%run_scoped3A : memref<!tpu.dma_semaphore, #tpu.memory_space<semaphore_mem>>) src(%arg8 : memref<8x128xf32, #tpu.memory_space<vmem>>) dst(%dma_wait3A_41 : memref<8x128xf32, #tpu.memory_space<hbm>>)
      tpu.yield
    }) : () -> ()
    return
  }
}

#map = affine_map<(d0, d1) -> (0, 0)>
#map1 = affine_map<(d0, d1) -> (0)>
module attributes {stable_mosaic.version = 14 : i64} {
  func.func @body(%arg0: i32, %arg1: i32, %arg2: memref<160000x128xf32, #tpu.memory_space<hbm>>, %arg3: memref<160000xi32, #tpu.memory_space<hbm>>, %arg4: memref<632x128xf32, #tpu.memory_space<hbm>>, %arg5: memref<20000x128xf32, #tpu.memory_space<hbm>>, %arg6: memref<128xi32, #tpu.memory_space<vmem>>, %arg7: memref<128xi32, #tpu.memory_space<vmem>>, %arg8: memref<128x128xf32, #tpu.memory_space<vmem>>, %arg9: memref<128x128xf32, #tpu.memory_space<vmem>>, %arg10: memref<8xi32, #tpu.memory_space<vmem>>, %arg11: memref<8x128xf32, #tpu.memory_space<vmem>>, %arg12: memref<10000x128xf32, #tpu.memory_space<vmem_shared>>, %arg13: memref<!tpu.dma_semaphore, #tpu.memory_space<semaphore_mem>>, %arg14: memref<!tpu.dma_semaphore, #tpu.memory_space<semaphore_mem>>, %arg15: memref<!tpu.dma_semaphore, #tpu.memory_space<semaphore_mem>>, %arg16: memref<!tpu.dma_semaphore, #tpu.memory_space<semaphore_mem>>) attributes {dimension_semantics = [#tpu.dimension_semantics<core_parallel>, #tpu.dimension_semantics<subcore_parallel>], iteration_bounds = array<i64: 2, 16>, scalar_prefetch = 0 : i64, scratch_operands = 11 : i64, tpu.core_type = #tpu.core_type<sc_vector_subcore>, window_params = [{transform_indices = #map}, {transform_indices = #map1}, {transform_indices = #map}, {transform_indices = #map}]} {
    %mul3A = arith.constant 2 : i32
    %mul3A_0 = arith.muli %arg1, %mul3A : i32
    %add3A = arith.addi %mul3A_0, %arg0 : i32
    %mul3A_1 = arith.constant 5000 : i32
    %mul3A_2 = arith.muli %add3A, %mul3A_1 : i32
    %add3A_3 = arith.constant 0 : i32
    %add3A_4 = arith.addi %add3A_3, %mul3A_2 : i32
    %add3A_5 = arith.constant 0 : i32
    %add3A_6 = arith.addi %add3A_4, %add3A_5 : i32
    %multiple_of3A = tpu.assume_multiple %add3A_6, 8 : i32
    %dma_start3A = tpu.memref_slice %arg3[%multiple_of3A] : memref<160000xi32, #tpu.memory_space<hbm>> -> memref<128xi32, #tpu.memory_space<hbm>>
    %dma_start3A_7 = tpu.memref_slice %arg3[%multiple_of3A] : memref<160000xi32, #tpu.memory_space<hbm>> -> memref<128xi32, #tpu.memory_space<hbm>>
    tpu.enqueue_dma source(%dma_start3A_7 : memref<128xi32, #tpu.memory_space<hbm>>) target(%arg6 : memref<128xi32, #tpu.memory_space<vmem>>) target_semaphore(%arg13 : memref<!tpu.dma_semaphore, #tpu.memory_space<semaphore_mem>>)
    %dma_start3A_8 = arith.constant 0 : i32
    %dma_start3A_9 = tpu.memref_slice %arg2[%multiple_of3A, %dma_start3A_8] : memref<160000x128xf32, #tpu.memory_space<hbm>> -> memref<128x128xf32, #tpu.memory_space<hbm>>
    %dma_start3A_10 = arith.constant 0 : i32
    %dma_start3A_11 = tpu.memref_slice %arg2[%multiple_of3A, %dma_start3A_10] : memref<160000x128xf32, #tpu.memory_space<hbm>> -> memref<128x128xf32, #tpu.memory_space<hbm>>
    tpu.enqueue_dma source(%dma_start3A_11 : memref<128x128xf32, #tpu.memory_space<hbm>>) target(%arg8 : memref<128x128xf32, #tpu.memory_space<vmem>>) target_semaphore(%arg15 : memref<!tpu.dma_semaphore, #tpu.memory_space<semaphore_mem>>)
    %mul3A_12 = arith.constant 632 : i32
    %mul3A_13 = arith.muli %arg1, %mul3A_12 : i32
    %multiple_of3A_14 = tpu.assume_multiple %mul3A_13, 8 : i32
    "tpu.region"() ({
      %run_scoped3A = tpu.sem_alloc : memref<!tpu.dma_semaphore, #tpu.memory_space<semaphore_mem>>
      %dma_start3A_46 = arith.constant 0 : i32
      %dma_start3A_47 = tpu.memref_slice %arg12[%multiple_of3A_14, %dma_start3A_46] : memref<10000x128xf32, #tpu.memory_space<vmem_shared>> -> memref<520x128xf32, #tpu.memory_space<vmem_shared>>
      %dma_start3A_48 = arith.constant 0 : i32
      %dma_start3A_49 = arith.constant 0 : i32
      %dma_start3A_50 = tpu.memref_slice %arg4[%dma_start3A_48, %dma_start3A_49] : memref<632x128xf32, #tpu.memory_space<hbm>> -> memref<520x128xf32, #tpu.memory_space<hbm>>
      tpu.enqueue_dma source(%dma_start3A_50 : memref<520x128xf32, #tpu.memory_space<hbm>>) target(%dma_start3A_47 : memref<520x128xf32, #tpu.memory_space<vmem_shared>>) target_semaphore(%run_scoped3A : memref<!tpu.dma_semaphore, #tpu.memory_space<semaphore_mem>>)
      %dma_wait3A_51 = arith.constant 0 : i32
      %dma_wait3A_52 = tpu.memref_slice %arg12[%multiple_of3A_14, %dma_wait3A_51] : memref<10000x128xf32, #tpu.memory_space<vmem_shared>> -> memref<520x128xf32, #tpu.memory_space<vmem_shared>>
      %dma_wait3A_53 = arith.constant 0 : i32
      %dma_wait3A_54 = arith.constant 0 : i32
      %dma_wait3A_55 = tpu.memref_slice %arg4[%dma_wait3A_53, %dma_wait3A_54] : memref<632x128xf32, #tpu.memory_space<hbm>> -> memref<520x128xf32, #tpu.memory_space<hbm>>
      tpu.wait_dma2 semaphore(%run_scoped3A : memref<!tpu.dma_semaphore, #tpu.memory_space<semaphore_mem>>) src(%dma_wait3A_55 : memref<520x128xf32, #tpu.memory_space<hbm>>) dst(%dma_wait3A_52 : memref<520x128xf32, #tpu.memory_space<vmem_shared>>)
      tpu.yield
    }) : () -> ()
    %lt3A = arith.constant 15 : i32
    %lt3A_15 = arith.cmpi slt, %arg1, %lt3A : i32
    %convert_element_type3A = arith.extui %lt3A_15 : i1 to i32
    %cond3A = arith.constant 0 : i32
    %cond3A_16 = arith.cmpi ne, %convert_element_type3A, %cond3A : i32
    scf.if %cond3A_16 {
      %add3A_46 = arith.constant 520 : i32
      %add3A_47 = arith.addi %multiple_of3A_14, %add3A_46 : i32
      %multiple_of3A_48 = tpu.assume_multiple %add3A_47, 8 : i32
      "tpu.region"() ({
        %run_scoped3A = tpu.sem_alloc : memref<!tpu.dma_semaphore, #tpu.memory_space<semaphore_mem>>
        %dma_start3A_49 = arith.constant 0 : i32
        %dma_start3A_50 = tpu.memref_slice %arg12[%multiple_of3A_48, %dma_start3A_49] : memref<10000x128xf32, #tpu.memory_space<vmem_shared>> -> memref<112x128xf32, #tpu.memory_space<vmem_shared>>
        %dma_start3A_51 = arith.constant 520 : i32
        %dma_start3A_52 = arith.constant 0 : i32
        %dma_start3A_53 = tpu.memref_slice %arg4[%dma_start3A_51, %dma_start3A_52] : memref<632x128xf32, #tpu.memory_space<hbm>> -> memref<112x128xf32, #tpu.memory_space<hbm>>
        tpu.enqueue_dma source(%dma_start3A_53 : memref<112x128xf32, #tpu.memory_space<hbm>>) target(%dma_start3A_50 : memref<112x128xf32, #tpu.memory_space<vmem_shared>>) target_semaphore(%run_scoped3A : memref<!tpu.dma_semaphore, #tpu.memory_space<semaphore_mem>>)
        %dma_wait3A_54 = arith.constant 0 : i32
        %dma_wait3A_55 = tpu.memref_slice %arg12[%multiple_of3A_48, %dma_wait3A_54] : memref<10000x128xf32, #tpu.memory_space<vmem_shared>> -> memref<112x128xf32, #tpu.memory_space<vmem_shared>>
        %dma_wait3A_56 = arith.constant 520 : i32
        %dma_wait3A_57 = arith.constant 0 : i32
        %dma_wait3A_58 = tpu.memref_slice %arg4[%dma_wait3A_56, %dma_wait3A_57] : memref<632x128xf32, #tpu.memory_space<hbm>> -> memref<112x128xf32, #tpu.memory_space<hbm>>
        tpu.wait_dma2 semaphore(%run_scoped3A : memref<!tpu.dma_semaphore, #tpu.memory_space<semaphore_mem>>) src(%dma_wait3A_58 : memref<112x128xf32, #tpu.memory_space<hbm>>) dst(%dma_wait3A_55 : memref<112x128xf32, #tpu.memory_space<vmem_shared>>)
        tpu.yield
      }) : () -> ()
    } else {
    }
    %barrier3A = arith.constant 0 : index
    tpu.barrier barrier_id(%barrier3A)
    %scan3A = arith.constant 0 : i32
    %scan3A_17 = arith.constant 0 : i32
    %scan3A_18 = arith.constant 19 : i32
    %scan3A_19 = arith.addi %scan3A_17, %scan3A_18 : i32
    %scan3A_20 = arith.constant 1 : i32
    scf.for %scan3A_46 = %scan3A_17 to %scan3A_19 step %scan3A_20  : i32 {
      %mul3A_47 = arith.constant 2 : i32
      %mul3A_48 = arith.muli %mul3A_47, %scan3A_46 : i32
      %add3A_49 = arith.constant 1 : i32
      %add3A_50 = arith.addi %mul3A_48, %add3A_49 : i32
      %mul3A_51 = arith.constant 128 : i32
      %mul3A_52 = arith.muli %add3A_50, %mul3A_51 : i32
      %add3A_53 = arith.addi %add3A_4, %mul3A_52 : i32
      %multiple_of3A_54 = tpu.assume_multiple %add3A_53, 8 : i32
      %dma_start3A_55 = tpu.memref_slice %arg3[%multiple_of3A_54] : memref<160000xi32, #tpu.memory_space<hbm>> -> memref<128xi32, #tpu.memory_space<hbm>>
      %dma_start3A_56 = tpu.memref_slice %arg3[%multiple_of3A_54] : memref<160000xi32, #tpu.memory_space<hbm>> -> memref<128xi32, #tpu.memory_space<hbm>>
      tpu.enqueue_dma source(%dma_start3A_56 : memref<128xi32, #tpu.memory_space<hbm>>) target(%arg7 : memref<128xi32, #tpu.memory_space<vmem>>) target_semaphore(%arg14 : memref<!tpu.dma_semaphore, #tpu.memory_space<semaphore_mem>>)
      %dma_start3A_57 = arith.constant 0 : i32
      %dma_start3A_58 = tpu.memref_slice %arg2[%multiple_of3A_54, %dma_start3A_57] : memref<160000x128xf32, #tpu.memory_space<hbm>> -> memref<128x128xf32, #tpu.memory_space<hbm>>
      %dma_start3A_59 = arith.constant 0 : i32
      %dma_start3A_60 = tpu.memref_slice %arg2[%multiple_of3A_54, %dma_start3A_59] : memref<160000x128xf32, #tpu.memory_space<hbm>> -> memref<128x128xf32, #tpu.memory_space<hbm>>
      tpu.enqueue_dma source(%dma_start3A_60 : memref<128x128xf32, #tpu.memory_space<hbm>>) target(%arg9 : memref<128x128xf32, #tpu.memory_space<vmem>>) target_semaphore(%arg16 : memref<!tpu.dma_semaphore, #tpu.memory_space<semaphore_mem>>)
      %multiple_of3A_61 = tpu.assume_multiple %add3A_4, 8 : i32
      %dma_wait3A_62 = tpu.memref_slice %arg3[%multiple_of3A_61] : memref<160000xi32, #tpu.memory_space<hbm>> -> memref<128xi32, #tpu.memory_space<hbm>>
      %dma_wait3A_63 = tpu.memref_slice %arg3[%multiple_of3A_61] : memref<160000xi32, #tpu.memory_space<hbm>> -> memref<128xi32, #tpu.memory_space<hbm>>
      tpu.wait_dma2 semaphore(%arg13 : memref<!tpu.dma_semaphore, #tpu.memory_space<semaphore_mem>>) src(%dma_wait3A_63 : memref<128xi32, #tpu.memory_space<hbm>>) dst(%arg6 : memref<128xi32, #tpu.memory_space<vmem>>)
      %dma_wait3A_64 = arith.constant 0 : i32
      %dma_wait3A_65 = tpu.memref_slice %arg2[%multiple_of3A_61, %dma_wait3A_64] : memref<160000x128xf32, #tpu.memory_space<hbm>> -> memref<128x128xf32, #tpu.memory_space<hbm>>
      %dma_wait3A_66 = arith.constant 0 : i32
      %dma_wait3A_67 = tpu.memref_slice %arg2[%multiple_of3A_61, %dma_wait3A_66] : memref<160000x128xf32, #tpu.memory_space<hbm>> -> memref<128x128xf32, #tpu.memory_space<hbm>>
      tpu.wait_dma2 semaphore(%arg15 : memref<!tpu.dma_semaphore, #tpu.memory_space<semaphore_mem>>) src(%dma_wait3A_67 : memref<128x128xf32, #tpu.memory_space<hbm>>) dst(%arg8 : memref<128x128xf32, #tpu.memory_space<vmem>>)
      "tpu.region"() ({
        %run_scoped3A = tpu.sem_alloc : memref<!tpu.dma_semaphore, #tpu.memory_space<semaphore_mem>>
        %dma_start3A_87 = arith.constant 0 : i32
        %dma_start3A_88 = arith.constant 0 : i32
        %dma_start3A_89 = tpu.memref_slice %arg12[%dma_start3A_87, %dma_start3A_88] : memref<10000x128xf32, #tpu.memory_space<vmem_shared>> -> memref<10000x128xf32, #tpu.memory_space<vmem_shared>>
        tpu.enqueue_indirect_dma source(%arg8 : memref<128x128xf32, #tpu.memory_space<vmem>>) target(%dma_start3A_89 : memref<10000x128xf32, #tpu.memory_space<vmem_shared>>) offsets(%arg6 : memref<128xi32, #tpu.memory_space<vmem>>) semaphore(%run_scoped3A : memref<!tpu.dma_semaphore, #tpu.memory_space<semaphore_mem>>) {add = true}
        %dma_wait3A_90 = arith.constant 0 : i32
        %dma_wait3A_91 = arith.constant 0 : i32
        %dma_wait3A_92 = tpu.memref_slice %arg12[%dma_wait3A_90, %dma_wait3A_91] : memref<10000x128xf32, #tpu.memory_space<vmem_shared>> -> memref<10000x128xf32, #tpu.memory_space<vmem_shared>>
        tpu.wait_indirect_dma semaphore(%run_scoped3A : memref<!tpu.dma_semaphore, #tpu.memory_space<semaphore_mem>>) src(%arg8 : memref<128x128xf32, #tpu.memory_space<vmem>>) dst(%dma_wait3A_92 : memref<10000x128xf32, #tpu.memory_space<vmem_shared>>)
        tpu.yield
      }) : () -> ()
      %add3A_68 = arith.constant 2 : i32
      %add3A_69 = arith.addi %mul3A_48, %add3A_68 : i32
      %mul3A_70 = arith.constant 128 : i32
      %mul3A_71 = arith.muli %add3A_69, %mul3A_70 : i32
      %add3A_72 = arith.addi %add3A_4, %mul3A_71 : i32
      %multiple_of3A_73 = tpu.assume_multiple %add3A_72, 8 : i32
      %dma_start3A_74 = tpu.memref_slice %arg3[%multiple_of3A_73] : memref<160000xi32, #tpu.memory_space<hbm>> -> memref<128xi32, #tpu.memory_space<hbm>>
      %dma_start3A_75 = tpu.memref_slice %arg3[%multiple_of3A_73] : memref<160000xi32, #tpu.memory_space<hbm>> -> memref<128xi32, #tpu.memory_space<hbm>>
      tpu.enqueue_dma source(%dma_start3A_75 : memref<128xi32, #tpu.memory_space<hbm>>) target(%arg6 : memref<128xi32, #tpu.memory_space<vmem>>) target_semaphore(%arg13 : memref<!tpu.dma_semaphore, #tpu.memory_space<semaphore_mem>>)
      %dma_start3A_76 = arith.constant 0 : i32
      %dma_start3A_77 = tpu.memref_slice %arg2[%multiple_of3A_73, %dma_start3A_76] : memref<160000x128xf32, #tpu.memory_space<hbm>> -> memref<128x128xf32, #tpu.memory_space<hbm>>
      %dma_start3A_78 = arith.constant 0 : i32
      %dma_start3A_79 = tpu.memref_slice %arg2[%multiple_of3A_73, %dma_start3A_78] : memref<160000x128xf32, #tpu.memory_space<hbm>> -> memref<128x128xf32, #tpu.memory_space<hbm>>
      tpu.enqueue_dma source(%dma_start3A_79 : memref<128x128xf32, #tpu.memory_space<hbm>>) target(%arg8 : memref<128x128xf32, #tpu.memory_space<vmem>>) target_semaphore(%arg15 : memref<!tpu.dma_semaphore, #tpu.memory_space<semaphore_mem>>)
      %multiple_of3A_80 = tpu.assume_multiple %add3A_4, 8 : i32
      %dma_wait3A_81 = tpu.memref_slice %arg3[%multiple_of3A_80] : memref<160000xi32, #tpu.memory_space<hbm>> -> memref<128xi32, #tpu.memory_space<hbm>>
      %dma_wait3A_82 = tpu.memref_slice %arg3[%multiple_of3A_80] : memref<160000xi32, #tpu.memory_space<hbm>> -> memref<128xi32, #tpu.memory_space<hbm>>
      tpu.wait_dma2 semaphore(%arg14 : memref<!tpu.dma_semaphore, #tpu.memory_space<semaphore_mem>>) src(%dma_wait3A_82 : memref<128xi32, #tpu.memory_space<hbm>>) dst(%arg7 : memref<128xi32, #tpu.memory_space<vmem>>)
      %dma_wait3A_83 = arith.constant 0 : i32
      %dma_wait3A_84 = tpu.memref_slice %arg2[%multiple_of3A_80, %dma_wait3A_83] : memref<160000x128xf32, #tpu.memory_space<hbm>> -> memref<128x128xf32, #tpu.memory_space<hbm>>
      %dma_wait3A_85 = arith.constant 0 : i32
      %dma_wait3A_86 = tpu.memref_slice %arg2[%multiple_of3A_80, %dma_wait3A_85] : memref<160000x128xf32, #tpu.memory_space<hbm>> -> memref<128x128xf32, #tpu.memory_space<hbm>>
      tpu.wait_dma2 semaphore(%arg16 : memref<!tpu.dma_semaphore, #tpu.memory_space<semaphore_mem>>) src(%dma_wait3A_86 : memref<128x128xf32, #tpu.memory_space<hbm>>) dst(%arg9 : memref<128x128xf32, #tpu.memory_space<vmem>>)
      "tpu.region"() ({
        %run_scoped3A = tpu.sem_alloc : memref<!tpu.dma_semaphore, #tpu.memory_space<semaphore_mem>>
        %dma_start3A_87 = arith.constant 0 : i32
        %dma_start3A_88 = arith.constant 0 : i32
        %dma_start3A_89 = tpu.memref_slice %arg12[%dma_start3A_87, %dma_start3A_88] : memref<10000x128xf32, #tpu.memory_space<vmem_shared>> -> memref<10000x128xf32, #tpu.memory_space<vmem_shared>>
        tpu.enqueue_indirect_dma source(%arg9 : memref<128x128xf32, #tpu.memory_space<vmem>>) target(%dma_start3A_89 : memref<10000x128xf32, #tpu.memory_space<vmem_shared>>) offsets(%arg7 : memref<128xi32, #tpu.memory_space<vmem>>) semaphore(%run_scoped3A : memref<!tpu.dma_semaphore, #tpu.memory_space<semaphore_mem>>) {add = true}
        %dma_wait3A_90 = arith.constant 0 : i32
        %dma_wait3A_91 = arith.constant 0 : i32
        %dma_wait3A_92 = tpu.memref_slice %arg12[%dma_wait3A_90, %dma_wait3A_91] : memref<10000x128xf32, #tpu.memory_space<vmem_shared>> -> memref<10000x128xf32, #tpu.memory_space<vmem_shared>>
        tpu.wait_indirect_dma semaphore(%run_scoped3A : memref<!tpu.dma_semaphore, #tpu.memory_space<semaphore_mem>>) src(%arg9 : memref<128x128xf32, #tpu.memory_space<vmem>>) dst(%dma_wait3A_92 : memref<10000x128xf32, #tpu.memory_space<vmem_shared>>)
        tpu.yield
      }) : () -> ()
    }
    %scan3A_21 = arith.constant 19 : i32
    %multiple_of3A_22 = tpu.assume_multiple %add3A_4, 8 : i32
    %dma_wait3A = tpu.memref_slice %arg3[%multiple_of3A_22] : memref<160000xi32, #tpu.memory_space<hbm>> -> memref<128xi32, #tpu.memory_space<hbm>>
    %dma_wait3A_23 = tpu.memref_slice %arg3[%multiple_of3A_22] : memref<160000xi32, #tpu.memory_space<hbm>> -> memref<128xi32, #tpu.memory_space<hbm>>
    tpu.wait_dma2 semaphore(%arg13 : memref<!tpu.dma_semaphore, #tpu.memory_space<semaphore_mem>>) src(%dma_wait3A_23 : memref<128xi32, #tpu.memory_space<hbm>>) dst(%arg6 : memref<128xi32, #tpu.memory_space<vmem>>)
    %dma_wait3A_24 = arith.constant 0 : i32
    %dma_wait3A_25 = tpu.memref_slice %arg2[%multiple_of3A_22, %dma_wait3A_24] : memref<160000x128xf32, #tpu.memory_space<hbm>> -> memref<128x128xf32, #tpu.memory_space<hbm>>
    %dma_wait3A_26 = arith.constant 0 : i32
    %dma_wait3A_27 = tpu.memref_slice %arg2[%multiple_of3A_22, %dma_wait3A_26] : memref<160000x128xf32, #tpu.memory_space<hbm>> -> memref<128x128xf32, #tpu.memory_space<hbm>>
    tpu.wait_dma2 semaphore(%arg15 : memref<!tpu.dma_semaphore, #tpu.memory_space<semaphore_mem>>) src(%dma_wait3A_27 : memref<128x128xf32, #tpu.memory_space<hbm>>) dst(%arg8 : memref<128x128xf32, #tpu.memory_space<vmem>>)
    "tpu.region"() ({
      %run_scoped3A = tpu.sem_alloc : memref<!tpu.dma_semaphore, #tpu.memory_space<semaphore_mem>>
      %dma_start3A_46 = arith.constant 0 : i32
      %dma_start3A_47 = arith.constant 0 : i32
      %dma_start3A_48 = tpu.memref_slice %arg12[%dma_start3A_46, %dma_start3A_47] : memref<10000x128xf32, #tpu.memory_space<vmem_shared>> -> memref<10000x128xf32, #tpu.memory_space<vmem_shared>>
      tpu.enqueue_indirect_dma source(%arg8 : memref<128x128xf32, #tpu.memory_space<vmem>>) target(%dma_start3A_48 : memref<10000x128xf32, #tpu.memory_space<vmem_shared>>) offsets(%arg6 : memref<128xi32, #tpu.memory_space<vmem>>) semaphore(%run_scoped3A : memref<!tpu.dma_semaphore, #tpu.memory_space<semaphore_mem>>) {add = true}
      %dma_wait3A_49 = arith.constant 0 : i32
      %dma_wait3A_50 = arith.constant 0 : i32
      %dma_wait3A_51 = tpu.memref_slice %arg12[%dma_wait3A_49, %dma_wait3A_50] : memref<10000x128xf32, #tpu.memory_space<vmem_shared>> -> memref<10000x128xf32, #tpu.memory_space<vmem_shared>>
      tpu.wait_indirect_dma semaphore(%run_scoped3A : memref<!tpu.dma_semaphore, #tpu.memory_space<semaphore_mem>>) src(%arg8 : memref<128x128xf32, #tpu.memory_space<vmem>>) dst(%dma_wait3A_51 : memref<10000x128xf32, #tpu.memory_space<vmem_shared>>)
      tpu.yield
    }) : () -> ()
    %add3A_28 = arith.constant 4992 : i32
    %add3A_29 = arith.addi %add3A_4, %add3A_28 : i32
    %multiple_of3A_30 = tpu.assume_multiple %add3A_29, 8 : i32
    "tpu.region"() ({
      %run_scoped3A = tpu.sem_alloc : memref<!tpu.dma_semaphore, #tpu.memory_space<semaphore_mem>>
      %dma_start3A_46 = tpu.memref_slice %arg3[%multiple_of3A_30] : memref<160000xi32, #tpu.memory_space<hbm>> -> memref<8xi32, #tpu.memory_space<hbm>>
      %dma_start3A_47 = tpu.memref_slice %arg3[%multiple_of3A_30] : memref<160000xi32, #tpu.memory_space<hbm>> -> memref<8xi32, #tpu.memory_space<hbm>>
      tpu.enqueue_dma source(%dma_start3A_47 : memref<8xi32, #tpu.memory_space<hbm>>) target(%arg10 : memref<8xi32, #tpu.memory_space<vmem>>) target_semaphore(%run_scoped3A : memref<!tpu.dma_semaphore, #tpu.memory_space<semaphore_mem>>)
      %dma_wait3A_48 = tpu.memref_slice %arg3[%multiple_of3A_30] : memref<160000xi32, #tpu.memory_space<hbm>> -> memref<8xi32, #tpu.memory_space<hbm>>
      %dma_wait3A_49 = tpu.memref_slice %arg3[%multiple_of3A_30] : memref<160000xi32, #tpu.memory_space<hbm>> -> memref<8xi32, #tpu.memory_space<hbm>>
      tpu.wait_dma2 semaphore(%run_scoped3A : memref<!tpu.dma_semaphore, #tpu.memory_space<semaphore_mem>>) src(%dma_wait3A_49 : memref<8xi32, #tpu.memory_space<hbm>>) dst(%arg10 : memref<8xi32, #tpu.memory_space<vmem>>)
      tpu.yield
    }) : () -> ()
    "tpu.region"() ({
      %run_scoped3A = tpu.sem_alloc : memref<!tpu.dma_semaphore, #tpu.memory_space<semaphore_mem>>
      %dma_start3A_46 = arith.constant 0 : i32
      %dma_start3A_47 = tpu.memref_slice %arg2[%multiple_of3A_30, %dma_start3A_46] : memref<160000x128xf32, #tpu.memory_space<hbm>> -> memref<8x128xf32, #tpu.memory_space<hbm>>
      %dma_start3A_48 = arith.constant 0 : i32
      %dma_start3A_49 = tpu.memref_slice %arg2[%multiple_of3A_30, %dma_start3A_48] : memref<160000x128xf32, #tpu.memory_space<hbm>> -> memref<8x128xf32, #tpu.memory_space<hbm>>
      tpu.enqueue_dma source(%dma_start3A_49 : memref<8x128xf32, #tpu.memory_space<hbm>>) target(%arg11 : memref<8x128xf32, #tpu.memory_space<vmem>>) target_semaphore(%run_scoped3A : memref<!tpu.dma_semaphore, #tpu.memory_space<semaphore_mem>>)
      %dma_wait3A_50 = arith.constant 0 : i32
      %dma_wait3A_51 = tpu.memref_slice %arg2[%multiple_of3A_30, %dma_wait3A_50] : memref<160000x128xf32, #tpu.memory_space<hbm>> -> memref<8x128xf32, #tpu.memory_space<hbm>>
      %dma_wait3A_52 = arith.constant 0 : i32
      %dma_wait3A_53 = tpu.memref_slice %arg2[%multiple_of3A_30, %dma_wait3A_52] : memref<160000x128xf32, #tpu.memory_space<hbm>> -> memref<8x128xf32, #tpu.memory_space<hbm>>
      tpu.wait_dma2 semaphore(%run_scoped3A : memref<!tpu.dma_semaphore, #tpu.memory_space<semaphore_mem>>) src(%dma_wait3A_53 : memref<8x128xf32, #tpu.memory_space<hbm>>) dst(%arg11 : memref<8x128xf32, #tpu.memory_space<vmem>>)
      tpu.yield
    }) : () -> ()
    "tpu.region"() ({
      %run_scoped3A = tpu.sem_alloc : memref<!tpu.dma_semaphore, #tpu.memory_space<semaphore_mem>>
      %dma_start3A_46 = arith.constant 0 : i32
      %dma_start3A_47 = arith.constant 0 : i32
      %dma_start3A_48 = tpu.memref_slice %arg12[%dma_start3A_46, %dma_start3A_47] : memref<10000x128xf32, #tpu.memory_space<vmem_shared>> -> memref<10000x128xf32, #tpu.memory_space<vmem_shared>>
      tpu.enqueue_indirect_dma source(%arg11 : memref<8x128xf32, #tpu.memory_space<vmem>>) target(%dma_start3A_48 : memref<10000x128xf32, #tpu.memory_space<vmem_shared>>) offsets(%arg10 : memref<8xi32, #tpu.memory_space<vmem>>) semaphore(%run_scoped3A : memref<!tpu.dma_semaphore, #tpu.memory_space<semaphore_mem>>) {add = true}
      %dma_wait3A_49 = arith.constant 0 : i32
      %dma_wait3A_50 = arith.constant 0 : i32
      %dma_wait3A_51 = tpu.memref_slice %arg12[%dma_wait3A_49, %dma_wait3A_50] : memref<10000x128xf32, #tpu.memory_space<vmem_shared>> -> memref<10000x128xf32, #tpu.memory_space<vmem_shared>>
      tpu.wait_indirect_dma semaphore(%run_scoped3A : memref<!tpu.dma_semaphore, #tpu.memory_space<semaphore_mem>>) src(%arg11 : memref<8x128xf32, #tpu.memory_space<vmem>>) dst(%dma_wait3A_51 : memref<10000x128xf32, #tpu.memory_space<vmem_shared>>)
      tpu.yield
    }) : () -> ()
    %barrier3A_31 = arith.constant 0 : index
    tpu.barrier barrier_id(%barrier3A_31)
    %mul3A_32 = arith.constant 632 : i32
    %mul3A_33 = arith.muli %arg1, %mul3A_32 : i32
    %multiple_of3A_34 = tpu.assume_multiple %mul3A_33, 8 : i32
    %mul3A_35 = arith.constant 10000 : i32
    %mul3A_36 = arith.muli %arg0, %mul3A_35 : i32
    %mul3A_37 = arith.constant 632 : i32
    %mul3A_38 = arith.muli %arg1, %mul3A_37 : i32
    %add3A_39 = arith.addi %mul3A_36, %mul3A_38 : i32
    %multiple_of3A_40 = tpu.assume_multiple %add3A_39, 8 : i32
    "tpu.region"() ({
      %run_scoped3A = tpu.sem_alloc : memref<!tpu.dma_semaphore, #tpu.memory_space<semaphore_mem>>
      %dma_start3A_46 = arith.constant 0 : i32
      %dma_start3A_47 = tpu.memref_slice %arg5[%multiple_of3A_40, %dma_start3A_46] : memref<20000x128xf32, #tpu.memory_space<hbm>> -> memref<520x128xf32, #tpu.memory_space<hbm>>
      %dma_start3A_48 = arith.constant 0 : i32
      %dma_start3A_49 = tpu.memref_slice %arg12[%multiple_of3A_34, %dma_start3A_48] : memref<10000x128xf32, #tpu.memory_space<vmem_shared>> -> memref<520x128xf32, #tpu.memory_space<vmem_shared>>
      tpu.enqueue_dma source(%dma_start3A_49 : memref<520x128xf32, #tpu.memory_space<vmem_shared>>) target(%dma_start3A_47 : memref<520x128xf32, #tpu.memory_space<hbm>>) target_semaphore(%run_scoped3A : memref<!tpu.dma_semaphore, #tpu.memory_space<semaphore_mem>>)
      %dma_wait3A_50 = arith.constant 0 : i32
      %dma_wait3A_51 = tpu.memref_slice %arg5[%multiple_of3A_40, %dma_wait3A_50] : memref<20000x128xf32, #tpu.memory_space<hbm>> -> memref<520x128xf32, #tpu.memory_space<hbm>>
      %dma_wait3A_52 = arith.constant 0 : i32
      %dma_wait3A_53 = tpu.memref_slice %arg12[%multiple_of3A_34, %dma_wait3A_52] : memref<10000x128xf32, #tpu.memory_space<vmem_shared>> -> memref<520x128xf32, #tpu.memory_space<vmem_shared>>
      tpu.wait_dma2 semaphore(%run_scoped3A : memref<!tpu.dma_semaphore, #tpu.memory_space<semaphore_mem>>) src(%dma_wait3A_53 : memref<520x128xf32, #tpu.memory_space<vmem_shared>>) dst(%dma_wait3A_51 : memref<520x128xf32, #tpu.memory_space<hbm>>)
      tpu.yield
    }) : () -> ()
    %lt3A_41 = arith.constant 15 : i32
    %lt3A_42 = arith.cmpi slt, %arg1, %lt3A_41 : i32
    %convert_element_type3A_43 = arith.extui %lt3A_42 : i1 to i32
    %cond3A_44 = arith.constant 0 : i32
    %cond3A_45 = arith.cmpi ne, %convert_element_type3A_43, %cond3A_44 : i32
    scf.if %cond3A_45 {
      %add3A_46 = arith.constant 520 : i32
      %add3A_47 = arith.addi %multiple_of3A_34, %add3A_46 : i32
      %multiple_of3A_48 = tpu.assume_multiple %add3A_47, 8 : i32
      %add3A_49 = arith.constant 520 : i32
      %add3A_50 = arith.addi %multiple_of3A_40, %add3A_49 : i32
      %multiple_of3A_51 = tpu.assume_multiple %add3A_50, 8 : i32
      "tpu.region"() ({
        %run_scoped3A = tpu.sem_alloc : memref<!tpu.dma_semaphore, #tpu.memory_space<semaphore_mem>>
        %dma_start3A_52 = arith.constant 0 : i32
        %dma_start3A_53 = tpu.memref_slice %arg5[%multiple_of3A_51, %dma_start3A_52] : memref<20000x128xf32, #tpu.memory_space<hbm>> -> memref<112x128xf32, #tpu.memory_space<hbm>>
        %dma_start3A_54 = arith.constant 0 : i32
        %dma_start3A_55 = tpu.memref_slice %arg12[%multiple_of3A_48, %dma_start3A_54] : memref<10000x128xf32, #tpu.memory_space<vmem_shared>> -> memref<112x128xf32, #tpu.memory_space<vmem_shared>>
        tpu.enqueue_dma source(%dma_start3A_55 : memref<112x128xf32, #tpu.memory_space<vmem_shared>>) target(%dma_start3A_53 : memref<112x128xf32, #tpu.memory_space<hbm>>) target_semaphore(%run_scoped3A : memref<!tpu.dma_semaphore, #tpu.memory_space<semaphore_mem>>)
        %dma_wait3A_56 = arith.constant 0 : i32
        %dma_wait3A_57 = tpu.memref_slice %arg5[%multiple_of3A_51, %dma_wait3A_56] : memref<20000x128xf32, #tpu.memory_space<hbm>> -> memref<112x128xf32, #tpu.memory_space<hbm>>
        %dma_wait3A_58 = arith.constant 0 : i32
        %dma_wait3A_59 = tpu.memref_slice %arg12[%multiple_of3A_48, %dma_wait3A_58] : memref<10000x128xf32, #tpu.memory_space<vmem_shared>> -> memref<112x128xf32, #tpu.memory_space<vmem_shared>>
        tpu.wait_dma2 semaphore(%run_scoped3A : memref<!tpu.dma_semaphore, #tpu.memory_space<semaphore_mem>>) src(%dma_wait3A_59 : memref<112x128xf32, #tpu.memory_space<vmem_shared>>) dst(%dma_wait3A_57 : memref<112x128xf32, #tpu.memory_space<hbm>>)
        tpu.yield
      }) : () -> ()
    } else {
    }
    return
  }
}

#map = affine_map<(d0, d1) -> (0, 0)>
#map1 = affine_map<(d0, d1) -> (0)>
module attributes {stable_mosaic.version = 14 : i64} {
  func.func @body(%arg0: i32, %arg1: i32, %arg2: memref<160000x128xf32, #tpu.memory_space<hbm>>, %arg3: memref<160000xi32, #tpu.memory_space<hbm>>, %arg4: memref<632x128xf32, #tpu.memory_space<hbm>>, %arg5: memref<20000x128xf32, #tpu.memory_space<hbm>>, %arg6: memref<128xi32, #tpu.memory_space<vmem>>, %arg7: memref<128xi32, #tpu.memory_space<vmem>>, %arg8: memref<128x128xf32, #tpu.memory_space<vmem>>, %arg9: memref<128x128xf32, #tpu.memory_space<vmem>>, %arg10: memref<8xi32, #tpu.memory_space<vmem>>, %arg11: memref<8x128xf32, #tpu.memory_space<vmem>>, %arg12: memref<10000x128xf32, #tpu.memory_space<vmem_shared>>, %arg13: memref<!tpu.dma_semaphore, #tpu.memory_space<semaphore_mem>>, %arg14: memref<!tpu.dma_semaphore, #tpu.memory_space<semaphore_mem>>, %arg15: memref<!tpu.dma_semaphore, #tpu.memory_space<semaphore_mem>>, %arg16: memref<!tpu.dma_semaphore, #tpu.memory_space<semaphore_mem>>) attributes {dimension_semantics = [#tpu.dimension_semantics<core_parallel>, #tpu.dimension_semantics<subcore_parallel>], iteration_bounds = array<i64: 2, 16>, scalar_prefetch = 0 : i64, scratch_operands = 11 : i64, tpu.core_type = #tpu.core_type<sc_vector_subcore>, window_params = [{transform_indices = #map}, {transform_indices = #map1}, {transform_indices = #map}, {transform_indices = #map}]} {
    %mul3A = arith.constant 2 : i32
    %mul3A_0 = arith.muli %arg1, %mul3A : i32
    %add3A = arith.addi %mul3A_0, %arg0 : i32
    %mul3A_1 = arith.constant 5000 : i32
    %mul3A_2 = arith.muli %add3A, %mul3A_1 : i32
    %add3A_3 = arith.constant 0 : i32
    %add3A_4 = arith.addi %add3A_3, %mul3A_2 : i32
    %add3A_5 = arith.constant 0 : i32
    %add3A_6 = arith.addi %add3A_4, %add3A_5 : i32
    %multiple_of3A = tpu.assume_multiple %add3A_6, 8 : i32
    %dma_start3A = tpu.memref_slice %arg3[%multiple_of3A] : memref<160000xi32, #tpu.memory_space<hbm>> -> memref<128xi32, #tpu.memory_space<hbm>>
    %dma_start3A_7 = tpu.memref_slice %arg3[%multiple_of3A] : memref<160000xi32, #tpu.memory_space<hbm>> -> memref<128xi32, #tpu.memory_space<hbm>>
    tpu.enqueue_dma source(%dma_start3A_7 : memref<128xi32, #tpu.memory_space<hbm>>) target(%arg6 : memref<128xi32, #tpu.memory_space<vmem>>) target_semaphore(%arg13 : memref<!tpu.dma_semaphore, #tpu.memory_space<semaphore_mem>>)
    %dma_start3A_8 = arith.constant 0 : i32
    %dma_start3A_9 = tpu.memref_slice %arg2[%multiple_of3A, %dma_start3A_8] : memref<160000x128xf32, #tpu.memory_space<hbm>> -> memref<128x128xf32, #tpu.memory_space<hbm>>
    %dma_start3A_10 = arith.constant 0 : i32
    %dma_start3A_11 = tpu.memref_slice %arg2[%multiple_of3A, %dma_start3A_10] : memref<160000x128xf32, #tpu.memory_space<hbm>> -> memref<128x128xf32, #tpu.memory_space<hbm>>
    tpu.enqueue_dma source(%dma_start3A_11 : memref<128x128xf32, #tpu.memory_space<hbm>>) target(%arg8 : memref<128x128xf32, #tpu.memory_space<vmem>>) target_semaphore(%arg15 : memref<!tpu.dma_semaphore, #tpu.memory_space<semaphore_mem>>)
    %mul3A_12 = arith.constant 632 : i32
    %mul3A_13 = arith.muli %arg1, %mul3A_12 : i32
    %multiple_of3A_14 = tpu.assume_multiple %mul3A_13, 8 : i32
    "tpu.region"() ({
      %run_scoped3A = tpu.sem_alloc : memref<!tpu.dma_semaphore, #tpu.memory_space<semaphore_mem>>
      %dma_start3A_46 = arith.constant 0 : i32
      %dma_start3A_47 = tpu.memref_slice %arg12[%multiple_of3A_14, %dma_start3A_46] : memref<10000x128xf32, #tpu.memory_space<vmem_shared>> -> memref<520x128xf32, #tpu.memory_space<vmem_shared>>
      %dma_start3A_48 = arith.constant 0 : i32
      %dma_start3A_49 = arith.constant 0 : i32
      %dma_start3A_50 = tpu.memref_slice %arg4[%dma_start3A_48, %dma_start3A_49] : memref<632x128xf32, #tpu.memory_space<hbm>> -> memref<520x128xf32, #tpu.memory_space<hbm>>
      tpu.enqueue_dma source(%dma_start3A_50 : memref<520x128xf32, #tpu.memory_space<hbm>>) target(%dma_start3A_47 : memref<520x128xf32, #tpu.memory_space<vmem_shared>>) target_semaphore(%run_scoped3A : memref<!tpu.dma_semaphore, #tpu.memory_space<semaphore_mem>>)
      %dma_wait3A_51 = arith.constant 0 : i32
      %dma_wait3A_52 = tpu.memref_slice %arg12[%multiple_of3A_14, %dma_wait3A_51] : memref<10000x128xf32, #tpu.memory_space<vmem_shared>> -> memref<520x128xf32, #tpu.memory_space<vmem_shared>>
      %dma_wait3A_53 = arith.constant 0 : i32
      %dma_wait3A_54 = arith.constant 0 : i32
      %dma_wait3A_55 = tpu.memref_slice %arg4[%dma_wait3A_53, %dma_wait3A_54] : memref<632x128xf32, #tpu.memory_space<hbm>> -> memref<520x128xf32, #tpu.memory_space<hbm>>
      tpu.wait_dma2 semaphore(%run_scoped3A : memref<!tpu.dma_semaphore, #tpu.memory_space<semaphore_mem>>) src(%dma_wait3A_55 : memref<520x128xf32, #tpu.memory_space<hbm>>) dst(%dma_wait3A_52 : memref<520x128xf32, #tpu.memory_space<vmem_shared>>)
      tpu.yield
    }) : () -> ()
    %lt3A = arith.constant 15 : i32
    %lt3A_15 = arith.cmpi slt, %arg1, %lt3A : i32
    %convert_element_type3A = arith.extui %lt3A_15 : i1 to i32
    %cond3A = arith.constant 0 : i32
    %cond3A_16 = arith.cmpi ne, %convert_element_type3A, %cond3A : i32
    scf.if %cond3A_16 {
      %add3A_46 = arith.constant 520 : i32
      %add3A_47 = arith.addi %multiple_of3A_14, %add3A_46 : i32
      %multiple_of3A_48 = tpu.assume_multiple %add3A_47, 8 : i32
      "tpu.region"() ({
        %run_scoped3A = tpu.sem_alloc : memref<!tpu.dma_semaphore, #tpu.memory_space<semaphore_mem>>
        %dma_start3A_49 = arith.constant 0 : i32
        %dma_start3A_50 = tpu.memref_slice %arg12[%multiple_of3A_48, %dma_start3A_49] : memref<10000x128xf32, #tpu.memory_space<vmem_shared>> -> memref<112x128xf32, #tpu.memory_space<vmem_shared>>
        %dma_start3A_51 = arith.constant 520 : i32
        %dma_start3A_52 = arith.constant 0 : i32
        %dma_start3A_53 = tpu.memref_slice %arg4[%dma_start3A_51, %dma_start3A_52] : memref<632x128xf32, #tpu.memory_space<hbm>> -> memref<112x128xf32, #tpu.memory_space<hbm>>
        tpu.enqueue_dma source(%dma_start3A_53 : memref<112x128xf32, #tpu.memory_space<hbm>>) target(%dma_start3A_50 : memref<112x128xf32, #tpu.memory_space<vmem_shared>>) target_semaphore(%run_scoped3A : memref<!tpu.dma_semaphore, #tpu.memory_space<semaphore_mem>>)
        %dma_wait3A_54 = arith.constant 0 : i32
        %dma_wait3A_55 = tpu.memref_slice %arg12[%multiple_of3A_48, %dma_wait3A_54] : memref<10000x128xf32, #tpu.memory_space<vmem_shared>> -> memref<112x128xf32, #tpu.memory_space<vmem_shared>>
        %dma_wait3A_56 = arith.constant 520 : i32
        %dma_wait3A_57 = arith.constant 0 : i32
        %dma_wait3A_58 = tpu.memref_slice %arg4[%dma_wait3A_56, %dma_wait3A_57] : memref<632x128xf32, #tpu.memory_space<hbm>> -> memref<112x128xf32, #tpu.memory_space<hbm>>
        tpu.wait_dma2 semaphore(%run_scoped3A : memref<!tpu.dma_semaphore, #tpu.memory_space<semaphore_mem>>) src(%dma_wait3A_58 : memref<112x128xf32, #tpu.memory_space<hbm>>) dst(%dma_wait3A_55 : memref<112x128xf32, #tpu.memory_space<vmem_shared>>)
        tpu.yield
      }) : () -> ()
    } else {
    }
    %barrier3A = arith.constant 0 : index
    tpu.barrier barrier_id(%barrier3A)
    %scan3A = arith.constant 0 : i32
    %scan3A_17 = arith.constant 0 : i32
    %scan3A_18 = arith.constant 19 : i32
    %scan3A_19 = arith.addi %scan3A_17, %scan3A_18 : i32
    %scan3A_20 = arith.constant 1 : i32
    scf.for %scan3A_46 = %scan3A_17 to %scan3A_19 step %scan3A_20  : i32 {
      %mul3A_47 = arith.constant 2 : i32
      %mul3A_48 = arith.muli %mul3A_47, %scan3A_46 : i32
      %add3A_49 = arith.constant 1 : i32
      %add3A_50 = arith.addi %mul3A_48, %add3A_49 : i32
      %mul3A_51 = arith.constant 128 : i32
      %mul3A_52 = arith.muli %add3A_50, %mul3A_51 : i32
      %add3A_53 = arith.addi %add3A_4, %mul3A_52 : i32
      %multiple_of3A_54 = tpu.assume_multiple %add3A_53, 8 : i32
      %dma_start3A_55 = tpu.memref_slice %arg3[%multiple_of3A_54] : memref<160000xi32, #tpu.memory_space<hbm>> -> memref<128xi32, #tpu.memory_space<hbm>>
      %dma_start3A_56 = tpu.memref_slice %arg3[%multiple_of3A_54] : memref<160000xi32, #tpu.memory_space<hbm>> -> memref<128xi32, #tpu.memory_space<hbm>>
      tpu.enqueue_dma source(%dma_start3A_56 : memref<128xi32, #tpu.memory_space<hbm>>) target(%arg7 : memref<128xi32, #tpu.memory_space<vmem>>) target_semaphore(%arg14 : memref<!tpu.dma_semaphore, #tpu.memory_space<semaphore_mem>>)
      %dma_start3A_57 = arith.constant 0 : i32
      %dma_start3A_58 = tpu.memref_slice %arg2[%multiple_of3A_54, %dma_start3A_57] : memref<160000x128xf32, #tpu.memory_space<hbm>> -> memref<128x128xf32, #tpu.memory_space<hbm>>
      %dma_start3A_59 = arith.constant 0 : i32
      %dma_start3A_60 = tpu.memref_slice %arg2[%multiple_of3A_54, %dma_start3A_59] : memref<160000x128xf32, #tpu.memory_space<hbm>> -> memref<128x128xf32, #tpu.memory_space<hbm>>
      tpu.enqueue_dma source(%dma_start3A_60 : memref<128x128xf32, #tpu.memory_space<hbm>>) target(%arg9 : memref<128x128xf32, #tpu.memory_space<vmem>>) target_semaphore(%arg16 : memref<!tpu.dma_semaphore, #tpu.memory_space<semaphore_mem>>)
      %multiple_of3A_61 = tpu.assume_multiple %add3A_4, 8 : i32
      %dma_wait3A_62 = tpu.memref_slice %arg3[%multiple_of3A_61] : memref<160000xi32, #tpu.memory_space<hbm>> -> memref<128xi32, #tpu.memory_space<hbm>>
      %dma_wait3A_63 = tpu.memref_slice %arg3[%multiple_of3A_61] : memref<160000xi32, #tpu.memory_space<hbm>> -> memref<128xi32, #tpu.memory_space<hbm>>
      tpu.wait_dma2 semaphore(%arg13 : memref<!tpu.dma_semaphore, #tpu.memory_space<semaphore_mem>>) src(%dma_wait3A_63 : memref<128xi32, #tpu.memory_space<hbm>>) dst(%arg6 : memref<128xi32, #tpu.memory_space<vmem>>)
      %dma_wait3A_64 = arith.constant 0 : i32
      %dma_wait3A_65 = tpu.memref_slice %arg2[%multiple_of3A_61, %dma_wait3A_64] : memref<160000x128xf32, #tpu.memory_space<hbm>> -> memref<128x128xf32, #tpu.memory_space<hbm>>
      %dma_wait3A_66 = arith.constant 0 : i32
      %dma_wait3A_67 = tpu.memref_slice %arg2[%multiple_of3A_61, %dma_wait3A_66] : memref<160000x128xf32, #tpu.memory_space<hbm>> -> memref<128x128xf32, #tpu.memory_space<hbm>>
      tpu.wait_dma2 semaphore(%arg15 : memref<!tpu.dma_semaphore, #tpu.memory_space<semaphore_mem>>) src(%dma_wait3A_67 : memref<128x128xf32, #tpu.memory_space<hbm>>) dst(%arg8 : memref<128x128xf32, #tpu.memory_space<vmem>>)
      "tpu.region"() ({
        %run_scoped3A = tpu.sem_alloc : memref<!tpu.dma_semaphore, #tpu.memory_space<semaphore_mem>>
        %dma_start3A_87 = arith.constant 0 : i32
        %dma_start3A_88 = arith.constant 0 : i32
        %dma_start3A_89 = tpu.memref_slice %arg12[%dma_start3A_87, %dma_start3A_88] : memref<10000x128xf32, #tpu.memory_space<vmem_shared>> -> memref<10000x128xf32, #tpu.memory_space<vmem_shared>>
        tpu.enqueue_indirect_dma source(%arg8 : memref<128x128xf32, #tpu.memory_space<vmem>>) target(%dma_start3A_89 : memref<10000x128xf32, #tpu.memory_space<vmem_shared>>) offsets(%arg6 : memref<128xi32, #tpu.memory_space<vmem>>) semaphore(%run_scoped3A : memref<!tpu.dma_semaphore, #tpu.memory_space<semaphore_mem>>) {add = true}
        %dma_wait3A_90 = arith.constant 0 : i32
        %dma_wait3A_91 = arith.constant 0 : i32
        %dma_wait3A_92 = tpu.memref_slice %arg12[%dma_wait3A_90, %dma_wait3A_91] : memref<10000x128xf32, #tpu.memory_space<vmem_shared>> -> memref<10000x128xf32, #tpu.memory_space<vmem_shared>>
        tpu.wait_indirect_dma semaphore(%run_scoped3A : memref<!tpu.dma_semaphore, #tpu.memory_space<semaphore_mem>>) src(%arg8 : memref<128x128xf32, #tpu.memory_space<vmem>>) dst(%dma_wait3A_92 : memref<10000x128xf32, #tpu.memory_space<vmem_shared>>)
        tpu.yield
      }) : () -> ()
      %add3A_68 = arith.constant 2 : i32
      %add3A_69 = arith.addi %mul3A_48, %add3A_68 : i32
      %mul3A_70 = arith.constant 128 : i32
      %mul3A_71 = arith.muli %add3A_69, %mul3A_70 : i32
      %add3A_72 = arith.addi %add3A_4, %mul3A_71 : i32
      %multiple_of3A_73 = tpu.assume_multiple %add3A_72, 8 : i32
      %dma_start3A_74 = tpu.memref_slice %arg3[%multiple_of3A_73] : memref<160000xi32, #tpu.memory_space<hbm>> -> memref<128xi32, #tpu.memory_space<hbm>>
      %dma_start3A_75 = tpu.memref_slice %arg3[%multiple_of3A_73] : memref<160000xi32, #tpu.memory_space<hbm>> -> memref<128xi32, #tpu.memory_space<hbm>>
      tpu.enqueue_dma source(%dma_start3A_75 : memref<128xi32, #tpu.memory_space<hbm>>) target(%arg6 : memref<128xi32, #tpu.memory_space<vmem>>) target_semaphore(%arg13 : memref<!tpu.dma_semaphore, #tpu.memory_space<semaphore_mem>>)
      %dma_start3A_76 = arith.constant 0 : i32
      %dma_start3A_77 = tpu.memref_slice %arg2[%multiple_of3A_73, %dma_start3A_76] : memref<160000x128xf32, #tpu.memory_space<hbm>> -> memref<128x128xf32, #tpu.memory_space<hbm>>
      %dma_start3A_78 = arith.constant 0 : i32
      %dma_start3A_79 = tpu.memref_slice %arg2[%multiple_of3A_73, %dma_start3A_78] : memref<160000x128xf32, #tpu.memory_space<hbm>> -> memref<128x128xf32, #tpu.memory_space<hbm>>
      tpu.enqueue_dma source(%dma_start3A_79 : memref<128x128xf32, #tpu.memory_space<hbm>>) target(%arg8 : memref<128x128xf32, #tpu.memory_space<vmem>>) target_semaphore(%arg15 : memref<!tpu.dma_semaphore, #tpu.memory_space<semaphore_mem>>)
      %multiple_of3A_80 = tpu.assume_multiple %add3A_4, 8 : i32
      %dma_wait3A_81 = tpu.memref_slice %arg3[%multiple_of3A_80] : memref<160000xi32, #tpu.memory_space<hbm>> -> memref<128xi32, #tpu.memory_space<hbm>>
      %dma_wait3A_82 = tpu.memref_slice %arg3[%multiple_of3A_80] : memref<160000xi32, #tpu.memory_space<hbm>> -> memref<128xi32, #tpu.memory_space<hbm>>
      tpu.wait_dma2 semaphore(%arg14 : memref<!tpu.dma_semaphore, #tpu.memory_space<semaphore_mem>>) src(%dma_wait3A_82 : memref<128xi32, #tpu.memory_space<hbm>>) dst(%arg7 : memref<128xi32, #tpu.memory_space<vmem>>)
      %dma_wait3A_83 = arith.constant 0 : i32
      %dma_wait3A_84 = tpu.memref_slice %arg2[%multiple_of3A_80, %dma_wait3A_83] : memref<160000x128xf32, #tpu.memory_space<hbm>> -> memref<128x128xf32, #tpu.memory_space<hbm>>
      %dma_wait3A_85 = arith.constant 0 : i32
      %dma_wait3A_86 = tpu.memref_slice %arg2[%multiple_of3A_80, %dma_wait3A_85] : memref<160000x128xf32, #tpu.memory_space<hbm>> -> memref<128x128xf32, #tpu.memory_space<hbm>>
      tpu.wait_dma2 semaphore(%arg16 : memref<!tpu.dma_semaphore, #tpu.memory_space<semaphore_mem>>) src(%dma_wait3A_86 : memref<128x128xf32, #tpu.memory_space<hbm>>) dst(%arg9 : memref<128x128xf32, #tpu.memory_space<vmem>>)
      "tpu.region"() ({
        %run_scoped3A = tpu.sem_alloc : memref<!tpu.dma_semaphore, #tpu.memory_space<semaphore_mem>>
        %dma_start3A_87 = arith.constant 0 : i32
        %dma_start3A_88 = arith.constant 0 : i32
        %dma_start3A_89 = tpu.memref_slice %arg12[%dma_start3A_87, %dma_start3A_88] : memref<10000x128xf32, #tpu.memory_space<vmem_shared>> -> memref<10000x128xf32, #tpu.memory_space<vmem_shared>>
        tpu.enqueue_indirect_dma source(%arg9 : memref<128x128xf32, #tpu.memory_space<vmem>>) target(%dma_start3A_89 : memref<10000x128xf32, #tpu.memory_space<vmem_shared>>) offsets(%arg7 : memref<128xi32, #tpu.memory_space<vmem>>) semaphore(%run_scoped3A : memref<!tpu.dma_semaphore, #tpu.memory_space<semaphore_mem>>) {add = true}
        %dma_wait3A_90 = arith.constant 0 : i32
        %dma_wait3A_91 = arith.constant 0 : i32
        %dma_wait3A_92 = tpu.memref_slice %arg12[%dma_wait3A_90, %dma_wait3A_91] : memref<10000x128xf32, #tpu.memory_space<vmem_shared>> -> memref<10000x128xf32, #tpu.memory_space<vmem_shared>>
        tpu.wait_indirect_dma semaphore(%run_scoped3A : memref<!tpu.dma_semaphore, #tpu.memory_space<semaphore_mem>>) src(%arg9 : memref<128x128xf32, #tpu.memory_space<vmem>>) dst(%dma_wait3A_92 : memref<10000x128xf32, #tpu.memory_space<vmem_shared>>)
        tpu.yield
      }) : () -> ()
    }
    %scan3A_21 = arith.constant 19 : i32
    %multiple_of3A_22 = tpu.assume_multiple %add3A_4, 8 : i32
    %dma_wait3A = tpu.memref_slice %arg3[%multiple_of3A_22] : memref<160000xi32, #tpu.memory_space<hbm>> -> memref<128xi32, #tpu.memory_space<hbm>>
    %dma_wait3A_23 = tpu.memref_slice %arg3[%multiple_of3A_22] : memref<160000xi32, #tpu.memory_space<hbm>> -> memref<128xi32, #tpu.memory_space<hbm>>
    tpu.wait_dma2 semaphore(%arg13 : memref<!tpu.dma_semaphore, #tpu.memory_space<semaphore_mem>>) src(%dma_wait3A_23 : memref<128xi32, #tpu.memory_space<hbm>>) dst(%arg6 : memref<128xi32, #tpu.memory_space<vmem>>)
    %dma_wait3A_24 = arith.constant 0 : i32
    %dma_wait3A_25 = tpu.memref_slice %arg2[%multiple_of3A_22, %dma_wait3A_24] : memref<160000x128xf32, #tpu.memory_space<hbm>> -> memref<128x128xf32, #tpu.memory_space<hbm>>
    %dma_wait3A_26 = arith.constant 0 : i32
    %dma_wait3A_27 = tpu.memref_slice %arg2[%multiple_of3A_22, %dma_wait3A_26] : memref<160000x128xf32, #tpu.memory_space<hbm>> -> memref<128x128xf32, #tpu.memory_space<hbm>>
    tpu.wait_dma2 semaphore(%arg15 : memref<!tpu.dma_semaphore, #tpu.memory_space<semaphore_mem>>) src(%dma_wait3A_27 : memref<128x128xf32, #tpu.memory_space<hbm>>) dst(%arg8 : memref<128x128xf32, #tpu.memory_space<vmem>>)
    "tpu.region"() ({
      %run_scoped3A = tpu.sem_alloc : memref<!tpu.dma_semaphore, #tpu.memory_space<semaphore_mem>>
      %dma_start3A_46 = arith.constant 0 : i32
      %dma_start3A_47 = arith.constant 0 : i32
      %dma_start3A_48 = tpu.memref_slice %arg12[%dma_start3A_46, %dma_start3A_47] : memref<10000x128xf32, #tpu.memory_space<vmem_shared>> -> memref<10000x128xf32, #tpu.memory_space<vmem_shared>>
      tpu.enqueue_indirect_dma source(%arg8 : memref<128x128xf32, #tpu.memory_space<vmem>>) target(%dma_start3A_48 : memref<10000x128xf32, #tpu.memory_space<vmem_shared>>) offsets(%arg6 : memref<128xi32, #tpu.memory_space<vmem>>) semaphore(%run_scoped3A : memref<!tpu.dma_semaphore, #tpu.memory_space<semaphore_mem>>) {add = true}
      %dma_wait3A_49 = arith.constant 0 : i32
      %dma_wait3A_50 = arith.constant 0 : i32
      %dma_wait3A_51 = tpu.memref_slice %arg12[%dma_wait3A_49, %dma_wait3A_50] : memref<10000x128xf32, #tpu.memory_space<vmem_shared>> -> memref<10000x128xf32, #tpu.memory_space<vmem_shared>>
      tpu.wait_indirect_dma semaphore(%run_scoped3A : memref<!tpu.dma_semaphore, #tpu.memory_space<semaphore_mem>>) src(%arg8 : memref<128x128xf32, #tpu.memory_space<vmem>>) dst(%dma_wait3A_51 : memref<10000x128xf32, #tpu.memory_space<vmem_shared>>)
      tpu.yield
    }) : () -> ()
    %add3A_28 = arith.constant 4992 : i32
    %add3A_29 = arith.addi %add3A_4, %add3A_28 : i32
    %multiple_of3A_30 = tpu.assume_multiple %add3A_29, 8 : i32
    "tpu.region"() ({
      %run_scoped3A = tpu.sem_alloc : memref<!tpu.dma_semaphore, #tpu.memory_space<semaphore_mem>>
      %dma_start3A_46 = tpu.memref_slice %arg3[%multiple_of3A_30] : memref<160000xi32, #tpu.memory_space<hbm>> -> memref<8xi32, #tpu.memory_space<hbm>>
      %dma_start3A_47 = tpu.memref_slice %arg3[%multiple_of3A_30] : memref<160000xi32, #tpu.memory_space<hbm>> -> memref<8xi32, #tpu.memory_space<hbm>>
      tpu.enqueue_dma source(%dma_start3A_47 : memref<8xi32, #tpu.memory_space<hbm>>) target(%arg10 : memref<8xi32, #tpu.memory_space<vmem>>) target_semaphore(%run_scoped3A : memref<!tpu.dma_semaphore, #tpu.memory_space<semaphore_mem>>)
      %dma_wait3A_48 = tpu.memref_slice %arg3[%multiple_of3A_30] : memref<160000xi32, #tpu.memory_space<hbm>> -> memref<8xi32, #tpu.memory_space<hbm>>
      %dma_wait3A_49 = tpu.memref_slice %arg3[%multiple_of3A_30] : memref<160000xi32, #tpu.memory_space<hbm>> -> memref<8xi32, #tpu.memory_space<hbm>>
      tpu.wait_dma2 semaphore(%run_scoped3A : memref<!tpu.dma_semaphore, #tpu.memory_space<semaphore_mem>>) src(%dma_wait3A_49 : memref<8xi32, #tpu.memory_space<hbm>>) dst(%arg10 : memref<8xi32, #tpu.memory_space<vmem>>)
      tpu.yield
    }) : () -> ()
    "tpu.region"() ({
      %run_scoped3A = tpu.sem_alloc : memref<!tpu.dma_semaphore, #tpu.memory_space<semaphore_mem>>
      %dma_start3A_46 = arith.constant 0 : i32
      %dma_start3A_47 = tpu.memref_slice %arg2[%multiple_of3A_30, %dma_start3A_46] : memref<160000x128xf32, #tpu.memory_space<hbm>> -> memref<8x128xf32, #tpu.memory_space<hbm>>
      %dma_start3A_48 = arith.constant 0 : i32
      %dma_start3A_49 = tpu.memref_slice %arg2[%multiple_of3A_30, %dma_start3A_48] : memref<160000x128xf32, #tpu.memory_space<hbm>> -> memref<8x128xf32, #tpu.memory_space<hbm>>
      tpu.enqueue_dma source(%dma_start3A_49 : memref<8x128xf32, #tpu.memory_space<hbm>>) target(%arg11 : memref<8x128xf32, #tpu.memory_space<vmem>>) target_semaphore(%run_scoped3A : memref<!tpu.dma_semaphore, #tpu.memory_space<semaphore_mem>>)
      %dma_wait3A_50 = arith.constant 0 : i32
      %dma_wait3A_51 = tpu.memref_slice %arg2[%multiple_of3A_30, %dma_wait3A_50] : memref<160000x128xf32, #tpu.memory_space<hbm>> -> memref<8x128xf32, #tpu.memory_space<hbm>>
      %dma_wait3A_52 = arith.constant 0 : i32
      %dma_wait3A_53 = tpu.memref_slice %arg2[%multiple_of3A_30, %dma_wait3A_52] : memref<160000x128xf32, #tpu.memory_space<hbm>> -> memref<8x128xf32, #tpu.memory_space<hbm>>
      tpu.wait_dma2 semaphore(%run_scoped3A : memref<!tpu.dma_semaphore, #tpu.memory_space<semaphore_mem>>) src(%dma_wait3A_53 : memref<8x128xf32, #tpu.memory_space<hbm>>) dst(%arg11 : memref<8x128xf32, #tpu.memory_space<vmem>>)
      tpu.yield
    }) : () -> ()
    "tpu.region"() ({
      %run_scoped3A = tpu.sem_alloc : memref<!tpu.dma_semaphore, #tpu.memory_space<semaphore_mem>>
      %dma_start3A_46 = arith.constant 0 : i32
      %dma_start3A_47 = arith.constant 0 : i32
      %dma_start3A_48 = tpu.memref_slice %arg12[%dma_start3A_46, %dma_start3A_47] : memref<10000x128xf32, #tpu.memory_space<vmem_shared>> -> memref<10000x128xf32, #tpu.memory_space<vmem_shared>>
      tpu.enqueue_indirect_dma source(%arg11 : memref<8x128xf32, #tpu.memory_space<vmem>>) target(%dma_start3A_48 : memref<10000x128xf32, #tpu.memory_space<vmem_shared>>) offsets(%arg10 : memref<8xi32, #tpu.memory_space<vmem>>) semaphore(%run_scoped3A : memref<!tpu.dma_semaphore, #tpu.memory_space<semaphore_mem>>) {add = true}
      %dma_wait3A_49 = arith.constant 0 : i32
      %dma_wait3A_50 = arith.constant 0 : i32
      %dma_wait3A_51 = tpu.memref_slice %arg12[%dma_wait3A_49, %dma_wait3A_50] : memref<10000x128xf32, #tpu.memory_space<vmem_shared>> -> memref<10000x128xf32, #tpu.memory_space<vmem_shared>>
      tpu.wait_indirect_dma semaphore(%run_scoped3A : memref<!tpu.dma_semaphore, #tpu.memory_space<semaphore_mem>>) src(%arg11 : memref<8x128xf32, #tpu.memory_space<vmem>>) dst(%dma_wait3A_51 : memref<10000x128xf32, #tpu.memory_space<vmem_shared>>)
      tpu.yield
    }) : () -> ()
    %barrier3A_31 = arith.constant 0 : index
    tpu.barrier barrier_id(%barrier3A_31)
    %mul3A_32 = arith.constant 632 : i32
    %mul3A_33 = arith.muli %arg1, %mul3A_32 : i32
    %multiple_of3A_34 = tpu.assume_multiple %mul3A_33, 8 : i32
    %mul3A_35 = arith.constant 10000 : i32
    %mul3A_36 = arith.muli %arg0, %mul3A_35 : i32
    %mul3A_37 = arith.constant 632 : i32
    %mul3A_38 = arith.muli %arg1, %mul3A_37 : i32
    %add3A_39 = arith.addi %mul3A_36, %mul3A_38 : i32
    %multiple_of3A_40 = tpu.assume_multiple %add3A_39, 8 : i32
    "tpu.region"() ({
      %run_scoped3A = tpu.sem_alloc : memref<!tpu.dma_semaphore, #tpu.memory_space<semaphore_mem>>
      %dma_start3A_46 = arith.constant 0 : i32
      %dma_start3A_47 = tpu.memref_slice %arg5[%multiple_of3A_40, %dma_start3A_46] : memref<20000x128xf32, #tpu.memory_space<hbm>> -> memref<520x128xf32, #tpu.memory_space<hbm>>
      %dma_start3A_48 = arith.constant 0 : i32
      %dma_start3A_49 = tpu.memref_slice %arg12[%multiple_of3A_34, %dma_start3A_48] : memref<10000x128xf32, #tpu.memory_space<vmem_shared>> -> memref<520x128xf32, #tpu.memory_space<vmem_shared>>
      tpu.enqueue_dma source(%dma_start3A_49 : memref<520x128xf32, #tpu.memory_space<vmem_shared>>) target(%dma_start3A_47 : memref<520x128xf32, #tpu.memory_space<hbm>>) target_semaphore(%run_scoped3A : memref<!tpu.dma_semaphore, #tpu.memory_space<semaphore_mem>>)
      %dma_wait3A_50 = arith.constant 0 : i32
      %dma_wait3A_51 = tpu.memref_slice %arg5[%multiple_of3A_40, %dma_wait3A_50] : memref<20000x128xf32, #tpu.memory_space<hbm>> -> memref<520x128xf32, #tpu.memory_space<hbm>>
      %dma_wait3A_52 = arith.constant 0 : i32
      %dma_wait3A_53 = tpu.memref_slice %arg12[%multiple_of3A_34, %dma_wait3A_52] : memref<10000x128xf32, #tpu.memory_space<vmem_shared>> -> memref<520x128xf32, #tpu.memory_space<vmem_shared>>
      tpu.wait_dma2 semaphore(%run_scoped3A : memref<!tpu.dma_semaphore, #tpu.memory_space<semaphore_mem>>) src(%dma_wait3A_53 : memref<520x128xf32, #tpu.memory_space<vmem_shared>>) dst(%dma_wait3A_51 : memref<520x128xf32, #tpu.memory_space<hbm>>)
      tpu.yield
    }) : () -> ()
    %lt3A_41 = arith.constant 15 : i32
    %lt3A_42 = arith.cmpi slt, %arg1, %lt3A_41 : i32
    %convert_element_type3A_43 = arith.extui %lt3A_42 : i1 to i32
    %cond3A_44 = arith.constant 0 : i32
    %cond3A_45 = arith.cmpi ne, %convert_element_type3A_43, %cond3A_44 : i32
    scf.if %cond3A_45 {
      %add3A_46 = arith.constant 520 : i32
      %add3A_47 = arith.addi %multiple_of3A_34, %add3A_46 : i32
      %multiple_of3A_48 = tpu.assume_multiple %add3A_47, 8 : i32
      %add3A_49 = arith.constant 520 : i32
      %add3A_50 = arith.addi %multiple_of3A_40, %add3A_49 : i32
      %multiple_of3A_51 = tpu.assume_multiple %add3A_50, 8 : i32
      "tpu.region"() ({
        %run_scoped3A = tpu.sem_alloc : memref<!tpu.dma_semaphore, #tpu.memory_space<semaphore_mem>>
        %dma_start3A_52 = arith.constant 0 : i32
        %dma_start3A_53 = tpu.memref_slice %arg5[%multiple_of3A_51, %dma_start3A_52] : memref<20000x128xf32, #tpu.memory_space<hbm>> -> memref<112x128xf32, #tpu.memory_space<hbm>>
        %dma_start3A_54 = arith.constant 0 : i32
        %dma_start3A_55 = tpu.memref_slice %arg12[%multiple_of3A_48, %dma_start3A_54] : memref<10000x128xf32, #tpu.memory_space<vmem_shared>> -> memref<112x128xf32, #tpu.memory_space<vmem_shared>>
        tpu.enqueue_dma source(%dma_start3A_55 : memref<112x128xf32, #tpu.memory_space<vmem_shared>>) target(%dma_start3A_53 : memref<112x128xf32, #tpu.memory_space<hbm>>) target_semaphore(%run_scoped3A : memref<!tpu.dma_semaphore, #tpu.memory_space<semaphore_mem>>)
        %dma_wait3A_56 = arith.constant 0 : i32
        %dma_wait3A_57 = tpu.memref_slice %arg5[%multiple_of3A_51, %dma_wait3A_56] : memref<20000x128xf32, #tpu.memory_space<hbm>> -> memref<112x128xf32, #tpu.memory_space<hbm>>
        %dma_wait3A_58 = arith.constant 0 : i32
        %dma_wait3A_59 = tpu.memref_slice %arg12[%multiple_of3A_48, %dma_wait3A_58] : memref<10000x128xf32, #tpu.memory_space<vmem_shared>> -> memref<112x128xf32, #tpu.memory_space<vmem_shared>>
        tpu.wait_dma2 semaphore(%run_scoped3A : memref<!tpu.dma_semaphore, #tpu.memory_space<semaphore_mem>>) src(%dma_wait3A_59 : memref<112x128xf32, #tpu.memory_space<vmem_shared>>) dst(%dma_wait3A_57 : memref<112x128xf32, #tpu.memory_space<hbm>>)
        tpu.yield
      }) : () -> ()
    } else {
    }
    return
  }
}

module attributes {stable_mosaic.version = 14 : i64} {
  func.func @_edge_body(%arg0: i32, %arg1: memref<8192x64xbf16, #tpu.memory_space<vmem>>, %arg2: memref<8192x128xf32, #tpu.memory_space<vmem>>, %arg3: memref<64x4160xbf16, #tpu.memory_space<vmem>>, %arg4: memref<8192x128xf32, #tpu.memory_space<vmem>>) attributes {dimension_semantics = [#tpu.dimension_semantics<arbitrary>], iteration_bounds = array<i64: 20>, scalar_prefetch = 0 : i64, scratch_operands = 0 : i64, tpu.core_type = #tpu.core_type<tc>, window_params = [{transform_indices = @transform_0, window_bounds = array<i64: 8192, 64>}, {transform_indices = @transform_1, window_bounds = array<i64: 8192, 128>}, {pipeline_mode = #tpu.pipeline_mode<synchronous>, transform_indices = @transform_2, window_bounds = array<i64: 64, 4160>}, {transform_indices = @transform_3, window_bounds = array<i64: 8192, 128>}]} {
    %get3A = arith.constant 0 : index
    %get3A_0 = arith.constant 0 : index
    %get3A_1 = vector.load %arg3[%get3A, %get3A_0] : memref<64x4160xbf16, #tpu.memory_space<vmem>>, vector<64x4160xbf16>
    %broadcast_in_dim3A = arith.constant 0.000000e+00 : f32
    %broadcast_in_dim3A_2 = vector.broadcast %broadcast_in_dim3A : f32 to vector<256x64xf32>
    %get3A_3 = arith.constant 0 : index
    %get3A_4 = arith.constant 0 : index
    %get3A_5 = vector.load %arg1[%get3A_3, %get3A_4] : memref<8192x64xbf16, #tpu.memory_space<vmem>>, vector<256x64xbf16>
    %get3A_6 = arith.constant 0 : index
    %get3A_7 = arith.constant 0 : index
    %get3A_8 = vector.load %arg2[%get3A_6, %get3A_7] : memref<8192x128xf32, #tpu.memory_space<vmem>>, vector<256x128xf32>
    %slice3A = vector.extract_strided_slice %get3A_8 {offsets = [0, 0], sizes = [256, 64], strides = [1, 1]} : vector<256x128xf32> to vector<256x64xf32>
    %transpose3A = tpu.transpose %get3A_5, [1, 0] : vector<256x64xbf16> -> vector<64x256xbf16>
    %convert_element_type3A = arith.extf %transpose3A : vector<64x256xbf16> to vector<64x256xf32>
    %transpose3A_9 = tpu.transpose %slice3A, [1, 0] : vector<256x64xf32> -> vector<64x256xf32>
    %broadcast_in_dim3A_10 = vector.shape_cast %transpose3A_9 : vector<64x256xf32> to vector<64x1x256xf32>
    %broadcast_in_dim3A_11 = vector.shape_cast %broadcast_in_dim3A_10 : vector<64x1x256xf32> to vector<64x1x256xf32>
    %broadcast_in_dim3A_12 = vector.broadcast %broadcast_in_dim3A_11 : vector<64x1x256xf32> to vector<64x64x256xf32>
    %reshape3A = vector.shape_cast %broadcast_in_dim3A_12 : vector<64x64x256xf32> to vector<4096x256xf32>
    %tile3A = tpu.concatenate %convert_element_type3A, %convert_element_type3A, %convert_element_type3A, %convert_element_type3A, %convert_element_type3A, %convert_element_type3A, %convert_element_type3A, %convert_element_type3A, %convert_element_type3A, %convert_element_type3A, %convert_element_type3A, %convert_element_type3A, %convert_element_type3A, %convert_element_type3A, %convert_element_type3A, %convert_element_type3A, %convert_element_type3A, %convert_element_type3A, %convert_element_type3A, %convert_element_type3A, %convert_element_type3A, %convert_element_type3A, %convert_element_type3A, %convert_element_type3A, %convert_element_type3A, %convert_element_type3A, %convert_element_type3A, %convert_element_type3A, %convert_element_type3A, %convert_element_type3A, %convert_element_type3A, %convert_element_type3A, %convert_element_type3A, %convert_element_type3A, %convert_element_type3A, %convert_element_type3A, %convert_element_type3A, %convert_element_type3A, %convert_element_type3A, %convert_element_type3A, %convert_element_type3A, %convert_element_type3A, %convert_element_type3A, %convert_element_type3A, %convert_element_type3A, %convert_element_type3A, %convert_element_type3A, %convert_element_type3A, %convert_element_type3A, %convert_element_type3A, %convert_element_type3A, %convert_element_type3A, %convert_element_type3A, %convert_element_type3A, %convert_element_type3A, %convert_element_type3A, %convert_element_type3A, %convert_element_type3A, %convert_element_type3A, %convert_element_type3A, %convert_element_type3A, %convert_element_type3A, %convert_element_type3A, %convert_element_type3A in 0 : vector<64x256xf32>, vector<64x256xf32>, vector<64x256xf32>, vector<64x256xf32>, vector<64x256xf32>, vector<64x256xf32>, vector<64x256xf32>, vector<64x256xf32>, vector<64x256xf32>, vector<64x256xf32>, vector<64x256xf32>, vector<64x256xf32>, vector<64x256xf32>, vector<64x256xf32>, vector<64x256xf32>, vector<64x256xf32>, vector<64x256xf32>, vector<64x256xf32>, vector<64x256xf32>, vector<64x256xf32>, vector<64x256xf32>, vector<64x256xf32>, vector<64x256xf32>, vector<64x256xf32>, vector<64x256xf32>, vector<64x256xf32>, vector<64x256xf32>, vector<64x256xf32>, vector<64x256xf32>, vector<64x256xf32>, vector<64x256xf32>, vector<64x256xf32>, vector<64x256xf32>, vector<64x256xf32>, vector<64x256xf32>, vector<64x256xf32>, vector<64x256xf32>, vector<64x256xf32>, vector<64x256xf32>, vector<64x256xf32>, vector<64x256xf32>, vector<64x256xf32>, vector<64x256xf32>, vector<64x256xf32>, vector<64x256xf32>, vector<64x256xf32>, vector<64x256xf32>, vector<64x256xf32>, vector<64x256xf32>, vector<64x256xf32>, vector<64x256xf32>, vector<64x256xf32>, vector<64x256xf32>, vector<64x256xf32>, vector<64x256xf32>, vector<64x256xf32>, vector<64x256xf32>, vector<64x256xf32>, vector<64x256xf32>, vector<64x256xf32>, vector<64x256xf32>, vector<64x256xf32>, vector<64x256xf32>, vector<64x256xf32> -> vector<4096x256xf32>
    %mul3A = arith.mulf %reshape3A, %tile3A : vector<4096x256xf32>
    %convert_element_type3A_13 = arith.truncf %mul3A : vector<4096x256xf32> to vector<4096x256xbf16>
    %convert_element_type3A_14 = arith.truncf %transpose3A_9 : vector<64x256xf32> to vector<64x256xbf16>
    %concatenate3A = tpu.concatenate %convert_element_type3A_13, %convert_element_type3A_14 in 0 : vector<4096x256xbf16>, vector<64x256xbf16> -> vector<4160x256xbf16>
    %dot_general3A = arith.constant dense<0.000000e+00> : vector<64x256xf32>
    %dot_general3A_15 = tpu.matmul %get3A_1, %concatenate3A, %dot_general3A {dimension_numbers = #tpu.dot_dimension_numbers<[1], [0], [0], [1], [0, 0, 1, 1], [], []>, transpose_lhs_hint = false} : vector<64x4160xbf16>, vector<4160x256xbf16>, vector<64x256xf32> -> vector<64x256xf32>
    %transpose3A_16 = tpu.transpose %dot_general3A_15, [1, 0] : vector<64x256xf32> -> vector<256x64xf32>
    %concatenate3A_17 = tpu.concatenate %transpose3A_16, %broadcast_in_dim3A_2 in 1 : vector<256x64xf32>, vector<256x64xf32> -> vector<256x128xf32>
    %swap3A = arith.constant 0 : index
    %swap3A_18 = arith.constant 0 : index
    %swap3A_19 = vector.load %arg4[%swap3A, %swap3A_18] : memref<8192x128xf32, #tpu.memory_space<vmem>>, vector<256x128xf32>
    tpu.vector_store %arg4[%swap3A, %swap3A_18], %concatenate3A_17 {strides = array<i32>} : memref<8192x128xf32, #tpu.memory_space<vmem>>, vector<256x128xf32>,
    %get3A_20 = arith.constant 256 : index
    %get3A_21 = arith.constant 0 : index
    %get3A_22 = vector.load %arg1[%get3A_20, %get3A_21] : memref<8192x64xbf16, #tpu.memory_space<vmem>>, vector<256x64xbf16>
    %get3A_23 = arith.constant 256 : index
    %get3A_24 = arith.constant 0 : index
    %get3A_25 = vector.load %arg2[%get3A_23, %get3A_24] : memref<8192x128xf32, #tpu.memory_space<vmem>>, vector<256x128xf32>
    %slice3A_26 = vector.extract_strided_slice %get3A_25 {offsets = [0, 0], sizes = [256, 64], strides = [1, 1]} : vector<256x128xf32> to vector<256x64xf32>
    %transpose3A_27 = tpu.transpose %get3A_22, [1, 0] : vector<256x64xbf16> -> vector<64x256xbf16>
    %convert_element_type3A_28 = arith.extf %transpose3A_27 : vector<64x256xbf16> to vector<64x256xf32>
    %transpose3A_29 = tpu.transpose %slice3A_26, [1, 0] : vector<256x64xf32> -> vector<64x256xf32>
    %broadcast_in_dim3A_30 = vector.shape_cast %transpose3A_29 : vector<64x256xf32> to vector<64x1x256xf32>
    %broadcast_in_dim3A_31 = vector.shape_cast %broadcast_in_dim3A_30 : vector<64x1x256xf32> to vector<64x1x256xf32>
    %broadcast_in_dim3A_32 = vector.broadcast %broadcast_in_dim3A_31 : vector<64x1x256xf32> to vector<64x64x256xf32>
    %reshape3A_33 = vector.shape_cast %broadcast_in_dim3A_32 : vector<64x64x256xf32> to vector<4096x256xf32>
    %tile3A_34 = tpu.concatenate %convert_element_type3A_28, %convert_element_type3A_28, %convert_element_type3A_28, %convert_element_type3A_28, %convert_element_type3A_28, %convert_element_type3A_28, %convert_element_type3A_28, %convert_element_type3A_28, %convert_element_type3A_28, %convert_element_type3A_28, %convert_element_type3A_28, %convert_element_type3A_28, %convert_element_type3A_28, %convert_element_type3A_28, %convert_element_type3A_28, %convert_element_type3A_28, %convert_element_type3A_28, %convert_element_type3A_28, %convert_element_type3A_28, %convert_element_type3A_28, %convert_element_type3A_28, %convert_element_type3A_28, %convert_element_type3A_28, %convert_element_type3A_28, %convert_element_type3A_28, %convert_element_type3A_28, %convert_element_type3A_28, %convert_element_type3A_28, %convert_element_type3A_28, %convert_element_type3A_28, %convert_element_type3A_28, %convert_element_type3A_28, %convert_element_type3A_28, %convert_element_type3A_28, %convert_element_type3A_28, %convert_element_type3A_28, %convert_element_type3A_28, %convert_element_type3A_28, %convert_element_type3A_28, %convert_element_type3A_28, %convert_element_type3A_28, %convert_element_type3A_28, %convert_element_type3A_28, %convert_element_type3A_28, %convert_element_type3A_28, %convert_element_type3A_28, %convert_element_type3A_28, %convert_element_type3A_28, %convert_element_type3A_28, %convert_element_type3A_28, %convert_element_type3A_28, %convert_element_type3A_28, %convert_element_type3A_28, %convert_element_type3A_28, %convert_element_type3A_28, %convert_element_type3A_28, %convert_element_type3A_28, %convert_element_type3A_28, %convert_element_type3A_28, %convert_element_type3A_28, %convert_element_type3A_28, %convert_element_type3A_28, %convert_element_type3A_28, %convert_element_type3A_28 in 0 : vector<64x256xf32>, vector<64x256xf32>, vector<64x256xf32>, vector<64x256xf32>, vector<64x256xf32>, vector<64x256xf32>, vector<64x256xf32>, vector<64x256xf32>, vector<64x256xf32>, vector<64x256xf32>, vector<64x256xf32>, vector<64x256xf32>, vector<64x256xf32>, vector<64x256xf32>, vector<64x256xf32>, vector<64x256xf32>, vector<64x256xf32>, vector<64x256xf32>, vector<64x256xf32>, vector<64x256xf32>, vector<64x256xf32>, vector<64x256xf32>, vector<64x256xf32>, vector<64x256xf32>, vector<64x256xf32>, vector<64x256xf32>, vector<64x256xf32>, vector<64x256xf32>, vector<64x256xf32>, vector<64x256xf32>, vector<64x256xf32>, vector<64x256xf32>, vector<64x256xf32>, vector<64x256xf32>, vector<64x256xf32>, vector<64x256xf32>, vector<64x256xf32>, vector<64x256xf32>, vector<64x256xf32>, vector<64x256xf32>, vector<64x256xf32>, vector<64x256xf32>, vector<64x256xf32>, vector<64x256xf32>, vector<64x256xf32>, vector<64x256xf32>, vector<64x256xf32>, vector<64x256xf32>, vector<64x256xf32>, vector<64x256xf32>, vector<64x256xf32>, vector<64x256xf32>, vector<64x256xf32>, vector<64x256xf32>, vector<64x256xf32>, vector<64x256xf32>, vector<64x256xf32>, vector<64x256xf32>, vector<64x256xf32>, vector<64x256xf32>, vector<64x256xf32>, vector<64x256xf32>, vector<64x256xf32>, vector<64x256xf32> -> vector<4096x256xf32>
    %mul3A_35 = arith.mulf %reshape3A_33, %tile3A_34 : vector<4096x256xf32>
    %convert_element_type3A_36 = arith.truncf %mul3A_35 : vector<4096x256xf32> to vector<4096x256xbf16>
    %convert_element_type3A_37 = arith.truncf %transpose3A_29 : vector<64x256xf32> to vector<64x256xbf16>
    %concatenate3A_38 = tpu.concatenate %convert_element_type3A_36, %convert_element_type3A_37 in 0 : vector<4096x256xbf16>, vector<64x256xbf16> -> vector<4160x256xbf16>
    %dot_general3A_39 = arith.constant dense<0.000000e+00> : vector<64x256xf32>
    %dot_general3A_40 = tpu.matmul %get3A_1, %concatenate3A_38, %dot_general3A_39 {dimension_numbers = #tpu.dot_dimension_numbers<[1], [0], [0], [1], [0, 0, 1, 1], [], []>, transpose_lhs_hint = false} : vector<64x4160xbf16>, vector<4160x256xbf16>, vector<64x256xf32> -> vector<64x256xf32>
    %transpose3A_41 = tpu.transpose %dot_general3A_40, [1, 0] : vector<64x256xf32> -> vector<256x64xf32>
    %concatenate3A_42 = tpu.concatenate %transpose3A_41, %broadcast_in_dim3A_2 in 1 : vector<256x64xf32>, vector<256x64xf32> -> vector<256x128xf32>
    %swap3A_43 = arith.constant 256 : index
    %swap3A_44 = arith.constant 0 : index
    %swap3A_45 = vector.load %arg4[%swap3A_43, %swap3A_44] : memref<8192x128xf32, #tpu.memory_space<vmem>>, vector<256x128xf32>
    tpu.vector_store %arg4[%swap3A_43, %swap3A_44], %concatenate3A_42 {strides = array<i32>} : memref<8192x128xf32, #tpu.memory_space<vmem>>, vector<256x128xf32>,
    %get3A_46 = arith.constant 512 : index
    %get3A_47 = arith.constant 0 : index
    %get3A_48 = vector.load %arg1[%get3A_46, %get3A_47] : memref<8192x64xbf16, #tpu.memory_space<vmem>>, vector<256x64xbf16>
    %get3A_49 = arith.constant 512 : index
    %get3A_50 = arith.constant 0 : index
    %get3A_51 = vector.load %arg2[%get3A_49, %get3A_50] : memref<8192x128xf32, #tpu.memory_space<vmem>>, vector<256x128xf32>
    %slice3A_52 = vector.extract_strided_slice %get3A_51 {offsets = [0, 0], sizes = [256, 64], strides = [1, 1]} : vector<256x128xf32> to vector<256x64xf32>
    %transpose3A_53 = tpu.transpose %get3A_48, [1, 0] : vector<256x64xbf16> -> vector<64x256xbf16>
    %convert_element_type3A_54 = arith.extf %transpose3A_53 : vector<64x256xbf16> to vector<64x256xf32>
    %transpose3A_55 = tpu.transpose %slice3A_52, [1, 0] : vector<256x64xf32> -> vector<64x256xf32>
    %broadcast_in_dim3A_56 = vector.shape_cast %transpose3A_55 : vector<64x256xf32> to vector<64x1x256xf32>
    %broadcast_in_dim3A_57 = vector.shape_cast %broadcast_in_dim3A_56 : vector<64x1x256xf32> to vector<64x1x256xf32>
    %broadcast_in_dim3A_58 = vector.broadcast %broadcast_in_dim3A_57 : vector<64x1x256xf32> to vector<64x64x256xf32>
    %reshape3A_59 = vector.shape_cast %broadcast_in_dim3A_58 : vector<64x64x256xf32> to vector<4096x256xf32>
    %tile3A_60 = tpu.concatenate %convert_element_type3A_54, %convert_element_type3A_54, %convert_element_type3A_54, %convert_element_type3A_54, %convert_element_type3A_54, %convert_element_type3A_54, %convert_element_type3A_54, %convert_element_type3A_54, %convert_element_type3A_54, %convert_element_type3A_54, %convert_element_type3A_54, %convert_element_type3A_54, %convert_element_type3A_54, %convert_element_type3A_54, %convert_element_type3A_54, %convert_element_type3A_54, %convert_element_type3A_54, %convert_element_type3A_54, %convert_element_type3A_54, %convert_element_type3A_54, %convert_element_type3A_54, %convert_element_type3A_54, %convert_element_type3A_54, %convert_element_type3A_54, %convert_element_type3A_54, %convert_element_type3A_54, %convert_element_type3A_54, %convert_element_type3A_54, %convert_element_type3A_54, %convert_element_type3A_54, %convert_element_type3A_54, %convert_element_type3A_54, %convert_element_type3A_54, %convert_element_type3A_54, %convert_element_type3A_54, %convert_element_type3A_54, %convert_element_type3A_54, %convert_element_type3A_54, %convert_element_type3A_54, %convert_element_type3A_54, %convert_element_type3A_54, %convert_element_type3A_54, %convert_element_type3A_54, %convert_element_type3A_54, %convert_element_type3A_54, %convert_element_type3A_54, %convert_element_type3A_54, %convert_element_type3A_54, %convert_element_type3A_54, %convert_element_type3A_54, %convert_element_type3A_54, %convert_element_type3A_54, %convert_element_type3A_54, %convert_element_type3A_54, %convert_element_type3A_54, %convert_element_type3A_54, %convert_element_type3A_54, %convert_element_type3A_54, %convert_element_type3A_54, %convert_element_type3A_54, %convert_element_type3A_54, %convert_element_type3A_54, %convert_element_type3A_54, %convert_element_type3A_54 in 0 : vector<64x256xf32>, vector<64x256xf32>, vector<64x256xf32>, vector<64x256xf32>, vector<64x256xf32>, vector<64x256xf32>, vector<64x256xf32>, vector<64x256xf32>, vector<64x256xf32>, vector<64x256xf32>, vector<64x256xf32>, vector<64x256xf32>, vector<64x256xf32>, vector<64x256xf32>, vector<64x256xf32>, vector<64x256xf32>, vector<64x256xf32>, vector<64x256xf32>, vector<64x256xf32>, vector<64x256xf32>, vector<64x256xf32>, vector<64x256xf32>, vector<64x256xf32>, vector<64x256xf32>, vector<64x256xf32>, vector<64x256xf32>, vector<64x256xf32>, vector<64x256xf32>, vector<64x256xf32>, vector<64x256xf32>, vector<64x256xf32>, vector<64x256xf32>, vector<64x256xf32>, vector<64x256xf32>, vector<64x256xf32>, vector<64x256xf32>, vector<64x256xf32>, vector<64x256xf32>, vector<64x256xf32>, vector<64x256xf32>, vector<64x256xf32>, vector<64x256xf32>, vector<64x256xf32>, vector<64x256xf32>, vector<64x256xf32>, vector<64x256xf32>, vector<64x256xf32>, vector<64x256xf32>, vector<64x256xf32>, vector<64x256xf32>, vector<64x256xf32>, vector<64x256xf32>, vector<64x256xf32>, vector<64x256xf32>, vector<64x256xf32>, vector<64x256xf32>, vector<64x256xf32>, vector<64x256xf32>, vector<64x256xf32>, vector<64x256xf32>, vector<64x256xf32>, vector<64x256xf32>, vector<64x256xf32>, vector<64x256xf32> -> vector<4096x256xf32>
    %mul3A_61 = arith.mulf %reshape3A_59, %tile3A_60 : vector<4096x256xf32>
    %convert_element_type3A_62 = arith.truncf %mul3A_61 : vector<4096x256xf32> to vector<4096x256xbf16>
    %convert_element_type3A_63 = arith.truncf %transpose3A_55 : vector<64x256xf32> to vector<64x256xbf16>
    %concatenate3A_64 = tpu.concatenate %convert_element_type3A_62, %convert_element_type3A_63 in 0 : vector<4096x256xbf16>, vector<64x256xbf16> -> vector<4160x256xbf16>
    %dot_general3A_65 = arith.constant dense<0.000000e+00> : vector<64x256xf32>
    %dot_general3A_66 = tpu.matmul %get3A_1, %concatenate3A_64, %dot_general3A_65 {dimension_numbers = #tpu.dot_dimension_numbers<[1], [0], [0], [1], [0, 0, 1, 1], [], []>, transpose_lhs_hint = false} : vector<64x4160xbf16>, vector<4160x256xbf16>, vector<64x256xf32> -> vector<64x256xf32>
    %transpose3A_67 = tpu.transpose %dot_general3A_66, [1, 0] : vector<64x256xf32> -> vector<256x64xf32>
    %concatenate3A_68 = tpu.concatenate %transpose3A_67, %broadcast_in_dim3A_2 in 1 : vector<256x64xf32>, vector<256x64xf32> -> vector<256x128xf32>
    %swap3A_69 = arith.constant 512 : index
    %swap3A_70 = arith.constant 0 : index
    %swap3A_71 = vector.load %arg4[%swap3A_69, %swap3A_70] : memref<8192x128xf32, #tpu.memory_space<vmem>>, vector<256x128xf32>
    tpu.vector_store %arg4[%swap3A_69, %swap3A_70], %concatenate3A_68 {strides = array<i32>} : memref<8192x128xf32, #tpu.memory_space<vmem>>, vector<256x128xf32>,
    %get3A_72 = arith.constant 768 : index
    %get3A_73 = arith.constant 0 : index
    %get3A_74 = vector.load %arg1[%get3A_72, %get3A_73] : memref<8192x64xbf16, #tpu.memory_space<vmem>>, vector<256x64xbf16>
    %get3A_75 = arith.constant 768 : index
    %get3A_76 = arith.constant 0 : index
    %get3A_77 = vector.load %arg2[%get3A_75, %get3A_76] : memref<8192x128xf32, #tpu.memory_space<vmem>>, vector<256x128xf32>
    %slice3A_78 = vector.extract_strided_slice %get3A_77 {offsets = [0, 0], sizes = [256, 64], strides = [1, 1]} : vector<256x128xf32> to vector<256x64xf32>
    %transpose3A_79 = tpu.transpose %get3A_74, [1, 0] : vector<256x64xbf16> -> vector<64x256xbf16>
    %convert_element_type3A_80 = arith.extf %transpose3A_79 : vector<64x256xbf16> to vector<64x256xf32>
    %transpose3A_81 = tpu.transpose %slice3A_78, [1, 0] : vector<256x64xf32> -> vector<64x256xf32>
    %broadcast_in_dim3A_82 = vector.shape_cast %transpose3A_81 : vector<64x256xf32> to vector<64x1x256xf32>
    %broadcast_in_dim3A_83 = vector.shape_cast %broadcast_in_dim3A_82 : vector<64x1x256xf32> to vector<64x1x256xf32>
    %broadcast_in_dim3A_84 = vector.broadcast %broadcast_in_dim3A_83 : vector<64x1x256xf32> to vector<64x64x256xf32>
    %reshape3A_85 = vector.shape_cast %broadcast_in_dim3A_84 : vector<64x64x256xf32> to vector<4096x256xf32>
    %tile3A_86 = tpu.concatenate %convert_element_type3A_80, %convert_element_type3A_80, %convert_element_type3A_80, %convert_element_type3A_80, %convert_element_type3A_80, %convert_element_type3A_80, %convert_element_type3A_80, %convert_element_type3A_80, %convert_element_type3A_80, %convert_element_type3A_80, %convert_element_type3A_80, %convert_element_type3A_80, %convert_element_type3A_80, %convert_element_type3A_80, %convert_element_type3A_80, %convert_element_type3A_80, %convert_element_type3A_80, %convert_element_type3A_80, %convert_element_type3A_80, %convert_element_type3A_80, %convert_element_type3A_80, %convert_element_type3A_80, %convert_element_type3A_80, %convert_element_type3A_80, %convert_element_type3A_80, %convert_element_type3A_80, %convert_element_type3A_80, %convert_element_type3A_80, %convert_element_type3A_80, %convert_element_type3A_80, %convert_element_type3A_80, %convert_element_type3A_80, %convert_element_type3A_80, %convert_element_type3A_80, %convert_element_type3A_80, %convert_element_type3A_80, %convert_element_type3A_80, %convert_element_type3A_80, %convert_element_type3A_80, %convert_element_type3A_80, %convert_element_type3A_80, %convert_element_type3A_80, %convert_element_type3A_80, %convert_element_type3A_80, %convert_element_type3A_80, %convert_element_type3A_80, %convert_element_type3A_80, %convert_element_type3A_80, %convert_element_type3A_80, %convert_element_type3A_80, %convert_element_type3A_80, %convert_element_type3A_80, %convert_element_type3A_80, %convert_element_type3A_80, %convert_element_type3A_80, %convert_element_type3A_80, %convert_element_type3A_80, %convert_element_type3A_80, %convert_element_type3A_80, %convert_element_type3A_80, %convert_element_type3A_80, %convert_element_type3A_80, %convert_element_type3A_80, %convert_element_type3A_80 in 0 : vector<64x256xf32>, vector<64x256xf32>, vector<64x256xf32>, vector<64x256xf32>, vector<64x256xf32>, vector<64x256xf32>, vector<64x256xf32>, vector<64x256xf32>, vector<64x256xf32>, vector<64x256xf32>, vector<64x256xf32>, vector<64x256xf32>, vector<64x256xf32>, vector<64x256xf32>, vector<64x256xf32>, vector<64x256xf32>, vector<64x256xf32>, vector<64x256xf32>, vector<64x256xf32>, vector<64x256xf32>, vector<64x256xf32>, vector<64x256xf32>, vector<64x256xf32>, vector<64x256xf32>, vector<64x256xf32>, vector<64x256xf32>, vector<64x256xf32>, vector<64x256xf32>, vector<64x256xf32>, vector<64x256xf32>, vector<64x256xf32>, vector<64x256xf32>, vector<64x256xf32>, vector<64x256xf32>, vector<64x256xf32>, vector<64x256xf32>, vector<64x256xf32>, vector<64x256xf32>, vector<64x256xf32>, vector<64x256xf32>, vector<64x256xf32>, vector<64x256xf32>, vector<64x256xf32>, vector<64x256xf32>, vector<64x256xf32>, vector<64x256xf32>, vector<64x256xf32>, vector<64x256xf32>, vector<64x256xf32>, vector<64x256xf32>, vector<64x256xf32>, vector<64x256xf32>, vector<64x256xf32>, vector<64x256xf32>, vector<64x256xf32>, vector<64x256xf32>, vector<64x256xf32>, vector<64x256xf32>, vector<64x256xf32>, vector<64x256xf32>, vector<64x256xf32>, vector<64x256xf32>, vector<64x256xf32>, vector<64x256xf32> -> vector<4096x256xf32>
    %mul3A_87 = arith.mulf %reshape3A_85, %tile3A_86 : vector<4096x256xf32>
    %convert_element_type3A_88 = arith.truncf %mul3A_87 : vector<4096x256xf32> to vector<4096x256xbf16>
    %convert_element_type3A_89 = arith.truncf %transpose3A_81 : vector<64x256xf32> to vector<64x256xbf16>
    %concatenate3A_90 = tpu.concatenate %convert_element_type3A_88, %convert_element_type3A_89 in 0 : vector<4096x256xbf16>, vector<64x256xbf16> -> vector<4160x256xbf16>
    %dot_general3A_91 = arith.constant dense<0.000000e+00> : vector<64x256xf32>
    %dot_general3A_92 = tpu.matmul %get3A_1, %concatenate3A_90, %dot_general3A_91 {dimension_numbers = #tpu.dot_dimension_numbers<[1], [0], [0], [1], [0, 0, 1, 1], [], []>, transpose_lhs_hint = false} : vector<64x4160xbf16>, vector<4160x256xbf16>, vector<64x256xf32> -> vector<64x256xf32>
    %transpose3A_93 = tpu.transpose %dot_general3A_92, [1, 0] : vector<64x256xf32> -> vector<256x64xf32>
    %concatenate3A_94 = tpu.concatenate %transpose3A_93, %broadcast_in_dim3A_2 in 1 : vector<256x64xf32>, vector<256x64xf32> -> vector<256x128xf32>
    %swap3A_95 = arith.constant 768 : index
    %swap3A_96 = arith.constant 0 : index
    %swap3A_97 = vector.load %arg4[%swap3A_95, %swap3A_96] : memref<8192x128xf32, #tpu.memory_space<vmem>>, vector<256x128xf32>
    tpu.vector_store %arg4[%swap3A_95, %swap3A_96], %concatenate3A_94 {strides = array<i32>} : memref<8192x128xf32, #tpu.memory_space<vmem>>, vector<256x128xf32>,
    %get3A_98 = arith.constant 1024 : index
    %get3A_99 = arith.constant 0 : index
    %get3A_100 = vector.load %arg1[%get3A_98, %get3A_99] : memref<8192x64xbf16, #tpu.memory_space<vmem>>, vector<256x64xbf16>
    %get3A_101 = arith.constant 1024 : index
    %get3A_102 = arith.constant 0 : index
    %get3A_103 = vector.load %arg2[%get3A_101, %get3A_102] : memref<8192x128xf32, #tpu.memory_space<vmem>>, vector<256x128xf32>
    %slice3A_104 = vector.extract_strided_slice %get3A_103 {offsets = [0, 0], sizes = [256, 64], strides = [1, 1]} : vector<256x128xf32> to vector<256x64xf32>
    %transpose3A_105 = tpu.transpose %get3A_100, [1, 0] : vector<256x64xbf16> -> vector<64x256xbf16>
    %convert_element_type3A_106 = arith.extf %transpose3A_105 : vector<64x256xbf16> to vector<64x256xf32>
    %transpose3A_107 = tpu.transpose %slice3A_104, [1, 0] : vector<256x64xf32> -> vector<64x256xf32>
    %broadcast_in_dim3A_108 = vector.shape_cast %transpose3A_107 : vector<64x256xf32> to vector<64x1x256xf32>
    %broadcast_in_dim3A_109 = vector.shape_cast %broadcast_in_dim3A_108 : vector<64x1x256xf32> to vector<64x1x256xf32>
    %broadcast_in_dim3A_110 = vector.broadcast %broadcast_in_dim3A_109 : vector<64x1x256xf32> to vector<64x64x256xf32>
    %reshape3A_111 = vector.shape_cast %broadcast_in_dim3A_110 : vector<64x64x256xf32> to vector<4096x256xf32>
    %tile3A_112 = tpu.concatenate %convert_element_type3A_106, %convert_element_type3A_106, %convert_element_type3A_106, %convert_element_type3A_106, %convert_element_type3A_106, %convert_element_type3A_106, %convert_element_type3A_106, %convert_element_type3A_106, %convert_element_type3A_106, %convert_element_type3A_106, %convert_element_type3A_106, %convert_element_type3A_106, %convert_element_type3A_106, %convert_element_type3A_106, %convert_element_type3A_106, %convert_element_type3A_106, %convert_element_type3A_106, %convert_element_type3A_106, %convert_element_type3A_106, %convert_element_type3A_106, %convert_element_type3A_106, %convert_element_type3A_106, %convert_element_type3A_106, %convert_element_type3A_106, %convert_element_type3A_106, %convert_element_type3A_106, %convert_element_type3A_106, %convert_element_type3A_106, %convert_element_type3A_106, %convert_element_type3A_106, %convert_element_type3A_106, %convert_element_type3A_106, %convert_element_type3A_106, %convert_element_type3A_106, %convert_element_type3A_106, %convert_element_type3A_106, %convert_element_type3A_106, %convert_element_type3A_106, %convert_element_type3A_106, %convert_element_type3A_106, %convert_element_type3A_106, %convert_element_type3A_106, %convert_element_type3A_106, %convert_element_type3A_106, %convert_element_type3A_106, %convert_element_type3A_106, %convert_element_type3A_106, %convert_element_type3A_106, %convert_element_type3A_106, %convert_element_type3A_106, %convert_element_type3A_106, %convert_element_type3A_106, %convert_element_type3A_106, %convert_element_type3A_106, %convert_element_type3A_106, %convert_element_type3A_106, %convert_element_type3A_106, %convert_element_type3A_106, %convert_element_type3A_106, %convert_element_type3A_106, %convert_element_type3A_106, %convert_element_type3A_106, %convert_element_type3A_106, %convert_element_type3A_106 in 0 : vector<64x256xf32>, vector<64x256xf32>, vector<64x256xf32>, vector<64x256xf32>, vector<64x256xf32>, vector<64x256xf32>, vector<64x256xf32>, vector<64x256xf32>, vector<64x256xf32>, vector<64x256xf32>, vector<64x256xf32>, vector<64x256xf32>, vector<64x256xf32>, vector<64x256xf32>, vector<64x256xf32>, vector<64x256xf32>, vector<64x256xf32>, vector<64x256xf32>, vector<64x256xf32>, vector<64x256xf32>, vector<64x256xf32>, vector<64x256xf32>, vector<64x256xf32>, vector<64x256xf32>, vector<64x256xf32>, vector<64x256xf32>, vector<64x256xf32>, vector<64x256xf32>, vector<64x256xf32>, vector<64x256xf32>, vector<64x256xf32>, vector<64x256xf32>, vector<64x256xf32>, vector<64x256xf32>, vector<64x256xf32>, vector<64x256xf32>, vector<64x256xf32>, vector<64x256xf32>, vector<64x256xf32>, vector<64x256xf32>, vector<64x256xf32>, vector<64x256xf32>, vector<64x256xf32>, vector<64x256xf32>, vector<64x256xf32>, vector<64x256xf32>, vector<64x256xf32>, vector<64x256xf32>, vector<64x256xf32>, vector<64x256xf32>, vector<64x256xf32>, vector<64x256xf32>, vector<64x256xf32>, vector<64x256xf32>, vector<64x256xf32>, vector<64x256xf32>, vector<64x256xf32>, vector<64x256xf32>, vector<64x256xf32>, vector<64x256xf32>, vector<64x256xf32>, vector<64x256xf32>, vector<64x256xf32>, vector<64x256xf32> -> vector<4096x256xf32>
    %mul3A_113 = arith.mulf %reshape3A_111, %tile3A_112 : vector<4096x256xf32>
    %convert_element_type3A_114 = arith.truncf %mul3A_113 : vector<4096x256xf32> to vector<4096x256xbf16>
    %convert_element_type3A_115 = arith.truncf %transpose3A_107 : vector<64x256xf32> to vector<64x256xbf16>
    %concatenate3A_116 = tpu.concatenate %convert_element_type3A_114, %convert_element_type3A_115 in 0 : vector<4096x256xbf16>, vector<64x256xbf16> -> vector<4160x256xbf16>
    %dot_general3A_117 = arith.constant dense<0.000000e+00> : vector<64x256xf32>
    %dot_general3A_118 = tpu.matmul %get3A_1, %concatenate3A_116, %dot_general3A_117 {dimension_numbers = #tpu.dot_dimension_numbers<[1], [0], [0], [1], [0, 0, 1, 1], [], []>, transpose_lhs_hint = false} : vector<64x4160xbf16>, vector<4160x256xbf16>, vector<64x256xf32> -> vector<64x256xf32>
    %transpose3A_119 = tpu.transpose %dot_general3A_118, [1, 0] : vector<64x256xf32> -> vector<256x64xf32>
    %concatenate3A_120 = tpu.concatenate %transpose3A_119, %broadcast_in_dim3A_2 in 1 : vector<256x64xf32>, vector<256x64xf32> -> vector<256x128xf32>
    %swap3A_121 = arith.constant 1024 : index
    %swap3A_122 = arith.constant 0 : index
    %swap3A_123 = vector.load %arg4[%swap3A_121, %swap3A_122] : memref<8192x128xf32, #tpu.memory_space<vmem>>, vector<256x128xf32>
    tpu.vector_store %arg4[%swap3A_121, %swap3A_122], %concatenate3A_120 {strides = array<i32>} : memref<8192x128xf32, #tpu.memory_space<vmem>>, vector<256x128xf32>,
    %get3A_124 = arith.constant 1280 : index
    %get3A_125 = arith.constant 0 : index
    %get3A_126 = vector.load %arg1[%get3A_124, %get3A_125] : memref<8192x64xbf16, #tpu.memory_space<vmem>>, vector<256x64xbf16>
    %get3A_127 = arith.constant 1280 : index
    %get3A_128 = arith.constant 0 : index
    %get3A_129 = vector.load %arg2[%get3A_127, %get3A_128] : memref<8192x128xf32, #tpu.memory_space<vmem>>, vector<256x128xf32>
    %slice3A_130 = vector.extract_strided_slice %get3A_129 {offsets = [0, 0], sizes = [256, 64], strides = [1, 1]} : vector<256x128xf32> to vector<256x64xf32>
    %transpose3A_131 = tpu.transpose %get3A_126, [1, 0] : vector<256x64xbf16> -> vector<64x256xbf16>
    %convert_element_type3A_132 = arith.extf %transpose3A_131 : vector<64x256xbf16> to vector<64x256xf32>
    %transpose3A_133 = tpu.transpose %slice3A_130, [1, 0] : vector<256x64xf32> -> vector<64x256xf32>
    %broadcast_in_dim3A_134 = vector.shape_cast %transpose3A_133 : vector<64x256xf32> to vector<64x1x256xf32>
    %broadcast_in_dim3A_135 = vector.shape_cast %broadcast_in_dim3A_134 : vector<64x1x256xf32> to vector<64x1x256xf32>
    %broadcast_in_dim3A_136 = vector.broadcast %broadcast_in_dim3A_135 : vector<64x1x256xf32> to vector<64x64x256xf32>
    %reshape3A_137 = vector.shape_cast %broadcast_in_dim3A_136 : vector<64x64x256xf32> to vector<4096x256xf32>
    %tile3A_138 = tpu.concatenate %convert_element_type3A_132, %convert_element_type3A_132, %convert_element_type3A_132, %convert_element_type3A_132, %convert_element_type3A_132, %convert_element_type3A_132, %convert_element_type3A_132, %convert_element_type3A_132, %convert_element_type3A_132, %convert_element_type3A_132, %convert_element_type3A_132, %convert_element_type3A_132, %convert_element_type3A_132, %convert_element_type3A_132, %convert_element_type3A_132, %convert_element_type3A_132, %convert_element_type3A_132, %convert_element_type3A_132, %convert_element_type3A_132, %convert_element_type3A_132, %convert_element_type3A_132, %convert_element_type3A_132, %convert_element_type3A_132, %convert_element_type3A_132, %convert_element_type3A_132, %convert_element_type3A_132, %convert_element_type3A_132, %convert_element_type3A_132, %convert_element_type3A_132, %convert_element_type3A_132, %convert_element_type3A_132, %convert_element_type3A_132, %convert_element_type3A_132, %convert_element_type3A_132, %convert_element_type3A_132, %convert_element_type3A_132, %convert_element_type3A_132, %convert_element_type3A_132, %convert_element_type3A_132, %convert_element_type3A_132, %convert_element_type3A_132, %convert_element_type3A_132, %convert_element_type3A_132, %convert_element_type3A_132, %convert_element_type3A_132, %convert_element_type3A_132, %convert_element_type3A_132, %convert_element_type3A_132, %convert_element_type3A_132, %convert_element_type3A_132, %convert_element_type3A_132, %convert_element_type3A_132, %convert_element_type3A_132, %convert_element_type3A_132, %convert_element_type3A_132, %convert_element_type3A_132, %convert_element_type3A_132, %convert_element_type3A_132, %convert_element_type3A_132, %convert_element_type3A_132, %convert_element_type3A_132, %convert_element_type3A_132, %convert_element_type3A_132, %convert_element_type3A_132 in 0 : vector<64x256xf32>, vector<64x256xf32>, vector<64x256xf32>, vector<64x256xf32>, vector<64x256xf32>, vector<64x256xf32>, vector<64x256xf32>, vector<64x256xf32>, vector<64x256xf32>, vector<64x256xf32>, vector<64x256xf32>, vector<64x256xf32>, vector<64x256xf32>, vector<64x256xf32>, vector<64x256xf32>, vector<64x256xf32>, vector<64x256xf32>, vector<64x256xf32>, vector<64x256xf32>, vector<64x256xf32>, vector<64x256xf32>, vector<64x256xf32>, vector<64x256xf32>, vector<64x256xf32>, vector<64x256xf32>, vector<64x256xf32>, vector<64x256xf32>, vector<64x256xf32>, vector<64x256xf32>, vector<64x256xf32>, vector<64x256xf32>, vector<64x256xf32>, vector<64x256xf32>, vector<64x256xf32>, vector<64x256xf32>, vector<64x256xf32>, vector<64x256xf32>, vector<64x256xf32>, vector<64x256xf32>, vector<64x256xf32>, vector<64x256xf32>, vector<64x256xf32>, vector<64x256xf32>, vector<64x256xf32>, vector<64x256xf32>, vector<64x256xf32>, vector<64x256xf32>, vector<64x256xf32>, vector<64x256xf32>, vector<64x256xf32>, vector<64x256xf32>, vector<64x256xf32>, vector<64x256xf32>, vector<64x256xf32>, vector<64x256xf32>, vector<64x256xf32>, vector<64x256xf32>, vector<64x256xf32>, vector<64x256xf32>, vector<64x256xf32>, vector<64x256xf32>, vector<64x256xf32>, vector<64x256xf32>, vector<64x256xf32> -> vector<4096x256xf32>
    %mul3A_139 = arith.mulf %reshape3A_137, %tile3A_138 : vector<4096x256xf32>
    %convert_element_type3A_140 = arith.truncf %mul3A_139 : vector<4096x256xf32> to vector<4096x256xbf16>
    %convert_element_type3A_141 = arith.truncf %transpose3A_133 : vector<64x256xf32> to vector<64x256xbf16>
    %concatenate3A_142 = tpu.concatenate %convert_element_type3A_140, %convert_element_type3A_141 in 0 : vector<4096x256xbf16>, vector<64x256xbf16> -> vector<4160x256xbf16>
    %dot_general3A_143 = arith.constant dense<0.000000e+00> : vector<64x256xf32>
    %dot_general3A_144 = tpu.matmul %get3A_1, %concatenate3A_142, %dot_general3A_143 {dimension_numbers = #tpu.dot_dimension_numbers<[1], [0], [0], [1], [0, 0, 1, 1], [], []>, transpose_lhs_hint = false} : vector<64x4160xbf16>, vector<4160x256xbf16>, vector<64x256xf32> -> vector<64x256xf32>
    %transpose3A_145 = tpu.transpose %dot_general3A_144, [1, 0] : vector<64x256xf32> -> vector<256x64xf32>
    %concatenate3A_146 = tpu.concatenate %transpose3A_145, %broadcast_in_dim3A_2 in 1 : vector<256x64xf32>, vector<256x64xf32> -> vector<256x128xf32>
    %swap3A_147 = arith.constant 1280 : index
    %swap3A_148 = arith.constant 0 : index
    %swap3A_149 = vector.load %arg4[%swap3A_147, %swap3A_148] : memref<8192x128xf32, #tpu.memory_space<vmem>>, vector<256x128xf32>
    tpu.vector_store %arg4[%swap3A_147, %swap3A_148], %concatenate3A_146 {strides = array<i32>} : memref<8192x128xf32, #tpu.memory_space<vmem>>, vector<256x128xf32>,
    %get3A_150 = arith.constant 1536 : index
    %get3A_151 = arith.constant 0 : index
    %get3A_152 = vector.load %arg1[%get3A_150, %get3A_151] : memref<8192x64xbf16, #tpu.memory_space<vmem>>, vector<256x64xbf16>
    %get3A_153 = arith.constant 1536 : index
    %get3A_154 = arith.constant 0 : index
    %get3A_155 = vector.load %arg2[%get3A_153, %get3A_154] : memref<8192x128xf32, #tpu.memory_space<vmem>>, vector<256x128xf32>
    %slice3A_156 = vector.extract_strided_slice %get3A_155 {offsets = [0, 0], sizes = [256, 64], strides = [1, 1]} : vector<256x128xf32> to vector<256x64xf32>
    %transpose3A_157 = tpu.transpose %get3A_152, [1, 0] : vector<256x64xbf16> -> vector<64x256xbf16>
    %convert_element_type3A_158 = arith.extf %transpose3A_157 : vector<64x256xbf16> to vector<64x256xf32>
    %transpose3A_159 = tpu.transpose %slice3A_156, [1, 0] : vector<256x64xf32> -> vector<64x256xf32>
    %broadcast_in_dim3A_160 = vector.shape_cast %transpose3A_159 : vector<64x256xf32> to vector<64x1x256xf32>
    %broadcast_in_dim3A_161 = vector.shape_cast %broadcast_in_dim3A_160 : vector<64x1x256xf32> to vector<64x1x256xf32>
    %broadcast_in_dim3A_162 = vector.broadcast %broadcast_in_dim3A_161 : vector<64x1x256xf32> to vector<64x64x256xf32>
    %reshape3A_163 = vector.shape_cast %broadcast_in_dim3A_162 : vector<64x64x256xf32> to vector<4096x256xf32>
    %tile3A_164 = tpu.concatenate %convert_element_type3A_158, %convert_element_type3A_158, %convert_element_type3A_158, %convert_element_type3A_158, %convert_element_type3A_158, %convert_element_type3A_158, %convert_element_type3A_158, %convert_element_type3A_158, %convert_element_type3A_158, %convert_element_type3A_158, %convert_element_type3A_158, %convert_element_type3A_158, %convert_element_type3A_158, %convert_element_type3A_158, %convert_element_type3A_158, %convert_element_type3A_158, %convert_element_type3A_158, %convert_element_type3A_158, %convert_element_type3A_158, %convert_element_type3A_158, %convert_element_type3A_158, %convert_element_type3A_158, %convert_element_type3A_158, %convert_element_type3A_158, %convert_element_type3A_158, %convert_element_type3A_158, %convert_element_type3A_158, %convert_element_type3A_158, %convert_element_type3A_158, %convert_element_type3A_158, %convert_element_type3A_158, %convert_element_type3A_158, %convert_element_type3A_158, %convert_element_type3A_158, %convert_element_type3A_158, %convert_element_type3A_158, %convert_element_type3A_158, %convert_element_type3A_158, %convert_element_type3A_158, %convert_element_type3A_158, %convert_element_type3A_158, %convert_element_type3A_158, %convert_element_type3A_158, %convert_element_type3A_158, %convert_element_type3A_158, %convert_element_type3A_158, %convert_element_type3A_158, %convert_element_type3A_158, %convert_element_type3A_158, %convert_element_type3A_158, %convert_element_type3A_158, %convert_element_type3A_158, %convert_element_type3A_158, %convert_element_type3A_158, %convert_element_type3A_158, %convert_element_type3A_158, %convert_element_type3A_158, %convert_element_type3A_158, %convert_element_type3A_158, %convert_element_type3A_158, %convert_element_type3A_158, %convert_element_type3A_158, %convert_element_type3A_158, %convert_element_type3A_158 in 0 : vector<64x256xf32>, vector<64x256xf32>, vector<64x256xf32>, vector<64x256xf32>, vector<64x256xf32>, vector<64x256xf32>, vector<64x256xf32>, vector<64x256xf32>, vector<64x256xf32>, vector<64x256xf32>, vector<64x256xf32>, vector<64x256xf32>, vector<64x256xf32>, vector<64x256xf32>, vector<64x256xf32>, vector<64x256xf32>, vector<64x256xf32>, vector<64x256xf32>, vector<64x256xf32>, vector<64x256xf32>, vector<64x256xf32>, vector<64x256xf32>, vector<64x256xf32>, vector<64x256xf32>, vector<64x256xf32>, vector<64x256xf32>, vector<64x256xf32>, vector<64x256xf32>, vector<64x256xf32>, vector<64x256xf32>, vector<64x256xf32>, vector<64x256xf32>, vector<64x256xf32>, vector<64x256xf32>, vector<64x256xf32>, vector<64x256xf32>, vector<64x256xf32>, vector<64x256xf32>, vector<64x256xf32>, vector<64x256xf32>, vector<64x256xf32>, vector<64x256xf32>, vector<64x256xf32>, vector<64x256xf32>, vector<64x256xf32>, vector<64x256xf32>, vector<64x256xf32>, vector<64x256xf32>, vector<64x256xf32>, vector<64x256xf32>, vector<64x256xf32>, vector<64x256xf32>, vector<64x256xf32>, vector<64x256xf32>, vector<64x256xf32>, vector<64x256xf32>, vector<64x256xf32>, vector<64x256xf32>, vector<64x256xf32>, vector<64x256xf32>, vector<64x256xf32>, vector<64x256xf32>, vector<64x256xf32>, vector<64x256xf32> -> vector<4096x256xf32>
    %mul3A_165 = arith.mulf %reshape3A_163, %tile3A_164 : vector<4096x256xf32>
    %convert_element_type3A_166 = arith.truncf %mul3A_165 : vector<4096x256xf32> to vector<4096x256xbf16>
    %convert_element_type3A_167 = arith.truncf %transpose3A_159 : vector<64x256xf32> to vector<64x256xbf16>
    %concatenate3A_168 = tpu.concatenate %convert_element_type3A_166, %convert_element_type3A_167 in 0 : vector<4096x256xbf16>, vector<64x256xbf16> -> vector<4160x256xbf16>
    %dot_general3A_169 = arith.constant dense<0.000000e+00> : vector<64x256xf32>
    %dot_general3A_170 = tpu.matmul %get3A_1, %concatenate3A_168, %dot_general3A_169 {dimension_numbers = #tpu.dot_dimension_numbers<[1], [0], [0], [1], [0, 0, 1, 1], [], []>, transpose_lhs_hint = false} : vector<64x4160xbf16>, vector<4160x256xbf16>, vector<64x256xf32> -> vector<64x256xf32>
    %transpose3A_171 = tpu.transpose %dot_general3A_170, [1, 0] : vector<64x256xf32> -> vector<256x64xf32>
    %concatenate3A_172 = tpu.concatenate %transpose3A_171, %broadcast_in_dim3A_2 in 1 : vector<256x64xf32>, vector<256x64xf32> -> vector<256x128xf32>
    %swap3A_173 = arith.constant 1536 : index
    %swap3A_174 = arith.constant 0 : index
    %swap3A_175 = vector.load %arg4[%swap3A_173, %swap3A_174] : memref<8192x128xf32, #tpu.memory_space<vmem>>, vector<256x128xf32>
    tpu.vector_store %arg4[%swap3A_173, %swap3A_174], %concatenate3A_172 {strides = array<i32>} : memref<8192x128xf32, #tpu.memory_space<vmem>>, vector<256x128xf32>,
    %get3A_176 = arith.constant 1792 : index
    %get3A_177 = arith.constant 0 : index
    %get3A_178 = vector.load %arg1[%get3A_176, %get3A_177] : memref<8192x64xbf16, #tpu.memory_space<vmem>>, vector<256x64xbf16>
    %get3A_179 = arith.constant 1792 : index
    %get3A_180 = arith.constant 0 : index
    %get3A_181 = vector.load %arg2[%get3A_179, %get3A_180] : memref<8192x128xf32, #tpu.memory_space<vmem>>, vector<256x128xf32>
    %slice3A_182 = vector.extract_strided_slice %get3A_181 {offsets = [0, 0], sizes = [256, 64], strides = [1, 1]} : vector<256x128xf32> to vector<256x64xf32>
    %transpose3A_183 = tpu.transpose %get3A_178, [1, 0] : vector<256x64xbf16> -> vector<64x256xbf16>
    %convert_element_type3A_184 = arith.extf %transpose3A_183 : vector<64x256xbf16> to vector<64x256xf32>
    %transpose3A_185 = tpu.transpose %slice3A_182, [1, 0] : vector<256x64xf32> -> vector<64x256xf32>
    %broadcast_in_dim3A_186 = vector.shape_cast %transpose3A_185 : vector<64x256xf32> to vector<64x1x256xf32>
    %broadcast_in_dim3A_187 = vector.shape_cast %broadcast_in_dim3A_186 : vector<64x1x256xf32> to vector<64x1x256xf32>
    %broadcast_in_dim3A_188 = vector.broadcast %broadcast_in_dim3A_187 : vector<64x1x256xf32> to vector<64x64x256xf32>
    %reshape3A_189 = vector.shape_cast %broadcast_in_dim3A_188 : vector<64x64x256xf32> to vector<4096x256xf32>
    %tile3A_190 = tpu.concatenate %convert_element_type3A_184, %convert_element_type3A_184, %convert_element_type3A_184, %convert_element_type3A_184, %convert_element_type3A_184, %convert_element_type3A_184, %convert_element_type3A_184, %convert_element_type3A_184, %convert_element_type3A_184, %convert_element_type3A_184, %convert_element_type3A_184, %convert_element_type3A_184, %convert_element_type3A_184, %convert_element_type3A_184, %convert_element_type3A_184, %convert_element_type3A_184, %convert_element_type3A_184, %convert_element_type3A_184, %convert_element_type3A_184, %convert_element_type3A_184, %convert_element_type3A_184, %convert_element_type3A_184, %convert_element_type3A_184, %convert_element_type3A_184, %convert_element_type3A_184, %convert_element_type3A_184, %convert_element_type3A_184, %convert_element_type3A_184, %convert_element_type3A_184, %convert_element_type3A_184, %convert_element_type3A_184, %convert_element_type3A_184, %convert_element_type3A_184, %convert_element_type3A_184, %convert_element_type3A_184, %convert_element_type3A_184, %convert_element_type3A_184, %convert_element_type3A_184, %convert_element_type3A_184, %convert_element_type3A_184, %convert_element_type3A_184, %convert_element_type3A_184, %convert_element_type3A_184, %convert_element_type3A_184, %convert_element_type3A_184, %convert_element_type3A_184, %convert_element_type3A_184, %convert_element_type3A_184, %convert_element_type3A_184, %convert_element_type3A_184, %convert_element_type3A_184, %convert_element_type3A_184, %convert_element_type3A_184, %convert_element_type3A_184, %convert_element_type3A_184, %convert_element_type3A_184, %convert_element_type3A_184, %convert_element_type3A_184, %convert_element_type3A_184, %convert_element_type3A_184, %convert_element_type3A_184, %convert_element_type3A_184, %convert_element_type3A_184, %convert_element_type3A_184 in 0 : vector<64x256xf32>, vector<64x256xf32>, vector<64x256xf32>, vector<64x256xf32>, vector<64x256xf32>, vector<64x256xf32>, vector<64x256xf32>, vector<64x256xf32>, vector<64x256xf32>, vector<64x256xf32>, vector<64x256xf32>, vector<64x256xf32>, vector<64x256xf32>, vector<64x256xf32>, vector<64x256xf32>, vector<64x256xf32>, vector<64x256xf32>, vector<64x256xf32>, vector<64x256xf32>, vector<64x256xf32>, vector<64x256xf32>, vector<64x256xf32>, vector<64x256xf32>, vector<64x256xf32>, vector<64x256xf32>, vector<64x256xf32>, vector<64x256xf32>, vector<64x256xf32>, vector<64x256xf32>, vector<64x256xf32>, vector<64x256xf32>, vector<64x256xf32>, vector<64x256xf32>, vector<64x256xf32>, vector<64x256xf32>, vector<64x256xf32>, vector<64x256xf32>, vector<64x256xf32>, vector<64x256xf32>, vector<64x256xf32>, vector<64x256xf32>, vector<64x256xf32>, vector<64x256xf32>, vector<64x256xf32>, vector<64x256xf32>, vector<64x256xf32>, vector<64x256xf32>, vector<64x256xf32>, vector<64x256xf32>, vector<64x256xf32>, vector<64x256xf32>, vector<64x256xf32>, vector<64x256xf32>, vector<64x256xf32>, vector<64x256xf32>, vector<64x256xf32>, vector<64x256xf32>, vector<64x256xf32>, vector<64x256xf32>, vector<64x256xf32>, vector<64x256xf32>, vector<64x256xf32>, vector<64x256xf32>, vector<64x256xf32> -> vector<4096x256xf32>
    %mul3A_191 = arith.mulf %reshape3A_189, %tile3A_190 : vector<4096x256xf32>
    %convert_element_type3A_192 = arith.truncf %mul3A_191 : vector<4096x256xf32> to vector<4096x256xbf16>
    %convert_element_type3A_193 = arith.truncf %transpose3A_185 : vector<64x256xf32> to vector<64x256xbf16>
    %concatenate3A_194 = tpu.concatenate %convert_element_type3A_192, %convert_element_type3A_193 in 0 : vector<4096x256xbf16>, vector<64x256xbf16> -> vector<4160x256xbf16>
    %dot_general3A_195 = arith.constant dense<0.000000e+00> : vector<64x256xf32>
    %dot_general3A_196 = tpu.matmul %get3A_1, %concatenate3A_194, %dot_general3A_195 {dimension_numbers = #tpu.dot_dimension_numbers<[1], [0], [0], [1], [0, 0, 1, 1], [], []>, transpose_lhs_hint = false} : vector<64x4160xbf16>, vector<4160x256xbf16>, vector<64x256xf32> -> vector<64x256xf32>
    %transpose3A_197 = tpu.transpose %dot_general3A_196, [1, 0] : vector<64x256xf32> -> vector<256x64xf32>
    %concatenate3A_198 = tpu.concatenate %transpose3A_197, %broadcast_in_dim3A_2 in 1 : vector<256x64xf32>, vector<256x64xf32> -> vector<256x128xf32>
    %swap3A_199 = arith.constant 1792 : index
    %swap3A_200 = arith.constant 0 : index
    %swap3A_201 = vector.load %arg4[%swap3A_199, %swap3A_200] : memref<8192x128xf32, #tpu.memory_space<vmem>>, vector<256x128xf32>
    tpu.vector_store %arg4[%swap3A_199, %swap3A_200], %concatenate3A_198 {strides = array<i32>} : memref<8192x128xf32, #tpu.memory_space<vmem>>, vector<256x128xf32>,
    %get3A_202 = arith.constant 2048 : index
    %get3A_203 = arith.constant 0 : index
    %get3A_204 = vector.load %arg1[%get3A_202, %get3A_203] : memref<8192x64xbf16, #tpu.memory_space<vmem>>, vector<256x64xbf16>
    %get3A_205 = arith.constant 2048 : index
    %get3A_206 = arith.constant 0 : index
    %get3A_207 = vector.load %arg2[%get3A_205, %get3A_206] : memref<8192x128xf32, #tpu.memory_space<vmem>>, vector<256x128xf32>
    %slice3A_208 = vector.extract_strided_slice %get3A_207 {offsets = [0, 0], sizes = [256, 64], strides = [1, 1]} : vector<256x128xf32> to vector<256x64xf32>
    %transpose3A_209 = tpu.transpose %get3A_204, [1, 0] : vector<256x64xbf16> -> vector<64x256xbf16>
    %convert_element_type3A_210 = arith.extf %transpose3A_209 : vector<64x256xbf16> to vector<64x256xf32>
    %transpose3A_211 = tpu.transpose %slice3A_208, [1, 0] : vector<256x64xf32> -> vector<64x256xf32>
    %broadcast_in_dim3A_212 = vector.shape_cast %transpose3A_211 : vector<64x256xf32> to vector<64x1x256xf32>
    %broadcast_in_dim3A_213 = vector.shape_cast %broadcast_in_dim3A_212 : vector<64x1x256xf32> to vector<64x1x256xf32>
    %broadcast_in_dim3A_214 = vector.broadcast %broadcast_in_dim3A_213 : vector<64x1x256xf32> to vector<64x64x256xf32>
    %reshape3A_215 = vector.shape_cast %broadcast_in_dim3A_214 : vector<64x64x256xf32> to vector<4096x256xf32>
    %tile3A_216 = tpu.concatenate %convert_element_type3A_210, %convert_element_type3A_210, %convert_element_type3A_210, %convert_element_type3A_210, %convert_element_type3A_210, %convert_element_type3A_210, %convert_element_type3A_210, %convert_element_type3A_210, %convert_element_type3A_210, %convert_element_type3A_210, %convert_element_type3A_210, %convert_element_type3A_210, %convert_element_type3A_210, %convert_element_type3A_210, %convert_element_type3A_210, %convert_element_type3A_210, %convert_element_type3A_210, %convert_element_type3A_210, %convert_element_type3A_210, %convert_element_type3A_210, %convert_element_type3A_210, %convert_element_type3A_210, %convert_element_type3A_210, %convert_element_type3A_210, %convert_element_type3A_210, %convert_element_type3A_210, %convert_element_type3A_210, %convert_element_type3A_210, %convert_element_type3A_210, %convert_element_type3A_210, %convert_element_type3A_210, %convert_element_type3A_210, %convert_element_type3A_210, %convert_element_type3A_210, %convert_element_type3A_210, %convert_element_type3A_210, %convert_element_type3A_210, %convert_element_type3A_210, %convert_element_type3A_210, %convert_element_type3A_210, %convert_element_type3A_210, %convert_element_type3A_210, %convert_element_type3A_210, %convert_element_type3A_210, %convert_element_type3A_210, %convert_element_type3A_210, %convert_element_type3A_210, %convert_element_type3A_210, %convert_element_type3A_210, %convert_element_type3A_210, %convert_element_type3A_210, %convert_element_type3A_210, %convert_element_type3A_210, %convert_element_type3A_210, %convert_element_type3A_210, %convert_element_type3A_210, %convert_element_type3A_210, %convert_element_type3A_210, %convert_element_type3A_210, %convert_element_type3A_210, %convert_element_type3A_210, %convert_element_type3A_210, %convert_element_type3A_210, %convert_element_type3A_210 in 0 : vector<64x256xf32>, vector<64x256xf32>, vector<64x256xf32>, vector<64x256xf32>, vector<64x256xf32>, vector<64x256xf32>, vector<64x256xf32>, vector<64x256xf32>, vector<64x256xf32>, vector<64x256xf32>, vector<64x256xf32>, vector<64x256xf32>, vector<64x256xf32>, vector<64x256xf32>, vector<64x256xf32>, vector<64x256xf32>, vector<64x256xf32>, vector<64x256xf32>, vector<64x256xf32>, vector<64x256xf32>, vector<64x256xf32>, vector<64x256xf32>, vector<64x256xf32>, vector<64x256xf32>, vector<64x256xf32>, vector<64x256xf32>, vector<64x256xf32>, vector<64x256xf32>, vector<64x256xf32>, vector<64x256xf32>, vector<64x256xf32>, vector<64x256xf32>, vector<64x256xf32>, vector<64x256xf32>, vector<64x256xf32>, vector<64x256xf32>, vector<64x256xf32>, vector<64x256xf32>, vector<64x256xf32>, vector<64x256xf32>, vector<64x256xf32>, vector<64x256xf32>, vector<64x256xf32>, vector<64x256xf32>, vector<64x256xf32>, vector<64x256xf32>, vector<64x256xf32>, vector<64x256xf32>, vector<64x256xf32>, vector<64x256xf32>, vector<64x256xf32>, vector<64x256xf32>, vector<64x256xf32>, vector<64x256xf32>, vector<64x256xf32>, vector<64x256xf32>, vector<64x256xf32>, vector<64x256xf32>, vector<64x256xf32>, vector<64x256xf32>, vector<64x256xf32>, vector<64x256xf32>, vector<64x256xf32>, vector<64x256xf32> -> vector<4096x256xf32>
    %mul3A_217 = arith.mulf %reshape3A_215, %tile3A_216 : vector<4096x256xf32>
    %convert_element_type3A_218 = arith.truncf %mul3A_217 : vector<4096x256xf32> to vector<4096x256xbf16>
    %convert_element_type3A_219 = arith.truncf %transpose3A_211 : vector<64x256xf32> to vector<64x256xbf16>
    %concatenate3A_220 = tpu.concatenate %convert_element_type3A_218, %convert_element_type3A_219 in 0 : vector<4096x256xbf16>, vector<64x256xbf16> -> vector<4160x256xbf16>
    %dot_general3A_221 = arith.constant dense<0.000000e+00> : vector<64x256xf32>
    %dot_general3A_222 = tpu.matmul %get3A_1, %concatenate3A_220, %dot_general3A_221 {dimension_numbers = #tpu.dot_dimension_numbers<[1], [0], [0], [1], [0, 0, 1, 1], [], []>, transpose_lhs_hint = false} : vector<64x4160xbf16>, vector<4160x256xbf16>, vector<64x256xf32> -> vector<64x256xf32>
    %transpose3A_223 = tpu.transpose %dot_general3A_222, [1, 0] : vector<64x256xf32> -> vector<256x64xf32>
    %concatenate3A_224 = tpu.concatenate %transpose3A_223, %broadcast_in_dim3A_2 in 1 : vector<256x64xf32>, vector<256x64xf32> -> vector<256x128xf32>
    %swap3A_225 = arith.constant 2048 : index
    %swap3A_226 = arith.constant 0 : index
    %swap3A_227 = vector.load %arg4[%swap3A_225, %swap3A_226] : memref<8192x128xf32, #tpu.memory_space<vmem>>, vector<256x128xf32>
    tpu.vector_store %arg4[%swap3A_225, %swap3A_226], %concatenate3A_224 {strides = array<i32>} : memref<8192x128xf32, #tpu.memory_space<vmem>>, vector<256x128xf32>,
    %get3A_228 = arith.constant 2304 : index
    %get3A_229 = arith.constant 0 : index
    %get3A_230 = vector.load %arg1[%get3A_228, %get3A_229] : memref<8192x64xbf16, #tpu.memory_space<vmem>>, vector<256x64xbf16>
    %get3A_231 = arith.constant 2304 : index
    %get3A_232 = arith.constant 0 : index
    %get3A_233 = vector.load %arg2[%get3A_231, %get3A_232] : memref<8192x128xf32, #tpu.memory_space<vmem>>, vector<256x128xf32>
    %slice3A_234 = vector.extract_strided_slice %get3A_233 {offsets = [0, 0], sizes = [256, 64], strides = [1, 1]} : vector<256x128xf32> to vector<256x64xf32>
    %transpose3A_235 = tpu.transpose %get3A_230, [1, 0] : vector<256x64xbf16> -> vector<64x256xbf16>
    %convert_element_type3A_236 = arith.extf %transpose3A_235 : vector<64x256xbf16> to vector<64x256xf32>
    %transpose3A_237 = tpu.transpose %slice3A_234, [1, 0] : vector<256x64xf32> -> vector<64x256xf32>
    %broadcast_in_dim3A_238 = vector.shape_cast %transpose3A_237 : vector<64x256xf32> to vector<64x1x256xf32>
    %broadcast_in_dim3A_239 = vector.shape_cast %broadcast_in_dim3A_238 : vector<64x1x256xf32> to vector<64x1x256xf32>
    %broadcast_in_dim3A_240 = vector.broadcast %broadcast_in_dim3A_239 : vector<64x1x256xf32> to vector<64x64x256xf32>
    %reshape3A_241 = vector.shape_cast %broadcast_in_dim3A_240 : vector<64x64x256xf32> to vector<4096x256xf32>
    %tile3A_242 = tpu.concatenate %convert_element_type3A_236, %convert_element_type3A_236, %convert_element_type3A_236, %convert_element_type3A_236, %convert_element_type3A_236, %convert_element_type3A_236, %convert_element_type3A_236, %convert_element_type3A_236, %convert_element_type3A_236, %convert_element_type3A_236, %convert_element_type3A_236, %convert_element_type3A_236, %convert_element_type3A_236, %convert_element_type3A_236, %convert_element_type3A_236, %convert_element_type3A_236, %convert_element_type3A_236, %convert_element_type3A_236, %convert_element_type3A_236, %convert_element_type3A_236, %convert_element_type3A_236, %convert_element_type3A_236, %convert_element_type3A_236, %convert_element_type3A_236, %convert_element_type3A_236, %convert_element_type3A_236, %convert_element_type3A_236, %convert_element_type3A_236, %convert_element_type3A_236, %convert_element_type3A_236, %convert_element_type3A_236, %convert_element_type3A_236, %convert_element_type3A_236, %convert_element_type3A_236, %convert_element_type3A_236, %convert_element_type3A_236, %convert_element_type3A_236, %convert_element_type3A_236, %convert_element_type3A_236, %convert_element_type3A_236, %convert_element_type3A_236, %convert_element_type3A_236, %convert_element_type3A_236, %convert_element_type3A_236, %convert_element_type3A_236, %convert_element_type3A_236, %convert_element_type3A_236, %convert_element_type3A_236, %convert_element_type3A_236, %convert_element_type3A_236, %convert_element_type3A_236, %convert_element_type3A_236, %convert_element_type3A_236, %convert_element_type3A_236, %convert_element_type3A_236, %convert_element_type3A_236, %convert_element_type3A_236, %convert_element_type3A_236, %convert_element_type3A_236, %convert_element_type3A_236, %convert_element_type3A_236, %convert_element_type3A_236, %convert_element_type3A_236, %convert_element_type3A_236 in 0 : vector<64x256xf32>, vector<64x256xf32>, vector<64x256xf32>, vector<64x256xf32>, vector<64x256xf32>, vector<64x256xf32>, vector<64x256xf32>, vector<64x256xf32>, vector<64x256xf32>, vector<64x256xf32>, vector<64x256xf32>, vector<64x256xf32>, vector<64x256xf32>, vector<64x256xf32>, vector<64x256xf32>, vector<64x256xf32>, vector<64x256xf32>, vector<64x256xf32>, vector<64x256xf32>, vector<64x256xf32>, vector<64x256xf32>, vector<64x256xf32>, vector<64x256xf32>, vector<64x256xf32>, vector<64x256xf32>, vector<64x256xf32>, vector<64x256xf32>, vector<64x256xf32>, vector<64x256xf32>, vector<64x256xf32>, vector<64x256xf32>, vector<64x256xf32>, vector<64x256xf32>, vector<64x256xf32>, vector<64x256xf32>, vector<64x256xf32>, vector<64x256xf32>, vector<64x256xf32>, vector<64x256xf32>, vector<64x256xf32>, vector<64x256xf32>, vector<64x256xf32>, vector<64x256xf32>, vector<64x256xf32>, vector<64x256xf32>, vector<64x256xf32>, vector<64x256xf32>, vector<64x256xf32>, vector<64x256xf32>, vector<64x256xf32>, vector<64x256xf32>, vector<64x256xf32>, vector<64x256xf32>, vector<64x256xf32>, vector<64x256xf32>, vector<64x256xf32>, vector<64x256xf32>, vector<64x256xf32>, vector<64x256xf32>, vector<64x256xf32>, vector<64x256xf32>, vector<64x256xf32>, vector<64x256xf32>, vector<64x256xf32> -> vector<4096x256xf32>
    %mul3A_243 = arith.mulf %reshape3A_241, %tile3A_242 : vector<4096x256xf32>
    %convert_element_type3A_244 = arith.truncf %mul3A_243 : vector<4096x256xf32> to vector<4096x256xbf16>
    %convert_element_type3A_245 = arith.truncf %transpose3A_237 : vector<64x256xf32> to vector<64x256xbf16>
    %concatenate3A_246 = tpu.concatenate %convert_element_type3A_244, %convert_element_type3A_245 in 0 : vector<4096x256xbf16>, vector<64x256xbf16> -> vector<4160x256xbf16>
    %dot_general3A_247 = arith.constant dense<0.000000e+00> : vector<64x256xf32>
    %dot_general3A_248 = tpu.matmul %get3A_1, %concatenate3A_246, %dot_general3A_247 {dimension_numbers = #tpu.dot_dimension_numbers<[1], [0], [0], [1], [0, 0, 1, 1], [], []>, transpose_lhs_hint = false} : vector<64x4160xbf16>, vector<4160x256xbf16>, vector<64x256xf32> -> vector<64x256xf32>
    %transpose3A_249 = tpu.transpose %dot_general3A_248, [1, 0] : vector<64x256xf32> -> vector<256x64xf32>
    %concatenate3A_250 = tpu.concatenate %transpose3A_249, %broadcast_in_dim3A_2 in 1 : vector<256x64xf32>, vector<256x64xf32> -> vector<256x128xf32>
    %swap3A_251 = arith.constant 2304 : index
    %swap3A_252 = arith.constant 0 : index
    %swap3A_253 = vector.load %arg4[%swap3A_251, %swap3A_252] : memref<8192x128xf32, #tpu.memory_space<vmem>>, vector<256x128xf32>
    tpu.vector_store %arg4[%swap3A_251, %swap3A_252], %concatenate3A_250 {strides = array<i32>} : memref<8192x128xf32, #tpu.memory_space<vmem>>, vector<256x128xf32>,
    %get3A_254 = arith.constant 2560 : index
    %get3A_255 = arith.constant 0 : index
    %get3A_256 = vector.load %arg1[%get3A_254, %get3A_255] : memref<8192x64xbf16, #tpu.memory_space<vmem>>, vector<256x64xbf16>
    %get3A_257 = arith.constant 2560 : index
    %get3A_258 = arith.constant 0 : index
    %get3A_259 = vector.load %arg2[%get3A_257, %get3A_258] : memref<8192x128xf32, #tpu.memory_space<vmem>>, vector<256x128xf32>
    %slice3A_260 = vector.extract_strided_slice %get3A_259 {offsets = [0, 0], sizes = [256, 64], strides = [1, 1]} : vector<256x128xf32> to vector<256x64xf32>
    %transpose3A_261 = tpu.transpose %get3A_256, [1, 0] : vector<256x64xbf16> -> vector<64x256xbf16>
    %convert_element_type3A_262 = arith.extf %transpose3A_261 : vector<64x256xbf16> to vector<64x256xf32>
    %transpose3A_263 = tpu.transpose %slice3A_260, [1, 0] : vector<256x64xf32> -> vector<64x256xf32>
    %broadcast_in_dim3A_264 = vector.shape_cast %transpose3A_263 : vector<64x256xf32> to vector<64x1x256xf32>
    %broadcast_in_dim3A_265 = vector.shape_cast %broadcast_in_dim3A_264 : vector<64x1x256xf32> to vector<64x1x256xf32>
    %broadcast_in_dim3A_266 = vector.broadcast %broadcast_in_dim3A_265 : vector<64x1x256xf32> to vector<64x64x256xf32>
    %reshape3A_267 = vector.shape_cast %broadcast_in_dim3A_266 : vector<64x64x256xf32> to vector<4096x256xf32>
    %tile3A_268 = tpu.concatenate %convert_element_type3A_262, %convert_element_type3A_262, %convert_element_type3A_262, %convert_element_type3A_262, %convert_element_type3A_262, %convert_element_type3A_262, %convert_element_type3A_262, %convert_element_type3A_262, %convert_element_type3A_262, %convert_element_type3A_262, %convert_element_type3A_262, %convert_element_type3A_262, %convert_element_type3A_262, %convert_element_type3A_262, %convert_element_type3A_262, %convert_element_type3A_262, %convert_element_type3A_262, %convert_element_type3A_262, %convert_element_type3A_262, %convert_element_type3A_262, %convert_element_type3A_262, %convert_element_type3A_262, %convert_element_type3A_262, %convert_element_type3A_262, %convert_element_type3A_262, %convert_element_type3A_262, %convert_element_type3A_262, %convert_element_type3A_262, %convert_element_type3A_262, %convert_element_type3A_262, %convert_element_type3A_262, %convert_element_type3A_262, %convert_element_type3A_262, %convert_element_type3A_262, %convert_element_type3A_262, %convert_element_type3A_262, %convert_element_type3A_262, %convert_element_type3A_262, %convert_element_type3A_262, %convert_element_type3A_262, %convert_element_type3A_262, %convert_element_type3A_262, %convert_element_type3A_262, %convert_element_type3A_262, %convert_element_type3A_262, %convert_element_type3A_262, %convert_element_type3A_262, %convert_element_type3A_262, %convert_element_type3A_262, %convert_element_type3A_262, %convert_element_type3A_262, %convert_element_type3A_262, %convert_element_type3A_262, %convert_element_type3A_262, %convert_element_type3A_262, %convert_element_type3A_262, %convert_element_type3A_262, %convert_element_type3A_262, %convert_element_type3A_262, %convert_element_type3A_262, %convert_element_type3A_262, %convert_element_type3A_262, %convert_element_type3A_262, %convert_element_type3A_262 in 0 : vector<64x256xf32>, vector<64x256xf32>, vector<64x256xf32>, vector<64x256xf32>, vector<64x256xf32>, vector<64x256xf32>, vector<64x256xf32>, vector<64x256xf32>, vector<64x256xf32>, vector<64x256xf32>, vector<64x256xf32>, vector<64x256xf32>, vector<64x256xf32>, vector<64x256xf32>, vector<64x256xf32>, vector<64x256xf32>, vector<64x256xf32>, vector<64x256xf32>, vector<64x256xf32>, vector<64x256xf32>, vector<64x256xf32>, vector<64x256xf32>, vector<64x256xf32>, vector<64x256xf32>, vector<64x256xf32>, vector<64x256xf32>, vector<64x256xf32>, vector<64x256xf32>, vector<64x256xf32>, vector<64x256xf32>, vector<64x256xf32>, vector<64x256xf32>, vector<64x256xf32>, vector<64x256xf32>, vector<64x256xf32>, vector<64x256xf32>, vector<64x256xf32>, vector<64x256xf32>, vector<64x256xf32>, vector<64x256xf32>, vector<64x256xf32>, vector<64x256xf32>, vector<64x256xf32>, vector<64x256xf32>, vector<64x256xf32>, vector<64x256xf32>, vector<64x256xf32>, vector<64x256xf32>, vector<64x256xf32>, vector<64x256xf32>, vector<64x256xf32>, vector<64x256xf32>, vector<64x256xf32>, vector<64x256xf32>, vector<64x256xf32>, vector<64x256xf32>, vector<64x256xf32>, vector<64x256xf32>, vector<64x256xf32>, vector<64x256xf32>, vector<64x256xf32>, vector<64x256xf32>, vector<64x256xf32>, vector<64x256xf32> -> vector<4096x256xf32>
    %mul3A_269 = arith.mulf %reshape3A_267, %tile3A_268 : vector<4096x256xf32>
    %convert_element_type3A_270 = arith.truncf %mul3A_269 : vector<4096x256xf32> to vector<4096x256xbf16>
    %convert_element_type3A_271 = arith.truncf %transpose3A_263 : vector<64x256xf32> to vector<64x256xbf16>
    %concatenate3A_272 = tpu.concatenate %convert_element_type3A_270, %convert_element_type3A_271 in 0 : vector<4096x256xbf16>, vector<64x256xbf16> -> vector<4160x256xbf16>
    %dot_general3A_273 = arith.constant dense<0.000000e+00> : vector<64x256xf32>
    %dot_general3A_274 = tpu.matmul %get3A_1, %concatenate3A_272, %dot_general3A_273 {dimension_numbers = #tpu.dot_dimension_numbers<[1], [0], [0], [1], [0, 0, 1, 1], [], []>, transpose_lhs_hint = false} : vector<64x4160xbf16>, vector<4160x256xbf16>, vector<64x256xf32> -> vector<64x256xf32>
    %transpose3A_275 = tpu.transpose %dot_general3A_274, [1, 0] : vector<64x256xf32> -> vector<256x64xf32>
    %concatenate3A_276 = tpu.concatenate %transpose3A_275, %broadcast_in_dim3A_2 in 1 : vector<256x64xf32>, vector<256x64xf32> -> vector<256x128xf32>
    %swap3A_277 = arith.constant 2560 : index
    %swap3A_278 = arith.constant 0 : index
    %swap3A_279 = vector.load %arg4[%swap3A_277, %swap3A_278] : memref<8192x128xf32, #tpu.memory_space<vmem>>, vector<256x128xf32>
    tpu.vector_store %arg4[%swap3A_277, %swap3A_278], %concatenate3A_276 {strides = array<i32>} : memref<8192x128xf32, #tpu.memory_space<vmem>>, vector<256x128xf32>,
    %get3A_280 = arith.constant 2816 : index
    %get3A_281 = arith.constant 0 : index
    %get3A_282 = vector.load %arg1[%get3A_280, %get3A_281] : memref<8192x64xbf16, #tpu.memory_space<vmem>>, vector<256x64xbf16>
    %get3A_283 = arith.constant 2816 : index
    %get3A_284 = arith.constant 0 : index
    %get3A_285 = vector.load %arg2[%get3A_283, %get3A_284] : memref<8192x128xf32, #tpu.memory_space<vmem>>, vector<256x128xf32>
    %slice3A_286 = vector.extract_strided_slice %get3A_285 {offsets = [0, 0], sizes = [256, 64], strides = [1, 1]} : vector<256x128xf32> to vector<256x64xf32>
    %transpose3A_287 = tpu.transpose %get3A_282, [1, 0] : vector<256x64xbf16> -> vector<64x256xbf16>
    %convert_element_type3A_288 = arith.extf %transpose3A_287 : vector<64x256xbf16> to vector<64x256xf32>
    %transpose3A_289 = tpu.transpose %slice3A_286, [1, 0] : vector<256x64xf32> -> vector<64x256xf32>
    %broadcast_in_dim3A_290 = vector.shape_cast %transpose3A_289 : vector<64x256xf32> to vector<64x1x256xf32>
    %broadcast_in_dim3A_291 = vector.shape_cast %broadcast_in_dim3A_290 : vector<64x1x256xf32> to vector<64x1x256xf32>
    %broadcast_in_dim3A_292 = vector.broadcast %broadcast_in_dim3A_291 : vector<64x1x256xf32> to vector<64x64x256xf32>
    %reshape3A_293 = vector.shape_cast %broadcast_in_dim3A_292 : vector<64x64x256xf32> to vector<4096x256xf32>
    %tile3A_294 = tpu.concatenate %convert_element_type3A_288, %convert_element_type3A_288, %convert_element_type3A_288, %convert_element_type3A_288, %convert_element_type3A_288, %convert_element_type3A_288, %convert_element_type3A_288, %convert_element_type3A_288, %convert_element_type3A_288, %convert_element_type3A_288, %convert_element_type3A_288, %convert_element_type3A_288, %convert_element_type3A_288, %convert_element_type3A_288, %convert_element_type3A_288, %convert_element_type3A_288, %convert_element_type3A_288, %convert_element_type3A_288, %convert_element_type3A_288, %convert_element_type3A_288, %convert_element_type3A_288, %convert_element_type3A_288, %convert_element_type3A_288, %convert_element_type3A_288, %convert_element_type3A_288, %convert_element_type3A_288, %convert_element_type3A_288, %convert_element_type3A_288, %convert_element_type3A_288, %convert_element_type3A_288, %convert_element_type3A_288, %convert_element_type3A_288, %convert_element_type3A_288, %convert_element_type3A_288, %convert_element_type3A_288, %convert_element_type3A_288, %convert_element_type3A_288, %convert_element_type3A_288, %convert_element_type3A_288, %convert_element_type3A_288, %convert_element_type3A_288, %convert_element_type3A_288, %convert_element_type3A_288, %convert_element_type3A_288, %convert_element_type3A_288, %convert_element_type3A_288, %convert_element_type3A_288, %convert_element_type3A_288, %convert_element_type3A_288, %convert_element_type3A_288, %convert_element_type3A_288, %convert_element_type3A_288, %convert_element_type3A_288, %convert_element_type3A_288, %convert_element_type3A_288, %convert_element_type3A_288, %convert_element_type3A_288, %convert_element_type3A_288, %convert_element_type3A_288, %convert_element_type3A_288, %convert_element_type3A_288, %convert_element_type3A_288, %convert_element_type3A_288, %convert_element_type3A_288 in 0 : vector<64x256xf32>, vector<64x256xf32>, vector<64x256xf32>, vector<64x256xf32>, vector<64x256xf32>, vector<64x256xf32>, vector<64x256xf32>, vector<64x256xf32>, vector<64x256xf32>, vector<64x256xf32>, vector<64x256xf32>, vector<64x256xf32>, vector<64x256xf32>, vector<64x256xf32>, vector<64x256xf32>, vector<64x256xf32>, vector<64x256xf32>, vector<64x256xf32>, vector<64x256xf32>, vector<64x256xf32>, vector<64x256xf32>, vector<64x256xf32>, vector<64x256xf32>, vector<64x256xf32>, vector<64x256xf32>, vector<64x256xf32>, vector<64x256xf32>, vector<64x256xf32>, vector<64x256xf32>, vector<64x256xf32>, vector<64x256xf32>, vector<64x256xf32>, vector<64x256xf32>, vector<64x256xf32>, vector<64x256xf32>, vector<64x256xf32>, vector<64x256xf32>, vector<64x256xf32>, vector<64x256xf32>, vector<64x256xf32>, vector<64x256xf32>, vector<64x256xf32>, vector<64x256xf32>, vector<64x256xf32>, vector<64x256xf32>, vector<64x256xf32>, vector<64x256xf32>, vector<64x256xf32>, vector<64x256xf32>, vector<64x256xf32>, vector<64x256xf32>, vector<64x256xf32>, vector<64x256xf32>, vector<64x256xf32>, vector<64x256xf32>, vector<64x256xf32>, vector<64x256xf32>, vector<64x256xf32>, vector<64x256xf32>, vector<64x256xf32>, vector<64x256xf32>, vector<64x256xf32>, vector<64x256xf32>, vector<64x256xf32> -> vector<4096x256xf32>
    %mul3A_295 = arith.mulf %reshape3A_293, %tile3A_294 : vector<4096x256xf32>
    %convert_element_type3A_296 = arith.truncf %mul3A_295 : vector<4096x256xf32> to vector<4096x256xbf16>
    %convert_element_type3A_297 = arith.truncf %transpose3A_289 : vector<64x256xf32> to vector<64x256xbf16>
    %concatenate3A_298 = tpu.concatenate %convert_element_type3A_296, %convert_element_type3A_297 in 0 : vector<4096x256xbf16>, vector<64x256xbf16> -> vector<4160x256xbf16>
    %dot_general3A_299 = arith.constant dense<0.000000e+00> : vector<64x256xf32>
    %dot_general3A_300 = tpu.matmul %get3A_1, %concatenate3A_298, %dot_general3A_299 {dimension_numbers = #tpu.dot_dimension_numbers<[1], [0], [0], [1], [0, 0, 1, 1], [], []>, transpose_lhs_hint = false} : vector<64x4160xbf16>, vector<4160x256xbf16>, vector<64x256xf32> -> vector<64x256xf32>
    %transpose3A_301 = tpu.transpose %dot_general3A_300, [1, 0] : vector<64x256xf32> -> vector<256x64xf32>
    %concatenate3A_302 = tpu.concatenate %transpose3A_301, %broadcast_in_dim3A_2 in 1 : vector<256x64xf32>, vector<256x64xf32> -> vector<256x128xf32>
    %swap3A_303 = arith.constant 2816 : index
    %swap3A_304 = arith.constant 0 : index
    %swap3A_305 = vector.load %arg4[%swap3A_303, %swap3A_304] : memref<8192x128xf32, #tpu.memory_space<vmem>>, vector<256x128xf32>
    tpu.vector_store %arg4[%swap3A_303, %swap3A_304], %concatenate3A_302 {strides = array<i32>} : memref<8192x128xf32, #tpu.memory_space<vmem>>, vector<256x128xf32>,
    %get3A_306 = arith.constant 3072 : index
    %get3A_307 = arith.constant 0 : index
    %get3A_308 = vector.load %arg1[%get3A_306, %get3A_307] : memref<8192x64xbf16, #tpu.memory_space<vmem>>, vector<256x64xbf16>
    %get3A_309 = arith.constant 3072 : index
    %get3A_310 = arith.constant 0 : index
    %get3A_311 = vector.load %arg2[%get3A_309, %get3A_310] : memref<8192x128xf32, #tpu.memory_space<vmem>>, vector<256x128xf32>
    %slice3A_312 = vector.extract_strided_slice %get3A_311 {offsets = [0, 0], sizes = [256, 64], strides = [1, 1]} : vector<256x128xf32> to vector<256x64xf32>
    %transpose3A_313 = tpu.transpose %get3A_308, [1, 0] : vector<256x64xbf16> -> vector<64x256xbf16>
    %convert_element_type3A_314 = arith.extf %transpose3A_313 : vector<64x256xbf16> to vector<64x256xf32>
    %transpose3A_315 = tpu.transpose %slice3A_312, [1, 0] : vector<256x64xf32> -> vector<64x256xf32>
    %broadcast_in_dim3A_316 = vector.shape_cast %transpose3A_315 : vector<64x256xf32> to vector<64x1x256xf32>
    %broadcast_in_dim3A_317 = vector.shape_cast %broadcast_in_dim3A_316 : vector<64x1x256xf32> to vector<64x1x256xf32>
    %broadcast_in_dim3A_318 = vector.broadcast %broadcast_in_dim3A_317 : vector<64x1x256xf32> to vector<64x64x256xf32>
    %reshape3A_319 = vector.shape_cast %broadcast_in_dim3A_318 : vector<64x64x256xf32> to vector<4096x256xf32>
    %tile3A_320 = tpu.concatenate %convert_element_type3A_314, %convert_element_type3A_314, %convert_element_type3A_314, %convert_element_type3A_314, %convert_element_type3A_314, %convert_element_type3A_314, %convert_element_type3A_314, %convert_element_type3A_314, %convert_element_type3A_314, %convert_element_type3A_314, %convert_element_type3A_314, %convert_element_type3A_314, %convert_element_type3A_314, %convert_element_type3A_314, %convert_element_type3A_314, %convert_element_type3A_314, %convert_element_type3A_314, %convert_element_type3A_314, %convert_element_type3A_314, %convert_element_type3A_314, %convert_element_type3A_314, %convert_element_type3A_314, %convert_element_type3A_314, %convert_element_type3A_314, %convert_element_type3A_314, %convert_element_type3A_314, %convert_element_type3A_314, %convert_element_type3A_314, %convert_element_type3A_314, %convert_element_type3A_314, %convert_element_type3A_314, %convert_element_type3A_314, %convert_element_type3A_314, %convert_element_type3A_314, %convert_element_type3A_314, %convert_element_type3A_314, %convert_element_type3A_314, %convert_element_type3A_314, %convert_element_type3A_314, %convert_element_type3A_314, %convert_element_type3A_314, %convert_element_type3A_314, %convert_element_type3A_314, %convert_element_type3A_314, %convert_element_type3A_314, %convert_element_type3A_314, %convert_element_type3A_314, %convert_element_type3A_314, %convert_element_type3A_314, %convert_element_type3A_314, %convert_element_type3A_314, %convert_element_type3A_314, %convert_element_type3A_314, %convert_element_type3A_314, %convert_element_type3A_314, %convert_element_type3A_314, %convert_element_type3A_314, %convert_element_type3A_314, %convert_element_type3A_314, %convert_element_type3A_314, %convert_element_type3A_314, %convert_element_type3A_314, %convert_element_type3A_314, %convert_element_type3A_314 in 0 : vector<64x256xf32>, vector<64x256xf32>, vector<64x256xf32>, vector<64x256xf32>, vector<64x256xf32>, vector<64x256xf32>, vector<64x256xf32>, vector<64x256xf32>, vector<64x256xf32>, vector<64x256xf32>, vector<64x256xf32>, vector<64x256xf32>, vector<64x256xf32>, vector<64x256xf32>, vector<64x256xf32>, vector<64x256xf32>, vector<64x256xf32>, vector<64x256xf32>, vector<64x256xf32>, vector<64x256xf32>, vector<64x256xf32>, vector<64x256xf32>, vector<64x256xf32>, vector<64x256xf32>, vector<64x256xf32>, vector<64x256xf32>, vector<64x256xf32>, vector<64x256xf32>, vector<64x256xf32>, vector<64x256xf32>, vector<64x256xf32>, vector<64x256xf32>, vector<64x256xf32>, vector<64x256xf32>, vector<64x256xf32>, vector<64x256xf32>, vector<64x256xf32>, vector<64x256xf32>, vector<64x256xf32>, vector<64x256xf32>, vector<64x256xf32>, vector<64x256xf32>, vector<64x256xf32>, vector<64x256xf32>, vector<64x256xf32>, vector<64x256xf32>, vector<64x256xf32>, vector<64x256xf32>, vector<64x256xf32>, vector<64x256xf32>, vector<64x256xf32>, vector<64x256xf32>, vector<64x256xf32>, vector<64x256xf32>, vector<64x256xf32>, vector<64x256xf32>, vector<64x256xf32>, vector<64x256xf32>, vector<64x256xf32>, vector<64x256xf32>, vector<64x256xf32>, vector<64x256xf32>, vector<64x256xf32>, vector<64x256xf32> -> vector<4096x256xf32>
    %mul3A_321 = arith.mulf %reshape3A_319, %tile3A_320 : vector<4096x256xf32>
    %convert_element_type3A_322 = arith.truncf %mul3A_321 : vector<4096x256xf32> to vector<4096x256xbf16>
    %convert_element_type3A_323 = arith.truncf %transpose3A_315 : vector<64x256xf32> to vector<64x256xbf16>
    %concatenate3A_324 = tpu.concatenate %convert_element_type3A_322, %convert_element_type3A_323 in 0 : vector<4096x256xbf16>, vector<64x256xbf16> -> vector<4160x256xbf16>
    %dot_general3A_325 = arith.constant dense<0.000000e+00> : vector<64x256xf32>
    %dot_general3A_326 = tpu.matmul %get3A_1, %concatenate3A_324, %dot_general3A_325 {dimension_numbers = #tpu.dot_dimension_numbers<[1], [0], [0], [1], [0, 0, 1, 1], [], []>, transpose_lhs_hint = false} : vector<64x4160xbf16>, vector<4160x256xbf16>, vector<64x256xf32> -> vector<64x256xf32>
    %transpose3A_327 = tpu.transpose %dot_general3A_326, [1, 0] : vector<64x256xf32> -> vector<256x64xf32>
    %concatenate3A_328 = tpu.concatenate %transpose3A_327, %broadcast_in_dim3A_2 in 1 : vector<256x64xf32>, vector<256x64xf32> -> vector<256x128xf32>
    %swap3A_329 = arith.constant 3072 : index
    %swap3A_330 = arith.constant 0 : index
    %swap3A_331 = vector.load %arg4[%swap3A_329, %swap3A_330] : memref<8192x128xf32, #tpu.memory_space<vmem>>, vector<256x128xf32>
    tpu.vector_store %arg4[%swap3A_329, %swap3A_330], %concatenate3A_328 {strides = array<i32>} : memref<8192x128xf32, #tpu.memory_space<vmem>>, vector<256x128xf32>,
    %get3A_332 = arith.constant 3328 : index
    %get3A_333 = arith.constant 0 : index
    %get3A_334 = vector.load %arg1[%get3A_332, %get3A_333] : memref<8192x64xbf16, #tpu.memory_space<vmem>>, vector<256x64xbf16>
    %get3A_335 = arith.constant 3328 : index
    %get3A_336 = arith.constant 0 : index
    %get3A_337 = vector.load %arg2[%get3A_335, %get3A_336] : memref<8192x128xf32, #tpu.memory_space<vmem>>, vector<256x128xf32>
    %slice3A_338 = vector.extract_strided_slice %get3A_337 {offsets = [0, 0], sizes = [256, 64], strides = [1, 1]} : vector<256x128xf32> to vector<256x64xf32>
    %transpose3A_339 = tpu.transpose %get3A_334, [1, 0] : vector<256x64xbf16> -> vector<64x256xbf16>
    %convert_element_type3A_340 = arith.extf %transpose3A_339 : vector<64x256xbf16> to vector<64x256xf32>
    %transpose3A_341 = tpu.transpose %slice3A_338, [1, 0] : vector<256x64xf32> -> vector<64x256xf32>
    %broadcast_in_dim3A_342 = vector.shape_cast %transpose3A_341 : vector<64x256xf32> to vector<64x1x256xf32>
    %broadcast_in_dim3A_343 = vector.shape_cast %broadcast_in_dim3A_342 : vector<64x1x256xf32> to vector<64x1x256xf32>
    %broadcast_in_dim3A_344 = vector.broadcast %broadcast_in_dim3A_343 : vector<64x1x256xf32> to vector<64x64x256xf32>
    %reshape3A_345 = vector.shape_cast %broadcast_in_dim3A_344 : vector<64x64x256xf32> to vector<4096x256xf32>
    %tile3A_346 = tpu.concatenate %convert_element_type3A_340, %convert_element_type3A_340, %convert_element_type3A_340, %convert_element_type3A_340, %convert_element_type3A_340, %convert_element_type3A_340, %convert_element_type3A_340, %convert_element_type3A_340, %convert_element_type3A_340, %convert_element_type3A_340, %convert_element_type3A_340, %convert_element_type3A_340, %convert_element_type3A_340, %convert_element_type3A_340, %convert_element_type3A_340, %convert_element_type3A_340, %convert_element_type3A_340, %convert_element_type3A_340, %convert_element_type3A_340, %convert_element_type3A_340, %convert_element_type3A_340, %convert_element_type3A_340, %convert_element_type3A_340, %convert_element_type3A_340, %convert_element_type3A_340, %convert_element_type3A_340, %convert_element_type3A_340, %convert_element_type3A_340, %convert_element_type3A_340, %convert_element_type3A_340, %convert_element_type3A_340, %convert_element_type3A_340, %convert_element_type3A_340, %convert_element_type3A_340, %convert_element_type3A_340, %convert_element_type3A_340, %convert_element_type3A_340, %convert_element_type3A_340, %convert_element_type3A_340, %convert_element_type3A_340, %convert_element_type3A_340, %convert_element_type3A_340, %convert_element_type3A_340, %convert_element_type3A_340, %convert_element_type3A_340, %convert_element_type3A_340, %convert_element_type3A_340, %convert_element_type3A_340, %convert_element_type3A_340, %convert_element_type3A_340, %convert_element_type3A_340, %convert_element_type3A_340, %convert_element_type3A_340, %convert_element_type3A_340, %convert_element_type3A_340, %convert_element_type3A_340, %convert_element_type3A_340, %convert_element_type3A_340, %convert_element_type3A_340, %convert_element_type3A_340, %convert_element_type3A_340, %convert_element_type3A_340, %convert_element_type3A_340, %convert_element_type3A_340 in 0 : vector<64x256xf32>, vector<64x256xf32>, vector<64x256xf32>, vector<64x256xf32>, vector<64x256xf32>, vector<64x256xf32>, vector<64x256xf32>, vector<64x256xf32>, vector<64x256xf32>, vector<64x256xf32>, vector<64x256xf32>, vector<64x256xf32>, vector<64x256xf32>, vector<64x256xf32>, vector<64x256xf32>, vector<64x256xf32>, vector<64x256xf32>, vector<64x256xf32>, vector<64x256xf32>, vector<64x256xf32>, vector<64x256xf32>, vector<64x256xf32>, vector<64x256xf32>, vector<64x256xf32>, vector<64x256xf32>, vector<64x256xf32>, vector<64x256xf32>, vector<64x256xf32>, vector<64x256xf32>, vector<64x256xf32>, vector<64x256xf32>, vector<64x256xf32>, vector<64x256xf32>, vector<64x256xf32>, vector<64x256xf32>, vector<64x256xf32>, vector<64x256xf32>, vector<64x256xf32>, vector<64x256xf32>, vector<64x256xf32>, vector<64x256xf32>, vector<64x256xf32>, vector<64x256xf32>, vector<64x256xf32>, vector<64x256xf32>, vector<64x256xf32>, vector<64x256xf32>, vector<64x256xf32>, vector<64x256xf32>, vector<64x256xf32>, vector<64x256xf32>, vector<64x256xf32>, vector<64x256xf32>, vector<64x256xf32>, vector<64x256xf32>, vector<64x256xf32>, vector<64x256xf32>, vector<64x256xf32>, vector<64x256xf32>, vector<64x256xf32>, vector<64x256xf32>, vector<64x256xf32>, vector<64x256xf32>, vector<64x256xf32> -> vector<4096x256xf32>
    %mul3A_347 = arith.mulf %reshape3A_345, %tile3A_346 : vector<4096x256xf32>
    %convert_element_type3A_348 = arith.truncf %mul3A_347 : vector<4096x256xf32> to vector<4096x256xbf16>
    %convert_element_type3A_349 = arith.truncf %transpose3A_341 : vector<64x256xf32> to vector<64x256xbf16>
    %concatenate3A_350 = tpu.concatenate %convert_element_type3A_348, %convert_element_type3A_349 in 0 : vector<4096x256xbf16>, vector<64x256xbf16> -> vector<4160x256xbf16>
    %dot_general3A_351 = arith.constant dense<0.000000e+00> : vector<64x256xf32>
    %dot_general3A_352 = tpu.matmul %get3A_1, %concatenate3A_350, %dot_general3A_351 {dimension_numbers = #tpu.dot_dimension_numbers<[1], [0], [0], [1], [0, 0, 1, 1], [], []>, transpose_lhs_hint = false} : vector<64x4160xbf16>, vector<4160x256xbf16>, vector<64x256xf32> -> vector<64x256xf32>
    %transpose3A_353 = tpu.transpose %dot_general3A_352, [1, 0] : vector<64x256xf32> -> vector<256x64xf32>
    %concatenate3A_354 = tpu.concatenate %transpose3A_353, %broadcast_in_dim3A_2 in 1 : vector<256x64xf32>, vector<256x64xf32> -> vector<256x128xf32>
    %swap3A_355 = arith.constant 3328 : index
    %swap3A_356 = arith.constant 0 : index
    %swap3A_357 = vector.load %arg4[%swap3A_355, %swap3A_356] : memref<8192x128xf32, #tpu.memory_space<vmem>>, vector<256x128xf32>
    tpu.vector_store %arg4[%swap3A_355, %swap3A_356], %concatenate3A_354 {strides = array<i32>} : memref<8192x128xf32, #tpu.memory_space<vmem>>, vector<256x128xf32>,
    %get3A_358 = arith.constant 3584 : index
    %get3A_359 = arith.constant 0 : index
    %get3A_360 = vector.load %arg1[%get3A_358, %get3A_359] : memref<8192x64xbf16, #tpu.memory_space<vmem>>, vector<256x64xbf16>
    %get3A_361 = arith.constant 3584 : index
    %get3A_362 = arith.constant 0 : index
    %get3A_363 = vector.load %arg2[%get3A_361, %get3A_362] : memref<8192x128xf32, #tpu.memory_space<vmem>>, vector<256x128xf32>
    %slice3A_364 = vector.extract_strided_slice %get3A_363 {offsets = [0, 0], sizes = [256, 64], strides = [1, 1]} : vector<256x128xf32> to vector<256x64xf32>
    %transpose3A_365 = tpu.transpose %get3A_360, [1, 0] : vector<256x64xbf16> -> vector<64x256xbf16>
    %convert_element_type3A_366 = arith.extf %transpose3A_365 : vector<64x256xbf16> to vector<64x256xf32>
    %transpose3A_367 = tpu.transpose %slice3A_364, [1, 0] : vector<256x64xf32> -> vector<64x256xf32>
    %broadcast_in_dim3A_368 = vector.shape_cast %transpose3A_367 : vector<64x256xf32> to vector<64x1x256xf32>
    %broadcast_in_dim3A_369 = vector.shape_cast %broadcast_in_dim3A_368 : vector<64x1x256xf32> to vector<64x1x256xf32>
    %broadcast_in_dim3A_370 = vector.broadcast %broadcast_in_dim3A_369 : vector<64x1x256xf32> to vector<64x64x256xf32>
    %reshape3A_371 = vector.shape_cast %broadcast_in_dim3A_370 : vector<64x64x256xf32> to vector<4096x256xf32>
    %tile3A_372 = tpu.concatenate %convert_element_type3A_366, %convert_element_type3A_366, %convert_element_type3A_366, %convert_element_type3A_366, %convert_element_type3A_366, %convert_element_type3A_366, %convert_element_type3A_366, %convert_element_type3A_366, %convert_element_type3A_366, %convert_element_type3A_366, %convert_element_type3A_366, %convert_element_type3A_366, %convert_element_type3A_366, %convert_element_type3A_366, %convert_element_type3A_366, %convert_element_type3A_366, %convert_element_type3A_366, %convert_element_type3A_366, %convert_element_type3A_366, %convert_element_type3A_366, %convert_element_type3A_366, %convert_element_type3A_366, %convert_element_type3A_366, %convert_element_type3A_366, %convert_element_type3A_366, %convert_element_type3A_366, %convert_element_type3A_366, %convert_element_type3A_366, %convert_element_type3A_366, %convert_element_type3A_366, %convert_element_type3A_366, %convert_element_type3A_366, %convert_element_type3A_366, %convert_element_type3A_366, %convert_element_type3A_366, %convert_element_type3A_366, %convert_element_type3A_366, %convert_element_type3A_366, %convert_element_type3A_366, %convert_element_type3A_366, %convert_element_type3A_366, %convert_element_type3A_366, %convert_element_type3A_366, %convert_element_type3A_366, %convert_element_type3A_366, %convert_element_type3A_366, %convert_element_type3A_366, %convert_element_type3A_366, %convert_element_type3A_366, %convert_element_type3A_366, %convert_element_type3A_366, %convert_element_type3A_366, %convert_element_type3A_366, %convert_element_type3A_366, %convert_element_type3A_366, %convert_element_type3A_366, %convert_element_type3A_366, %convert_element_type3A_366, %convert_element_type3A_366, %convert_element_type3A_366, %convert_element_type3A_366, %convert_element_type3A_366, %convert_element_type3A_366, %convert_element_type3A_366 in 0 : vector<64x256xf32>, vector<64x256xf32>, vector<64x256xf32>, vector<64x256xf32>, vector<64x256xf32>, vector<64x256xf32>, vector<64x256xf32>, vector<64x256xf32>, vector<64x256xf32>, vector<64x256xf32>, vector<64x256xf32>, vector<64x256xf32>, vector<64x256xf32>, vector<64x256xf32>, vector<64x256xf32>, vector<64x256xf32>, vector<64x256xf32>, vector<64x256xf32>, vector<64x256xf32>, vector<64x256xf32>, vector<64x256xf32>, vector<64x256xf32>, vector<64x256xf32>, vector<64x256xf32>, vector<64x256xf32>, vector<64x256xf32>, vector<64x256xf32>, vector<64x256xf32>, vector<64x256xf32>, vector<64x256xf32>, vector<64x256xf32>, vector<64x256xf32>, vector<64x256xf32>, vector<64x256xf32>, vector<64x256xf32>, vector<64x256xf32>, vector<64x256xf32>, vector<64x256xf32>, vector<64x256xf32>, vector<64x256xf32>, vector<64x256xf32>, vector<64x256xf32>, vector<64x256xf32>, vector<64x256xf32>, vector<64x256xf32>, vector<64x256xf32>, vector<64x256xf32>, vector<64x256xf32>, vector<64x256xf32>, vector<64x256xf32>, vector<64x256xf32>, vector<64x256xf32>, vector<64x256xf32>, vector<64x256xf32>, vector<64x256xf32>, vector<64x256xf32>, vector<64x256xf32>, vector<64x256xf32>, vector<64x256xf32>, vector<64x256xf32>, vector<64x256xf32>, vector<64x256xf32>, vector<64x256xf32>, vector<64x256xf32> -> vector<4096x256xf32>
    %mul3A_373 = arith.mulf %reshape3A_371, %tile3A_372 : vector<4096x256xf32>
    %convert_element_type3A_374 = arith.truncf %mul3A_373 : vector<4096x256xf32> to vector<4096x256xbf16>
    %convert_element_type3A_375 = arith.truncf %transpose3A_367 : vector<64x256xf32> to vector<64x256xbf16>
    %concatenate3A_376 = tpu.concatenate %convert_element_type3A_374, %convert_element_type3A_375 in 0 : vector<4096x256xbf16>, vector<64x256xbf16> -> vector<4160x256xbf16>
    %dot_general3A_377 = arith.constant dense<0.000000e+00> : vector<64x256xf32>
    %dot_general3A_378 = tpu.matmul %get3A_1, %concatenate3A_376, %dot_general3A_377 {dimension_numbers = #tpu.dot_dimension_numbers<[1], [0], [0], [1], [0, 0, 1, 1], [], []>, transpose_lhs_hint = false} : vector<64x4160xbf16>, vector<4160x256xbf16>, vector<64x256xf32> -> vector<64x256xf32>
    %transpose3A_379 = tpu.transpose %dot_general3A_378, [1, 0] : vector<64x256xf32> -> vector<256x64xf32>
    %concatenate3A_380 = tpu.concatenate %transpose3A_379, %broadcast_in_dim3A_2 in 1 : vector<256x64xf32>, vector<256x64xf32> -> vector<256x128xf32>
    %swap3A_381 = arith.constant 3584 : index
    %swap3A_382 = arith.constant 0 : index
    %swap3A_383 = vector.load %arg4[%swap3A_381, %swap3A_382] : memref<8192x128xf32, #tpu.memory_space<vmem>>, vector<256x128xf32>
    tpu.vector_store %arg4[%swap3A_381, %swap3A_382], %concatenate3A_380 {strides = array<i32>} : memref<8192x128xf32, #tpu.memory_space<vmem>>, vector<256x128xf32>,
    %get3A_384 = arith.constant 3840 : index
    %get3A_385 = arith.constant 0 : index
    %get3A_386 = vector.load %arg1[%get3A_384, %get3A_385] : memref<8192x64xbf16, #tpu.memory_space<vmem>>, vector<256x64xbf16>
    %get3A_387 = arith.constant 3840 : index
    %get3A_388 = arith.constant 0 : index
    %get3A_389 = vector.load %arg2[%get3A_387, %get3A_388] : memref<8192x128xf32, #tpu.memory_space<vmem>>, vector<256x128xf32>
    %slice3A_390 = vector.extract_strided_slice %get3A_389 {offsets = [0, 0], sizes = [256, 64], strides = [1, 1]} : vector<256x128xf32> to vector<256x64xf32>
    %transpose3A_391 = tpu.transpose %get3A_386, [1, 0] : vector<256x64xbf16> -> vector<64x256xbf16>
    %convert_element_type3A_392 = arith.extf %transpose3A_391 : vector<64x256xbf16> to vector<64x256xf32>
    %transpose3A_393 = tpu.transpose %slice3A_390, [1, 0] : vector<256x64xf32> -> vector<64x256xf32>
    %broadcast_in_dim3A_394 = vector.shape_cast %transpose3A_393 : vector<64x256xf32> to vector<64x1x256xf32>
    %broadcast_in_dim3A_395 = vector.shape_cast %broadcast_in_dim3A_394 : vector<64x1x256xf32> to vector<64x1x256xf32>
    %broadcast_in_dim3A_396 = vector.broadcast %broadcast_in_dim3A_395 : vector<64x1x256xf32> to vector<64x64x256xf32>
    %reshape3A_397 = vector.shape_cast %broadcast_in_dim3A_396 : vector<64x64x256xf32> to vector<4096x256xf32>
    %tile3A_398 = tpu.concatenate %convert_element_type3A_392, %convert_element_type3A_392, %convert_element_type3A_392, %convert_element_type3A_392, %convert_element_type3A_392, %convert_element_type3A_392, %convert_element_type3A_392, %convert_element_type3A_392, %convert_element_type3A_392, %convert_element_type3A_392, %convert_element_type3A_392, %convert_element_type3A_392, %convert_element_type3A_392, %convert_element_type3A_392, %convert_element_type3A_392, %convert_element_type3A_392, %convert_element_type3A_392, %convert_element_type3A_392, %convert_element_type3A_392, %convert_element_type3A_392, %convert_element_type3A_392, %convert_element_type3A_392, %convert_element_type3A_392, %convert_element_type3A_392, %convert_element_type3A_392, %convert_element_type3A_392, %convert_element_type3A_392, %convert_element_type3A_392, %convert_element_type3A_392, %convert_element_type3A_392, %convert_element_type3A_392, %convert_element_type3A_392, %convert_element_type3A_392, %convert_element_type3A_392, %convert_element_type3A_392, %convert_element_type3A_392, %convert_element_type3A_392, %convert_element_type3A_392, %convert_element_type3A_392, %convert_element_type3A_392, %convert_element_type3A_392, %convert_element_type3A_392, %convert_element_type3A_392, %convert_element_type3A_392, %convert_element_type3A_392, %convert_element_type3A_392, %convert_element_type3A_392, %convert_element_type3A_392, %convert_element_type3A_392, %convert_element_type3A_392, %convert_element_type3A_392, %convert_element_type3A_392, %convert_element_type3A_392, %convert_element_type3A_392, %convert_element_type3A_392, %convert_element_type3A_392, %convert_element_type3A_392, %convert_element_type3A_392, %convert_element_type3A_392, %convert_element_type3A_392, %convert_element_type3A_392, %convert_element_type3A_392, %convert_element_type3A_392, %convert_element_type3A_392 in 0 : vector<64x256xf32>, vector<64x256xf32>, vector<64x256xf32>, vector<64x256xf32>, vector<64x256xf32>, vector<64x256xf32>, vector<64x256xf32>, vector<64x256xf32>, vector<64x256xf32>, vector<64x256xf32>, vector<64x256xf32>, vector<64x256xf32>, vector<64x256xf32>, vector<64x256xf32>, vector<64x256xf32>, vector<64x256xf32>, vector<64x256xf32>, vector<64x256xf32>, vector<64x256xf32>, vector<64x256xf32>, vector<64x256xf32>, vector<64x256xf32>, vector<64x256xf32>, vector<64x256xf32>, vector<64x256xf32>, vector<64x256xf32>, vector<64x256xf32>, vector<64x256xf32>, vector<64x256xf32>, vector<64x256xf32>, vector<64x256xf32>, vector<64x256xf32>, vector<64x256xf32>, vector<64x256xf32>, vector<64x256xf32>, vector<64x256xf32>, vector<64x256xf32>, vector<64x256xf32>, vector<64x256xf32>, vector<64x256xf32>, vector<64x256xf32>, vector<64x256xf32>, vector<64x256xf32>, vector<64x256xf32>, vector<64x256xf32>, vector<64x256xf32>, vector<64x256xf32>, vector<64x256xf32>, vector<64x256xf32>, vector<64x256xf32>, vector<64x256xf32>, vector<64x256xf32>, vector<64x256xf32>, vector<64x256xf32>, vector<64x256xf32>, vector<64x256xf32>, vector<64x256xf32>, vector<64x256xf32>, vector<64x256xf32>, vector<64x256xf32>, vector<64x256xf32>, vector<64x256xf32>, vector<64x256xf32>, vector<64x256xf32> -> vector<4096x256xf32>
    %mul3A_399 = arith.mulf %reshape3A_397, %tile3A_398 : vector<4096x256xf32>
    %convert_element_type3A_400 = arith.truncf %mul3A_399 : vector<4096x256xf32> to vector<4096x256xbf16>
    %convert_element_type3A_401 = arith.truncf %transpose3A_393 : vector<64x256xf32> to vector<64x256xbf16>
    %concatenate3A_402 = tpu.concatenate %convert_element_type3A_400, %convert_element_type3A_401 in 0 : vector<4096x256xbf16>, vector<64x256xbf16> -> vector<4160x256xbf16>
    %dot_general3A_403 = arith.constant dense<0.000000e+00> : vector<64x256xf32>
    %dot_general3A_404 = tpu.matmul %get3A_1, %concatenate3A_402, %dot_general3A_403 {dimension_numbers = #tpu.dot_dimension_numbers<[1], [0], [0], [1], [0, 0, 1, 1], [], []>, transpose_lhs_hint = false} : vector<64x4160xbf16>, vector<4160x256xbf16>, vector<64x256xf32> -> vector<64x256xf32>
    %transpose3A_405 = tpu.transpose %dot_general3A_404, [1, 0] : vector<64x256xf32> -> vector<256x64xf32>
    %concatenate3A_406 = tpu.concatenate %transpose3A_405, %broadcast_in_dim3A_2 in 1 : vector<256x64xf32>, vector<256x64xf32> -> vector<256x128xf32>
    %swap3A_407 = arith.constant 3840 : index
    %swap3A_408 = arith.constant 0 : index
    %swap3A_409 = vector.load %arg4[%swap3A_407, %swap3A_408] : memref<8192x128xf32, #tpu.memory_space<vmem>>, vector<256x128xf32>
    tpu.vector_store %arg4[%swap3A_407, %swap3A_408], %concatenate3A_406 {strides = array<i32>} : memref<8192x128xf32, #tpu.memory_space<vmem>>, vector<256x128xf32>,
    %get3A_410 = arith.constant 4096 : index
    %get3A_411 = arith.constant 0 : index
    %get3A_412 = vector.load %arg1[%get3A_410, %get3A_411] : memref<8192x64xbf16, #tpu.memory_space<vmem>>, vector<256x64xbf16>
    %get3A_413 = arith.constant 4096 : index
    %get3A_414 = arith.constant 0 : index
    %get3A_415 = vector.load %arg2[%get3A_413, %get3A_414] : memref<8192x128xf32, #tpu.memory_space<vmem>>, vector<256x128xf32>
    %slice3A_416 = vector.extract_strided_slice %get3A_415 {offsets = [0, 0], sizes = [256, 64], strides = [1, 1]} : vector<256x128xf32> to vector<256x64xf32>
    %transpose3A_417 = tpu.transpose %get3A_412, [1, 0] : vector<256x64xbf16> -> vector<64x256xbf16>
    %convert_element_type3A_418 = arith.extf %transpose3A_417 : vector<64x256xbf16> to vector<64x256xf32>
    %transpose3A_419 = tpu.transpose %slice3A_416, [1, 0] : vector<256x64xf32> -> vector<64x256xf32>
    %broadcast_in_dim3A_420 = vector.shape_cast %transpose3A_419 : vector<64x256xf32> to vector<64x1x256xf32>
    %broadcast_in_dim3A_421 = vector.shape_cast %broadcast_in_dim3A_420 : vector<64x1x256xf32> to vector<64x1x256xf32>
    %broadcast_in_dim3A_422 = vector.broadcast %broadcast_in_dim3A_421 : vector<64x1x256xf32> to vector<64x64x256xf32>
    %reshape3A_423 = vector.shape_cast %broadcast_in_dim3A_422 : vector<64x64x256xf32> to vector<4096x256xf32>
    %tile3A_424 = tpu.concatenate %convert_element_type3A_418, %convert_element_type3A_418, %convert_element_type3A_418, %convert_element_type3A_418, %convert_element_type3A_418, %convert_element_type3A_418, %convert_element_type3A_418, %convert_element_type3A_418, %convert_element_type3A_418, %convert_element_type3A_418, %convert_element_type3A_418, %convert_element_type3A_418, %convert_element_type3A_418, %convert_element_type3A_418, %convert_element_type3A_418, %convert_element_type3A_418, %convert_element_type3A_418, %convert_element_type3A_418, %convert_element_type3A_418, %convert_element_type3A_418, %convert_element_type3A_418, %convert_element_type3A_418, %convert_element_type3A_418, %convert_element_type3A_418, %convert_element_type3A_418, %convert_element_type3A_418, %convert_element_type3A_418, %convert_element_type3A_418, %convert_element_type3A_418, %convert_element_type3A_418, %convert_element_type3A_418, %convert_element_type3A_418, %convert_element_type3A_418, %convert_element_type3A_418, %convert_element_type3A_418, %convert_element_type3A_418, %convert_element_type3A_418, %convert_element_type3A_418, %convert_element_type3A_418, %convert_element_type3A_418, %convert_element_type3A_418, %convert_element_type3A_418, %convert_element_type3A_418, %convert_element_type3A_418, %convert_element_type3A_418, %convert_element_type3A_418, %convert_element_type3A_418, %convert_element_type3A_418, %convert_element_type3A_418, %convert_element_type3A_418, %convert_element_type3A_418, %convert_element_type3A_418, %convert_element_type3A_418, %convert_element_type3A_418, %convert_element_type3A_418, %convert_element_type3A_418, %convert_element_type3A_418, %convert_element_type3A_418, %convert_element_type3A_418, %convert_element_type3A_418, %convert_element_type3A_418, %convert_element_type3A_418, %convert_element_type3A_418, %convert_element_type3A_418 in 0 : vector<64x256xf32>, vector<64x256xf32>, vector<64x256xf32>, vector<64x256xf32>, vector<64x256xf32>, vector<64x256xf32>, vector<64x256xf32>, vector<64x256xf32>, vector<64x256xf32>, vector<64x256xf32>, vector<64x256xf32>, vector<64x256xf32>, vector<64x256xf32>, vector<64x256xf32>, vector<64x256xf32>, vector<64x256xf32>, vector<64x256xf32>, vector<64x256xf32>, vector<64x256xf32>, vector<64x256xf32>, vector<64x256xf32>, vector<64x256xf32>, vector<64x256xf32>, vector<64x256xf32>, vector<64x256xf32>, vector<64x256xf32>, vector<64x256xf32>, vector<64x256xf32>, vector<64x256xf32>, vector<64x256xf32>, vector<64x256xf32>, vector<64x256xf32>, vector<64x256xf32>, vector<64x256xf32>, vector<64x256xf32>, vector<64x256xf32>, vector<64x256xf32>, vector<64x256xf32>, vector<64x256xf32>, vector<64x256xf32>, vector<64x256xf32>, vector<64x256xf32>, vector<64x256xf32>, vector<64x256xf32>, vector<64x256xf32>, vector<64x256xf32>, vector<64x256xf32>, vector<64x256xf32>, vector<64x256xf32>, vector<64x256xf32>, vector<64x256xf32>, vector<64x256xf32>, vector<64x256xf32>, vector<64x256xf32>, vector<64x256xf32>, vector<64x256xf32>, vector<64x256xf32>, vector<64x256xf32>, vector<64x256xf32>, vector<64x256xf32>, vector<64x256xf32>, vector<64x256xf32>, vector<64x256xf32>, vector<64x256xf32> -> vector<4096x256xf32>
    %mul3A_425 = arith.mulf %reshape3A_423, %tile3A_424 : vector<4096x256xf32>
    %convert_element_type3A_426 = arith.truncf %mul3A_425 : vector<4096x256xf32> to vector<4096x256xbf16>
    %convert_element_type3A_427 = arith.truncf %transpose3A_419 : vector<64x256xf32> to vector<64x256xbf16>
    %concatenate3A_428 = tpu.concatenate %convert_element_type3A_426, %convert_element_type3A_427 in 0 : vector<4096x256xbf16>, vector<64x256xbf16> -> vector<4160x256xbf16>
    %dot_general3A_429 = arith.constant dense<0.000000e+00> : vector<64x256xf32>
    %dot_general3A_430 = tpu.matmul %get3A_1, %concatenate3A_428, %dot_general3A_429 {dimension_numbers = #tpu.dot_dimension_numbers<[1], [0], [0], [1], [0, 0, 1, 1], [], []>, transpose_lhs_hint = false} : vector<64x4160xbf16>, vector<4160x256xbf16>, vector<64x256xf32> -> vector<64x256xf32>
    %transpose3A_431 = tpu.transpose %dot_general3A_430, [1, 0] : vector<64x256xf32> -> vector<256x64xf32>
    %concatenate3A_432 = tpu.concatenate %transpose3A_431, %broadcast_in_dim3A_2 in 1 : vector<256x64xf32>, vector<256x64xf32> -> vector<256x128xf32>
    %swap3A_433 = arith.constant 4096 : index
    %swap3A_434 = arith.constant 0 : index
    %swap3A_435 = vector.load %arg4[%swap3A_433, %swap3A_434] : memref<8192x128xf32, #tpu.memory_space<vmem>>, vector<256x128xf32>
    tpu.vector_store %arg4[%swap3A_433, %swap3A_434], %concatenate3A_432 {strides = array<i32>} : memref<8192x128xf32, #tpu.memory_space<vmem>>, vector<256x128xf32>,
    %get3A_436 = arith.constant 4352 : index
    %get3A_437 = arith.constant 0 : index
    %get3A_438 = vector.load %arg1[%get3A_436, %get3A_437] : memref<8192x64xbf16, #tpu.memory_space<vmem>>, vector<256x64xbf16>
    %get3A_439 = arith.constant 4352 : index
    %get3A_440 = arith.constant 0 : index
    %get3A_441 = vector.load %arg2[%get3A_439, %get3A_440] : memref<8192x128xf32, #tpu.memory_space<vmem>>, vector<256x128xf32>
    %slice3A_442 = vector.extract_strided_slice %get3A_441 {offsets = [0, 0], sizes = [256, 64], strides = [1, 1]} : vector<256x128xf32> to vector<256x64xf32>
    %transpose3A_443 = tpu.transpose %get3A_438, [1, 0] : vector<256x64xbf16> -> vector<64x256xbf16>
    %convert_element_type3A_444 = arith.extf %transpose3A_443 : vector<64x256xbf16> to vector<64x256xf32>
    %transpose3A_445 = tpu.transpose %slice3A_442, [1, 0] : vector<256x64xf32> -> vector<64x256xf32>
    %broadcast_in_dim3A_446 = vector.shape_cast %transpose3A_445 : vector<64x256xf32> to vector<64x1x256xf32>
    %broadcast_in_dim3A_447 = vector.shape_cast %broadcast_in_dim3A_446 : vector<64x1x256xf32> to vector<64x1x256xf32>
    %broadcast_in_dim3A_448 = vector.broadcast %broadcast_in_dim3A_447 : vector<64x1x256xf32> to vector<64x64x256xf32>
    %reshape3A_449 = vector.shape_cast %broadcast_in_dim3A_448 : vector<64x64x256xf32> to vector<4096x256xf32>
    %tile3A_450 = tpu.concatenate %convert_element_type3A_444, %convert_element_type3A_444, %convert_element_type3A_444, %convert_element_type3A_444, %convert_element_type3A_444, %convert_element_type3A_444, %convert_element_type3A_444, %convert_element_type3A_444, %convert_element_type3A_444, %convert_element_type3A_444, %convert_element_type3A_444, %convert_element_type3A_444, %convert_element_type3A_444, %convert_element_type3A_444, %convert_element_type3A_444, %convert_element_type3A_444, %convert_element_type3A_444, %convert_element_type3A_444, %convert_element_type3A_444, %convert_element_type3A_444, %convert_element_type3A_444, %convert_element_type3A_444, %convert_element_type3A_444, %convert_element_type3A_444, %convert_element_type3A_444, %convert_element_type3A_444, %convert_element_type3A_444, %convert_element_type3A_444, %convert_element_type3A_444, %convert_element_type3A_444, %convert_element_type3A_444, %convert_element_type3A_444, %convert_element_type3A_444, %convert_element_type3A_444, %convert_element_type3A_444, %convert_element_type3A_444, %convert_element_type3A_444, %convert_element_type3A_444, %convert_element_type3A_444, %convert_element_type3A_444, %convert_element_type3A_444, %convert_element_type3A_444, %convert_element_type3A_444, %convert_element_type3A_444, %convert_element_type3A_444, %convert_element_type3A_444, %convert_element_type3A_444, %convert_element_type3A_444, %convert_element_type3A_444, %convert_element_type3A_444, %convert_element_type3A_444, %convert_element_type3A_444, %convert_element_type3A_444, %convert_element_type3A_444, %convert_element_type3A_444, %convert_element_type3A_444, %convert_element_type3A_444, %convert_element_type3A_444, %convert_element_type3A_444, %convert_element_type3A_444, %convert_element_type3A_444, %convert_element_type3A_444, %convert_element_type3A_444, %convert_element_type3A_444 in 0 : vector<64x256xf32>, vector<64x256xf32>, vector<64x256xf32>, vector<64x256xf32>, vector<64x256xf32>, vector<64x256xf32>, vector<64x256xf32>, vector<64x256xf32>, vector<64x256xf32>, vector<64x256xf32>, vector<64x256xf32>, vector<64x256xf32>, vector<64x256xf32>, vector<64x256xf32>, vector<64x256xf32>, vector<64x256xf32>, vector<64x256xf32>, vector<64x256xf32>, vector<64x256xf32>, vector<64x256xf32>, vector<64x256xf32>, vector<64x256xf32>, vector<64x256xf32>, vector<64x256xf32>, vector<64x256xf32>, vector<64x256xf32>, vector<64x256xf32>, vector<64x256xf32>, vector<64x256xf32>, vector<64x256xf32>, vector<64x256xf32>, vector<64x256xf32>, vector<64x256xf32>, vector<64x256xf32>, vector<64x256xf32>, vector<64x256xf32>, vector<64x256xf32>, vector<64x256xf32>, vector<64x256xf32>, vector<64x256xf32>, vector<64x256xf32>, vector<64x256xf32>, vector<64x256xf32>, vector<64x256xf32>, vector<64x256xf32>, vector<64x256xf32>, vector<64x256xf32>, vector<64x256xf32>, vector<64x256xf32>, vector<64x256xf32>, vector<64x256xf32>, vector<64x256xf32>, vector<64x256xf32>, vector<64x256xf32>, vector<64x256xf32>, vector<64x256xf32>, vector<64x256xf32>, vector<64x256xf32>, vector<64x256xf32>, vector<64x256xf32>, vector<64x256xf32>, vector<64x256xf32>, vector<64x256xf32>, vector<64x256xf32> -> vector<4096x256xf32>
    %mul3A_451 = arith.mulf %reshape3A_449, %tile3A_450 : vector<4096x256xf32>
    %convert_element_type3A_452 = arith.truncf %mul3A_451 : vector<4096x256xf32> to vector<4096x256xbf16>
    %convert_element_type3A_453 = arith.truncf %transpose3A_445 : vector<64x256xf32> to vector<64x256xbf16>
    %concatenate3A_454 = tpu.concatenate %convert_element_type3A_452, %convert_element_type3A_453 in 0 : vector<4096x256xbf16>, vector<64x256xbf16> -> vector<4160x256xbf16>
    %dot_general3A_455 = arith.constant dense<0.000000e+00> : vector<64x256xf32>
    %dot_general3A_456 = tpu.matmul %get3A_1, %concatenate3A_454, %dot_general3A_455 {dimension_numbers = #tpu.dot_dimension_numbers<[1], [0], [0], [1], [0, 0, 1, 1], [], []>, transpose_lhs_hint = false} : vector<64x4160xbf16>, vector<4160x256xbf16>, vector<64x256xf32> -> vector<64x256xf32>
    %transpose3A_457 = tpu.transpose %dot_general3A_456, [1, 0] : vector<64x256xf32> -> vector<256x64xf32>
    %concatenate3A_458 = tpu.concatenate %transpose3A_457, %broadcast_in_dim3A_2 in 1 : vector<256x64xf32>, vector<256x64xf32> -> vector<256x128xf32>
    %swap3A_459 = arith.constant 4352 : index
    %swap3A_460 = arith.constant 0 : index
    %swap3A_461 = vector.load %arg4[%swap3A_459, %swap3A_460] : memref<8192x128xf32, #tpu.memory_space<vmem>>, vector<256x128xf32>
    tpu.vector_store %arg4[%swap3A_459, %swap3A_460], %concatenate3A_458 {strides = array<i32>} : memref<8192x128xf32, #tpu.memory_space<vmem>>, vector<256x128xf32>,
    %get3A_462 = arith.constant 4608 : index
    %get3A_463 = arith.constant 0 : index
    %get3A_464 = vector.load %arg1[%get3A_462, %get3A_463] : memref<8192x64xbf16, #tpu.memory_space<vmem>>, vector<256x64xbf16>
    %get3A_465 = arith.constant 4608 : index
    %get3A_466 = arith.constant 0 : index
    %get3A_467 = vector.load %arg2[%get3A_465, %get3A_466] : memref<8192x128xf32, #tpu.memory_space<vmem>>, vector<256x128xf32>
    %slice3A_468 = vector.extract_strided_slice %get3A_467 {offsets = [0, 0], sizes = [256, 64], strides = [1, 1]} : vector<256x128xf32> to vector<256x64xf32>
    %transpose3A_469 = tpu.transpose %get3A_464, [1, 0] : vector<256x64xbf16> -> vector<64x256xbf16>
    %convert_element_type3A_470 = arith.extf %transpose3A_469 : vector<64x256xbf16> to vector<64x256xf32>
    %transpose3A_471 = tpu.transpose %slice3A_468, [1, 0] : vector<256x64xf32> -> vector<64x256xf32>
    %broadcast_in_dim3A_472 = vector.shape_cast %transpose3A_471 : vector<64x256xf32> to vector<64x1x256xf32>
    %broadcast_in_dim3A_473 = vector.shape_cast %broadcast_in_dim3A_472 : vector<64x1x256xf32> to vector<64x1x256xf32>
    %broadcast_in_dim3A_474 = vector.broadcast %broadcast_in_dim3A_473 : vector<64x1x256xf32> to vector<64x64x256xf32>
    %reshape3A_475 = vector.shape_cast %broadcast_in_dim3A_474 : vector<64x64x256xf32> to vector<4096x256xf32>
    %tile3A_476 = tpu.concatenate %convert_element_type3A_470, %convert_element_type3A_470, %convert_element_type3A_470, %convert_element_type3A_470, %convert_element_type3A_470, %convert_element_type3A_470, %convert_element_type3A_470, %convert_element_type3A_470, %convert_element_type3A_470, %convert_element_type3A_470, %convert_element_type3A_470, %convert_element_type3A_470, %convert_element_type3A_470, %convert_element_type3A_470, %convert_element_type3A_470, %convert_element_type3A_470, %convert_element_type3A_470, %convert_element_type3A_470, %convert_element_type3A_470, %convert_element_type3A_470, %convert_element_type3A_470, %convert_element_type3A_470, %convert_element_type3A_470, %convert_element_type3A_470, %convert_element_type3A_470, %convert_element_type3A_470, %convert_element_type3A_470, %convert_element_type3A_470, %convert_element_type3A_470, %convert_element_type3A_470, %convert_element_type3A_470, %convert_element_type3A_470, %convert_element_type3A_470, %convert_element_type3A_470, %convert_element_type3A_470, %convert_element_type3A_470, %convert_element_type3A_470, %convert_element_type3A_470, %convert_element_type3A_470, %convert_element_type3A_470, %convert_element_type3A_470, %convert_element_type3A_470, %convert_element_type3A_470, %convert_element_type3A_470, %convert_element_type3A_470, %convert_element_type3A_470, %convert_element_type3A_470, %convert_element_type3A_470, %convert_element_type3A_470, %convert_element_type3A_470, %convert_element_type3A_470, %convert_element_type3A_470, %convert_element_type3A_470, %convert_element_type3A_470, %convert_element_type3A_470, %convert_element_type3A_470, %convert_element_type3A_470, %convert_element_type3A_470, %convert_element_type3A_470, %convert_element_type3A_470, %convert_element_type3A_470, %convert_element_type3A_470, %convert_element_type3A_470, %convert_element_type3A_470 in 0 : vector<64x256xf32>, vector<64x256xf32>, vector<64x256xf32>, vector<64x256xf32>, vector<64x256xf32>, vector<64x256xf32>, vector<64x256xf32>, vector<64x256xf32>, vector<64x256xf32>, vector<64x256xf32>, vector<64x256xf32>, vector<64x256xf32>, vector<64x256xf32>, vector<64x256xf32>, vector<64x256xf32>, vector<64x256xf32>, vector<64x256xf32>, vector<64x256xf32>, vector<64x256xf32>, vector<64x256xf32>, vector<64x256xf32>, vector<64x256xf32>, vector<64x256xf32>, vector<64x256xf32>, vector<64x256xf32>, vector<64x256xf32>, vector<64x256xf32>, vector<64x256xf32>, vector<64x256xf32>, vector<64x256xf32>, vector<64x256xf32>, vector<64x256xf32>, vector<64x256xf32>, vector<64x256xf32>, vector<64x256xf32>, vector<64x256xf32>, vector<64x256xf32>, vector<64x256xf32>, vector<64x256xf32>, vector<64x256xf32>, vector<64x256xf32>, vector<64x256xf32>, vector<64x256xf32>, vector<64x256xf32>, vector<64x256xf32>, vector<64x256xf32>, vector<64x256xf32>, vector<64x256xf32>, vector<64x256xf32>, vector<64x256xf32>, vector<64x256xf32>, vector<64x256xf32>, vector<64x256xf32>, vector<64x256xf32>, vector<64x256xf32>, vector<64x256xf32>, vector<64x256xf32>, vector<64x256xf32>, vector<64x256xf32>, vector<64x256xf32>, vector<64x256xf32>, vector<64x256xf32>, vector<64x256xf32>, vector<64x256xf32> -> vector<4096x256xf32>
    %mul3A_477 = arith.mulf %reshape3A_475, %tile3A_476 : vector<4096x256xf32>
    %convert_element_type3A_478 = arith.truncf %mul3A_477 : vector<4096x256xf32> to vector<4096x256xbf16>
    %convert_element_type3A_479 = arith.truncf %transpose3A_471 : vector<64x256xf32> to vector<64x256xbf16>
    %concatenate3A_480 = tpu.concatenate %convert_element_type3A_478, %convert_element_type3A_479 in 0 : vector<4096x256xbf16>, vector<64x256xbf16> -> vector<4160x256xbf16>
    %dot_general3A_481 = arith.constant dense<0.000000e+00> : vector<64x256xf32>
    %dot_general3A_482 = tpu.matmul %get3A_1, %concatenate3A_480, %dot_general3A_481 {dimension_numbers = #tpu.dot_dimension_numbers<[1], [0], [0], [1], [0, 0, 1, 1], [], []>, transpose_lhs_hint = false} : vector<64x4160xbf16>, vector<4160x256xbf16>, vector<64x256xf32> -> vector<64x256xf32>
    %transpose3A_483 = tpu.transpose %dot_general3A_482, [1, 0] : vector<64x256xf32> -> vector<256x64xf32>
    %concatenate3A_484 = tpu.concatenate %transpose3A_483, %broadcast_in_dim3A_2 in 1 : vector<256x64xf32>, vector<256x64xf32> -> vector<256x128xf32>
    %swap3A_485 = arith.constant 4608 : index
    %swap3A_486 = arith.constant 0 : index
    %swap3A_487 = vector.load %arg4[%swap3A_485, %swap3A_486] : memref<8192x128xf32, #tpu.memory_space<vmem>>, vector<256x128xf32>
    tpu.vector_store %arg4[%swap3A_485, %swap3A_486], %concatenate3A_484 {strides = array<i32>} : memref<8192x128xf32, #tpu.memory_space<vmem>>, vector<256x128xf32>,
    %get3A_488 = arith.constant 4864 : index
    %get3A_489 = arith.constant 0 : index
    %get3A_490 = vector.load %arg1[%get3A_488, %get3A_489] : memref<8192x64xbf16, #tpu.memory_space<vmem>>, vector<256x64xbf16>
    %get3A_491 = arith.constant 4864 : index
    %get3A_492 = arith.constant 0 : index
    %get3A_493 = vector.load %arg2[%get3A_491, %get3A_492] : memref<8192x128xf32, #tpu.memory_space<vmem>>, vector<256x128xf32>
    %slice3A_494 = vector.extract_strided_slice %get3A_493 {offsets = [0, 0], sizes = [256, 64], strides = [1, 1]} : vector<256x128xf32> to vector<256x64xf32>
    %transpose3A_495 = tpu.transpose %get3A_490, [1, 0] : vector<256x64xbf16> -> vector<64x256xbf16>
    %convert_element_type3A_496 = arith.extf %transpose3A_495 : vector<64x256xbf16> to vector<64x256xf32>
    %transpose3A_497 = tpu.transpose %slice3A_494, [1, 0] : vector<256x64xf32> -> vector<64x256xf32>
    %broadcast_in_dim3A_498 = vector.shape_cast %transpose3A_497 : vector<64x256xf32> to vector<64x1x256xf32>
    %broadcast_in_dim3A_499 = vector.shape_cast %broadcast_in_dim3A_498 : vector<64x1x256xf32> to vector<64x1x256xf32>
    %broadcast_in_dim3A_500 = vector.broadcast %broadcast_in_dim3A_499 : vector<64x1x256xf32> to vector<64x64x256xf32>
    %reshape3A_501 = vector.shape_cast %broadcast_in_dim3A_500 : vector<64x64x256xf32> to vector<4096x256xf32>
    %tile3A_502 = tpu.concatenate %convert_element_type3A_496, %convert_element_type3A_496, %convert_element_type3A_496, %convert_element_type3A_496, %convert_element_type3A_496, %convert_element_type3A_496, %convert_element_type3A_496, %convert_element_type3A_496, %convert_element_type3A_496, %convert_element_type3A_496, %convert_element_type3A_496, %convert_element_type3A_496, %convert_element_type3A_496, %convert_element_type3A_496, %convert_element_type3A_496, %convert_element_type3A_496, %convert_element_type3A_496, %convert_element_type3A_496, %convert_element_type3A_496, %convert_element_type3A_496, %convert_element_type3A_496, %convert_element_type3A_496, %convert_element_type3A_496, %convert_element_type3A_496, %convert_element_type3A_496, %convert_element_type3A_496, %convert_element_type3A_496, %convert_element_type3A_496, %convert_element_type3A_496, %convert_element_type3A_496, %convert_element_type3A_496, %convert_element_type3A_496, %convert_element_type3A_496, %convert_element_type3A_496, %convert_element_type3A_496, %convert_element_type3A_496, %convert_element_type3A_496, %convert_element_type3A_496, %convert_element_type3A_496, %convert_element_type3A_496, %convert_element_type3A_496, %convert_element_type3A_496, %convert_element_type3A_496, %convert_element_type3A_496, %convert_element_type3A_496, %convert_element_type3A_496, %convert_element_type3A_496, %convert_element_type3A_496, %convert_element_type3A_496, %convert_element_type3A_496, %convert_element_type3A_496, %convert_element_type3A_496, %convert_element_type3A_496, %convert_element_type3A_496, %convert_element_type3A_496, %convert_element_type3A_496, %convert_element_type3A_496, %convert_element_type3A_496, %convert_element_type3A_496, %convert_element_type3A_496, %convert_element_type3A_496, %convert_element_type3A_496, %convert_element_type3A_496, %convert_element_type3A_496 in 0 : vector<64x256xf32>, vector<64x256xf32>, vector<64x256xf32>, vector<64x256xf32>, vector<64x256xf32>, vector<64x256xf32>, vector<64x256xf32>, vector<64x256xf32>, vector<64x256xf32>, vector<64x256xf32>, vector<64x256xf32>, vector<64x256xf32>, vector<64x256xf32>, vector<64x256xf32>, vector<64x256xf32>, vector<64x256xf32>, vector<64x256xf32>, vector<64x256xf32>, vector<64x256xf32>, vector<64x256xf32>, vector<64x256xf32>, vector<64x256xf32>, vector<64x256xf32>, vector<64x256xf32>, vector<64x256xf32>, vector<64x256xf32>, vector<64x256xf32>, vector<64x256xf32>, vector<64x256xf32>, vector<64x256xf32>, vector<64x256xf32>, vector<64x256xf32>, vector<64x256xf32>, vector<64x256xf32>, vector<64x256xf32>, vector<64x256xf32>, vector<64x256xf32>, vector<64x256xf32>, vector<64x256xf32>, vector<64x256xf32>, vector<64x256xf32>, vector<64x256xf32>, vector<64x256xf32>, vector<64x256xf32>, vector<64x256xf32>, vector<64x256xf32>, vector<64x256xf32>, vector<64x256xf32>, vector<64x256xf32>, vector<64x256xf32>, vector<64x256xf32>, vector<64x256xf32>, vector<64x256xf32>, vector<64x256xf32>, vector<64x256xf32>, vector<64x256xf32>, vector<64x256xf32>, vector<64x256xf32>, vector<64x256xf32>, vector<64x256xf32>, vector<64x256xf32>, vector<64x256xf32>, vector<64x256xf32>, vector<64x256xf32> -> vector<4096x256xf32>
    %mul3A_503 = arith.mulf %reshape3A_501, %tile3A_502 : vector<4096x256xf32>
    %convert_element_type3A_504 = arith.truncf %mul3A_503 : vector<4096x256xf32> to vector<4096x256xbf16>
    %convert_element_type3A_505 = arith.truncf %transpose3A_497 : vector<64x256xf32> to vector<64x256xbf16>
    %concatenate3A_506 = tpu.concatenate %convert_element_type3A_504, %convert_element_type3A_505 in 0 : vector<4096x256xbf16>, vector<64x256xbf16> -> vector<4160x256xbf16>
    %dot_general3A_507 = arith.constant dense<0.000000e+00> : vector<64x256xf32>
    %dot_general3A_508 = tpu.matmul %get3A_1, %concatenate3A_506, %dot_general3A_507 {dimension_numbers = #tpu.dot_dimension_numbers<[1], [0], [0], [1], [0, 0, 1, 1], [], []>, transpose_lhs_hint = false} : vector<64x4160xbf16>, vector<4160x256xbf16>, vector<64x256xf32> -> vector<64x256xf32>
    %transpose3A_509 = tpu.transpose %dot_general3A_508, [1, 0] : vector<64x256xf32> -> vector<256x64xf32>
    %concatenate3A_510 = tpu.concatenate %transpose3A_509, %broadcast_in_dim3A_2 in 1 : vector<256x64xf32>, vector<256x64xf32> -> vector<256x128xf32>
    %swap3A_511 = arith.constant 4864 : index
    %swap3A_512 = arith.constant 0 : index
    %swap3A_513 = vector.load %arg4[%swap3A_511, %swap3A_512] : memref<8192x128xf32, #tpu.memory_space<vmem>>, vector<256x128xf32>
    tpu.vector_store %arg4[%swap3A_511, %swap3A_512], %concatenate3A_510 {strides = array<i32>} : memref<8192x128xf32, #tpu.memory_space<vmem>>, vector<256x128xf32>,
    %get3A_514 = arith.constant 5120 : index
    %get3A_515 = arith.constant 0 : index
    %get3A_516 = vector.load %arg1[%get3A_514, %get3A_515] : memref<8192x64xbf16, #tpu.memory_space<vmem>>, vector<256x64xbf16>
    %get3A_517 = arith.constant 5120 : index
    %get3A_518 = arith.constant 0 : index
    %get3A_519 = vector.load %arg2[%get3A_517, %get3A_518] : memref<8192x128xf32, #tpu.memory_space<vmem>>, vector<256x128xf32>
    %slice3A_520 = vector.extract_strided_slice %get3A_519 {offsets = [0, 0], sizes = [256, 64], strides = [1, 1]} : vector<256x128xf32> to vector<256x64xf32>
    %transpose3A_521 = tpu.transpose %get3A_516, [1, 0] : vector<256x64xbf16> -> vector<64x256xbf16>
    %convert_element_type3A_522 = arith.extf %transpose3A_521 : vector<64x256xbf16> to vector<64x256xf32>
    %transpose3A_523 = tpu.transpose %slice3A_520, [1, 0] : vector<256x64xf32> -> vector<64x256xf32>
    %broadcast_in_dim3A_524 = vector.shape_cast %transpose3A_523 : vector<64x256xf32> to vector<64x1x256xf32>
    %broadcast_in_dim3A_525 = vector.shape_cast %broadcast_in_dim3A_524 : vector<64x1x256xf32> to vector<64x1x256xf32>
    %broadcast_in_dim3A_526 = vector.broadcast %broadcast_in_dim3A_525 : vector<64x1x256xf32> to vector<64x64x256xf32>
    %reshape3A_527 = vector.shape_cast %broadcast_in_dim3A_526 : vector<64x64x256xf32> to vector<4096x256xf32>
    %tile3A_528 = tpu.concatenate %convert_element_type3A_522, %convert_element_type3A_522, %convert_element_type3A_522, %convert_element_type3A_522, %convert_element_type3A_522, %convert_element_type3A_522, %convert_element_type3A_522, %convert_element_type3A_522, %convert_element_type3A_522, %convert_element_type3A_522, %convert_element_type3A_522, %convert_element_type3A_522, %convert_element_type3A_522, %convert_element_type3A_522, %convert_element_type3A_522, %convert_element_type3A_522, %convert_element_type3A_522, %convert_element_type3A_522, %convert_element_type3A_522, %convert_element_type3A_522, %convert_element_type3A_522, %convert_element_type3A_522, %convert_element_type3A_522, %convert_element_type3A_522, %convert_element_type3A_522, %convert_element_type3A_522, %convert_element_type3A_522, %convert_element_type3A_522, %convert_element_type3A_522, %convert_element_type3A_522, %convert_element_type3A_522, %convert_element_type3A_522, %convert_element_type3A_522, %convert_element_type3A_522, %convert_element_type3A_522, %convert_element_type3A_522, %convert_element_type3A_522, %convert_element_type3A_522, %convert_element_type3A_522, %convert_element_type3A_522, %convert_element_type3A_522, %convert_element_type3A_522, %convert_element_type3A_522, %convert_element_type3A_522, %convert_element_type3A_522, %convert_element_type3A_522, %convert_element_type3A_522, %convert_element_type3A_522, %convert_element_type3A_522, %convert_element_type3A_522, %convert_element_type3A_522, %convert_element_type3A_522, %convert_element_type3A_522, %convert_element_type3A_522, %convert_element_type3A_522, %convert_element_type3A_522, %convert_element_type3A_522, %convert_element_type3A_522, %convert_element_type3A_522, %convert_element_type3A_522, %convert_element_type3A_522, %convert_element_type3A_522, %convert_element_type3A_522, %convert_element_type3A_522 in 0 : vector<64x256xf32>, vector<64x256xf32>, vector<64x256xf32>, vector<64x256xf32>, vector<64x256xf32>, vector<64x256xf32>, vector<64x256xf32>, vector<64x256xf32>, vector<64x256xf32>, vector<64x256xf32>, vector<64x256xf32>, vector<64x256xf32>, vector<64x256xf32>, vector<64x256xf32>, vector<64x256xf32>, vector<64x256xf32>, vector<64x256xf32>, vector<64x256xf32>, vector<64x256xf32>, vector<64x256xf32>, vector<64x256xf32>, vector<64x256xf32>, vector<64x256xf32>, vector<64x256xf32>, vector<64x256xf32>, vector<64x256xf32>, vector<64x256xf32>, vector<64x256xf32>, vector<64x256xf32>, vector<64x256xf32>, vector<64x256xf32>, vector<64x256xf32>, vector<64x256xf32>, vector<64x256xf32>, vector<64x256xf32>, vector<64x256xf32>, vector<64x256xf32>, vector<64x256xf32>, vector<64x256xf32>, vector<64x256xf32>, vector<64x256xf32>, vector<64x256xf32>, vector<64x256xf32>, vector<64x256xf32>, vector<64x256xf32>, vector<64x256xf32>, vector<64x256xf32>, vector<64x256xf32>, vector<64x256xf32>, vector<64x256xf32>, vector<64x256xf32>, vector<64x256xf32>, vector<64x256xf32>, vector<64x256xf32>, vector<64x256xf32>, vector<64x256xf32>, vector<64x256xf32>, vector<64x256xf32>, vector<64x256xf32>, vector<64x256xf32>, vector<64x256xf32>, vector<64x256xf32>, vector<64x256xf32>, vector<64x256xf32> -> vector<4096x256xf32>
    %mul3A_529 = arith.mulf %reshape3A_527, %tile3A_528 : vector<4096x256xf32>
    %convert_element_type3A_530 = arith.truncf %mul3A_529 : vector<4096x256xf32> to vector<4096x256xbf16>
    %convert_element_type3A_531 = arith.truncf %transpose3A_523 : vector<64x256xf32> to vector<64x256xbf16>
    %concatenate3A_532 = tpu.concatenate %convert_element_type3A_530, %convert_element_type3A_531 in 0 : vector<4096x256xbf16>, vector<64x256xbf16> -> vector<4160x256xbf16>
    %dot_general3A_533 = arith.constant dense<0.000000e+00> : vector<64x256xf32>
    %dot_general3A_534 = tpu.matmul %get3A_1, %concatenate3A_532, %dot_general3A_533 {dimension_numbers = #tpu.dot_dimension_numbers<[1], [0], [0], [1], [0, 0, 1, 1], [], []>, transpose_lhs_hint = false} : vector<64x4160xbf16>, vector<4160x256xbf16>, vector<64x256xf32> -> vector<64x256xf32>
    %transpose3A_535 = tpu.transpose %dot_general3A_534, [1, 0] : vector<64x256xf32> -> vector<256x64xf32>
    %concatenate3A_536 = tpu.concatenate %transpose3A_535, %broadcast_in_dim3A_2 in 1 : vector<256x64xf32>, vector<256x64xf32> -> vector<256x128xf32>
    %swap3A_537 = arith.constant 5120 : index
    %swap3A_538 = arith.constant 0 : index
    %swap3A_539 = vector.load %arg4[%swap3A_537, %swap3A_538] : memref<8192x128xf32, #tpu.memory_space<vmem>>, vector<256x128xf32>
    tpu.vector_store %arg4[%swap3A_537, %swap3A_538], %concatenate3A_536 {strides = array<i32>} : memref<8192x128xf32, #tpu.memory_space<vmem>>, vector<256x128xf32>,
    %get3A_540 = arith.constant 5376 : index
    %get3A_541 = arith.constant 0 : index
    %get3A_542 = vector.load %arg1[%get3A_540, %get3A_541] : memref<8192x64xbf16, #tpu.memory_space<vmem>>, vector<256x64xbf16>
    %get3A_543 = arith.constant 5376 : index
    %get3A_544 = arith.constant 0 : index
    %get3A_545 = vector.load %arg2[%get3A_543, %get3A_544] : memref<8192x128xf32, #tpu.memory_space<vmem>>, vector<256x128xf32>
    %slice3A_546 = vector.extract_strided_slice %get3A_545 {offsets = [0, 0], sizes = [256, 64], strides = [1, 1]} : vector<256x128xf32> to vector<256x64xf32>
    %transpose3A_547 = tpu.transpose %get3A_542, [1, 0] : vector<256x64xbf16> -> vector<64x256xbf16>
    %convert_element_type3A_548 = arith.extf %transpose3A_547 : vector<64x256xbf16> to vector<64x256xf32>
    %transpose3A_549 = tpu.transpose %slice3A_546, [1, 0] : vector<256x64xf32> -> vector<64x256xf32>
    %broadcast_in_dim3A_550 = vector.shape_cast %transpose3A_549 : vector<64x256xf32> to vector<64x1x256xf32>
    %broadcast_in_dim3A_551 = vector.shape_cast %broadcast_in_dim3A_550 : vector<64x1x256xf32> to vector<64x1x256xf32>
    %broadcast_in_dim3A_552 = vector.broadcast %broadcast_in_dim3A_551 : vector<64x1x256xf32> to vector<64x64x256xf32>
    %reshape3A_553 = vector.shape_cast %broadcast_in_dim3A_552 : vector<64x64x256xf32> to vector<4096x256xf32>
    %tile3A_554 = tpu.concatenate %convert_element_type3A_548, %convert_element_type3A_548, %convert_element_type3A_548, %convert_element_type3A_548, %convert_element_type3A_548, %convert_element_type3A_548, %convert_element_type3A_548, %convert_element_type3A_548, %convert_element_type3A_548, %convert_element_type3A_548, %convert_element_type3A_548, %convert_element_type3A_548, %convert_element_type3A_548, %convert_element_type3A_548, %convert_element_type3A_548, %convert_element_type3A_548, %convert_element_type3A_548, %convert_element_type3A_548, %convert_element_type3A_548, %convert_element_type3A_548, %convert_element_type3A_548, %convert_element_type3A_548, %convert_element_type3A_548, %convert_element_type3A_548, %convert_element_type3A_548, %convert_element_type3A_548, %convert_element_type3A_548, %convert_element_type3A_548, %convert_element_type3A_548, %convert_element_type3A_548, %convert_element_type3A_548, %convert_element_type3A_548, %convert_element_type3A_548, %convert_element_type3A_548, %convert_element_type3A_548, %convert_element_type3A_548, %convert_element_type3A_548, %convert_element_type3A_548, %convert_element_type3A_548, %convert_element_type3A_548, %convert_element_type3A_548, %convert_element_type3A_548, %convert_element_type3A_548, %convert_element_type3A_548, %convert_element_type3A_548, %convert_element_type3A_548, %convert_element_type3A_548, %convert_element_type3A_548, %convert_element_type3A_548, %convert_element_type3A_548, %convert_element_type3A_548, %convert_element_type3A_548, %convert_element_type3A_548, %convert_element_type3A_548, %convert_element_type3A_548, %convert_element_type3A_548, %convert_element_type3A_548, %convert_element_type3A_548, %convert_element_type3A_548, %convert_element_type3A_548, %convert_element_type3A_548, %convert_element_type3A_548, %convert_element_type3A_548, %convert_element_type3A_548 in 0 : vector<64x256xf32>, vector<64x256xf32>, vector<64x256xf32>, vector<64x256xf32>, vector<64x256xf32>, vector<64x256xf32>, vector<64x256xf32>, vector<64x256xf32>, vector<64x256xf32>, vector<64x256xf32>, vector<64x256xf32>, vector<64x256xf32>, vector<64x256xf32>, vector<64x256xf32>, vector<64x256xf32>, vector<64x256xf32>, vector<64x256xf32>, vector<64x256xf32>, vector<64x256xf32>, vector<64x256xf32>, vector<64x256xf32>, vector<64x256xf32>, vector<64x256xf32>, vector<64x256xf32>, vector<64x256xf32>, vector<64x256xf32>, vector<64x256xf32>, vector<64x256xf32>, vector<64x256xf32>, vector<64x256xf32>, vector<64x256xf32>, vector<64x256xf32>, vector<64x256xf32>, vector<64x256xf32>, vector<64x256xf32>, vector<64x256xf32>, vector<64x256xf32>, vector<64x256xf32>, vector<64x256xf32>, vector<64x256xf32>, vector<64x256xf32>, vector<64x256xf32>, vector<64x256xf32>, vector<64x256xf32>, vector<64x256xf32>, vector<64x256xf32>, vector<64x256xf32>, vector<64x256xf32>, vector<64x256xf32>, vector<64x256xf32>, vector<64x256xf32>, vector<64x256xf32>, vector<64x256xf32>, vector<64x256xf32>, vector<64x256xf32>, vector<64x256xf32>, vector<64x256xf32>, vector<64x256xf32>, vector<64x256xf32>, vector<64x256xf32>, vector<64x256xf32>, vector<64x256xf32>, vector<64x256xf32>, vector<64x256xf32> -> vector<4096x256xf32>
    %mul3A_555 = arith.mulf %reshape3A_553, %tile3A_554 : vector<4096x256xf32>
    %convert_element_type3A_556 = arith.truncf %mul3A_555 : vector<4096x256xf32> to vector<4096x256xbf16>
    %convert_element_type3A_557 = arith.truncf %transpose3A_549 : vector<64x256xf32> to vector<64x256xbf16>
    %concatenate3A_558 = tpu.concatenate %convert_element_type3A_556, %convert_element_type3A_557 in 0 : vector<4096x256xbf16>, vector<64x256xbf16> -> vector<4160x256xbf16>
    %dot_general3A_559 = arith.constant dense<0.000000e+00> : vector<64x256xf32>
    %dot_general3A_560 = tpu.matmul %get3A_1, %concatenate3A_558, %dot_general3A_559 {dimension_numbers = #tpu.dot_dimension_numbers<[1], [0], [0], [1], [0, 0, 1, 1], [], []>, transpose_lhs_hint = false} : vector<64x4160xbf16>, vector<4160x256xbf16>, vector<64x256xf32> -> vector<64x256xf32>
    %transpose3A_561 = tpu.transpose %dot_general3A_560, [1, 0] : vector<64x256xf32> -> vector<256x64xf32>
    %concatenate3A_562 = tpu.concatenate %transpose3A_561, %broadcast_in_dim3A_2 in 1 : vector<256x64xf32>, vector<256x64xf32> -> vector<256x128xf32>
    %swap3A_563 = arith.constant 5376 : index
    %swap3A_564 = arith.constant 0 : index
    %swap3A_565 = vector.load %arg4[%swap3A_563, %swap3A_564] : memref<8192x128xf32, #tpu.memory_space<vmem>>, vector<256x128xf32>
    tpu.vector_store %arg4[%swap3A_563, %swap3A_564], %concatenate3A_562 {strides = array<i32>} : memref<8192x128xf32, #tpu.memory_space<vmem>>, vector<256x128xf32>,
    %get3A_566 = arith.constant 5632 : index
    %get3A_567 = arith.constant 0 : index
    %get3A_568 = vector.load %arg1[%get3A_566, %get3A_567] : memref<8192x64xbf16, #tpu.memory_space<vmem>>, vector<256x64xbf16>
    %get3A_569 = arith.constant 5632 : index
    %get3A_570 = arith.constant 0 : index
    %get3A_571 = vector.load %arg2[%get3A_569, %get3A_570] : memref<8192x128xf32, #tpu.memory_space<vmem>>, vector<256x128xf32>
    %slice3A_572 = vector.extract_strided_slice %get3A_571 {offsets = [0, 0], sizes = [256, 64], strides = [1, 1]} : vector<256x128xf32> to vector<256x64xf32>
    %transpose3A_573 = tpu.transpose %get3A_568, [1, 0] : vector<256x64xbf16> -> vector<64x256xbf16>
    %convert_element_type3A_574 = arith.extf %transpose3A_573 : vector<64x256xbf16> to vector<64x256xf32>
    %transpose3A_575 = tpu.transpose %slice3A_572, [1, 0] : vector<256x64xf32> -> vector<64x256xf32>
    %broadcast_in_dim3A_576 = vector.shape_cast %transpose3A_575 : vector<64x256xf32> to vector<64x1x256xf32>
    %broadcast_in_dim3A_577 = vector.shape_cast %broadcast_in_dim3A_576 : vector<64x1x256xf32> to vector<64x1x256xf32>
    %broadcast_in_dim3A_578 = vector.broadcast %broadcast_in_dim3A_577 : vector<64x1x256xf32> to vector<64x64x256xf32>
    %reshape3A_579 = vector.shape_cast %broadcast_in_dim3A_578 : vector<64x64x256xf32> to vector<4096x256xf32>
    %tile3A_580 = tpu.concatenate %convert_element_type3A_574, %convert_element_type3A_574, %convert_element_type3A_574, %convert_element_type3A_574, %convert_element_type3A_574, %convert_element_type3A_574, %convert_element_type3A_574, %convert_element_type3A_574, %convert_element_type3A_574, %convert_element_type3A_574, %convert_element_type3A_574, %convert_element_type3A_574, %convert_element_type3A_574, %convert_element_type3A_574, %convert_element_type3A_574, %convert_element_type3A_574, %convert_element_type3A_574, %convert_element_type3A_574, %convert_element_type3A_574, %convert_element_type3A_574, %convert_element_type3A_574, %convert_element_type3A_574, %convert_element_type3A_574, %convert_element_type3A_574, %convert_element_type3A_574, %convert_element_type3A_574, %convert_element_type3A_574, %convert_element_type3A_574, %convert_element_type3A_574, %convert_element_type3A_574, %convert_element_type3A_574, %convert_element_type3A_574, %convert_element_type3A_574, %convert_element_type3A_574, %convert_element_type3A_574, %convert_element_type3A_574, %convert_element_type3A_574, %convert_element_type3A_574, %convert_element_type3A_574, %convert_element_type3A_574, %convert_element_type3A_574, %convert_element_type3A_574, %convert_element_type3A_574, %convert_element_type3A_574, %convert_element_type3A_574, %convert_element_type3A_574, %convert_element_type3A_574, %convert_element_type3A_574, %convert_element_type3A_574, %convert_element_type3A_574, %convert_element_type3A_574, %convert_element_type3A_574, %convert_element_type3A_574, %convert_element_type3A_574, %convert_element_type3A_574, %convert_element_type3A_574, %convert_element_type3A_574, %convert_element_type3A_574, %convert_element_type3A_574, %convert_element_type3A_574, %convert_element_type3A_574, %convert_element_type3A_574, %convert_element_type3A_574, %convert_element_type3A_574 in 0 : vector<64x256xf32>, vector<64x256xf32>, vector<64x256xf32>, vector<64x256xf32>, vector<64x256xf32>, vector<64x256xf32>, vector<64x256xf32>, vector<64x256xf32>, vector<64x256xf32>, vector<64x256xf32>, vector<64x256xf32>, vector<64x256xf32>, vector<64x256xf32>, vector<64x256xf32>, vector<64x256xf32>, vector<64x256xf32>, vector<64x256xf32>, vector<64x256xf32>, vector<64x256xf32>, vector<64x256xf32>, vector<64x256xf32>, vector<64x256xf32>, vector<64x256xf32>, vector<64x256xf32>, vector<64x256xf32>, vector<64x256xf32>, vector<64x256xf32>, vector<64x256xf32>, vector<64x256xf32>, vector<64x256xf32>, vector<64x256xf32>, vector<64x256xf32>, vector<64x256xf32>, vector<64x256xf32>, vector<64x256xf32>, vector<64x256xf32>, vector<64x256xf32>, vector<64x256xf32>, vector<64x256xf32>, vector<64x256xf32>, vector<64x256xf32>, vector<64x256xf32>, vector<64x256xf32>, vector<64x256xf32>, vector<64x256xf32>, vector<64x256xf32>, vector<64x256xf32>, vector<64x256xf32>, vector<64x256xf32>, vector<64x256xf32>, vector<64x256xf32>, vector<64x256xf32>, vector<64x256xf32>, vector<64x256xf32>, vector<64x256xf32>, vector<64x256xf32>, vector<64x256xf32>, vector<64x256xf32>, vector<64x256xf32>, vector<64x256xf32>, vector<64x256xf32>, vector<64x256xf32>, vector<64x256xf32>, vector<64x256xf32> -> vector<4096x256xf32>
    %mul3A_581 = arith.mulf %reshape3A_579, %tile3A_580 : vector<4096x256xf32>
    %convert_element_type3A_582 = arith.truncf %mul3A_581 : vector<4096x256xf32> to vector<4096x256xbf16>
    %convert_element_type3A_583 = arith.truncf %transpose3A_575 : vector<64x256xf32> to vector<64x256xbf16>
    %concatenate3A_584 = tpu.concatenate %convert_element_type3A_582, %convert_element_type3A_583 in 0 : vector<4096x256xbf16>, vector<64x256xbf16> -> vector<4160x256xbf16>
    %dot_general3A_585 = arith.constant dense<0.000000e+00> : vector<64x256xf32>
    %dot_general3A_586 = tpu.matmul %get3A_1, %concatenate3A_584, %dot_general3A_585 {dimension_numbers = #tpu.dot_dimension_numbers<[1], [0], [0], [1], [0, 0, 1, 1], [], []>, transpose_lhs_hint = false} : vector<64x4160xbf16>, vector<4160x256xbf16>, vector<64x256xf32> -> vector<64x256xf32>
    %transpose3A_587 = tpu.transpose %dot_general3A_586, [1, 0] : vector<64x256xf32> -> vector<256x64xf32>
    %concatenate3A_588 = tpu.concatenate %transpose3A_587, %broadcast_in_dim3A_2 in 1 : vector<256x64xf32>, vector<256x64xf32> -> vector<256x128xf32>
    %swap3A_589 = arith.constant 5632 : index
    %swap3A_590 = arith.constant 0 : index
    %swap3A_591 = vector.load %arg4[%swap3A_589, %swap3A_590] : memref<8192x128xf32, #tpu.memory_space<vmem>>, vector<256x128xf32>
    tpu.vector_store %arg4[%swap3A_589, %swap3A_590], %concatenate3A_588 {strides = array<i32>} : memref<8192x128xf32, #tpu.memory_space<vmem>>, vector<256x128xf32>,
    %get3A_592 = arith.constant 5888 : index
    %get3A_593 = arith.constant 0 : index
    %get3A_594 = vector.load %arg1[%get3A_592, %get3A_593] : memref<8192x64xbf16, #tpu.memory_space<vmem>>, vector<256x64xbf16>
    %get3A_595 = arith.constant 5888 : index
    %get3A_596 = arith.constant 0 : index
    %get3A_597 = vector.load %arg2[%get3A_595, %get3A_596] : memref<8192x128xf32, #tpu.memory_space<vmem>>, vector<256x128xf32>
    %slice3A_598 = vector.extract_strided_slice %get3A_597 {offsets = [0, 0], sizes = [256, 64], strides = [1, 1]} : vector<256x128xf32> to vector<256x64xf32>
    %transpose3A_599 = tpu.transpose %get3A_594, [1, 0] : vector<256x64xbf16> -> vector<64x256xbf16>
    %convert_element_type3A_600 = arith.extf %transpose3A_599 : vector<64x256xbf16> to vector<64x256xf32>
    %transpose3A_601 = tpu.transpose %slice3A_598, [1, 0] : vector<256x64xf32> -> vector<64x256xf32>
    %broadcast_in_dim3A_602 = vector.shape_cast %transpose3A_601 : vector<64x256xf32> to vector<64x1x256xf32>
    %broadcast_in_dim3A_603 = vector.shape_cast %broadcast_in_dim3A_602 : vector<64x1x256xf32> to vector<64x1x256xf32>
    %broadcast_in_dim3A_604 = vector.broadcast %broadcast_in_dim3A_603 : vector<64x1x256xf32> to vector<64x64x256xf32>
    %reshape3A_605 = vector.shape_cast %broadcast_in_dim3A_604 : vector<64x64x256xf32> to vector<4096x256xf32>
    %tile3A_606 = tpu.concatenate %convert_element_type3A_600, %convert_element_type3A_600, %convert_element_type3A_600, %convert_element_type3A_600, %convert_element_type3A_600, %convert_element_type3A_600, %convert_element_type3A_600, %convert_element_type3A_600, %convert_element_type3A_600, %convert_element_type3A_600, %convert_element_type3A_600, %convert_element_type3A_600, %convert_element_type3A_600, %convert_element_type3A_600, %convert_element_type3A_600, %convert_element_type3A_600, %convert_element_type3A_600, %convert_element_type3A_600, %convert_element_type3A_600, %convert_element_type3A_600, %convert_element_type3A_600, %convert_element_type3A_600, %convert_element_type3A_600, %convert_element_type3A_600, %convert_element_type3A_600, %convert_element_type3A_600, %convert_element_type3A_600, %convert_element_type3A_600, %convert_element_type3A_600, %convert_element_type3A_600, %convert_element_type3A_600, %convert_element_type3A_600, %convert_element_type3A_600, %convert_element_type3A_600, %convert_element_type3A_600, %convert_element_type3A_600, %convert_element_type3A_600, %convert_element_type3A_600, %convert_element_type3A_600, %convert_element_type3A_600, %convert_element_type3A_600, %convert_element_type3A_600, %convert_element_type3A_600, %convert_element_type3A_600, %convert_element_type3A_600, %convert_element_type3A_600, %convert_element_type3A_600, %convert_element_type3A_600, %convert_element_type3A_600, %convert_element_type3A_600, %convert_element_type3A_600, %convert_element_type3A_600, %convert_element_type3A_600, %convert_element_type3A_600, %convert_element_type3A_600, %convert_element_type3A_600, %convert_element_type3A_600, %convert_element_type3A_600, %convert_element_type3A_600, %convert_element_type3A_600, %convert_element_type3A_600, %convert_element_type3A_600, %convert_element_type3A_600, %convert_element_type3A_600 in 0 : vector<64x256xf32>, vector<64x256xf32>, vector<64x256xf32>, vector<64x256xf32>, vector<64x256xf32>, vector<64x256xf32>, vector<64x256xf32>, vector<64x256xf32>, vector<64x256xf32>, vector<64x256xf32>, vector<64x256xf32>, vector<64x256xf32>, vector<64x256xf32>, vector<64x256xf32>, vector<64x256xf32>, vector<64x256xf32>, vector<64x256xf32>, vector<64x256xf32>, vector<64x256xf32>, vector<64x256xf32>, vector<64x256xf32>, vector<64x256xf32>, vector<64x256xf32>, vector<64x256xf32>, vector<64x256xf32>, vector<64x256xf32>, vector<64x256xf32>, vector<64x256xf32>, vector<64x256xf32>, vector<64x256xf32>, vector<64x256xf32>, vector<64x256xf32>, vector<64x256xf32>, vector<64x256xf32>, vector<64x256xf32>, vector<64x256xf32>, vector<64x256xf32>, vector<64x256xf32>, vector<64x256xf32>, vector<64x256xf32>, vector<64x256xf32>, vector<64x256xf32>, vector<64x256xf32>, vector<64x256xf32>, vector<64x256xf32>, vector<64x256xf32>, vector<64x256xf32>, vector<64x256xf32>, vector<64x256xf32>, vector<64x256xf32>, vector<64x256xf32>, vector<64x256xf32>, vector<64x256xf32>, vector<64x256xf32>, vector<64x256xf32>, vector<64x256xf32>, vector<64x256xf32>, vector<64x256xf32>, vector<64x256xf32>, vector<64x256xf32>, vector<64x256xf32>, vector<64x256xf32>, vector<64x256xf32>, vector<64x256xf32> -> vector<4096x256xf32>
    %mul3A_607 = arith.mulf %reshape3A_605, %tile3A_606 : vector<4096x256xf32>
    %convert_element_type3A_608 = arith.truncf %mul3A_607 : vector<4096x256xf32> to vector<4096x256xbf16>
    %convert_element_type3A_609 = arith.truncf %transpose3A_601 : vector<64x256xf32> to vector<64x256xbf16>
    %concatenate3A_610 = tpu.concatenate %convert_element_type3A_608, %convert_element_type3A_609 in 0 : vector<4096x256xbf16>, vector<64x256xbf16> -> vector<4160x256xbf16>
    %dot_general3A_611 = arith.constant dense<0.000000e+00> : vector<64x256xf32>
    %dot_general3A_612 = tpu.matmul %get3A_1, %concatenate3A_610, %dot_general3A_611 {dimension_numbers = #tpu.dot_dimension_numbers<[1], [0], [0], [1], [0, 0, 1, 1], [], []>, transpose_lhs_hint = false} : vector<64x4160xbf16>, vector<4160x256xbf16>, vector<64x256xf32> -> vector<64x256xf32>
    %transpose3A_613 = tpu.transpose %dot_general3A_612, [1, 0] : vector<64x256xf32> -> vector<256x64xf32>
    %concatenate3A_614 = tpu.concatenate %transpose3A_613, %broadcast_in_dim3A_2 in 1 : vector<256x64xf32>, vector<256x64xf32> -> vector<256x128xf32>
    %swap3A_615 = arith.constant 5888 : index
    %swap3A_616 = arith.constant 0 : index
    %swap3A_617 = vector.load %arg4[%swap3A_615, %swap3A_616] : memref<8192x128xf32, #tpu.memory_space<vmem>>, vector<256x128xf32>
    tpu.vector_store %arg4[%swap3A_615, %swap3A_616], %concatenate3A_614 {strides = array<i32>} : memref<8192x128xf32, #tpu.memory_space<vmem>>, vector<256x128xf32>,
    %get3A_618 = arith.constant 6144 : index
    %get3A_619 = arith.constant 0 : index
    %get3A_620 = vector.load %arg1[%get3A_618, %get3A_619] : memref<8192x64xbf16, #tpu.memory_space<vmem>>, vector<256x64xbf16>
    %get3A_621 = arith.constant 6144 : index
    %get3A_622 = arith.constant 0 : index
    %get3A_623 = vector.load %arg2[%get3A_621, %get3A_622] : memref<8192x128xf32, #tpu.memory_space<vmem>>, vector<256x128xf32>
    %slice3A_624 = vector.extract_strided_slice %get3A_623 {offsets = [0, 0], sizes = [256, 64], strides = [1, 1]} : vector<256x128xf32> to vector<256x64xf32>
    %transpose3A_625 = tpu.transpose %get3A_620, [1, 0] : vector<256x64xbf16> -> vector<64x256xbf16>
    %convert_element_type3A_626 = arith.extf %transpose3A_625 : vector<64x256xbf16> to vector<64x256xf32>
    %transpose3A_627 = tpu.transpose %slice3A_624, [1, 0] : vector<256x64xf32> -> vector<64x256xf32>
    %broadcast_in_dim3A_628 = vector.shape_cast %transpose3A_627 : vector<64x256xf32> to vector<64x1x256xf32>
    %broadcast_in_dim3A_629 = vector.shape_cast %broadcast_in_dim3A_628 : vector<64x1x256xf32> to vector<64x1x256xf32>
    %broadcast_in_dim3A_630 = vector.broadcast %broadcast_in_dim3A_629 : vector<64x1x256xf32> to vector<64x64x256xf32>
    %reshape3A_631 = vector.shape_cast %broadcast_in_dim3A_630 : vector<64x64x256xf32> to vector<4096x256xf32>
    %tile3A_632 = tpu.concatenate %convert_element_type3A_626, %convert_element_type3A_626, %convert_element_type3A_626, %convert_element_type3A_626, %convert_element_type3A_626, %convert_element_type3A_626, %convert_element_type3A_626, %convert_element_type3A_626, %convert_element_type3A_626, %convert_element_type3A_626, %convert_element_type3A_626, %convert_element_type3A_626, %convert_element_type3A_626, %convert_element_type3A_626, %convert_element_type3A_626, %convert_element_type3A_626, %convert_element_type3A_626, %convert_element_type3A_626, %convert_element_type3A_626, %convert_element_type3A_626, %convert_element_type3A_626, %convert_element_type3A_626, %convert_element_type3A_626, %convert_element_type3A_626, %convert_element_type3A_626, %convert_element_type3A_626, %convert_element_type3A_626, %convert_element_type3A_626, %convert_element_type3A_626, %convert_element_type3A_626, %convert_element_type3A_626, %convert_element_type3A_626, %convert_element_type3A_626, %convert_element_type3A_626, %convert_element_type3A_626, %convert_element_type3A_626, %convert_element_type3A_626, %convert_element_type3A_626, %convert_element_type3A_626, %convert_element_type3A_626, %convert_element_type3A_626, %convert_element_type3A_626, %convert_element_type3A_626, %convert_element_type3A_626, %convert_element_type3A_626, %convert_element_type3A_626, %convert_element_type3A_626, %convert_element_type3A_626, %convert_element_type3A_626, %convert_element_type3A_626, %convert_element_type3A_626, %convert_element_type3A_626, %convert_element_type3A_626, %convert_element_type3A_626, %convert_element_type3A_626, %convert_element_type3A_626, %convert_element_type3A_626, %convert_element_type3A_626, %convert_element_type3A_626, %convert_element_type3A_626, %convert_element_type3A_626, %convert_element_type3A_626, %convert_element_type3A_626, %convert_element_type3A_626 in 0 : vector<64x256xf32>, vector<64x256xf32>, vector<64x256xf32>, vector<64x256xf32>, vector<64x256xf32>, vector<64x256xf32>, vector<64x256xf32>, vector<64x256xf32>, vector<64x256xf32>, vector<64x256xf32>, vector<64x256xf32>, vector<64x256xf32>, vector<64x256xf32>, vector<64x256xf32>, vector<64x256xf32>, vector<64x256xf32>, vector<64x256xf32>, vector<64x256xf32>, vector<64x256xf32>, vector<64x256xf32>, vector<64x256xf32>, vector<64x256xf32>, vector<64x256xf32>, vector<64x256xf32>, vector<64x256xf32>, vector<64x256xf32>, vector<64x256xf32>, vector<64x256xf32>, vector<64x256xf32>, vector<64x256xf32>, vector<64x256xf32>, vector<64x256xf32>, vector<64x256xf32>, vector<64x256xf32>, vector<64x256xf32>, vector<64x256xf32>, vector<64x256xf32>, vector<64x256xf32>, vector<64x256xf32>, vector<64x256xf32>, vector<64x256xf32>, vector<64x256xf32>, vector<64x256xf32>, vector<64x256xf32>, vector<64x256xf32>, vector<64x256xf32>, vector<64x256xf32>, vector<64x256xf32>, vector<64x256xf32>, vector<64x256xf32>, vector<64x256xf32>, vector<64x256xf32>, vector<64x256xf32>, vector<64x256xf32>, vector<64x256xf32>, vector<64x256xf32>, vector<64x256xf32>, vector<64x256xf32>, vector<64x256xf32>, vector<64x256xf32>, vector<64x256xf32>, vector<64x256xf32>, vector<64x256xf32>, vector<64x256xf32> -> vector<4096x256xf32>
    %mul3A_633 = arith.mulf %reshape3A_631, %tile3A_632 : vector<4096x256xf32>
    %convert_element_type3A_634 = arith.truncf %mul3A_633 : vector<4096x256xf32> to vector<4096x256xbf16>
    %convert_element_type3A_635 = arith.truncf %transpose3A_627 : vector<64x256xf32> to vector<64x256xbf16>
    %concatenate3A_636 = tpu.concatenate %convert_element_type3A_634, %convert_element_type3A_635 in 0 : vector<4096x256xbf16>, vector<64x256xbf16> -> vector<4160x256xbf16>
    %dot_general3A_637 = arith.constant dense<0.000000e+00> : vector<64x256xf32>
    %dot_general3A_638 = tpu.matmul %get3A_1, %concatenate3A_636, %dot_general3A_637 {dimension_numbers = #tpu.dot_dimension_numbers<[1], [0], [0], [1], [0, 0, 1, 1], [], []>, transpose_lhs_hint = false} : vector<64x4160xbf16>, vector<4160x256xbf16>, vector<64x256xf32> -> vector<64x256xf32>
    %transpose3A_639 = tpu.transpose %dot_general3A_638, [1, 0] : vector<64x256xf32> -> vector<256x64xf32>
    %concatenate3A_640 = tpu.concatenate %transpose3A_639, %broadcast_in_dim3A_2 in 1 : vector<256x64xf32>, vector<256x64xf32> -> vector<256x128xf32>
    %swap3A_641 = arith.constant 6144 : index
    %swap3A_642 = arith.constant 0 : index
    %swap3A_643 = vector.load %arg4[%swap3A_641, %swap3A_642] : memref<8192x128xf32, #tpu.memory_space<vmem>>, vector<256x128xf32>
    tpu.vector_store %arg4[%swap3A_641, %swap3A_642], %concatenate3A_640 {strides = array<i32>} : memref<8192x128xf32, #tpu.memory_space<vmem>>, vector<256x128xf32>,
    %get3A_644 = arith.constant 6400 : index
    %get3A_645 = arith.constant 0 : index
    %get3A_646 = vector.load %arg1[%get3A_644, %get3A_645] : memref<8192x64xbf16, #tpu.memory_space<vmem>>, vector<256x64xbf16>
    %get3A_647 = arith.constant 6400 : index
    %get3A_648 = arith.constant 0 : index
    %get3A_649 = vector.load %arg2[%get3A_647, %get3A_648] : memref<8192x128xf32, #tpu.memory_space<vmem>>, vector<256x128xf32>
    %slice3A_650 = vector.extract_strided_slice %get3A_649 {offsets = [0, 0], sizes = [256, 64], strides = [1, 1]} : vector<256x128xf32> to vector<256x64xf32>
    %transpose3A_651 = tpu.transpose %get3A_646, [1, 0] : vector<256x64xbf16> -> vector<64x256xbf16>
    %convert_element_type3A_652 = arith.extf %transpose3A_651 : vector<64x256xbf16> to vector<64x256xf32>
    %transpose3A_653 = tpu.transpose %slice3A_650, [1, 0] : vector<256x64xf32> -> vector<64x256xf32>
    %broadcast_in_dim3A_654 = vector.shape_cast %transpose3A_653 : vector<64x256xf32> to vector<64x1x256xf32>
    %broadcast_in_dim3A_655 = vector.shape_cast %broadcast_in_dim3A_654 : vector<64x1x256xf32> to vector<64x1x256xf32>
    %broadcast_in_dim3A_656 = vector.broadcast %broadcast_in_dim3A_655 : vector<64x1x256xf32> to vector<64x64x256xf32>
    %reshape3A_657 = vector.shape_cast %broadcast_in_dim3A_656 : vector<64x64x256xf32> to vector<4096x256xf32>
    %tile3A_658 = tpu.concatenate %convert_element_type3A_652, %convert_element_type3A_652, %convert_element_type3A_652, %convert_element_type3A_652, %convert_element_type3A_652, %convert_element_type3A_652, %convert_element_type3A_652, %convert_element_type3A_652, %convert_element_type3A_652, %convert_element_type3A_652, %convert_element_type3A_652, %convert_element_type3A_652, %convert_element_type3A_652, %convert_element_type3A_652, %convert_element_type3A_652, %convert_element_type3A_652, %convert_element_type3A_652, %convert_element_type3A_652, %convert_element_type3A_652, %convert_element_type3A_652, %convert_element_type3A_652, %convert_element_type3A_652, %convert_element_type3A_652, %convert_element_type3A_652, %convert_element_type3A_652, %convert_element_type3A_652, %convert_element_type3A_652, %convert_element_type3A_652, %convert_element_type3A_652, %convert_element_type3A_652, %convert_element_type3A_652, %convert_element_type3A_652, %convert_element_type3A_652, %convert_element_type3A_652, %convert_element_type3A_652, %convert_element_type3A_652, %convert_element_type3A_652, %convert_element_type3A_652, %convert_element_type3A_652, %convert_element_type3A_652, %convert_element_type3A_652, %convert_element_type3A_652, %convert_element_type3A_652, %convert_element_type3A_652, %convert_element_type3A_652, %convert_element_type3A_652, %convert_element_type3A_652, %convert_element_type3A_652, %convert_element_type3A_652, %convert_element_type3A_652, %convert_element_type3A_652, %convert_element_type3A_652, %convert_element_type3A_652, %convert_element_type3A_652, %convert_element_type3A_652, %convert_element_type3A_652, %convert_element_type3A_652, %convert_element_type3A_652, %convert_element_type3A_652, %convert_element_type3A_652, %convert_element_type3A_652, %convert_element_type3A_652, %convert_element_type3A_652, %convert_element_type3A_652 in 0 : vector<64x256xf32>, vector<64x256xf32>, vector<64x256xf32>, vector<64x256xf32>, vector<64x256xf32>, vector<64x256xf32>, vector<64x256xf32>, vector<64x256xf32>, vector<64x256xf32>, vector<64x256xf32>, vector<64x256xf32>, vector<64x256xf32>, vector<64x256xf32>, vector<64x256xf32>, vector<64x256xf32>, vector<64x256xf32>, vector<64x256xf32>, vector<64x256xf32>, vector<64x256xf32>, vector<64x256xf32>, vector<64x256xf32>, vector<64x256xf32>, vector<64x256xf32>, vector<64x256xf32>, vector<64x256xf32>, vector<64x256xf32>, vector<64x256xf32>, vector<64x256xf32>, vector<64x256xf32>, vector<64x256xf32>, vector<64x256xf32>, vector<64x256xf32>, vector<64x256xf32>, vector<64x256xf32>, vector<64x256xf32>, vector<64x256xf32>, vector<64x256xf32>, vector<64x256xf32>, vector<64x256xf32>, vector<64x256xf32>, vector<64x256xf32>, vector<64x256xf32>, vector<64x256xf32>, vector<64x256xf32>, vector<64x256xf32>, vector<64x256xf32>, vector<64x256xf32>, vector<64x256xf32>, vector<64x256xf32>, vector<64x256xf32>, vector<64x256xf32>, vector<64x256xf32>, vector<64x256xf32>, vector<64x256xf32>, vector<64x256xf32>, vector<64x256xf32>, vector<64x256xf32>, vector<64x256xf32>, vector<64x256xf32>, vector<64x256xf32>, vector<64x256xf32>, vector<64x256xf32>, vector<64x256xf32>, vector<64x256xf32> -> vector<4096x256xf32>
    %mul3A_659 = arith.mulf %reshape3A_657, %tile3A_658 : vector<4096x256xf32>
    %convert_element_type3A_660 = arith.truncf %mul3A_659 : vector<4096x256xf32> to vector<4096x256xbf16>
    %convert_element_type3A_661 = arith.truncf %transpose3A_653 : vector<64x256xf32> to vector<64x256xbf16>
    %concatenate3A_662 = tpu.concatenate %convert_element_type3A_660, %convert_element_type3A_661 in 0 : vector<4096x256xbf16>, vector<64x256xbf16> -> vector<4160x256xbf16>
    %dot_general3A_663 = arith.constant dense<0.000000e+00> : vector<64x256xf32>
    %dot_general3A_664 = tpu.matmul %get3A_1, %concatenate3A_662, %dot_general3A_663 {dimension_numbers = #tpu.dot_dimension_numbers<[1], [0], [0], [1], [0, 0, 1, 1], [], []>, transpose_lhs_hint = false} : vector<64x4160xbf16>, vector<4160x256xbf16>, vector<64x256xf32> -> vector<64x256xf32>
    %transpose3A_665 = tpu.transpose %dot_general3A_664, [1, 0] : vector<64x256xf32> -> vector<256x64xf32>
    %concatenate3A_666 = tpu.concatenate %transpose3A_665, %broadcast_in_dim3A_2 in 1 : vector<256x64xf32>, vector<256x64xf32> -> vector<256x128xf32>
    %swap3A_667 = arith.constant 6400 : index
    %swap3A_668 = arith.constant 0 : index
    %swap3A_669 = vector.load %arg4[%swap3A_667, %swap3A_668] : memref<8192x128xf32, #tpu.memory_space<vmem>>, vector<256x128xf32>
    tpu.vector_store %arg4[%swap3A_667, %swap3A_668], %concatenate3A_666 {strides = array<i32>} : memref<8192x128xf32, #tpu.memory_space<vmem>>, vector<256x128xf32>,
    %get3A_670 = arith.constant 6656 : index
    %get3A_671 = arith.constant 0 : index
    %get3A_672 = vector.load %arg1[%get3A_670, %get3A_671] : memref<8192x64xbf16, #tpu.memory_space<vmem>>, vector<256x64xbf16>
    %get3A_673 = arith.constant 6656 : index
    %get3A_674 = arith.constant 0 : index
    %get3A_675 = vector.load %arg2[%get3A_673, %get3A_674] : memref<8192x128xf32, #tpu.memory_space<vmem>>, vector<256x128xf32>
    %slice3A_676 = vector.extract_strided_slice %get3A_675 {offsets = [0, 0], sizes = [256, 64], strides = [1, 1]} : vector<256x128xf32> to vector<256x64xf32>
    %transpose3A_677 = tpu.transpose %get3A_672, [1, 0] : vector<256x64xbf16> -> vector<64x256xbf16>
    %convert_element_type3A_678 = arith.extf %transpose3A_677 : vector<64x256xbf16> to vector<64x256xf32>
    %transpose3A_679 = tpu.transpose %slice3A_676, [1, 0] : vector<256x64xf32> -> vector<64x256xf32>
    %broadcast_in_dim3A_680 = vector.shape_cast %transpose3A_679 : vector<64x256xf32> to vector<64x1x256xf32>
    %broadcast_in_dim3A_681 = vector.shape_cast %broadcast_in_dim3A_680 : vector<64x1x256xf32> to vector<64x1x256xf32>
    %broadcast_in_dim3A_682 = vector.broadcast %broadcast_in_dim3A_681 : vector<64x1x256xf32> to vector<64x64x256xf32>
    %reshape3A_683 = vector.shape_cast %broadcast_in_dim3A_682 : vector<64x64x256xf32> to vector<4096x256xf32>
    %tile3A_684 = tpu.concatenate %convert_element_type3A_678, %convert_element_type3A_678, %convert_element_type3A_678, %convert_element_type3A_678, %convert_element_type3A_678, %convert_element_type3A_678, %convert_element_type3A_678, %convert_element_type3A_678, %convert_element_type3A_678, %convert_element_type3A_678, %convert_element_type3A_678, %convert_element_type3A_678, %convert_element_type3A_678, %convert_element_type3A_678, %convert_element_type3A_678, %convert_element_type3A_678, %convert_element_type3A_678, %convert_element_type3A_678, %convert_element_type3A_678, %convert_element_type3A_678, %convert_element_type3A_678, %convert_element_type3A_678, %convert_element_type3A_678, %convert_element_type3A_678, %convert_element_type3A_678, %convert_element_type3A_678, %convert_element_type3A_678, %convert_element_type3A_678, %convert_element_type3A_678, %convert_element_type3A_678, %convert_element_type3A_678, %convert_element_type3A_678, %convert_element_type3A_678, %convert_element_type3A_678, %convert_element_type3A_678, %convert_element_type3A_678, %convert_element_type3A_678, %convert_element_type3A_678, %convert_element_type3A_678, %convert_element_type3A_678, %convert_element_type3A_678, %convert_element_type3A_678, %convert_element_type3A_678, %convert_element_type3A_678, %convert_element_type3A_678, %convert_element_type3A_678, %convert_element_type3A_678, %convert_element_type3A_678, %convert_element_type3A_678, %convert_element_type3A_678, %convert_element_type3A_678, %convert_element_type3A_678, %convert_element_type3A_678, %convert_element_type3A_678, %convert_element_type3A_678, %convert_element_type3A_678, %convert_element_type3A_678, %convert_element_type3A_678, %convert_element_type3A_678, %convert_element_type3A_678, %convert_element_type3A_678, %convert_element_type3A_678, %convert_element_type3A_678, %convert_element_type3A_678 in 0 : vector<64x256xf32>, vector<64x256xf32>, vector<64x256xf32>, vector<64x256xf32>, vector<64x256xf32>, vector<64x256xf32>, vector<64x256xf32>, vector<64x256xf32>, vector<64x256xf32>, vector<64x256xf32>, vector<64x256xf32>, vector<64x256xf32>, vector<64x256xf32>, vector<64x256xf32>, vector<64x256xf32>, vector<64x256xf32>, vector<64x256xf32>, vector<64x256xf32>, vector<64x256xf32>, vector<64x256xf32>, vector<64x256xf32>, vector<64x256xf32>, vector<64x256xf32>, vector<64x256xf32>, vector<64x256xf32>, vector<64x256xf32>, vector<64x256xf32>, vector<64x256xf32>, vector<64x256xf32>, vector<64x256xf32>, vector<64x256xf32>, vector<64x256xf32>, vector<64x256xf32>, vector<64x256xf32>, vector<64x256xf32>, vector<64x256xf32>, vector<64x256xf32>, vector<64x256xf32>, vector<64x256xf32>, vector<64x256xf32>, vector<64x256xf32>, vector<64x256xf32>, vector<64x256xf32>, vector<64x256xf32>, vector<64x256xf32>, vector<64x256xf32>, vector<64x256xf32>, vector<64x256xf32>, vector<64x256xf32>, vector<64x256xf32>, vector<64x256xf32>, vector<64x256xf32>, vector<64x256xf32>, vector<64x256xf32>, vector<64x256xf32>, vector<64x256xf32>, vector<64x256xf32>, vector<64x256xf32>, vector<64x256xf32>, vector<64x256xf32>, vector<64x256xf32>, vector<64x256xf32>, vector<64x256xf32>, vector<64x256xf32> -> vector<4096x256xf32>
    %mul3A_685 = arith.mulf %reshape3A_683, %tile3A_684 : vector<4096x256xf32>
    %convert_element_type3A_686 = arith.truncf %mul3A_685 : vector<4096x256xf32> to vector<4096x256xbf16>
    %convert_element_type3A_687 = arith.truncf %transpose3A_679 : vector<64x256xf32> to vector<64x256xbf16>
    %concatenate3A_688 = tpu.concatenate %convert_element_type3A_686, %convert_element_type3A_687 in 0 : vector<4096x256xbf16>, vector<64x256xbf16> -> vector<4160x256xbf16>
    %dot_general3A_689 = arith.constant dense<0.000000e+00> : vector<64x256xf32>
    %dot_general3A_690 = tpu.matmul %get3A_1, %concatenate3A_688, %dot_general3A_689 {dimension_numbers = #tpu.dot_dimension_numbers<[1], [0], [0], [1], [0, 0, 1, 1], [], []>, transpose_lhs_hint = false} : vector<64x4160xbf16>, vector<4160x256xbf16>, vector<64x256xf32> -> vector<64x256xf32>
    %transpose3A_691 = tpu.transpose %dot_general3A_690, [1, 0] : vector<64x256xf32> -> vector<256x64xf32>
    %concatenate3A_692 = tpu.concatenate %transpose3A_691, %broadcast_in_dim3A_2 in 1 : vector<256x64xf32>, vector<256x64xf32> -> vector<256x128xf32>
    %swap3A_693 = arith.constant 6656 : index
    %swap3A_694 = arith.constant 0 : index
    %swap3A_695 = vector.load %arg4[%swap3A_693, %swap3A_694] : memref<8192x128xf32, #tpu.memory_space<vmem>>, vector<256x128xf32>
    tpu.vector_store %arg4[%swap3A_693, %swap3A_694], %concatenate3A_692 {strides = array<i32>} : memref<8192x128xf32, #tpu.memory_space<vmem>>, vector<256x128xf32>,
    %get3A_696 = arith.constant 6912 : index
    %get3A_697 = arith.constant 0 : index
    %get3A_698 = vector.load %arg1[%get3A_696, %get3A_697] : memref<8192x64xbf16, #tpu.memory_space<vmem>>, vector<256x64xbf16>
    %get3A_699 = arith.constant 6912 : index
    %get3A_700 = arith.constant 0 : index
    %get3A_701 = vector.load %arg2[%get3A_699, %get3A_700] : memref<8192x128xf32, #tpu.memory_space<vmem>>, vector<256x128xf32>
    %slice3A_702 = vector.extract_strided_slice %get3A_701 {offsets = [0, 0], sizes = [256, 64], strides = [1, 1]} : vector<256x128xf32> to vector<256x64xf32>
    %transpose3A_703 = tpu.transpose %get3A_698, [1, 0] : vector<256x64xbf16> -> vector<64x256xbf16>
    %convert_element_type3A_704 = arith.extf %transpose3A_703 : vector<64x256xbf16> to vector<64x256xf32>
    %transpose3A_705 = tpu.transpose %slice3A_702, [1, 0] : vector<256x64xf32> -> vector<64x256xf32>
    %broadcast_in_dim3A_706 = vector.shape_cast %transpose3A_705 : vector<64x256xf32> to vector<64x1x256xf32>
    %broadcast_in_dim3A_707 = vector.shape_cast %broadcast_in_dim3A_706 : vector<64x1x256xf32> to vector<64x1x256xf32>
    %broadcast_in_dim3A_708 = vector.broadcast %broadcast_in_dim3A_707 : vector<64x1x256xf32> to vector<64x64x256xf32>
    %reshape3A_709 = vector.shape_cast %broadcast_in_dim3A_708 : vector<64x64x256xf32> to vector<4096x256xf32>
    %tile3A_710 = tpu.concatenate %convert_element_type3A_704, %convert_element_type3A_704, %convert_element_type3A_704, %convert_element_type3A_704, %convert_element_type3A_704, %convert_element_type3A_704, %convert_element_type3A_704, %convert_element_type3A_704, %convert_element_type3A_704, %convert_element_type3A_704, %convert_element_type3A_704, %convert_element_type3A_704, %convert_element_type3A_704, %convert_element_type3A_704, %convert_element_type3A_704, %convert_element_type3A_704, %convert_element_type3A_704, %convert_element_type3A_704, %convert_element_type3A_704, %convert_element_type3A_704, %convert_element_type3A_704, %convert_element_type3A_704, %convert_element_type3A_704, %convert_element_type3A_704, %convert_element_type3A_704, %convert_element_type3A_704, %convert_element_type3A_704, %convert_element_type3A_704, %convert_element_type3A_704, %convert_element_type3A_704, %convert_element_type3A_704, %convert_element_type3A_704, %convert_element_type3A_704, %convert_element_type3A_704, %convert_element_type3A_704, %convert_element_type3A_704, %convert_element_type3A_704, %convert_element_type3A_704, %convert_element_type3A_704, %convert_element_type3A_704, %convert_element_type3A_704, %convert_element_type3A_704, %convert_element_type3A_704, %convert_element_type3A_704, %convert_element_type3A_704, %convert_element_type3A_704, %convert_element_type3A_704, %convert_element_type3A_704, %convert_element_type3A_704, %convert_element_type3A_704, %convert_element_type3A_704, %convert_element_type3A_704, %convert_element_type3A_704, %convert_element_type3A_704, %convert_element_type3A_704, %convert_element_type3A_704, %convert_element_type3A_704, %convert_element_type3A_704, %convert_element_type3A_704, %convert_element_type3A_704, %convert_element_type3A_704, %convert_element_type3A_704, %convert_element_type3A_704, %convert_element_type3A_704 in 0 : vector<64x256xf32>, vector<64x256xf32>, vector<64x256xf32>, vector<64x256xf32>, vector<64x256xf32>, vector<64x256xf32>, vector<64x256xf32>, vector<64x256xf32>, vector<64x256xf32>, vector<64x256xf32>, vector<64x256xf32>, vector<64x256xf32>, vector<64x256xf32>, vector<64x256xf32>, vector<64x256xf32>, vector<64x256xf32>, vector<64x256xf32>, vector<64x256xf32>, vector<64x256xf32>, vector<64x256xf32>, vector<64x256xf32>, vector<64x256xf32>, vector<64x256xf32>, vector<64x256xf32>, vector<64x256xf32>, vector<64x256xf32>, vector<64x256xf32>, vector<64x256xf32>, vector<64x256xf32>, vector<64x256xf32>, vector<64x256xf32>, vector<64x256xf32>, vector<64x256xf32>, vector<64x256xf32>, vector<64x256xf32>, vector<64x256xf32>, vector<64x256xf32>, vector<64x256xf32>, vector<64x256xf32>, vector<64x256xf32>, vector<64x256xf32>, vector<64x256xf32>, vector<64x256xf32>, vector<64x256xf32>, vector<64x256xf32>, vector<64x256xf32>, vector<64x256xf32>, vector<64x256xf32>, vector<64x256xf32>, vector<64x256xf32>, vector<64x256xf32>, vector<64x256xf32>, vector<64x256xf32>, vector<64x256xf32>, vector<64x256xf32>, vector<64x256xf32>, vector<64x256xf32>, vector<64x256xf32>, vector<64x256xf32>, vector<64x256xf32>, vector<64x256xf32>, vector<64x256xf32>, vector<64x256xf32>, vector<64x256xf32> -> vector<4096x256xf32>
    %mul3A_711 = arith.mulf %reshape3A_709, %tile3A_710 : vector<4096x256xf32>
    %convert_element_type3A_712 = arith.truncf %mul3A_711 : vector<4096x256xf32> to vector<4096x256xbf16>
    %convert_element_type3A_713 = arith.truncf %transpose3A_705 : vector<64x256xf32> to vector<64x256xbf16>
    %concatenate3A_714 = tpu.concatenate %convert_element_type3A_712, %convert_element_type3A_713 in 0 : vector<4096x256xbf16>, vector<64x256xbf16> -> vector<4160x256xbf16>
    %dot_general3A_715 = arith.constant dense<0.000000e+00> : vector<64x256xf32>
    %dot_general3A_716 = tpu.matmul %get3A_1, %concatenate3A_714, %dot_general3A_715 {dimension_numbers = #tpu.dot_dimension_numbers<[1], [0], [0], [1], [0, 0, 1, 1], [], []>, transpose_lhs_hint = false} : vector<64x4160xbf16>, vector<4160x256xbf16>, vector<64x256xf32> -> vector<64x256xf32>
    %transpose3A_717 = tpu.transpose %dot_general3A_716, [1, 0] : vector<64x256xf32> -> vector<256x64xf32>
    %concatenate3A_718 = tpu.concatenate %transpose3A_717, %broadcast_in_dim3A_2 in 1 : vector<256x64xf32>, vector<256x64xf32> -> vector<256x128xf32>
    %swap3A_719 = arith.constant 6912 : index
    %swap3A_720 = arith.constant 0 : index
    %swap3A_721 = vector.load %arg4[%swap3A_719, %swap3A_720] : memref<8192x128xf32, #tpu.memory_space<vmem>>, vector<256x128xf32>
    tpu.vector_store %arg4[%swap3A_719, %swap3A_720], %concatenate3A_718 {strides = array<i32>} : memref<8192x128xf32, #tpu.memory_space<vmem>>, vector<256x128xf32>,
    %get3A_722 = arith.constant 7168 : index
    %get3A_723 = arith.constant 0 : index
    %get3A_724 = vector.load %arg1[%get3A_722, %get3A_723] : memref<8192x64xbf16, #tpu.memory_space<vmem>>, vector<256x64xbf16>
    %get3A_725 = arith.constant 7168 : index
    %get3A_726 = arith.constant 0 : index
    %get3A_727 = vector.load %arg2[%get3A_725, %get3A_726] : memref<8192x128xf32, #tpu.memory_space<vmem>>, vector<256x128xf32>
    %slice3A_728 = vector.extract_strided_slice %get3A_727 {offsets = [0, 0], sizes = [256, 64], strides = [1, 1]} : vector<256x128xf32> to vector<256x64xf32>
    %transpose3A_729 = tpu.transpose %get3A_724, [1, 0] : vector<256x64xbf16> -> vector<64x256xbf16>
    %convert_element_type3A_730 = arith.extf %transpose3A_729 : vector<64x256xbf16> to vector<64x256xf32>
    %transpose3A_731 = tpu.transpose %slice3A_728, [1, 0] : vector<256x64xf32> -> vector<64x256xf32>
    %broadcast_in_dim3A_732 = vector.shape_cast %transpose3A_731 : vector<64x256xf32> to vector<64x1x256xf32>
    %broadcast_in_dim3A_733 = vector.shape_cast %broadcast_in_dim3A_732 : vector<64x1x256xf32> to vector<64x1x256xf32>
    %broadcast_in_dim3A_734 = vector.broadcast %broadcast_in_dim3A_733 : vector<64x1x256xf32> to vector<64x64x256xf32>
    %reshape3A_735 = vector.shape_cast %broadcast_in_dim3A_734 : vector<64x64x256xf32> to vector<4096x256xf32>
    %tile3A_736 = tpu.concatenate %convert_element_type3A_730, %convert_element_type3A_730, %convert_element_type3A_730, %convert_element_type3A_730, %convert_element_type3A_730, %convert_element_type3A_730, %convert_element_type3A_730, %convert_element_type3A_730, %convert_element_type3A_730, %convert_element_type3A_730, %convert_element_type3A_730, %convert_element_type3A_730, %convert_element_type3A_730, %convert_element_type3A_730, %convert_element_type3A_730, %convert_element_type3A_730, %convert_element_type3A_730, %convert_element_type3A_730, %convert_element_type3A_730, %convert_element_type3A_730, %convert_element_type3A_730, %convert_element_type3A_730, %convert_element_type3A_730, %convert_element_type3A_730, %convert_element_type3A_730, %convert_element_type3A_730, %convert_element_type3A_730, %convert_element_type3A_730, %convert_element_type3A_730, %convert_element_type3A_730, %convert_element_type3A_730, %convert_element_type3A_730, %convert_element_type3A_730, %convert_element_type3A_730, %convert_element_type3A_730, %convert_element_type3A_730, %convert_element_type3A_730, %convert_element_type3A_730, %convert_element_type3A_730, %convert_element_type3A_730, %convert_element_type3A_730, %convert_element_type3A_730, %convert_element_type3A_730, %convert_element_type3A_730, %convert_element_type3A_730, %convert_element_type3A_730, %convert_element_type3A_730, %convert_element_type3A_730, %convert_element_type3A_730, %convert_element_type3A_730, %convert_element_type3A_730, %convert_element_type3A_730, %convert_element_type3A_730, %convert_element_type3A_730, %convert_element_type3A_730, %convert_element_type3A_730, %convert_element_type3A_730, %convert_element_type3A_730, %convert_element_type3A_730, %convert_element_type3A_730, %convert_element_type3A_730, %convert_element_type3A_730, %convert_element_type3A_730, %convert_element_type3A_730 in 0 : vector<64x256xf32>, vector<64x256xf32>, vector<64x256xf32>, vector<64x256xf32>, vector<64x256xf32>, vector<64x256xf32>, vector<64x256xf32>, vector<64x256xf32>, vector<64x256xf32>, vector<64x256xf32>, vector<64x256xf32>, vector<64x256xf32>, vector<64x256xf32>, vector<64x256xf32>, vector<64x256xf32>, vector<64x256xf32>, vector<64x256xf32>, vector<64x256xf32>, vector<64x256xf32>, vector<64x256xf32>, vector<64x256xf32>, vector<64x256xf32>, vector<64x256xf32>, vector<64x256xf32>, vector<64x256xf32>, vector<64x256xf32>, vector<64x256xf32>, vector<64x256xf32>, vector<64x256xf32>, vector<64x256xf32>, vector<64x256xf32>, vector<64x256xf32>, vector<64x256xf32>, vector<64x256xf32>, vector<64x256xf32>, vector<64x256xf32>, vector<64x256xf32>, vector<64x256xf32>, vector<64x256xf32>, vector<64x256xf32>, vector<64x256xf32>, vector<64x256xf32>, vector<64x256xf32>, vector<64x256xf32>, vector<64x256xf32>, vector<64x256xf32>, vector<64x256xf32>, vector<64x256xf32>, vector<64x256xf32>, vector<64x256xf32>, vector<64x256xf32>, vector<64x256xf32>, vector<64x256xf32>, vector<64x256xf32>, vector<64x256xf32>, vector<64x256xf32>, vector<64x256xf32>, vector<64x256xf32>, vector<64x256xf32>, vector<64x256xf32>, vector<64x256xf32>, vector<64x256xf32>, vector<64x256xf32>, vector<64x256xf32> -> vector<4096x256xf32>
    %mul3A_737 = arith.mulf %reshape3A_735, %tile3A_736 : vector<4096x256xf32>
    %convert_element_type3A_738 = arith.truncf %mul3A_737 : vector<4096x256xf32> to vector<4096x256xbf16>
    %convert_element_type3A_739 = arith.truncf %transpose3A_731 : vector<64x256xf32> to vector<64x256xbf16>
    %concatenate3A_740 = tpu.concatenate %convert_element_type3A_738, %convert_element_type3A_739 in 0 : vector<4096x256xbf16>, vector<64x256xbf16> -> vector<4160x256xbf16>
    %dot_general3A_741 = arith.constant dense<0.000000e+00> : vector<64x256xf32>
    %dot_general3A_742 = tpu.matmul %get3A_1, %concatenate3A_740, %dot_general3A_741 {dimension_numbers = #tpu.dot_dimension_numbers<[1], [0], [0], [1], [0, 0, 1, 1], [], []>, transpose_lhs_hint = false} : vector<64x4160xbf16>, vector<4160x256xbf16>, vector<64x256xf32> -> vector<64x256xf32>
    %transpose3A_743 = tpu.transpose %dot_general3A_742, [1, 0] : vector<64x256xf32> -> vector<256x64xf32>
    %concatenate3A_744 = tpu.concatenate %transpose3A_743, %broadcast_in_dim3A_2 in 1 : vector<256x64xf32>, vector<256x64xf32> -> vector<256x128xf32>
    %swap3A_745 = arith.constant 7168 : index
    %swap3A_746 = arith.constant 0 : index
    %swap3A_747 = vector.load %arg4[%swap3A_745, %swap3A_746] : memref<8192x128xf32, #tpu.memory_space<vmem>>, vector<256x128xf32>
    tpu.vector_store %arg4[%swap3A_745, %swap3A_746], %concatenate3A_744 {strides = array<i32>} : memref<8192x128xf32, #tpu.memory_space<vmem>>, vector<256x128xf32>,
    %get3A_748 = arith.constant 7424 : index
    %get3A_749 = arith.constant 0 : index
    %get3A_750 = vector.load %arg1[%get3A_748, %get3A_749] : memref<8192x64xbf16, #tpu.memory_space<vmem>>, vector<256x64xbf16>
    %get3A_751 = arith.constant 7424 : index
    %get3A_752 = arith.constant 0 : index
    %get3A_753 = vector.load %arg2[%get3A_751, %get3A_752] : memref<8192x128xf32, #tpu.memory_space<vmem>>, vector<256x128xf32>
    %slice3A_754 = vector.extract_strided_slice %get3A_753 {offsets = [0, 0], sizes = [256, 64], strides = [1, 1]} : vector<256x128xf32> to vector<256x64xf32>
    %transpose3A_755 = tpu.transpose %get3A_750, [1, 0] : vector<256x64xbf16> -> vector<64x256xbf16>
    %convert_element_type3A_756 = arith.extf %transpose3A_755 : vector<64x256xbf16> to vector<64x256xf32>
    %transpose3A_757 = tpu.transpose %slice3A_754, [1, 0] : vector<256x64xf32> -> vector<64x256xf32>
    %broadcast_in_dim3A_758 = vector.shape_cast %transpose3A_757 : vector<64x256xf32> to vector<64x1x256xf32>
    %broadcast_in_dim3A_759 = vector.shape_cast %broadcast_in_dim3A_758 : vector<64x1x256xf32> to vector<64x1x256xf32>
    %broadcast_in_dim3A_760 = vector.broadcast %broadcast_in_dim3A_759 : vector<64x1x256xf32> to vector<64x64x256xf32>
    %reshape3A_761 = vector.shape_cast %broadcast_in_dim3A_760 : vector<64x64x256xf32> to vector<4096x256xf32>
    %tile3A_762 = tpu.concatenate %convert_element_type3A_756, %convert_element_type3A_756, %convert_element_type3A_756, %convert_element_type3A_756, %convert_element_type3A_756, %convert_element_type3A_756, %convert_element_type3A_756, %convert_element_type3A_756, %convert_element_type3A_756, %convert_element_type3A_756, %convert_element_type3A_756, %convert_element_type3A_756, %convert_element_type3A_756, %convert_element_type3A_756, %convert_element_type3A_756, %convert_element_type3A_756, %convert_element_type3A_756, %convert_element_type3A_756, %convert_element_type3A_756, %convert_element_type3A_756, %convert_element_type3A_756, %convert_element_type3A_756, %convert_element_type3A_756, %convert_element_type3A_756, %convert_element_type3A_756, %convert_element_type3A_756, %convert_element_type3A_756, %convert_element_type3A_756, %convert_element_type3A_756, %convert_element_type3A_756, %convert_element_type3A_756, %convert_element_type3A_756, %convert_element_type3A_756, %convert_element_type3A_756, %convert_element_type3A_756, %convert_element_type3A_756, %convert_element_type3A_756, %convert_element_type3A_756, %convert_element_type3A_756, %convert_element_type3A_756, %convert_element_type3A_756, %convert_element_type3A_756, %convert_element_type3A_756, %convert_element_type3A_756, %convert_element_type3A_756, %convert_element_type3A_756, %convert_element_type3A_756, %convert_element_type3A_756, %convert_element_type3A_756, %convert_element_type3A_756, %convert_element_type3A_756, %convert_element_type3A_756, %convert_element_type3A_756, %convert_element_type3A_756, %convert_element_type3A_756, %convert_element_type3A_756, %convert_element_type3A_756, %convert_element_type3A_756, %convert_element_type3A_756, %convert_element_type3A_756, %convert_element_type3A_756, %convert_element_type3A_756, %convert_element_type3A_756, %convert_element_type3A_756 in 0 : vector<64x256xf32>, vector<64x256xf32>, vector<64x256xf32>, vector<64x256xf32>, vector<64x256xf32>, vector<64x256xf32>, vector<64x256xf32>, vector<64x256xf32>, vector<64x256xf32>, vector<64x256xf32>, vector<64x256xf32>, vector<64x256xf32>, vector<64x256xf32>, vector<64x256xf32>, vector<64x256xf32>, vector<64x256xf32>, vector<64x256xf32>, vector<64x256xf32>, vector<64x256xf32>, vector<64x256xf32>, vector<64x256xf32>, vector<64x256xf32>, vector<64x256xf32>, vector<64x256xf32>, vector<64x256xf32>, vector<64x256xf32>, vector<64x256xf32>, vector<64x256xf32>, vector<64x256xf32>, vector<64x256xf32>, vector<64x256xf32>, vector<64x256xf32>, vector<64x256xf32>, vector<64x256xf32>, vector<64x256xf32>, vector<64x256xf32>, vector<64x256xf32>, vector<64x256xf32>, vector<64x256xf32>, vector<64x256xf32>, vector<64x256xf32>, vector<64x256xf32>, vector<64x256xf32>, vector<64x256xf32>, vector<64x256xf32>, vector<64x256xf32>, vector<64x256xf32>, vector<64x256xf32>, vector<64x256xf32>, vector<64x256xf32>, vector<64x256xf32>, vector<64x256xf32>, vector<64x256xf32>, vector<64x256xf32>, vector<64x256xf32>, vector<64x256xf32>, vector<64x256xf32>, vector<64x256xf32>, vector<64x256xf32>, vector<64x256xf32>, vector<64x256xf32>, vector<64x256xf32>, vector<64x256xf32>, vector<64x256xf32> -> vector<4096x256xf32>
    %mul3A_763 = arith.mulf %reshape3A_761, %tile3A_762 : vector<4096x256xf32>
    %convert_element_type3A_764 = arith.truncf %mul3A_763 : vector<4096x256xf32> to vector<4096x256xbf16>
    %convert_element_type3A_765 = arith.truncf %transpose3A_757 : vector<64x256xf32> to vector<64x256xbf16>
    %concatenate3A_766 = tpu.concatenate %convert_element_type3A_764, %convert_element_type3A_765 in 0 : vector<4096x256xbf16>, vector<64x256xbf16> -> vector<4160x256xbf16>
    %dot_general3A_767 = arith.constant dense<0.000000e+00> : vector<64x256xf32>
    %dot_general3A_768 = tpu.matmul %get3A_1, %concatenate3A_766, %dot_general3A_767 {dimension_numbers = #tpu.dot_dimension_numbers<[1], [0], [0], [1], [0, 0, 1, 1], [], []>, transpose_lhs_hint = false} : vector<64x4160xbf16>, vector<4160x256xbf16>, vector<64x256xf32> -> vector<64x256xf32>
    %transpose3A_769 = tpu.transpose %dot_general3A_768, [1, 0] : vector<64x256xf32> -> vector<256x64xf32>
    %concatenate3A_770 = tpu.concatenate %transpose3A_769, %broadcast_in_dim3A_2 in 1 : vector<256x64xf32>, vector<256x64xf32> -> vector<256x128xf32>
    %swap3A_771 = arith.constant 7424 : index
    %swap3A_772 = arith.constant 0 : index
    %swap3A_773 = vector.load %arg4[%swap3A_771, %swap3A_772] : memref<8192x128xf32, #tpu.memory_space<vmem>>, vector<256x128xf32>
    tpu.vector_store %arg4[%swap3A_771, %swap3A_772], %concatenate3A_770 {strides = array<i32>} : memref<8192x128xf32, #tpu.memory_space<vmem>>, vector<256x128xf32>,
    %get3A_774 = arith.constant 7680 : index
    %get3A_775 = arith.constant 0 : index
    %get3A_776 = vector.load %arg1[%get3A_774, %get3A_775] : memref<8192x64xbf16, #tpu.memory_space<vmem>>, vector<256x64xbf16>
    %get3A_777 = arith.constant 7680 : index
    %get3A_778 = arith.constant 0 : index
    %get3A_779 = vector.load %arg2[%get3A_777, %get3A_778] : memref<8192x128xf32, #tpu.memory_space<vmem>>, vector<256x128xf32>
    %slice3A_780 = vector.extract_strided_slice %get3A_779 {offsets = [0, 0], sizes = [256, 64], strides = [1, 1]} : vector<256x128xf32> to vector<256x64xf32>
    %transpose3A_781 = tpu.transpose %get3A_776, [1, 0] : vector<256x64xbf16> -> vector<64x256xbf16>
    %convert_element_type3A_782 = arith.extf %transpose3A_781 : vector<64x256xbf16> to vector<64x256xf32>
    %transpose3A_783 = tpu.transpose %slice3A_780, [1, 0] : vector<256x64xf32> -> vector<64x256xf32>
    %broadcast_in_dim3A_784 = vector.shape_cast %transpose3A_783 : vector<64x256xf32> to vector<64x1x256xf32>
    %broadcast_in_dim3A_785 = vector.shape_cast %broadcast_in_dim3A_784 : vector<64x1x256xf32> to vector<64x1x256xf32>
    %broadcast_in_dim3A_786 = vector.broadcast %broadcast_in_dim3A_785 : vector<64x1x256xf32> to vector<64x64x256xf32>
    %reshape3A_787 = vector.shape_cast %broadcast_in_dim3A_786 : vector<64x64x256xf32> to vector<4096x256xf32>
    %tile3A_788 = tpu.concatenate %convert_element_type3A_782, %convert_element_type3A_782, %convert_element_type3A_782, %convert_element_type3A_782, %convert_element_type3A_782, %convert_element_type3A_782, %convert_element_type3A_782, %convert_element_type3A_782, %convert_element_type3A_782, %convert_element_type3A_782, %convert_element_type3A_782, %convert_element_type3A_782, %convert_element_type3A_782, %convert_element_type3A_782, %convert_element_type3A_782, %convert_element_type3A_782, %convert_element_type3A_782, %convert_element_type3A_782, %convert_element_type3A_782, %convert_element_type3A_782, %convert_element_type3A_782, %convert_element_type3A_782, %convert_element_type3A_782, %convert_element_type3A_782, %convert_element_type3A_782, %convert_element_type3A_782, %convert_element_type3A_782, %convert_element_type3A_782, %convert_element_type3A_782, %convert_element_type3A_782, %convert_element_type3A_782, %convert_element_type3A_782, %convert_element_type3A_782, %convert_element_type3A_782, %convert_element_type3A_782, %convert_element_type3A_782, %convert_element_type3A_782, %convert_element_type3A_782, %convert_element_type3A_782, %convert_element_type3A_782, %convert_element_type3A_782, %convert_element_type3A_782, %convert_element_type3A_782, %convert_element_type3A_782, %convert_element_type3A_782, %convert_element_type3A_782, %convert_element_type3A_782, %convert_element_type3A_782, %convert_element_type3A_782, %convert_element_type3A_782, %convert_element_type3A_782, %convert_element_type3A_782, %convert_element_type3A_782, %convert_element_type3A_782, %convert_element_type3A_782, %convert_element_type3A_782, %convert_element_type3A_782, %convert_element_type3A_782, %convert_element_type3A_782, %convert_element_type3A_782, %convert_element_type3A_782, %convert_element_type3A_782, %convert_element_type3A_782, %convert_element_type3A_782 in 0 : vector<64x256xf32>, vector<64x256xf32>, vector<64x256xf32>, vector<64x256xf32>, vector<64x256xf32>, vector<64x256xf32>, vector<64x256xf32>, vector<64x256xf32>, vector<64x256xf32>, vector<64x256xf32>, vector<64x256xf32>, vector<64x256xf32>, vector<64x256xf32>, vector<64x256xf32>, vector<64x256xf32>, vector<64x256xf32>, vector<64x256xf32>, vector<64x256xf32>, vector<64x256xf32>, vector<64x256xf32>, vector<64x256xf32>, vector<64x256xf32>, vector<64x256xf32>, vector<64x256xf32>, vector<64x256xf32>, vector<64x256xf32>, vector<64x256xf32>, vector<64x256xf32>, vector<64x256xf32>, vector<64x256xf32>, vector<64x256xf32>, vector<64x256xf32>, vector<64x256xf32>, vector<64x256xf32>, vector<64x256xf32>, vector<64x256xf32>, vector<64x256xf32>, vector<64x256xf32>, vector<64x256xf32>, vector<64x256xf32>, vector<64x256xf32>, vector<64x256xf32>, vector<64x256xf32>, vector<64x256xf32>, vector<64x256xf32>, vector<64x256xf32>, vector<64x256xf32>, vector<64x256xf32>, vector<64x256xf32>, vector<64x256xf32>, vector<64x256xf32>, vector<64x256xf32>, vector<64x256xf32>, vector<64x256xf32>, vector<64x256xf32>, vector<64x256xf32>, vector<64x256xf32>, vector<64x256xf32>, vector<64x256xf32>, vector<64x256xf32>, vector<64x256xf32>, vector<64x256xf32>, vector<64x256xf32>, vector<64x256xf32> -> vector<4096x256xf32>
    %mul3A_789 = arith.mulf %reshape3A_787, %tile3A_788 : vector<4096x256xf32>
    %convert_element_type3A_790 = arith.truncf %mul3A_789 : vector<4096x256xf32> to vector<4096x256xbf16>
    %convert_element_type3A_791 = arith.truncf %transpose3A_783 : vector<64x256xf32> to vector<64x256xbf16>
    %concatenate3A_792 = tpu.concatenate %convert_element_type3A_790, %convert_element_type3A_791 in 0 : vector<4096x256xbf16>, vector<64x256xbf16> -> vector<4160x256xbf16>
    %dot_general3A_793 = arith.constant dense<0.000000e+00> : vector<64x256xf32>
    %dot_general3A_794 = tpu.matmul %get3A_1, %concatenate3A_792, %dot_general3A_793 {dimension_numbers = #tpu.dot_dimension_numbers<[1], [0], [0], [1], [0, 0, 1, 1], [], []>, transpose_lhs_hint = false} : vector<64x4160xbf16>, vector<4160x256xbf16>, vector<64x256xf32> -> vector<64x256xf32>
    %transpose3A_795 = tpu.transpose %dot_general3A_794, [1, 0] : vector<64x256xf32> -> vector<256x64xf32>
    %concatenate3A_796 = tpu.concatenate %transpose3A_795, %broadcast_in_dim3A_2 in 1 : vector<256x64xf32>, vector<256x64xf32> -> vector<256x128xf32>
    %swap3A_797 = arith.constant 7680 : index
    %swap3A_798 = arith.constant 0 : index
    %swap3A_799 = vector.load %arg4[%swap3A_797, %swap3A_798] : memref<8192x128xf32, #tpu.memory_space<vmem>>, vector<256x128xf32>
    tpu.vector_store %arg4[%swap3A_797, %swap3A_798], %concatenate3A_796 {strides = array<i32>} : memref<8192x128xf32, #tpu.memory_space<vmem>>, vector<256x128xf32>,
    %get3A_800 = arith.constant 7936 : index
    %get3A_801 = arith.constant 0 : index
    %get3A_802 = vector.load %arg1[%get3A_800, %get3A_801] : memref<8192x64xbf16, #tpu.memory_space<vmem>>, vector<256x64xbf16>
    %get3A_803 = arith.constant 7936 : index
    %get3A_804 = arith.constant 0 : index
    %get3A_805 = vector.load %arg2[%get3A_803, %get3A_804] : memref<8192x128xf32, #tpu.memory_space<vmem>>, vector<256x128xf32>
    %slice3A_806 = vector.extract_strided_slice %get3A_805 {offsets = [0, 0], sizes = [256, 64], strides = [1, 1]} : vector<256x128xf32> to vector<256x64xf32>
    %transpose3A_807 = tpu.transpose %get3A_802, [1, 0] : vector<256x64xbf16> -> vector<64x256xbf16>
    %convert_element_type3A_808 = arith.extf %transpose3A_807 : vector<64x256xbf16> to vector<64x256xf32>
    %transpose3A_809 = tpu.transpose %slice3A_806, [1, 0] : vector<256x64xf32> -> vector<64x256xf32>
    %broadcast_in_dim3A_810 = vector.shape_cast %transpose3A_809 : vector<64x256xf32> to vector<64x1x256xf32>
    %broadcast_in_dim3A_811 = vector.shape_cast %broadcast_in_dim3A_810 : vector<64x1x256xf32> to vector<64x1x256xf32>
    %broadcast_in_dim3A_812 = vector.broadcast %broadcast_in_dim3A_811 : vector<64x1x256xf32> to vector<64x64x256xf32>
    %reshape3A_813 = vector.shape_cast %broadcast_in_dim3A_812 : vector<64x64x256xf32> to vector<4096x256xf32>
    %tile3A_814 = tpu.concatenate %convert_element_type3A_808, %convert_element_type3A_808, %convert_element_type3A_808, %convert_element_type3A_808, %convert_element_type3A_808, %convert_element_type3A_808, %convert_element_type3A_808, %convert_element_type3A_808, %convert_element_type3A_808, %convert_element_type3A_808, %convert_element_type3A_808, %convert_element_type3A_808, %convert_element_type3A_808, %convert_element_type3A_808, %convert_element_type3A_808, %convert_element_type3A_808, %convert_element_type3A_808, %convert_element_type3A_808, %convert_element_type3A_808, %convert_element_type3A_808, %convert_element_type3A_808, %convert_element_type3A_808, %convert_element_type3A_808, %convert_element_type3A_808, %convert_element_type3A_808, %convert_element_type3A_808, %convert_element_type3A_808, %convert_element_type3A_808, %convert_element_type3A_808, %convert_element_type3A_808, %convert_element_type3A_808, %convert_element_type3A_808, %convert_element_type3A_808, %convert_element_type3A_808, %convert_element_type3A_808, %convert_element_type3A_808, %convert_element_type3A_808, %convert_element_type3A_808, %convert_element_type3A_808, %convert_element_type3A_808, %convert_element_type3A_808, %convert_element_type3A_808, %convert_element_type3A_808, %convert_element_type3A_808, %convert_element_type3A_808, %convert_element_type3A_808, %convert_element_type3A_808, %convert_element_type3A_808, %convert_element_type3A_808, %convert_element_type3A_808, %convert_element_type3A_808, %convert_element_type3A_808, %convert_element_type3A_808, %convert_element_type3A_808, %convert_element_type3A_808, %convert_element_type3A_808, %convert_element_type3A_808, %convert_element_type3A_808, %convert_element_type3A_808, %convert_element_type3A_808, %convert_element_type3A_808, %convert_element_type3A_808, %convert_element_type3A_808, %convert_element_type3A_808 in 0 : vector<64x256xf32>, vector<64x256xf32>, vector<64x256xf32>, vector<64x256xf32>, vector<64x256xf32>, vector<64x256xf32>, vector<64x256xf32>, vector<64x256xf32>, vector<64x256xf32>, vector<64x256xf32>, vector<64x256xf32>, vector<64x256xf32>, vector<64x256xf32>, vector<64x256xf32>, vector<64x256xf32>, vector<64x256xf32>, vector<64x256xf32>, vector<64x256xf32>, vector<64x256xf32>, vector<64x256xf32>, vector<64x256xf32>, vector<64x256xf32>, vector<64x256xf32>, vector<64x256xf32>, vector<64x256xf32>, vector<64x256xf32>, vector<64x256xf32>, vector<64x256xf32>, vector<64x256xf32>, vector<64x256xf32>, vector<64x256xf32>, vector<64x256xf32>, vector<64x256xf32>, vector<64x256xf32>, vector<64x256xf32>, vector<64x256xf32>, vector<64x256xf32>, vector<64x256xf32>, vector<64x256xf32>, vector<64x256xf32>, vector<64x256xf32>, vector<64x256xf32>, vector<64x256xf32>, vector<64x256xf32>, vector<64x256xf32>, vector<64x256xf32>, vector<64x256xf32>, vector<64x256xf32>, vector<64x256xf32>, vector<64x256xf32>, vector<64x256xf32>, vector<64x256xf32>, vector<64x256xf32>, vector<64x256xf32>, vector<64x256xf32>, vector<64x256xf32>, vector<64x256xf32>, vector<64x256xf32>, vector<64x256xf32>, vector<64x256xf32>, vector<64x256xf32>, vector<64x256xf32>, vector<64x256xf32>, vector<64x256xf32> -> vector<4096x256xf32>
    %mul3A_815 = arith.mulf %reshape3A_813, %tile3A_814 : vector<4096x256xf32>
    %convert_element_type3A_816 = arith.truncf %mul3A_815 : vector<4096x256xf32> to vector<4096x256xbf16>
    %convert_element_type3A_817 = arith.truncf %transpose3A_809 : vector<64x256xf32> to vector<64x256xbf16>
    %concatenate3A_818 = tpu.concatenate %convert_element_type3A_816, %convert_element_type3A_817 in 0 : vector<4096x256xbf16>, vector<64x256xbf16> -> vector<4160x256xbf16>
    %dot_general3A_819 = arith.constant dense<0.000000e+00> : vector<64x256xf32>
    %dot_general3A_820 = tpu.matmul %get3A_1, %concatenate3A_818, %dot_general3A_819 {dimension_numbers = #tpu.dot_dimension_numbers<[1], [0], [0], [1], [0, 0, 1, 1], [], []>, transpose_lhs_hint = false} : vector<64x4160xbf16>, vector<4160x256xbf16>, vector<64x256xf32> -> vector<64x256xf32>
    %transpose3A_821 = tpu.transpose %dot_general3A_820, [1, 0] : vector<64x256xf32> -> vector<256x64xf32>
    %concatenate3A_822 = tpu.concatenate %transpose3A_821, %broadcast_in_dim3A_2 in 1 : vector<256x64xf32>, vector<256x64xf32> -> vector<256x128xf32>
    %swap3A_823 = arith.constant 7936 : index
    %swap3A_824 = arith.constant 0 : index
    %swap3A_825 = vector.load %arg4[%swap3A_823, %swap3A_824] : memref<8192x128xf32, #tpu.memory_space<vmem>>, vector<256x128xf32>
    tpu.vector_store %arg4[%swap3A_823, %swap3A_824], %concatenate3A_822 {strides = array<i32>} : memref<8192x128xf32, #tpu.memory_space<vmem>>, vector<256x128xf32>,
    return
  }
  func.func @transform_0(%arg0: i32) -> (i32, i32) {
    %add3A = arith.constant 0 : i32
    %add3A_0 = arith.addi %arg0, %add3A : i32
    %c0_i32 = arith.constant 0 : i32
    %c0_i32_1 = arith.constant 0 : i32
    return %add3A_0, %c0_i32 : i32, i32
  }
  func.func @transform_1(%arg0: i32) -> (i32, i32) {
    %add3A = arith.constant 0 : i32
    %add3A_0 = arith.addi %arg0, %add3A : i32
    %c0_i32 = arith.constant 0 : i32
    %c0_i32_1 = arith.constant 0 : i32
    return %add3A_0, %c0_i32 : i32, i32
  }
  func.func @transform_2(%arg0: i32) -> (i32, i32) {
    %c0_i32 = arith.constant 0 : i32
    %c0_i32_0 = arith.constant 0 : i32
    %c0_i32_1 = arith.constant 0 : i32
    return %c0_i32, %c0_i32_0 : i32, i32
  }
  func.func @transform_3(%arg0: i32) -> (i32, i32) {
    %add3A = arith.constant 0 : i32
    %add3A_0 = arith.addi %arg0, %add3A : i32
    %c0_i32 = arith.constant 0 : i32
    %c0_i32_1 = arith.constant 0 : i32
    return %add3A_0, %c0_i32 : i32, i32
  }
}

module attributes {stable_mosaic.version = 14 : i64} {
  func.func @_combine_body(%arg0: i32, %arg1: memref<2x2000x128xf32, #tpu.memory_space<vmem>>, %arg2: memref<2000x128xf32, #tpu.memory_space<vmem>>, %arg3: memref<64x64xf32, #tpu.memory_space<vmem>>, %arg4: memref<1x64xf32, #tpu.memory_space<vmem>>, %arg5: memref<2000x128xf32, #tpu.memory_space<vmem>>) attributes {dimension_semantics = [#tpu.dimension_semantics<arbitrary>], iteration_bounds = array<i64: 5>, scalar_prefetch = 0 : i64, scratch_operands = 0 : i64, tpu.core_type = #tpu.core_type<tc>, window_params = [{transform_indices = @transform_0, window_bounds = array<i64: 2, 2000, 128>}, {transform_indices = @transform_1, window_bounds = array<i64: 2000, 128>}, {pipeline_mode = #tpu.pipeline_mode<synchronous>, transform_indices = @transform_2, window_bounds = array<i64: 64, 64>}, {pipeline_mode = #tpu.pipeline_mode<synchronous>, transform_indices = @transform_3, window_bounds = array<i64: 1, 64>}, {transform_indices = @transform_4, window_bounds = array<i64: 2000, 128>}]} {
    %get3A = arith.constant 0 : index
    %get3A_0 = arith.constant 0 : index
    %get3A_1 = arith.constant 0 : index
    %get3A_2 = vector.load %arg1[%get3A, %get3A_0, %get3A_1] : memref<2x2000x128xf32, #tpu.memory_space<vmem>>, vector<1x2000x128xf32>
    %get3A_3 = vector.shape_cast %get3A_2 : vector<1x2000x128xf32> to vector<2000x128xf32>
    %slice3A = vector.extract_strided_slice %get3A_3 {offsets = [0, 0], sizes = [2000, 64], strides = [1, 1]} : vector<2000x128xf32> to vector<2000x64xf32>
    %get3A_4 = arith.constant 1 : index
    %get3A_5 = arith.constant 0 : index
    %get3A_6 = arith.constant 0 : index
    %get3A_7 = vector.load %arg1[%get3A_4, %get3A_5, %get3A_6] : memref<2x2000x128xf32, #tpu.memory_space<vmem>>, vector<1x2000x128xf32>
    %get3A_8 = vector.shape_cast %get3A_7 : vector<1x2000x128xf32> to vector<2000x128xf32>
    %slice3A_9 = vector.extract_strided_slice %get3A_8 {offsets = [0, 0], sizes = [2000, 64], strides = [1, 1]} : vector<2000x128xf32> to vector<2000x64xf32>
    %add3A = arith.addf %slice3A, %slice3A_9 : vector<2000x64xf32>
    %get3A_10 = arith.constant 0 : index
    %get3A_11 = arith.constant 0 : index
    %get3A_12 = vector.load %arg4[%get3A_10, %get3A_11] : memref<1x64xf32, #tpu.memory_space<vmem>>, vector<1x64xf32>
    %add3A_13 = vector.broadcast %get3A_12 : vector<1x64xf32> to vector<2000x64xf32>
    %add3A_14 = arith.addf %add3A, %add3A_13 : vector<2000x64xf32>
    %get3A_15 = arith.constant 0 : index
    %get3A_16 = arith.constant 0 : index
    %get3A_17 = vector.load %arg2[%get3A_15, %get3A_16] : memref<2000x128xf32, #tpu.memory_space<vmem>>, vector<2000x128xf32>
    %slice3A_18 = vector.extract_strided_slice %get3A_17 {offsets = [0, 0], sizes = [2000, 64], strides = [1, 1]} : vector<2000x128xf32> to vector<2000x64xf32>
    %get3A_19 = arith.constant 0 : index
    %get3A_20 = arith.constant 0 : index
    %get3A_21 = vector.load %arg3[%get3A_19, %get3A_20] : memref<64x64xf32, #tpu.memory_space<vmem>>, vector<64x64xf32>
    %dot_general3A = arith.constant dense<0.000000e+00> : vector<2000x64xf32>
    %dot_general3A_22 = tpu.matmul %slice3A_18, %get3A_21, %dot_general3A {dimension_numbers = #tpu.dot_dimension_numbers<[1], [0], [0], [1], [0, 0, 1, 1], [], []>, transpose_lhs_hint = false} : vector<2000x64xf32>, vector<64x64xf32>, vector<2000x64xf32> -> vector<2000x64xf32>
    %add3A_23 = arith.addf %add3A_14, %dot_general3A_22 : vector<2000x64xf32>
    %max3A = arith.constant 0.000000e+00 : f32
    %max3A_24 = vector.broadcast %max3A : f32 to vector<2000x64xf32>
    %max3A_25 = arith.maximumf %add3A_23, %max3A_24 : vector<2000x64xf32>
    %broadcast_in_dim3A = arith.constant 0.000000e+00 : f32
    %broadcast_in_dim3A_26 = vector.broadcast %broadcast_in_dim3A : f32 to vector<2000x64xf32>
    %concatenate3A = tpu.concatenate %max3A_25, %broadcast_in_dim3A_26 in 1 : vector<2000x64xf32>, vector<2000x64xf32> -> vector<2000x128xf32>
    %swap3A = arith.constant 0 : index
    %swap3A_27 = arith.constant 0 : index
    %swap3A_28 = vector.load %arg5[%swap3A, %swap3A_27] : memref<2000x128xf32, #tpu.memory_space<vmem>>, vector<2000x128xf32>
    tpu.vector_store %arg5[%swap3A, %swap3A_27], %concatenate3A {strides = array<i32>} : memref<2000x128xf32, #tpu.memory_space<vmem>>, vector<2000x128xf32>,
    return
  }
  func.func @transform_0(%arg0: i32) -> (i32, i32, i32) {
    %c0_i32 = arith.constant 0 : i32
    %c0_i32_0 = arith.constant 0 : i32
    %c0_i32_1 = arith.constant 0 : i32
    return %c0_i32, %arg0, %c0_i32_0 : i32, i32, i32
  }
  func.func @transform_1(%arg0: i32) -> (i32, i32) {
    %c0_i32 = arith.constant 0 : i32
    %c0_i32_0 = arith.constant 0 : i32
    return %arg0, %c0_i32 : i32, i32
  }
  func.func @transform_2(%arg0: i32) -> (i32, i32) {
    %c0_i32 = arith.constant 0 : i32
    %c0_i32_0 = arith.constant 0 : i32
    %c0_i32_1 = arith.constant 0 : i32
    return %c0_i32, %c0_i32_0 : i32, i32
  }
  func.func @transform_3(%arg0: i32) -> (i32, i32) {
    %c0_i32 = arith.constant 0 : i32
    %c0_i32_0 = arith.constant 0 : i32
    %c0_i32_1 = arith.constant 0 : i32
    return %c0_i32, %c0_i32_0 : i32, i32
  }
  func.func @transform_4(%arg0: i32) -> (i32, i32) {
    %c0_i32 = arith.constant 0 : i32
    %c0_i32_0 = arith.constant 0 : i32
    return %arg0, %c0_i32 : i32, i32
  }
}

module attributes {stable_mosaic.version = 14 : i64} {
  func.func @_combine_final_body(%arg0: i32, %arg1: memref<2x2000x128xf32, #tpu.memory_space<vmem>>, %arg2: memref<2000x128xf32, #tpu.memory_space<vmem>>, %arg3: memref<64x64xf32, #tpu.memory_space<vmem>>, %arg4: memref<1x64xf32, #tpu.memory_space<vmem>>, %arg5: memref<64x64xf32, #tpu.memory_space<vmem>>, %arg6: memref<1x64xf32, #tpu.memory_space<vmem>>, %arg7: memref<2000x64xf32, #tpu.memory_space<vmem>>) attributes {dimension_semantics = [#tpu.dimension_semantics<arbitrary>], iteration_bounds = array<i64: 5>, scalar_prefetch = 0 : i64, scratch_operands = 0 : i64, tpu.core_type = #tpu.core_type<tc>, window_params = [{transform_indices = @transform_0, window_bounds = array<i64: 2, 2000, 128>}, {transform_indices = @transform_1, window_bounds = array<i64: 2000, 128>}, {pipeline_mode = #tpu.pipeline_mode<synchronous>, transform_indices = @transform_2, window_bounds = array<i64: 64, 64>}, {pipeline_mode = #tpu.pipeline_mode<synchronous>, transform_indices = @transform_3, window_bounds = array<i64: 1, 64>}, {pipeline_mode = #tpu.pipeline_mode<synchronous>, transform_indices = @transform_4, window_bounds = array<i64: 64, 64>}, {pipeline_mode = #tpu.pipeline_mode<synchronous>, transform_indices = @transform_5, window_bounds = array<i64: 1, 64>}, {transform_indices = @transform_6, window_bounds = array<i64: 2000, 64>}]} {
    %get3A = arith.constant 0 : index
    %get3A_0 = arith.constant 0 : index
    %get3A_1 = arith.constant 0 : index
    %get3A_2 = vector.load %arg1[%get3A, %get3A_0, %get3A_1] : memref<2x2000x128xf32, #tpu.memory_space<vmem>>, vector<1x2000x128xf32>
    %get3A_3 = vector.shape_cast %get3A_2 : vector<1x2000x128xf32> to vector<2000x128xf32>
    %slice3A = vector.extract_strided_slice %get3A_3 {offsets = [0, 0], sizes = [2000, 64], strides = [1, 1]} : vector<2000x128xf32> to vector<2000x64xf32>
    %get3A_4 = arith.constant 1 : index
    %get3A_5 = arith.constant 0 : index
    %get3A_6 = arith.constant 0 : index
    %get3A_7 = vector.load %arg1[%get3A_4, %get3A_5, %get3A_6] : memref<2x2000x128xf32, #tpu.memory_space<vmem>>, vector<1x2000x128xf32>
    %get3A_8 = vector.shape_cast %get3A_7 : vector<1x2000x128xf32> to vector<2000x128xf32>
    %slice3A_9 = vector.extract_strided_slice %get3A_8 {offsets = [0, 0], sizes = [2000, 64], strides = [1, 1]} : vector<2000x128xf32> to vector<2000x64xf32>
    %add3A = arith.addf %slice3A, %slice3A_9 : vector<2000x64xf32>
    %get3A_10 = arith.constant 0 : index
    %get3A_11 = arith.constant 0 : index
    %get3A_12 = vector.load %arg4[%get3A_10, %get3A_11] : memref<1x64xf32, #tpu.memory_space<vmem>>, vector<1x64xf32>
    %add3A_13 = vector.broadcast %get3A_12 : vector<1x64xf32> to vector<2000x64xf32>
    %add3A_14 = arith.addf %add3A, %add3A_13 : vector<2000x64xf32>
    %get3A_15 = arith.constant 0 : index
    %get3A_16 = arith.constant 0 : index
    %get3A_17 = vector.load %arg2[%get3A_15, %get3A_16] : memref<2000x128xf32, #tpu.memory_space<vmem>>, vector<2000x128xf32>
    %slice3A_18 = vector.extract_strided_slice %get3A_17 {offsets = [0, 0], sizes = [2000, 64], strides = [1, 1]} : vector<2000x128xf32> to vector<2000x64xf32>
    %get3A_19 = arith.constant 0 : index
    %get3A_20 = arith.constant 0 : index
    %get3A_21 = vector.load %arg3[%get3A_19, %get3A_20] : memref<64x64xf32, #tpu.memory_space<vmem>>, vector<64x64xf32>
    %dot_general3A = arith.constant dense<0.000000e+00> : vector<2000x64xf32>
    %dot_general3A_22 = tpu.matmul %slice3A_18, %get3A_21, %dot_general3A {dimension_numbers = #tpu.dot_dimension_numbers<[1], [0], [0], [1], [0, 0, 1, 1], [], []>, transpose_lhs_hint = false} : vector<2000x64xf32>, vector<64x64xf32>, vector<2000x64xf32> -> vector<2000x64xf32>
    %add3A_23 = arith.addf %add3A_14, %dot_general3A_22 : vector<2000x64xf32>
    %max3A = arith.constant 0.000000e+00 : f32
    %max3A_24 = vector.broadcast %max3A : f32 to vector<2000x64xf32>
    %max3A_25 = arith.maximumf %add3A_23, %max3A_24 : vector<2000x64xf32>
    %get3A_26 = arith.constant 0 : index
    %get3A_27 = arith.constant 0 : index
    %get3A_28 = vector.load %arg5[%get3A_26, %get3A_27] : memref<64x64xf32, #tpu.memory_space<vmem>>, vector<64x64xf32>
    %dot_general3A_29 = arith.constant dense<0.000000e+00> : vector<2000x64xf32>
    %dot_general3A_30 = tpu.matmul %max3A_25, %get3A_28, %dot_general3A_29 {dimension_numbers = #tpu.dot_dimension_numbers<[1], [0], [0], [1], [0, 0, 1, 1], [], []>, transpose_lhs_hint = false} : vector<2000x64xf32>, vector<64x64xf32>, vector<2000x64xf32> -> vector<2000x64xf32>
    %get3A_31 = arith.constant 0 : index
    %get3A_32 = arith.constant 0 : index
    %get3A_33 = vector.load %arg6[%get3A_31, %get3A_32] : memref<1x64xf32, #tpu.memory_space<vmem>>, vector<1x64xf32>
    %add3A_34 = vector.broadcast %get3A_33 : vector<1x64xf32> to vector<2000x64xf32>
    %add3A_35 = arith.addf %dot_general3A_30, %add3A_34 : vector<2000x64xf32>
    %swap3A = arith.constant 0 : index
    %swap3A_36 = arith.constant 0 : index
    %swap3A_37 = vector.load %arg7[%swap3A, %swap3A_36] : memref<2000x64xf32, #tpu.memory_space<vmem>>, vector<2000x64xf32>
    tpu.vector_store %arg7[%swap3A, %swap3A_36], %add3A_35 {strides = array<i32>} : memref<2000x64xf32, #tpu.memory_space<vmem>>, vector<2000x64xf32>,
    return
  }
  func.func @transform_0(%arg0: i32) -> (i32, i32, i32) {
    %c0_i32 = arith.constant 0 : i32
    %c0_i32_0 = arith.constant 0 : i32
    %c0_i32_1 = arith.constant 0 : i32
    return %c0_i32, %arg0, %c0_i32_0 : i32, i32, i32
  }
  func.func @transform_1(%arg0: i32) -> (i32, i32) {
    %c0_i32 = arith.constant 0 : i32
    %c0_i32_0 = arith.constant 0 : i32
    return %arg0, %c0_i32 : i32, i32
  }
  func.func @transform_2(%arg0: i32) -> (i32, i32) {
    %c0_i32 = arith.constant 0 : i32
    %c0_i32_0 = arith.constant 0 : i32
    %c0_i32_1 = arith.constant 0 : i32
    return %c0_i32, %c0_i32_0 : i32, i32
  }
  func.func @transform_3(%arg0: i32) -> (i32, i32) {
    %c0_i32 = arith.constant 0 : i32
    %c0_i32_0 = arith.constant 0 : i32
    %c0_i32_1 = arith.constant 0 : i32
    return %c0_i32, %c0_i32_0 : i32, i32
  }
  func.func @transform_4(%arg0: i32) -> (i32, i32) {
    %c0_i32 = arith.constant 0 : i32
    %c0_i32_0 = arith.constant 0 : i32
    %c0_i32_1 = arith.constant 0 : i32
    return %c0_i32, %c0_i32_0 : i32, i32
  }
  func.func @transform_5(%arg0: i32) -> (i32, i32) {
    %c0_i32 = arith.constant 0 : i32
    %c0_i32_0 = arith.constant 0 : i32
    %c0_i32_1 = arith.constant 0 : i32
    return %c0_i32, %c0_i32_0 : i32, i32
  }
  func.func @transform_6(%arg0: i32) -> (i32, i32) {
    %c0_i32 = arith.constant 0 : i32
    %c0_i32_0 = arith.constant 0 : i32
    return %arg0, %c0_i32 : i32, i32
  }
}

</mosaic_0001>

<sc_bundles>
// kernel: kernel.10.cloned.1.call-start
scs
__scs_entry_jumppad:
0x0: {  	(pc) =	sbr.rel $0x88, $3  }
0x1: {  	(tag) =	ssettag $0x0;
	lr =	simm.s32 $0x1  }
0x2: {  	[smem:$0x3F94] =	sst lr;
	_ =	strace $0xD0000000  }
0x3: {  	_ = 	snop  }
0x4: {  	_ = 	snop  }
0x5: {  	_ = 	snop  }
0x6: {  	_ = 	snop  }
0x7: {  	_ = 	snop  }
__scs_overlays_trampoline_lowered:
0x8: {  	[smem:$0x3FA3] =	sst s0  }
0x9: {  	[smem:$0x3FA4] =	sst s1  }
0xa: {  	[smem:$0x3FA5] =	sst s2  }
0xb: {  	[smem:$0x3FA6] =	sst s3  }
0xc: {  	[smem:$0x3FA7] =	sst s4  }
0xd: {  	[smem:$0x3FA8] =	sst s5  }
0xe: {  	[smem:$0x3FA9] =	sst s6  }
0xf: {  	[smem:$0x3FAA] =	sst s7  }
0x10: {  	[smem:$0x3FAB] =	sst s8  }
0x11: {  	[smem:$0x3FAC] =	sst s9;
	s0 =	simm.s32 @!p0 $0x0  }
0x12: {  	s1 =	sld [smem:$0x3F92];
	s0 =	simm.s32 @p0 $0x1  }
0x13: {  	[smem:$0x3FAD] =	sst s0;
	s0 =	simm.s32 @!p1 $0x0  }
0x14: {  	s2 =	sld [smem:$0x3F91];
	s0 =	simm.s32 @p1 $0x1  }
0x15: {  	[smem:$0x3FAE] =	sst s0;
	s0 =	simm.s32 @!p2 $0x0  }
0x16: {  	s3 =	sld [smem:$0x3FDB];
	s0 =	simm.s32 @p2 $0x1  }
0x17: {  	s4 =	simm.s32 $0x1BF5;
	[smem:$0x3FB0] =	sst s0  }
0x18: {  	s0 =	sld [smem:$0x3F93];
	_ =	swait.ge [sflag:s4], $0x0  }
0x19: {  	s7 =	sld [smem:$0x3F94]  }
0x1a: {  	s8 =	sadd.s32 $0xFFFFE003, lr  }
0x1b: {  	s9 =	sadd.s32 $0xFFFFFEF7, lr;
	s5 =	simm.s32 $0xFFFFFFFF;
	p2 =	slt.u32 s8, $0xFFFFF086  }
0x1c: {  	p1 =	slt.u32 s9, $0xF7A;
	s5 =	simm.s32 @!p2 $0x0  }
0x1d: {  	s5 =	simm.s32 @p1 $0x1;
	p0 =	seq.s32 s7, s2  }
0x1e: {  	s7 =	smul.u32 @!p0 $0xF7A, s2;
	p2 =	seq.s32 @!p0 s5, $0x0  }
0x1f: {  	s9 =	smul.u32 $0xF7A, s1;
	s8 =	simm.s32 @!p0 $0x1BF5;
	p2 =	por !p2, p0  }
0x20: {  	[sflag:s8] =	ssyncset.s32 @!p0 $0xFFFFF086;
	s6 =	sadd.s32 @!p0 s3, s7;
	s7 =	simm.s32 @!p0 $0x108  }
0x21: {  	s3 =	sadd.s32 s3, s9;
	s6 =	sadd.s32 @!p0 $0x88, s6;
	s7 =	simm.s32 @p2 $0x1082  }
0x22: {  	[simem:s7], [sflag:s8] =	dma.local @!p0 [hbm:s6], $0xF7A  }
0x23: {  	s9 =	sor.u32 $0xD0000000, s2;
	s6 =	simm.s32 $0x108;
	_ =	swait.ge @!p0 [sflag:s8], $0x0  }
0x24: {  	s3 =	sadd.s32 $0x88, s3;
	s6 =	simm.s32 @!p1 $0x1082;
	[sflag:s4] =	ssyncset.s32 $0xFFFFF086  }
0x25: {  	[simem:s6], [sflag:s4] =	dma.local [hbm:s3], $0xF7A  }
0x26: {  	[smem:$0x3F94] =	sst s1;
	(tag) =	ssettag s2;
	_ =	strace s9  }
0x27: {  	s1 =	sld [smem:$0x3FA4]  }
0x28: {  	s2 =	sld [smem:$0x3FA5]  }
0x29: {  	s4 =	sld [smem:$0x3FA7]  }
0x2a: {  	p0 =	seq.s32 s5, $0x0;
	s5 =	sld [smem:$0x3FA8]  }
0x2b: {  	s6 =	sld [smem:$0x3FA9]  }
0x2c: {  	s7 =	sld [smem:$0x3FAA]  }
0x2d: {  	s3 =	simm.s32 $0x108;
	s8 =	sld [smem:$0x3FAB]  }
0x2e: {  	s3 =	simm.s32 @!p0 $0x1082;
	s9 =	sld [smem:$0x3FAC]  }
0x2f: {  	lr =	sadd.s32 s0, s3;
	s0 =	sld [smem:$0x3FA3]  }
0x30: {  	s3 =	sld [smem:$0x3FA6]  }
0x31: {  	[smem:$0x3FAF] =	sst s10  }
0x32: {  	s10 =	sld [smem:$0x3FAD];
	_ =	sdelay $0x3  }
0x33: {  	p0 =	seq.s32 s10, $0x1;
	s10 =	sld [smem:$0x3FAF];
	_ =	sdelay $0x3  }
0x34: {  	[smem:$0x3FAF] =	sst s10  }
0x35: {  	s10 =	sld [smem:$0x3FAE];
	_ =	sdelay $0x3  }
0x36: {  	p1 =	seq.s32 s10, $0x1;
	s10 =	sld [smem:$0x3FAF];
	_ =	sdelay $0x3  }
0x37: {  	[smem:$0x3FAF] =	sst s10  }
0x38: {  	s10 =	sld [smem:$0x3FB0]  }
0x39: {  	_ = 	snop;
	(pc) =	sbr.ind lr, $3  }
0x3a: {  	_ = 	snop  }
0x3b: {  	_ = 	snop  }
0x3c: {  	p2 =	seq.s32 s10, $0x1;
	s10 =	sld [smem:$0x3FAF]  }
0x3d: {  	_ =	shalt  }
0x3e: {  	_ =	shalt  }
0x3f: {  	_ =	shalt  }
0x40: {  	_ =	shalt  }
0x41: {  	_ =	shalt  }
0x42: {  	_ =	shalt  }
0x43: {  	_ =	shalt  }
0x44: {  	_ =	shalt  }
0x45: {  	_ =	shalt  }
0x46: {  	_ =	shalt  }
0x47: {  	_ =	shalt  }
0x48: {  	_ =	shalt  }
0x49: {  	_ =	shalt  }
0x4a: {  	_ =	shalt  }
0x4b: {  	_ =	shalt  }
0x4c: {  	_ =	shalt  }
0x4d: {  	_ =	shalt  }
0x4e: {  	_ =	shalt  }
0x4f: {  	_ =	shalt  }
0x50: {  	_ =	shalt  }
0x51: {  	_ =	shalt  }
0x52: {  	_ =	shalt  }
0x53: {  	_ =	shalt  }
0x54: {  	_ =	shalt  }
0x55: {  	_ =	shalt  }
0x56: {  	_ =	shalt  }
0x57: {  	_ =	shalt  }
0x58: {  	_ =	shalt  }
0x59: {  	_ =	shalt  }
0x5a: {  	_ =	shalt  }
0x5b: {  	_ =	shalt  }
0x5c: {  	_ =	shalt  }
0x5d: {  	_ =	shalt  }
0x5e: {  	_ =	shalt  }
0x5f: {  	_ =	shalt  }
0x60: {  	_ =	shalt  }
0x61: {  	_ =	shalt  }
0x62: {  	_ =	shalt  }
0x63: {  	_ =	shalt  }
0x64: {  	_ =	shalt  }
0x65: {  	_ =	shalt  }
0x66: {  	_ =	shalt  }
0x67: {  	_ =	shalt  }
0x68: {  	_ =	shalt  }
0x69: {  	_ =	shalt  }
0x6a: {  	_ =	shalt  }
0x6b: {  	_ =	shalt  }
0x6c: {  	_ =	shalt  }
0x6d: {  	_ =	shalt  }
0x6e: {  	_ =	shalt  }
0x6f: {  	_ =	shalt  }
0x70: {  	_ =	shalt  }
0x71: {  	_ =	shalt  }
0x72: {  	_ =	shalt  }
0x73: {  	_ =	shalt  }
0x74: {  	_ =	shalt  }
0x75: {  	_ =	shalt  }
0x76: {  	_ =	shalt  }
0x77: {  	_ =	shalt  }
0x78: {  	_ =	shalt  }
0x79: {  	_ =	shalt  }
0x7a: {  	_ =	shalt  }
0x7b: {  	_ =	shalt  }
0x7c: {  	_ =	shalt  }
0x7d: {  	_ =	shalt  }
0x7e: {  	_ =	shalt  }
0x7f: {  	_ =	shalt  }
0x80: {  	_ =	shalt  }
0x81: {  	_ =	shalt  }
0x82: {  	_ =	shalt  }
0x83: {  	_ =	shalt  }
0x84: {  	_ =	shalt  }
0x85: {  	_ =	shalt  }
0x86: {  	_ =	shalt  }
0x87: {  	_ =	shalt  }
.Lfunc_end0:
.L_simem_size_0:
called_computation_lowered:
.L_overlay_start_0:
0x88: {  	s2 =	sld [smem:$0x3FD9]  }
0x89: {  	s3 =	sld [smem:$0x3FFE];
	_ =	sdelay $0x1  }
0x8a: {  	s1 =	srdreg.scid  }
0x8b: {  	s0 =	sand.u32 $0x1, s1  }
0x8c: {  	s16 =	sshll.u32 s0, $0xA;
	s2 =	sadd.s32 s3, s2  }
0x8d: {  	s2 =	sadd.s32 s2, s16  }
0x8e: {  	[smem:$0x3FBB] =	sst s2  }
0x8f: {  	_ = 	snop  }
0x90: {  	(tm) =	ssettm $0x1  }
0x91: {  	s17 =	sld [smem:$0x3FFB];
	_ =	sdelay $0x3  }
0x92: {  	_ =	strace s17  }
0x93: {  	s2 =	sld [smem:$0x3FFC];
	_ =	sdelay $0x3  }
0x94: {  	_ =	strace s2  }
0x95: {  	s2 =	sld [smem:$0x3FFD];
	_ =	sdelay $0x3  }
0x96: {  	_ =	strace s2  }
0x97: {  	_ =	strace $0x8FFFFFFF  }
0x98: {  	s18 =	sld [smem:$0x3FDB];
	_ =	sdelay $0x1  }
0x99: {  	s19 =	simm.s32 $_scs_section_size  }
0x9a: {  	s4 =	simm.s32 $_size__tile_overlayer_lowered;
	s5 =	simm.s32 $_tile_overlayer_lowered  }
0x9b: {  	s22 =	simm.s32 $0x1BFF;
	s21 =	sshll.u32 s5, $0x1;
	s2 =	sadd.s32 s19, s18  }
0x9c: {  	s6 =	simm.s32 $0x0;
	s20 =	sshll.u32 s4, $0x1;
	s4 =	sadd.s32 s21, s2  }
0x9d: {  	[timem:s6], [sflag:s22] =	dma.local [hbm:s4], s20  }
0x9e: {  	_ =	swait.ge [sflag:s22], s20  }
0x9f: {  	s3 =	ssub.s32 $0x0, s20;
	[sflag:s22] =	ssyncset.done $0x0  }
0xa0: {  	[sflag:s22] =	ssyncadd.s32 s3;
	_ =	sdelay $0x1  }
0xa1: {  	s23 =	simm.s32 $0x1B8B  }
0xa2: {  	_ =	swait.ge [sflag:s23], $0x1  }
0xa3: {  	[sflag:s23] =	ssyncset.done $0x0  }
0xa4: {  	s25 =	simm.s32 $0x1B8E;
	s24 =	sld [smem:$0x3FFE];
	[sflag:s23] =	ssyncadd.s32 $0xFFFFFFFF  }
0xa5: {  	s26 =	simm.s32 $execute0_lowered;
	[smem:$0x3FD2] =	sst s25  }
0xa6: {  	s4 =	sshll.u32 s26, $0x1;
	_ =	strace $0x80000046;
	[dreg:$0x1] =	wrdreg $0xFFFFFFFF  }
0xa7: {  	s28 =	simm.s32 $_size_execute0_lowered;
	s2 =	sadd.s32 s2, s4;
	[dreg:$0x0] =	wrdreg $0x0  }
0xa8: {  	s4 =	sshll.u32 s28, $0x1;
	[dreg:$0x2] =	wrdreg s2  }
0xa9: {  	[dreg:$0x3] =	wrdreg s4  }
0xaa: {  	[dreg:$0x4] =	wrdreg $0xC0  }
0xab: {  	_ =	task [dreg:s6], $0x5FFFF  }
0xac: {  	[dreg:$0x1] =	wrdreg $0xFFFFFFFF  }
0xad: {  	[dreg:$0x0] =	wrdreg $0x60  }
0xae: {  	[dreg:$0x2] =	wrdreg s24  }
0xaf: {  	[dreg:$0x3] =	wrdreg $0x9  }
0xb0: {  	_ =	task.clear_ibuf [dreg:s6], $0x4FFFF;
	_ =	strace $0x90000046  }
0xb1: {  	s29 =	simm.s32 $0x9;
	_ =	strace $0x80000048  }
0xb2: {  	_ =	swait.ge [sflag:s29], $0x1  }
0xb3: {  	[sflag:s29] =	ssyncadd.s32 $0xFFFFFFFF  }
0xb4: {  	_ =	strace $0x90000048  }
0xb5: {  	_ =	sfence  }
0xb6: {  	s30 =	sld [smem:$0x0];
	_ =	sdelay $0x2  }
0xb7: {  	s31 =	sshll.u32 s1, $0xD;
	s1 =	sshrl.u32 s1, $0x2  }
0xb8: {  	s3 =	sand.u32 $0x4000, s31;
	s1 =	sadd.s32 s1, s30  }
0xb9: {  	s0 =	sor.u32 s3, s0;
	s1 =	sshll.u32 s1, $0x11  }
0xba: {  	s0 =	sor.u32 s1, s0  }
0xbb: {  	s0 =	sadd.s32 $0x8F2B, s0  }
0xbc: {  	[sflag:s0] =	ssyncadd.remote.s32 $0x1  }
0xbd: {  	_ =	sfence.sel $0xFFFF  }
0xbe: {  	[dreg:$0x0] =	wrdreg $0xFFFFFFFF;
	(pc) =	sbr.abs _section_cstart, $3  }
0xbf: {  	[dreg:$0x1] =	wrdreg $0xFFFFFFFF  }
0xc0: {  	_ =	task.clear_ibuf [dreg:s6], $0x2FFFF;
	_ =	strace $0x9FFFFFFF  }
0xc1: {  	(tm) =	ssettm $0x7FFFFFFF  }
tec
execute0_lowered:
.L_overlay_start_1:
0x0: {  	(tag) =	ssettag $0x1  }
0x1: {  	s1 =	srdreg.scid  }
0x2: {  	s0 =	stileid.u32;
	s4 =	rddreg [dreg:$0x0]  }
0x3: {  	s2 =	simm.s32 $0x0;
	s15 =	simm.s32 $0x2;
	s16 =	simm.s32 $0x8  }
0x4: {  	s17 =	simm.s32 $0x1380;
	s18 =	simm.s32 $0x9400;
	s9 =	smul.u32 $0x138800, s0  }
0x5: {  	s19 =	simm.s32 $0x0;
	s6 =	sand.u32 $0x1, s1;
	s13 =	smul.u32 $0x27100, s0  }
0x6: {  	s28 =	sshll.u32 s0, $0x1;
	s1 =	rddreg [dreg:$0x1];
	s11 =	smul.u32 $0x9C400, s6  }
0x7: {  	[smem:$0x7FF] =	sst s2;
	s5 =	sor.u32 s6, s28;
	s14 =	smul.u32 $0x13880, s6  }
0x8: {  	s8 =	sadd.s32 $0x2F400, s4;
	s29 =	ssub.s32 $0x2, s6;
	s3 =	smul.u32 $0x1388, s5  }
0x9: {  	_ =	strace $0x80000047;
	s5 =	smul.u32 $0x9C400, s5;
	s10 =	sshrl.u32 s29, $0x1  }
0xa: {  	s30 =	sadd.s32 s13, s8;
	s13 =	simm.s32 $0x5400;
	s10 =	ssub.s32 s29, s10  }
0xb: {  	s9 =	sadd.s32 s11, s9;
	s31 =	sadd.s32 s14, s30;
	s11 =	simm.s32 $0x80  }
0xc: {  	s14 =	simm.s32 $0x1;
	s7 =	sshrl.u32 s3, $0x3;
	s3 =	sadd.s32 $0x8200, s4  }
0xd: {  	s5 =	sshrl.u32 s5, $0x3;
	s9 =	sshrl.u32 s9, $0x3;
	s7 =	sadd.s32 s7, s4  }
0xe: {  	s12 =	sadd.s32 s8, s5;
	s8 =	sadd.s32 s9, s8;
	s9 =	sadd.s32 $0x800, s31  }
0xf: {  	s4 =	sadd.s32 $0x3200, s7;
	s5 =	sadd.s32 $0x13000, s12;
	s6 =	sadd.s32 $0x13800, s12  }
0x10: {  	s7 =	smax.u32 s10, $0x1;
	s10 =	simm.s32 $0x3;
	s12 =	simm.s32 $0x1400  }
.LBB2_1:
0x11: {  	[tilespmem:s2], [sflag:$0x3] =	stream.linear.gather [hbm4b:s4+s2], $0x1388, $0x38;
	[tilespmem:$0x9800] =	vst v63  }
0x12: {  	_ =	swait.ge [sflag:s10], $0x1388  }
0x13: {  	[sflag:s10] =	ssyncset.done $0x0  }
0x14: {  	[sflag:s10] =	ssyncadd.s32 $0xFFFFEC78  }
0x15: {  	[tilespmem:s12], [sflag:$0x1] =	stream.indirect.gather [hbm4b:s3+s11], $0x80, s2, s11, $0xb8;
	[tilespmem:$0x9800] =	vst v63  }
0x16: {  	s20 =	simm.s32 $0x80  }
0x17: {  	[tilespmem:s13], [sflag:$0x2] =	stream.indirect.gather [hbm4b:s3+s11], $0x80, s20, s11, $0xb8;
	[tilespmem:$0x9800] =	vst v63  }
0x18: {  	_ =	swait.ge [sflag:s14], $0x4000  }
0x19: {  	[sflag:s14] =	ssyncset.done $0x0  }
0x1a: {  	s29 =	sadd.s32 $0x0, s8;
	[sflag:s14] =	ssyncadd.s32 $0xFFFFC000  }
0x1b: {  	[hbm4b:s29+s2] =	stream.linear.scatter [tilespmem:s12], [sflag:$0x3], $0x4000, $0x38;
	[tilespmem:$0x9800] =	vst v63  }
0x1c: {  	_ =	swait.ge [sflag:s10], $0x4000  }
0x1d: {  	[sflag:s10] =	ssyncset.done $0x0  }
0x1e: {  	s30 =	simm.s32 $0x100;
	[sflag:s10] =	ssyncadd.s32 $0xFFFFC000  }
0x1f: {  	[tilespmem:s12], [sflag:$0x1] =	stream.indirect.gather [hbm4b:s3+s11], $0x80, s30, s11, $0xb8;
	[tilespmem:$0x9800] =	vst v63  }
0x20: {  	_ =	swait.ge [sflag:s15], $0x4000  }
0x21: {  	[sflag:s15] =	ssyncset.done $0x0  }
0x22: {  	s31 =	sadd.s32 $0x0, s9;
	[sflag:s15] =	ssyncadd.s32 $0xFFFFC000  }
0x23: {  	[hbm4b:s31+s2] =	stream.linear.scatter [tilespmem:s13], [sflag:$0x3], $0x4000, $0x38;
	[tilespmem:$0x9800] =	vst v63  }
0x24: {  	s22 =	simm.s32 $0x2000;
	_ =	swait.ge [sflag:s10], $0x4000  }
0x25: {  	s21 =	simm.s32 $0x200;
	s20 =	simm.s32 $0x1000;
	[sflag:s10] =	ssyncset.done $0x0  }
.LBB2_2:
0x26: {  	p0 =	sne.s32 s22, $0x12000;
	s23 =	sadd.s32 $0xFFFFFF80, s21;
	[sflag:s10] =	ssyncadd.s32 $0xFFFFC000  }
0x27: {  	[tilespmem:s13], [sflag:$0x2] =	stream.indirect.gather [hbm4b:s3+s11], $0x80, s23, s11, $0xb8;
	[tilespmem:$0x9800] =	vst v63  }
0x28: {  	s23 =	smov.u32 s22;
	s22 =	sadd.s32 $0x1000, s22;
	_ =	swait.ge [sflag:s14], $0x4000  }
0x29: {  	[sflag:s14] =	ssyncset.done $0x0  }
0x2a: {  	s24 =	sadd.s32 s20, s8;
	[sflag:s14] =	ssyncadd.s32 $0xFFFFC000  }
0x2b: {  	[hbm4b:s24+s2] =	stream.linear.scatter [tilespmem:s12], [sflag:$0x3], $0x4000, $0x38;
	[tilespmem:$0x9800] =	vst v63  }
0x2c: {  	_ =	swait.ge [sflag:s10], $0x4000  }
0x2d: {  	[sflag:s10] =	ssyncset.done $0x0  }
0x2e: {  	[sflag:s10] =	ssyncadd.s32 $0xFFFFC000  }
0x2f: {  	[tilespmem:s12], [sflag:$0x1] =	stream.indirect.gather [hbm4b:s3+s11], $0x80, s21, s11, $0xb8;
	[tilespmem:$0x9800] =	vst v63  }
0x30: {  	_ =	swait.ge [sflag:s15], $0x4000  }
.Ltmp0:
0x31: {  	[sflag:s15] =	ssyncset.done $0x0;
	(pc) =	sbr.rel @p0 .LBB2_2-.Ltmp0, $4  }
0x32: {  	s24 =	sadd.s32 s20, s9;
	s20 =	smov.u32 s23;
	[sflag:s15] =	ssyncadd.s32 $0xFFFFC000  }
0x33: {  	[hbm4b:s24+s2] =	stream.linear.scatter [tilespmem:s13], [sflag:$0x3], $0x4000, $0x38;
	[tilespmem:$0x9800] =	vst v63  }
0x34: {  	_ =	swait.ge [sflag:s10], $0x4000  }
0x35: {  	s21 =	sadd.s32 $0x100, s21;
	[sflag:s10] =	ssyncset.done $0x0  }
0x36: {  	s22 =	sadd.s32 $0xFFFFFF80, s21;
	[sflag:s10] =	ssyncadd.s32 $0xFFFFC000  }
0x37: {  	[tilespmem:s13], [sflag:$0x2] =	stream.indirect.gather [hbm4b:s3+s11], $0x80, s22, s11, $0xb8;
	[tilespmem:$0x9800] =	vst v63  }
0x38: {  	_ =	swait.ge [sflag:s14], $0x4000  }
0x39: {  	[sflag:s14] =	ssyncset.done $0x0  }
0x3a: {  	s30 =	sadd.s32 s20, s8;
	[sflag:s14] =	ssyncadd.s32 $0xFFFFC000  }
0x3b: {  	[hbm4b:s30+s2] =	stream.linear.scatter [tilespmem:s12], [sflag:$0x3], $0x4000, $0x38;
	[tilespmem:$0x9800] =	vst v63  }
0x3c: {  	_ =	swait.ge [sflag:s10], $0x4000  }
0x3d: {  	[sflag:s10] =	ssyncset.done $0x0  }
0x3e: {  	[sflag:s10] =	ssyncadd.s32 $0xFFFFC000  }
0x3f: {  	[tilespmem:s12], [sflag:$0x1] =	stream.indirect.gather [hbm4b:s3+s11], $0x80, s21, s11, $0xb8;
	[tilespmem:$0x9800] =	vst v63  }
0x40: {  	_ =	swait.ge [sflag:s15], $0x4000  }
0x41: {  	[sflag:s15] =	ssyncset.done $0x0  }
0x42: {  	s31 =	sadd.s32 s20, s9;
	[sflag:s15] =	ssyncadd.s32 $0xFFFFC000  }
0x43: {  	[hbm4b:s31+s2] =	stream.linear.scatter [tilespmem:s13], [sflag:$0x3], $0x4000, $0x38;
	[tilespmem:$0x9800] =	vst v63  }
0x44: {  	_ =	swait.ge [sflag:s10], $0x4000  }
0x45: {  	[sflag:s10] =	ssyncset.done $0x0  }
0x46: {  	[sflag:s10] =	ssyncadd.s32 $0xFFFFC000  }
0x47: {  	_ =	swait.ge [sflag:s14], $0x4000  }
0x48: {  	[sflag:s14] =	ssyncset.done $0x0  }
0x49: {  	[sflag:s14] =	ssyncadd.s32 $0xFFFFC000  }
0x4a: {  	[hbm4b:s5+s2] =	stream.linear.scatter [tilespmem:s12], [sflag:$0x3], $0x4000, $0x38;
	[tilespmem:$0x9800] =	vst v63  }
0x4b: {  	_ =	swait.ge [sflag:s10], $0x4000  }
0x4c: {  	[sflag:s10] =	ssyncset.done $0x0  }
0x4d: {  	[sflag:s10] =	ssyncadd.s32 $0xFFFFC000  }
0x4e: {  	[tilespmem:s18], [sflag:$0x1] =	stream.indirect.gather [hbm4b:s3+s16], $0x80, s17, s16, $0xb8;
	[tilespmem:$0x9800] =	vst v63  }
0x4f: {  	s19 =	sadd.s32 $0x1, s19;
	_ =	swait.ge [sflag:s14], $0x400  }
0x50: {  	p0 =	sne.s32 s19, s7;
	[sflag:s14] =	ssyncset.done $0x0  }
.Ltmp1:
0x51: {  	[sflag:s14] =	ssyncadd.s32 $0xFFFFFC00;
	(pc) =	sbr.rel @p0 .LBB2_1-.Ltmp1, $4  }
0x52: {  	[hbm4b:s6+s2] =	stream.linear.scatter [tilespmem:s18], [sflag:$0x3], $0x400, $0x38;
	[tilespmem:$0x9800] =	vst v63  }
0x53: {  	_ =	swait.ge [sflag:s10], $0x400  }
0x54: {  	[sflag:s10] =	ssyncset.done $0x0  }
0x55: {  	[sflag:s10] =	ssyncadd.s32 $0xFFFFFC00  }
0x56: {  	_ =	sfence.sel $0x180000  }
0x57: {  	[bflag:$0x0] =	sbarrier.arrive $0xFFFF  }
0x58: {  	p0 =	sne.s32 s0, $0x0;
	_ =	strace $0x90000047  }
0x59: {  	s0 =	sadd.s32 @!p0 $0x100000, s1;
	[bflag:$0x2] =	sbarrier.arrive $0xFFFF  }
0x5a: {  	[sflag:s0] =	ssyncadd.tile.s32 @!p0 $0x1;
	_ =	shalt  }
.Lfunc_end2:
_tile_overlayer_lowered:
.L_overlay_start_2:
0x5b: {  	(tag) =	ssettag $0x2  }
0x5c: {  	s0 =	rddreg [dreg:$0x0];
	s2 =	stileid.u32  }
0x5d: {  	s1 =	rddreg [dreg:$0x1];
	p0 =	sne.s32 s2, $0x0  }
0x5e: {  	s3 =	rddreg [dreg:$0x2];
	[bflag:$0x3] =	sbarrier.arrive $0xFFFF;
	s2 =	simm.s32 @!p0 $0x1C03  }
0x5f: {  	[timem:s3], [sflag:s2] =	dma.local @!p0 [hbm:s0], s1  }
0x60: {  	s0 =	simm.s32 @!p0 $0x3  }
0x61: {  	_ =	swait.ge @!p0 [sflag:s0], s1  }
0x62: {  	s1 =	ssub.s32 @!p0 $0x0, s1;
	[sflag:s0] =	ssyncset.done @!p0 $0x0  }
0x63: {  	[sflag:s0] =	ssyncadd.s32 @!p0 s1  }
0x64: {  	[bflag:$0x3] =	sbarrier.arrive $0xFFFF  }
0x65: {  	_ =	shalt  }

// kernel: kernel.13.cloned.1.call-start
scs
__scs_entry_jumppad:
0x0: {  	(pc) =	sbr.rel $0x88, $3  }
0x1: {  	(tag) =	ssettag $0x0;
	lr =	simm.s32 $0x1  }
0x2: {  	[smem:$0x3F94] =	sst lr;
	_ =	strace $0xD0000000  }
0x3: {  	_ = 	snop  }
0x4: {  	_ = 	snop  }
0x5: {  	_ = 	snop  }
0x6: {  	_ = 	snop  }
0x7: {  	_ = 	snop  }
__scs_overlays_trampoline_lowered:
0x8: {  	[smem:$0x3FA3] =	sst s0  }
0x9: {  	[smem:$0x3FA4] =	sst s1  }
0xa: {  	[smem:$0x3FA5] =	sst s2  }
0xb: {  	[smem:$0x3FA6] =	sst s3  }
0xc: {  	[smem:$0x3FA7] =	sst s4  }
0xd: {  	[smem:$0x3FA8] =	sst s5  }
0xe: {  	[smem:$0x3FA9] =	sst s6  }
0xf: {  	[smem:$0x3FAA] =	sst s7  }
0x10: {  	[smem:$0x3FAB] =	sst s8  }
0x11: {  	[smem:$0x3FAC] =	sst s9;
	s0 =	simm.s32 @!p0 $0x0  }
0x12: {  	s1 =	sld [smem:$0x3F92];
	s0 =	simm.s32 @p0 $0x1  }
0x13: {  	[smem:$0x3FAD] =	sst s0;
	s0 =	simm.s32 @!p1 $0x0  }
0x14: {  	s2 =	sld [smem:$0x3F91];
	s0 =	simm.s32 @p1 $0x1  }
0x15: {  	[smem:$0x3FAE] =	sst s0;
	s0 =	simm.s32 @!p2 $0x0  }
0x16: {  	s3 =	sld [smem:$0x3FDB];
	s0 =	simm.s32 @p2 $0x1  }
0x17: {  	s4 =	simm.s32 $0x1BF5;
	[smem:$0x3FB0] =	sst s0  }
0x18: {  	s0 =	sld [smem:$0x3F93];
	_ =	swait.ge [sflag:s4], $0x0  }
0x19: {  	s7 =	sld [smem:$0x3F94]  }
0x1a: {  	s8 =	sadd.s32 $0xFFFFE003, lr  }
0x1b: {  	s9 =	sadd.s32 $0xFFFFFEF7, lr;
	s5 =	simm.s32 $0xFFFFFFFF;
	p2 =	slt.u32 s8, $0xFFFFF086  }
0x1c: {  	p1 =	slt.u32 s9, $0xF7A;
	s5 =	simm.s32 @!p2 $0x0  }
0x1d: {  	s5 =	simm.s32 @p1 $0x1;
	p0 =	seq.s32 s7, s2  }
0x1e: {  	s7 =	smul.u32 @!p0 $0xF7A, s2;
	p2 =	seq.s32 @!p0 s5, $0x0  }
0x1f: {  	s9 =	smul.u32 $0xF7A, s1;
	s8 =	simm.s32 @!p0 $0x1BF5;
	p2 =	por !p2, p0  }
0x20: {  	[sflag:s8] =	ssyncset.s32 @!p0 $0xFFFFF086;
	s6 =	sadd.s32 @!p0 s3, s7;
	s7 =	simm.s32 @!p0 $0x108  }
0x21: {  	s3 =	sadd.s32 s3, s9;
	s6 =	sadd.s32 @!p0 $0x88, s6;
	s7 =	simm.s32 @p2 $0x1082  }
0x22: {  	[simem:s7], [sflag:s8] =	dma.local @!p0 [hbm:s6], $0xF7A  }
0x23: {  	s9 =	sor.u32 $0xD0000000, s2;
	s6 =	simm.s32 $0x108;
	_ =	swait.ge @!p0 [sflag:s8], $0x0  }
0x24: {  	s3 =	sadd.s32 $0x88, s3;
	s6 =	simm.s32 @!p1 $0x1082;
	[sflag:s4] =	ssyncset.s32 $0xFFFFF086  }
0x25: {  	[simem:s6], [sflag:s4] =	dma.local [hbm:s3], $0xF7A  }
0x26: {  	[smem:$0x3F94] =	sst s1;
	(tag) =	ssettag s2;
	_ =	strace s9  }
0x27: {  	s1 =	sld [smem:$0x3FA4]  }
0x28: {  	s2 =	sld [smem:$0x3FA5]  }
0x29: {  	s4 =	sld [smem:$0x3FA7]  }
0x2a: {  	p0 =	seq.s32 s5, $0x0;
	s5 =	sld [smem:$0x3FA8]  }
0x2b: {  	s6 =	sld [smem:$0x3FA9]  }
0x2c: {  	s7 =	sld [smem:$0x3FAA]  }
0x2d: {  	s3 =	simm.s32 $0x108;
	s8 =	sld [smem:$0x3FAB]  }
0x2e: {  	s3 =	simm.s32 @!p0 $0x1082;
	s9 =	sld [smem:$0x3FAC]  }
0x2f: {  	lr =	sadd.s32 s0, s3;
	s0 =	sld [smem:$0x3FA3]  }
0x30: {  	s3 =	sld [smem:$0x3FA6]  }
0x31: {  	[smem:$0x3FAF] =	sst s10  }
0x32: {  	s10 =	sld [smem:$0x3FAD];
	_ =	sdelay $0x3  }
0x33: {  	p0 =	seq.s32 s10, $0x1;
	s10 =	sld [smem:$0x3FAF];
	_ =	sdelay $0x3  }
0x34: {  	[smem:$0x3FAF] =	sst s10  }
0x35: {  	s10 =	sld [smem:$0x3FAE];
	_ =	sdelay $0x3  }
0x36: {  	p1 =	seq.s32 s10, $0x1;
	s10 =	sld [smem:$0x3FAF];
	_ =	sdelay $0x3  }
0x37: {  	[smem:$0x3FAF] =	sst s10  }
0x38: {  	s10 =	sld [smem:$0x3FB0]  }
0x39: {  	_ = 	snop;
	(pc) =	sbr.ind lr, $3  }
0x3a: {  	_ = 	snop  }
0x3b: {  	_ = 	snop  }
0x3c: {  	p2 =	seq.s32 s10, $0x1;
	s10 =	sld [smem:$0x3FAF]  }
0x3d: {  	_ =	shalt  }
0x3e: {  	_ =	shalt  }
0x3f: {  	_ =	shalt  }
0x40: {  	_ =	shalt  }
0x41: {  	_ =	shalt  }
0x42: {  	_ =	shalt  }
0x43: {  	_ =	shalt  }
0x44: {  	_ =	shalt  }
0x45: {  	_ =	shalt  }
0x46: {  	_ =	shalt  }
0x47: {  	_ =	shalt  }
0x48: {  	_ =	shalt  }
0x49: {  	_ =	shalt  }
0x4a: {  	_ =	shalt  }
0x4b: {  	_ =	shalt  }
0x4c: {  	_ =	shalt  }
0x4d: {  	_ =	shalt  }
0x4e: {  	_ =	shalt  }
0x4f: {  	_ =	shalt  }
0x50: {  	_ =	shalt  }
0x51: {  	_ =	shalt  }
0x52: {  	_ =	shalt  }
0x53: {  	_ =	shalt  }
0x54: {  	_ =	shalt  }
0x55: {  	_ =	shalt  }
0x56: {  	_ =	shalt  }
0x57: {  	_ =	shalt  }
0x58: {  	_ =	shalt  }
0x59: {  	_ =	shalt  }
0x5a: {  	_ =	shalt  }
0x5b: {  	_ =	shalt  }
0x5c: {  	_ =	shalt  }
0x5d: {  	_ =	shalt  }
0x5e: {  	_ =	shalt  }
0x5f: {  	_ =	shalt  }
0x60: {  	_ =	shalt  }
0x61: {  	_ =	shalt  }
0x62: {  	_ =	shalt  }
0x63: {  	_ =	shalt  }
0x64: {  	_ =	shalt  }
0x65: {  	_ =	shalt  }
0x66: {  	_ =	shalt  }
0x67: {  	_ =	shalt  }
0x68: {  	_ =	shalt  }
0x69: {  	_ =	shalt  }
0x6a: {  	_ =	shalt  }
0x6b: {  	_ =	shalt  }
0x6c: {  	_ =	shalt  }
0x6d: {  	_ =	shalt  }
0x6e: {  	_ =	shalt  }
0x6f: {  	_ =	shalt  }
0x70: {  	_ =	shalt  }
0x71: {  	_ =	shalt  }
0x72: {  	_ =	shalt  }
0x73: {  	_ =	shalt  }
0x74: {  	_ =	shalt  }
0x75: {  	_ =	shalt  }
0x76: {  	_ =	shalt  }
0x77: {  	_ =	shalt  }
0x78: {  	_ =	shalt  }
0x79: {  	_ =	shalt  }
0x7a: {  	_ =	shalt  }
0x7b: {  	_ =	shalt  }
0x7c: {  	_ =	shalt  }
0x7d: {  	_ =	shalt  }
0x7e: {  	_ =	shalt  }
0x7f: {  	_ =	shalt  }
0x80: {  	_ =	shalt  }
0x81: {  	_ =	shalt  }
0x82: {  	_ =	shalt  }
0x83: {  	_ =	shalt  }
0x84: {  	_ =	shalt  }
0x85: {  	_ =	shalt  }
0x86: {  	_ =	shalt  }
0x87: {  	_ =	shalt  }
.Lfunc_end0:
.L_simem_size_0:
called_computation.1_lowered:
.L_overlay_start_0:
0x88: {  	s2 =	sld [smem:$0x3FD9]  }
0x89: {  	s3 =	sld [smem:$0x3FFE];
	_ =	sdelay $0x1  }
0x8a: {  	s1 =	srdreg.scid  }
0x8b: {  	s0 =	sand.u32 $0x1, s1  }
0x8c: {  	s17 =	sshll.u32 s0, $0xA;
	s2 =	sadd.s32 s3, s2  }
0x8d: {  	s2 =	sadd.s32 s2, s17  }
0x8e: {  	[smem:$0x3FBB] =	sst s2  }
0x8f: {  	_ = 	snop  }
0x90: {  	s2 =	sld [smem:$0x3FD0];
	(tm) =	ssettm $0x1  }
0x91: {  	s18 =	sld [smem:$0x3FFB];
	_ =	sdelay $0x3  }
0x92: {  	_ =	strace s18  }
0x93: {  	s3 =	sld [smem:$0x3FFC];
	_ =	sdelay $0x3  }
0x94: {  	_ =	strace s3  }
0x95: {  	s3 =	sld [smem:$0x3FFD];
	_ =	sdelay $0x3  }
0x96: {  	_ =	strace s3  }
0x97: {  	_ =	strace $0x8FFFFFFF  }
0x98: {  	s19 =	sld [smem:$0x3FDB];
	_ =	sdelay $0x1  }
0x99: {  	s4 =	simm.s32 $_scs_section_size  }
0x9a: {  	s5 =	simm.s32 $_size__tile_overlayer_lowered;
	s6 =	simm.s32 $_tile_overlayer_lowered  }
0x9b: {  	s22 =	simm.s32 $0x1BFF;
	s21 =	sshll.u32 s6, $0x1;
	s3 =	sadd.s32 s4, s19  }
0x9c: {  	s7 =	simm.s32 $0x0;
	s20 =	sshll.u32 s5, $0x1;
	s5 =	sadd.s32 s21, s3  }
0x9d: {  	[timem:s7], [sflag:s22] =	dma.local [hbm:s5], s20  }
0x9e: {  	_ =	swait.ge [sflag:s22], s20  }
0x9f: {  	s4 =	ssub.s32 $0x0, s20;
	[sflag:s22] =	ssyncset.done $0x0  }
0xa0: {  	[sflag:s22] =	ssyncadd.s32 s4;
	_ =	sdelay $0x1  }
0xa1: {  	s23 =	simm.s32 $0x1B8B  }
0xa2: {  	_ =	swait.ge [sflag:s23], $0x1  }
0xa3: {  	[sflag:s23] =	ssyncset.done $0x0  }
0xa4: {  	s25 =	simm.s32 $0x1B8E;
	s24 =	sld [smem:$0x3FFE];
	[sflag:s23] =	ssyncadd.s32 $0xFFFFFFFF  }
0xa5: {  	s26 =	simm.s32 $execute0_lowered;
	[smem:$0x3FD2] =	sst s25  }
0xa6: {  	s5 =	sshll.u32 s26, $0x1;
	_ =	strace $0x80000049;
	[dreg:$0x1] =	wrdreg $0xFFFFFFFF  }
0xa7: {  	s28 =	simm.s32 $_size_execute0_lowered;
	s3 =	sadd.s32 s3, s5;
	[dreg:$0x0] =	wrdreg $0x0  }
0xa8: {  	s5 =	sshll.u32 s28, $0x1;
	[dreg:$0x2] =	wrdreg s3  }
0xa9: {  	[dreg:$0x3] =	wrdreg s5  }
0xaa: {  	[dreg:$0x4] =	wrdreg $0xC0  }
0xab: {  	_ =	task [dreg:s7], $0x5FFFF  }
0xac: {  	[dreg:$0x1] =	wrdreg $0xFFFFFFFF  }
0xad: {  	[dreg:$0x0] =	wrdreg $0x60  }
0xae: {  	[dreg:$0x2] =	wrdreg s24  }
0xaf: {  	[dreg:$0x3] =	wrdreg s2  }
0xb0: {  	[dreg:$0x4] =	wrdreg $0x85800  }
0xb1: {  	[dreg:$0x5] =	wrdreg $0x9  }
0xb2: {  	_ =	task.clear_ibuf [dreg:s7], $0x6FFFF;
	_ =	strace $0x90000049  }
0xb3: {  	s29 =	simm.s32 $0x9;
	_ =	strace $0x8000004B  }
0xb4: {  	_ =	swait.ge [sflag:s29], $0x1  }
0xb5: {  	[sflag:s29] =	ssyncadd.s32 $0xFFFFFFFF  }
0xb6: {  	_ =	strace $0x9000004B  }
0xb7: {  	_ =	sfence  }
0xb8: {  	s30 =	sld [smem:$0x0];
	_ =	sdelay $0x2  }
0xb9: {  	s31 =	sshll.u32 s1, $0xD;
	s1 =	sshrl.u32 s1, $0x2  }
0xba: {  	s3 =	sand.u32 $0x4000, s31;
	s1 =	sadd.s32 s1, s30  }
0xbb: {  	s0 =	sor.u32 s3, s0;
	s1 =	sshll.u32 s1, $0x11  }
0xbc: {  	s0 =	sor.u32 s1, s0  }
0xbd: {  	s0 =	sadd.s32 $0x8F2B, s0  }
0xbe: {  	[sflag:s0] =	ssyncadd.remote.s32 $0x1  }
0xbf: {  	_ =	sfence.sel $0xFFFF  }
0xc0: {  	[dreg:$0x0] =	wrdreg $0xFFFFFFFF;
	(pc) =	sbr.abs _section_cstart, $3  }
0xc1: {  	[dreg:$0x1] =	wrdreg $0xFFFFFFFF  }
0xc2: {  	_ =	task.clear_ibuf [dreg:s7], $0x2FFFF;
	_ =	strace $0x9FFFFFFF  }
0xc3: {  	(tm) =	ssettm $0x7FFFFFFF  }
tec
execute0_lowered:
.L_overlay_start_1:
0x0: {  	(tag) =	ssettag $0x1  }
0x1: {  	s0 =	rddreg [dreg:$0x0]  }
0x2: {  	s2 =	rddreg [dreg:$0x1]  }
0x3: {  	s3 =	rddreg [dreg:$0x2]  }
0x4: {  	s1 =	srdreg.scid;
	s19 =	stileid.u32  }
0x5: {  	s4 =	simm.s32 $0x0;
	s28 =	simm.s32 $0x4;
	s29 =	simm.s32 $0x8100  }
0x6: {  	s30 =	simm.s32 $0x8180;
	s1 =	sand.u32 $0x1, s1;
	s5 =	smul.u32 $0x278, s19  }
0x7: {  	[smem:$0x7FF] =	sst s4;
	s7 =	sadd.s32 $0x3D8C00, s0;
	s8 =	sshll.u32 s19, $0x1  }
0x8: {  	s9 =	sadd.s32 $0x2F400, s0;
	s11 =	smul.u32 $0x4F000, s19;
	s18 =	sshll.u32 s19, $0x6  }
0x9: {  	p0 =	seq.s32 s19, $0xF;
	s6 =	smul.u32 $0x2710, s1;
	_ =	strace $0x8000004A  }
0xa: {  	s13 =	sor.u32 s1, s8;
	s14 =	ssub.s32 $0x2, s1;
	s23 =	smul.u32 $0x13880, s1  }
0xb: {  	[dreg:$0x4] =	wrdreg s9;
	s10 =	smul.u32 $0x1388, s13;
	s15 =	sshrl.u32 s14, $0x1  }
0xc: {  	s17 =	sshrl.u32 s11, $0x2;
	s5 =	sadd.s32 s5, s6;
	s15 =	ssub.s32 s14, s15  }
0xd: {  	s6 =	smul.u32 $0x13880, s13;
	s5 =	sshll.u32 s5, $0x4;
	s16 =	sshrl.u32 s10, $0x3  }
0xe: {  	s12 =	sadd.s32 $0x1380, s10;
	s15 =	smax.u32 s15, $0x1;
	s5 =	sadd.s32 s5, s0  }
0xf: {  	s8 =	sadd.s32 s2, s16;
	s6 =	sadd.s32 s7, s6;
	s16 =	smul.u32 $0x27100, s19  }
0x10: {  	s0 =	sadd.s32 $0x31480, s0;
	s21 =	sshrl.u32 s12, $0x3;
	[dreg:$0x5] =	wrdreg s8  }
0x11: {  	s22 =	sshll.u32 s12, $0x4;
	[dreg:$0x6] =	wrdreg s6;
	s6 =	sadd.s32 s17, s3  }
0x12: {  	s8 =	sor.u32 $0x1C05, s18;
	[dreg:$0x8] =	wrdreg s0;
	s17 =	smul.u32 $0x2710, s19  }
0x13: {  	s11 =	sadd.s32 s2, s21;
	s18 =	smul.u32 $0x1388, s1;
	s12 =	sadd.s32 s7, s22  }
0x14: {  	s13 =	sadd.s32 $0x31C00, s5;
	s14 =	sadd.s32 $0x33C80, s5;
	s19 =	simm.s32 $0x100  }
0x15: {  	s21 =	simm.s32 $0x5;
	s22 =	simm.s32 $0x80;
	s20 =	sadd.s32 $0x10400, s6  }
0x16: {  	s24 =	sadd.s32 s16, s7;
	[dreg:$0x7] =	wrdreg s20;
	s25 =	sadd.s32 s18, s17  }
0x17: {  	s0 =	sadd.s32 s23, s24;
	s20 =	sshrl.u32 s6, $0x3;
	s23 =	simm.s32 $0x4100  }
0x18: {  	s24 =	simm.s32 $0x1;
	s26 =	sadd.s32 $0x80, s25;
	s16 =	sadd.s32 $0x1000, s0  }
0x19: {  	s17 =	sadd.s32 $0x100, s25;
	s25 =	simm.s32 $0x3;
	s31 =	sshrl.u32 s26, $0x3  }
0x1a: {  	s0 =	simm.s32 $0x0;
	s26 =	simm.s32 $0x2;
	s18 =	sadd.s32 s31, s2  }
.LBB2_1:
0x1b: {  	s1 =	rddreg [dreg:$0x5]  }
0x1c: {  	s5 =	rddreg [dreg:$0x6]  }
0x1d: {  	[tilespmem:s4], [sflag:$0x1] =	stream.linear.gather [hbm4b:s1+s4], $0x80, $0x38;
	[tilespmem:$0x1BE00] =	vst v63  }
0x1e: {  	s6 =	rddreg [dreg:$0x4]  }
0x1f: {  	[tilespmem:s19], [sflag:$0x3] =	stream.linear.gather [hbm4b:s5+s4], $0x4000, $0x38;
	[tilespmem:$0x1BE00] =	vst v63  }
0x20: {  	[spmem:s20], [sflag:s8] =	dma.local [hbm:s6], $0x2080  }
0x21: {  	_ =	swait.ge [sflag:s21], $0x2080  }
0x22: {  	[sflag:s21] =	ssyncset.done $0x0;
	s1 =	rddreg [dreg:$0x7]  }
0x23: {  	s5 =	rddreg [dreg:$0x8];
	[sflag:s21] =	ssyncadd.s32 $0xFFFFDF80;
	s1 =	sshrl.u32 @!p0 s1, $0x3  }
0x24: {  	[spmem:s1], [sflag:s8] =	dma.local @!p0 [hbm:s5], $0x700  }
0x25: {  	s5 =	simm.s32 @!p0 $0x5  }
0x26: {  	_ =	swait.ge @!p0 [sflag:s5], $0x700  }
0x27: {  	[sflag:s5] =	ssyncset.done @!p0 $0x0  }
0x28: {  	[sflag:s5] =	ssyncadd.s32 @!p0 $0xFFFFF900  }
0x29: {  	s7 =	sadd.s32 $0x0, s18;
	[bflag:$0x0] =	sbarrier.arrive $0xFFFF  }
0x2a: {  	[tilespmem:s22], [sflag:$0x2] =	stream.linear.gather [hbm4b:s7+s4], $0x80, $0x38;
	[tilespmem:$0x1BE00] =	vst v63  }
0x2b: {  	s9 =	sadd.s32 $0xFFFFF800, s16  }
0x2c: {  	[tilespmem:s23], [sflag:$0x4] =	stream.linear.gather [hbm4b:s9+s4], $0x4000, $0x38;
	[tilespmem:$0x1BE00] =	vst v63  }
0x2d: {  	_ =	swait.ge [sflag:s24], $0x80  }
0x2e: {  	[sflag:s24] =	ssyncset.done $0x0  }
0x2f: {  	[sflag:s24] =	ssyncadd.s32 $0xFFFFFF80  }
0x30: {  	_ =	swait.ge [sflag:s25], $0x4000  }
0x31: {  	[sflag:s25] =	ssyncset.done $0x0  }
0x32: {  	[sflag:s25] =	ssyncadd.s32 $0xFFFFC000  }
0x33: {  	[spmem:s3] =	stream.indirect.scatter.add.f32 [tilespmem:s19], [sflag:$0x5], $0x80, s4, s22, $0xb8;
	[tilespmem:$0x1BE00] =	vst v63  }
0x34: {  	_ =	swait.ge [sflag:s21], $0x4000  }
0x35: {  	s10 =	sshrl.u32 s17, $0x3;
	[sflag:s21] =	ssyncset.done $0x0  }
0x36: {  	s5 =	sadd.s32 s2, s10;
	[sflag:s21] =	ssyncadd.s32 $0xFFFFC000  }
0x37: {  	[tilespmem:s4], [sflag:$0x1] =	stream.linear.gather [hbm4b:s5+s4], $0x80, $0x38;
	[tilespmem:$0x1BE00] =	vst v63  }
0x38: {  	_ = 	snop  }
0x39: {  	[tilespmem:s19], [sflag:$0x3] =	stream.linear.gather [hbm4b:s16+s4], $0x4000, $0x38;
	[tilespmem:$0x1BE00] =	vst v63  }
0x3a: {  	_ =	swait.ge [sflag:s26], $0x80  }
0x3b: {  	[sflag:s26] =	ssyncset.done $0x0  }
0x3c: {  	[sflag:s26] =	ssyncadd.s32 $0xFFFFFF80  }
0x3d: {  	_ =	swait.ge [sflag:s28], $0x4000  }
0x3e: {  	[sflag:s28] =	ssyncset.done $0x0  }
0x3f: {  	[sflag:s28] =	ssyncadd.s32 $0xFFFFC000  }
0x40: {  	[spmem:s3] =	stream.indirect.scatter.add.f32 [tilespmem:s23], [sflag:$0x5], $0x80, s22, s22, $0xb8;
	[tilespmem:$0x1BE00] =	vst v63  }
0x41: {  	s31 =	sadd.s32 $0x1000, s16;
	s6 =	simm.s32 $0x20;
	_ =	swait.ge [sflag:s21], $0x4000  }
0x42: {  	s7 =	simm.s32 $0x40;
	s5 =	sadd.s32 $0x100, s17;
	[sflag:s21] =	ssyncset.done $0x0  }
.LBB2_2:
0x43: {  	s9 =	sadd.s32 s6, s18  }
0x44: {  	[sflag:s21] =	ssyncadd.s32 $0xFFFFC000;
	s6 =	smov.u32 s7;
	s10 =	sadd.s32 $0x20, s7  }
0x45: {  	[tilespmem:s22], [sflag:$0x2] =	stream.linear.gather [hbm4b:s9+s4], $0x80, $0x38;
	[tilespmem:$0x1BE00] =	vst v63  }
0x46: {  	p1 =	sne.s32 s7, $0x240;
	s7 =	sadd.s32 $0xFFFFF800, s31  }
0x47: {  	[tilespmem:s23], [sflag:$0x4] =	stream.linear.gather [hbm4b:s7+s4], $0x4000, $0x38;
	[tilespmem:$0x1BE00] =	vst v63  }
0x48: {  	_ =	swait.ge [sflag:s24], $0x80  }
0x49: {  	[sflag:s24] =	ssyncset.done $0x0  }
0x4a: {  	[sflag:s24] =	ssyncadd.s32 $0xFFFFFF80  }
0x4b: {  	_ =	swait.ge [sflag:s25], $0x4000  }
0x4c: {  	[sflag:s25] =	ssyncset.done $0x0  }
0x4d: {  	[sflag:s25] =	ssyncadd.s32 $0xFFFFC000  }
0x4e: {  	[spmem:s3] =	stream.indirect.scatter.add.f32 [tilespmem:s19], [sflag:$0x5], $0x80, s4, s22, $0xb8;
	[tilespmem:$0x1BE00] =	vst v63  }
0x4f: {  	_ =	swait.ge [sflag:s21], $0x4000  }
0x50: {  	s7 =	sshrl.u32 s5, $0x3;
	[sflag:s21] =	ssyncset.done $0x0  }
0x51: {  	s7 =	sadd.s32 s2, s7;
	[sflag:s21] =	ssyncadd.s32 $0xFFFFC000  }
0x52: {  	[tilespmem:s4], [sflag:$0x1] =	stream.linear.gather [hbm4b:s7+s4], $0x80, $0x38;
	[tilespmem:$0x1BE00] =	vst v63  }
0x53: {  	_ = 	snop  }
0x54: {  	[tilespmem:s19], [sflag:$0x3] =	stream.linear.gather [hbm4b:s31+s4], $0x4000, $0x38;
	[tilespmem:$0x1BE00] =	vst v63  }
0x55: {  	_ =	swait.ge [sflag:s26], $0x80  }
0x56: {  	[sflag:s26] =	ssyncset.done $0x0  }
0x57: {  	[sflag:s26] =	ssyncadd.s32 $0xFFFFFF80  }
0x58: {  	_ =	swait.ge [sflag:s28], $0x4000  }
.Ltmp0:
0x59: {  	[sflag:s28] =	ssyncset.done $0x0;
	(pc) =	sbr.rel @p1 .LBB2_2-.Ltmp0, $4  }
0x5a: {  	[sflag:s28] =	ssyncadd.s32 $0xFFFFC000  }
0x5b: {  	[spmem:s3] =	stream.indirect.scatter.add.f32 [tilespmem:s23], [sflag:$0x5], $0x80, s22, s22, $0xb8;
	[tilespmem:$0x1BE00] =	vst v63  }
0x5c: {  	s5 =	sadd.s32 $0x100, s5;
	_ =	swait.ge [sflag:s21], $0x4000  }
0x5d: {  	s7 =	smov.u32 s10;
	s31 =	sadd.s32 $0x1000, s31;
	[sflag:s21] =	ssyncset.done $0x0  }
0x5e: {  	s6 =	sadd.s32 s6, s18;
	[sflag:s21] =	ssyncadd.s32 $0xFFFFC000  }
0x5f: {  	[tilespmem:s22], [sflag:$0x2] =	stream.linear.gather [hbm4b:s6+s4], $0x80, $0x38;
	[tilespmem:$0x1BE00] =	vst v63  }
0x60: {  	s10 =	sadd.s32 $0xFFFFF800, s31  }
0x61: {  	[tilespmem:s23], [sflag:$0x4] =	stream.linear.gather [hbm4b:s10+s4], $0x4000, $0x38;
	[tilespmem:$0x1BE00] =	vst v63  }
0x62: {  	_ =	swait.ge [sflag:s24], $0x80  }
0x63: {  	[sflag:s24] =	ssyncset.done $0x0  }
0x64: {  	[sflag:s24] =	ssyncadd.s32 $0xFFFFFF80  }
0x65: {  	_ =	swait.ge [sflag:s25], $0x4000  }
0x66: {  	[sflag:s25] =	ssyncset.done $0x0  }
0x67: {  	[sflag:s25] =	ssyncadd.s32 $0xFFFFC000  }
0x68: {  	[spmem:s3] =	stream.indirect.scatter.add.f32 [tilespmem:s19], [sflag:$0x5], $0x80, s4, s22, $0xb8;
	[tilespmem:$0x1BE00] =	vst v63  }
0x69: {  	_ =	swait.ge [sflag:s21], $0x4000  }
0x6a: {  	s5 =	sshrl.u32 s5, $0x3;
	[sflag:s21] =	ssyncset.done $0x0  }
0x6b: {  	s5 =	sadd.s32 s2, s5;
	[sflag:s21] =	ssyncadd.s32 $0xFFFFC000  }
0x6c: {  	[tilespmem:s4], [sflag:$0x1] =	stream.linear.gather [hbm4b:s5+s4], $0x80, $0x38;
	[tilespmem:$0x1BE00] =	vst v63  }
0x6d: {  	_ = 	snop  }
0x6e: {  	[tilespmem:s19], [sflag:$0x3] =	stream.linear.gather [hbm4b:s31+s4], $0x4000, $0x38;
	[tilespmem:$0x1BE00] =	vst v63  }
0x6f: {  	_ =	swait.ge [sflag:s26], $0x80  }
0x70: {  	[sflag:s26] =	ssyncset.done $0x0  }
0x71: {  	[sflag:s26] =	ssyncadd.s32 $0xFFFFFF80  }
0x72: {  	_ =	swait.ge [sflag:s28], $0x4000  }
0x73: {  	[sflag:s28] =	ssyncset.done $0x0  }
0x74: {  	[sflag:s28] =	ssyncadd.s32 $0xFFFFC000  }
0x75: {  	[spmem:s3] =	stream.indirect.scatter.add.f32 [tilespmem:s23], [sflag:$0x5], $0x80, s22, s22, $0xb8;
	[tilespmem:$0x1BE00] =	vst v63  }
0x76: {  	_ =	swait.ge [sflag:s21], $0x4000  }
0x77: {  	[sflag:s21] =	ssyncset.done $0x0  }
0x78: {  	[sflag:s21] =	ssyncadd.s32 $0xFFFFC000  }
0x79: {  	_ =	swait.ge [sflag:s24], $0x80  }
0x7a: {  	[sflag:s24] =	ssyncset.done $0x0  }
0x7b: {  	[sflag:s24] =	ssyncadd.s32 $0xFFFFFF80  }
0x7c: {  	_ =	swait.ge [sflag:s25], $0x4000  }
0x7d: {  	[sflag:s25] =	ssyncset.done $0x0  }
0x7e: {  	[sflag:s25] =	ssyncadd.s32 $0xFFFFC000  }
0x7f: {  	[spmem:s3] =	stream.indirect.scatter.add.f32 [tilespmem:s19], [sflag:$0x5], $0x80, s4, s22, $0xb8;
	[tilespmem:$0x1BE00] =	vst v63  }
0x80: {  	_ =	swait.ge [sflag:s21], $0x4000  }
0x81: {  	[sflag:s21] =	ssyncset.done $0x0  }
0x82: {  	[sflag:s21] =	ssyncadd.s32 $0xFFFFC000  }
0x83: {  	[tilespmem:s29], [sflag:$0x5] =	stream.linear.gather [hbm4b:s11+s4], $0x8, $0x38;
	[tilespmem:$0x1BE00] =	vst v63  }
0x84: {  	_ =	swait.ge [sflag:s21], $0x8  }
0x85: {  	[sflag:s21] =	ssyncset.done $0x0  }
0x86: {  	[sflag:s21] =	ssyncadd.s32 $0xFFFFFFF8  }
0x87: {  	[tilespmem:s30], [sflag:$0x5] =	stream.linear.gather [hbm4b:s12+s4], $0x400, $0x38;
	[tilespmem:$0x1BE00] =	vst v63  }
0x88: {  	_ =	swait.ge [sflag:s21], $0x400  }
0x89: {  	[sflag:s21] =	ssyncset.done $0x0  }
0x8a: {  	s31 =	simm.s32 $0x8;
	[sflag:s21] =	ssyncadd.s32 $0xFFFFFC00  }
0x8b: {  	[spmem:s3] =	stream.indirect.scatter.add.f32 [tilespmem:s30], [sflag:$0x5], $0x80, s29, s31, $0xb8;
	[tilespmem:$0x1BE00] =	vst v63  }
0x8c: {  	_ =	swait.ge [sflag:s21], $0x400  }
0x8d: {  	[sflag:s21] =	ssyncset.done $0x0  }
0x8e: {  	[sflag:s21] =	ssyncadd.s32 $0xFFFFFC00  }
0x8f: {  	[bflag:$0x0] =	sbarrier.arrive $0xFFFF  }
0x90: {  	[hbm:s13], [sflag:s8] =	dma.local [spmem:s20], $0x2080  }
0x91: {  	_ =	swait.ge [sflag:s21], $0x2080  }
0x92: {  	s0 =	sadd.s32 $0x1, s0;
	[sflag:s21] =	ssyncset.done $0x0  }
0x93: {  	p1 =	sne.s32 s0, s15;
	[sflag:s21] =	ssyncadd.s32 $0xFFFFDF80  }
0x94: {  	[hbm:s14], [sflag:s8] =	dma.local @!p0 [spmem:s1], $0x700  }
.Ltmp1:
0x95: {  	_ = 	snop;
	(pc) =	sbr.rel @p1 .LBB2_1-.Ltmp1, $4  }
0x96: {  	s1 =	simm.s32 @!p0 $0x5  }
0x97: {  	_ =	swait.ge @!p0 [sflag:s1], $0x700  }
0x98: {  	[sflag:s1] =	ssyncset.done @!p0 $0x0  }
0x99: {  	[sflag:s1] =	ssyncadd.s32 @!p0 $0xFFFFF900  }
0x9a: {  	_ =	sfence.sel $0x180000  }
0x9b: {  	[bflag:$0x0] =	sbarrier.arrive $0xFFFF  }
0x9c: {  	_ =	strace $0x9000004A  }
0x9d: {  	s0 =	stileid.u32;
	[bflag:$0x2] =	sbarrier.arrive $0xFFFF  }
0x9e: {  	p0 =	sne.s32 s0, $0x0;
	s0 =	rddreg [dreg:$0x3]  }
0x9f: {  	s0 =	sadd.s32 @!p0 $0x100000, s0  }
0xa0: {  	[sflag:s0] =	ssyncadd.tile.s32 @!p0 $0x1;
	_ =	shalt  }
.Lfunc_end2:
_tile_overlayer_lowered:
.L_overlay_start_2:
0xa1: {  	(tag) =	ssettag $0x2  }
0xa2: {  	s0 =	rddreg [dreg:$0x0];
	s2 =	stileid.u32  }
0xa3: {  	s1 =	rddreg [dreg:$0x1];
	p0 =	sne.s32 s2, $0x0  }
0xa4: {  	s3 =	rddreg [dreg:$0x2];
	[bflag:$0x3] =	sbarrier.arrive $0xFFFF;
	s2 =	simm.s32 @!p0 $0x1C05  }
0xa5: {  	[timem:s3], [sflag:s2] =	dma.local @!p0 [hbm:s0], s1  }
0xa6: {  	s0 =	simm.s32 @!p0 $0x5  }
0xa7: {  	_ =	swait.ge @!p0 [sflag:s0], s1  }
0xa8: {  	s1 =	ssub.s32 @!p0 $0x0, s1;
	[sflag:s0] =	ssyncset.done @!p0 $0x0  }
0xa9: {  	[sflag:s0] =	ssyncadd.s32 @!p0 s1  }
0xaa: {  	[bflag:$0x3] =	sbarrier.arrive $0xFFFF  }
0xab: {  	_ =	shalt  }

// kernel: kernel.16.cloned.1.call-start
scs
__scs_entry_jumppad:
0x0: {  	(pc) =	sbr.rel $0x88, $3  }
0x1: {  	(tag) =	ssettag $0x0;
	lr =	simm.s32 $0x1  }
0x2: {  	[smem:$0x3F94] =	sst lr;
	_ =	strace $0xD0000000  }
0x3: {  	_ = 	snop  }
0x4: {  	_ = 	snop  }
0x5: {  	_ = 	snop  }
0x6: {  	_ = 	snop  }
0x7: {  	_ = 	snop  }
__scs_overlays_trampoline_lowered:
0x8: {  	[smem:$0x3FA3] =	sst s0  }
0x9: {  	[smem:$0x3FA4] =	sst s1  }
0xa: {  	[smem:$0x3FA5] =	sst s2  }
0xb: {  	[smem:$0x3FA6] =	sst s3  }
0xc: {  	[smem:$0x3FA7] =	sst s4  }
0xd: {  	[smem:$0x3FA8] =	sst s5  }
0xe: {  	[smem:$0x3FA9] =	sst s6  }
0xf: {  	[smem:$0x3FAA] =	sst s7  }
0x10: {  	[smem:$0x3FAB] =	sst s8  }
0x11: {  	[smem:$0x3FAC] =	sst s9;
	s0 =	simm.s32 @!p0 $0x0  }
0x12: {  	s1 =	sld [smem:$0x3F92];
	s0 =	simm.s32 @p0 $0x1  }
0x13: {  	[smem:$0x3FAD] =	sst s0;
	s0 =	simm.s32 @!p1 $0x0  }
0x14: {  	s2 =	sld [smem:$0x3F91];
	s0 =	simm.s32 @p1 $0x1  }
0x15: {  	[smem:$0x3FAE] =	sst s0;
	s0 =	simm.s32 @!p2 $0x0  }
0x16: {  	s3 =	sld [smem:$0x3FDB];
	s0 =	simm.s32 @p2 $0x1  }
0x17: {  	s4 =	simm.s32 $0x1BF5;
	[smem:$0x3FB0] =	sst s0  }
0x18: {  	s0 =	sld [smem:$0x3F93];
	_ =	swait.ge [sflag:s4], $0x0  }
0x19: {  	s7 =	sld [smem:$0x3F94]  }
0x1a: {  	s8 =	sadd.s32 $0xFFFFE003, lr  }
0x1b: {  	s9 =	sadd.s32 $0xFFFFFEF7, lr;
	s5 =	simm.s32 $0xFFFFFFFF;
	p2 =	slt.u32 s8, $0xFFFFF086  }
0x1c: {  	p1 =	slt.u32 s9, $0xF7A;
	s5 =	simm.s32 @!p2 $0x0  }
0x1d: {  	s5 =	simm.s32 @p1 $0x1;
	p0 =	seq.s32 s7, s2  }
0x1e: {  	s7 =	smul.u32 @!p0 $0xF7A, s2;
	p2 =	seq.s32 @!p0 s5, $0x0  }
0x1f: {  	s9 =	smul.u32 $0xF7A, s1;
	s8 =	simm.s32 @!p0 $0x1BF5;
	p2 =	por !p2, p0  }
0x20: {  	[sflag:s8] =	ssyncset.s32 @!p0 $0xFFFFF086;
	s6 =	sadd.s32 @!p0 s3, s7;
	s7 =	simm.s32 @!p0 $0x108  }
0x21: {  	s3 =	sadd.s32 s3, s9;
	s6 =	sadd.s32 @!p0 $0x88, s6;
	s7 =	simm.s32 @p2 $0x1082  }
0x22: {  	[simem:s7], [sflag:s8] =	dma.local @!p0 [hbm:s6], $0xF7A  }
0x23: {  	s9 =	sor.u32 $0xD0000000, s2;
	s6 =	simm.s32 $0x108;
	_ =	swait.ge @!p0 [sflag:s8], $0x0  }
0x24: {  	s3 =	sadd.s32 $0x88, s3;
	s6 =	simm.s32 @!p1 $0x1082;
	[sflag:s4] =	ssyncset.s32 $0xFFFFF086  }
0x25: {  	[simem:s6], [sflag:s4] =	dma.local [hbm:s3], $0xF7A  }
0x26: {  	[smem:$0x3F94] =	sst s1;
	(tag) =	ssettag s2;
	_ =	strace s9  }
0x27: {  	s1 =	sld [smem:$0x3FA4]  }
0x28: {  	s2 =	sld [smem:$0x3FA5]  }
0x29: {  	s4 =	sld [smem:$0x3FA7]  }
0x2a: {  	p0 =	seq.s32 s5, $0x0;
	s5 =	sld [smem:$0x3FA8]  }
0x2b: {  	s6 =	sld [smem:$0x3FA9]  }
0x2c: {  	s7 =	sld [smem:$0x3FAA]  }
0x2d: {  	s3 =	simm.s32 $0x108;
	s8 =	sld [smem:$0x3FAB]  }
0x2e: {  	s3 =	simm.s32 @!p0 $0x1082;
	s9 =	sld [smem:$0x3FAC]  }
0x2f: {  	lr =	sadd.s32 s0, s3;
	s0 =	sld [smem:$0x3FA3]  }
0x30: {  	s3 =	sld [smem:$0x3FA6]  }
0x31: {  	[smem:$0x3FAF] =	sst s10  }
0x32: {  	s10 =	sld [smem:$0x3FAD];
	_ =	sdelay $0x3  }
0x33: {  	p0 =	seq.s32 s10, $0x1;
	s10 =	sld [smem:$0x3FAF];
	_ =	sdelay $0x3  }
0x34: {  	[smem:$0x3FAF] =	sst s10  }
0x35: {  	s10 =	sld [smem:$0x3FAE];
	_ =	sdelay $0x3  }
0x36: {  	p1 =	seq.s32 s10, $0x1;
	s10 =	sld [smem:$0x3FAF];
	_ =	sdelay $0x3  }
0x37: {  	[smem:$0x3FAF] =	sst s10  }
0x38: {  	s10 =	sld [smem:$0x3FB0]  }
0x39: {  	_ = 	snop;
	(pc) =	sbr.ind lr, $3  }
0x3a: {  	_ = 	snop  }
0x3b: {  	_ = 	snop  }
0x3c: {  	p2 =	seq.s32 s10, $0x1;
	s10 =	sld [smem:$0x3FAF]  }
0x3d: {  	_ =	shalt  }
0x3e: {  	_ =	shalt  }
0x3f: {  	_ =	shalt  }
0x40: {  	_ =	shalt  }
0x41: {  	_ =	shalt  }
0x42: {  	_ =	shalt  }
0x43: {  	_ =	shalt  }
0x44: {  	_ =	shalt  }
0x45: {  	_ =	shalt  }
0x46: {  	_ =	shalt  }
0x47: {  	_ =	shalt  }
0x48: {  	_ =	shalt  }
0x49: {  	_ =	shalt  }
0x4a: {  	_ =	shalt  }
0x4b: {  	_ =	shalt  }
0x4c: {  	_ =	shalt  }
0x4d: {  	_ =	shalt  }
0x4e: {  	_ =	shalt  }
0x4f: {  	_ =	shalt  }
0x50: {  	_ =	shalt  }
0x51: {  	_ =	shalt  }
0x52: {  	_ =	shalt  }
0x53: {  	_ =	shalt  }
0x54: {  	_ =	shalt  }
0x55: {  	_ =	shalt  }
0x56: {  	_ =	shalt  }
0x57: {  	_ =	shalt  }
0x58: {  	_ =	shalt  }
0x59: {  	_ =	shalt  }
0x5a: {  	_ =	shalt  }
0x5b: {  	_ =	shalt  }
0x5c: {  	_ =	shalt  }
0x5d: {  	_ =	shalt  }
0x5e: {  	_ =	shalt  }
0x5f: {  	_ =	shalt  }
0x60: {  	_ =	shalt  }
0x61: {  	_ =	shalt  }
0x62: {  	_ =	shalt  }
0x63: {  	_ =	shalt  }
0x64: {  	_ =	shalt  }
0x65: {  	_ =	shalt  }
0x66: {  	_ =	shalt  }
0x67: {  	_ =	shalt  }
0x68: {  	_ =	shalt  }
0x69: {  	_ =	shalt  }
0x6a: {  	_ =	shalt  }
0x6b: {  	_ =	shalt  }
0x6c: {  	_ =	shalt  }
0x6d: {  	_ =	shalt  }
0x6e: {  	_ =	shalt  }
0x6f: {  	_ =	shalt  }
0x70: {  	_ =	shalt  }
0x71: {  	_ =	shalt  }
0x72: {  	_ =	shalt  }
0x73: {  	_ =	shalt  }
0x74: {  	_ =	shalt  }
0x75: {  	_ =	shalt  }
0x76: {  	_ =	shalt  }
0x77: {  	_ =	shalt  }
0x78: {  	_ =	shalt  }
0x79: {  	_ =	shalt  }
0x7a: {  	_ =	shalt  }
0x7b: {  	_ =	shalt  }
0x7c: {  	_ =	shalt  }
0x7d: {  	_ =	shalt  }
0x7e: {  	_ =	shalt  }
0x7f: {  	_ =	shalt  }
0x80: {  	_ =	shalt  }
0x81: {  	_ =	shalt  }
0x82: {  	_ =	shalt  }
0x83: {  	_ =	shalt  }
0x84: {  	_ =	shalt  }
0x85: {  	_ =	shalt  }
0x86: {  	_ =	shalt  }
0x87: {  	_ =	shalt  }
.Lfunc_end0:
.L_simem_size_0:
called_computation.2_lowered:
.L_overlay_start_0:
0x88: {  	s2 =	sld [smem:$0x3FD9]  }
0x89: {  	s3 =	sld [smem:$0x3FFE];
	_ =	sdelay $0x1  }
0x8a: {  	s1 =	srdreg.scid  }
0x8b: {  	s0 =	sand.u32 $0x1, s1  }
0x8c: {  	s16 =	sshll.u32 s0, $0xA;
	s2 =	sadd.s32 s3, s2  }
0x8d: {  	s2 =	sadd.s32 s2, s16  }
0x8e: {  	[smem:$0x3FBB] =	sst s2  }
0x8f: {  	_ = 	snop  }
0x90: {  	(tm) =	ssettm $0x1  }
0x91: {  	s17 =	sld [smem:$0x3FFB];
	_ =	sdelay $0x3  }
0x92: {  	_ =	strace s17  }
0x93: {  	s2 =	sld [smem:$0x3FFC];
	_ =	sdelay $0x3  }
0x94: {  	_ =	strace s2  }
0x95: {  	s2 =	sld [smem:$0x3FFD];
	_ =	sdelay $0x3  }
0x96: {  	_ =	strace s2  }
0x97: {  	_ =	strace $0x8FFFFFFF  }
0x98: {  	s18 =	sld [smem:$0x3FDB];
	_ =	sdelay $0x1  }
0x99: {  	s19 =	simm.s32 $_scs_section_size  }
0x9a: {  	s4 =	simm.s32 $_size__tile_overlayer_lowered;
	s5 =	simm.s32 $_tile_overlayer_lowered  }
0x9b: {  	s22 =	simm.s32 $0x1BFF;
	s21 =	sshll.u32 s5, $0x1;
	s2 =	sadd.s32 s19, s18  }
0x9c: {  	s6 =	simm.s32 $0x0;
	s20 =	sshll.u32 s4, $0x1;
	s4 =	sadd.s32 s21, s2  }
0x9d: {  	[timem:s6], [sflag:s22] =	dma.local [hbm:s4], s20  }
0x9e: {  	_ =	swait.ge [sflag:s22], s20  }
0x9f: {  	s3 =	ssub.s32 $0x0, s20;
	[sflag:s22] =	ssyncset.done $0x0  }
0xa0: {  	[sflag:s22] =	ssyncadd.s32 s3;
	_ =	sdelay $0x1  }
0xa1: {  	s23 =	simm.s32 $0x1B8B  }
0xa2: {  	_ =	swait.ge [sflag:s23], $0x1  }
0xa3: {  	[sflag:s23] =	ssyncset.done $0x0  }
0xa4: {  	s25 =	simm.s32 $0x1B8E;
	s24 =	sld [smem:$0x3FFE];
	[sflag:s23] =	ssyncadd.s32 $0xFFFFFFFF  }
0xa5: {  	s26 =	simm.s32 $execute0_lowered;
	[smem:$0x3FD2] =	sst s25  }
0xa6: {  	s4 =	sshll.u32 s26, $0x1;
	_ =	strace $0x8000004C;
	[dreg:$0x1] =	wrdreg $0xFFFFFFFF  }
0xa7: {  	s28 =	simm.s32 $_size_execute0_lowered;
	s2 =	sadd.s32 s2, s4;
	[dreg:$0x0] =	wrdreg $0x0  }
0xa8: {  	s4 =	sshll.u32 s28, $0x1;
	[dreg:$0x2] =	wrdreg s2  }
0xa9: {  	[dreg:$0x3] =	wrdreg s4  }
0xaa: {  	[dreg:$0x4] =	wrdreg $0xC0  }
0xab: {  	_ =	task [dreg:s6], $0x5FFFF  }
0xac: {  	[dreg:$0x1] =	wrdreg $0xFFFFFFFF  }
0xad: {  	[dreg:$0x0] =	wrdreg $0x60  }
0xae: {  	[dreg:$0x2] =	wrdreg s24  }
0xaf: {  	[dreg:$0x3] =	wrdreg $0x9  }
0xb0: {  	_ =	task.clear_ibuf [dreg:s6], $0x4FFFF;
	_ =	strace $0x9000004C  }
0xb1: {  	s29 =	simm.s32 $0x9;
	_ =	strace $0x8000004E  }
0xb2: {  	_ =	swait.ge [sflag:s29], $0x1  }
0xb3: {  	[sflag:s29] =	ssyncadd.s32 $0xFFFFFFFF  }
0xb4: {  	_ =	strace $0x9000004E  }
0xb5: {  	_ =	sfence  }
0xb6: {  	s30 =	sld [smem:$0x0];
	_ =	sdelay $0x2  }
0xb7: {  	s31 =	sshll.u32 s1, $0xD;
	s1 =	sshrl.u32 s1, $0x2  }
0xb8: {  	s3 =	sand.u32 $0x4000, s31;
	s1 =	sadd.s32 s1, s30  }
0xb9: {  	s0 =	sor.u32 s3, s0;
	s1 =	sshll.u32 s1, $0x11  }
0xba: {  	s0 =	sor.u32 s1, s0  }
0xbb: {  	s0 =	sadd.s32 $0x8F2B, s0  }
0xbc: {  	[sflag:s0] =	ssyncadd.remote.s32 $0x1  }
0xbd: {  	_ =	sfence.sel $0xFFFF  }
0xbe: {  	[dreg:$0x0] =	wrdreg $0xFFFFFFFF;
	(pc) =	sbr.abs _section_cstart, $3  }
0xbf: {  	[dreg:$0x1] =	wrdreg $0xFFFFFFFF  }
0xc0: {  	_ =	task.clear_ibuf [dreg:s6], $0x2FFFF;
	_ =	strace $0x9FFFFFFF  }
0xc1: {  	(tm) =	ssettm $0x7FFFFFFF  }
tec
execute0_lowered:
.L_overlay_start_1:
0x0: {  	(tag) =	ssettag $0x1  }
0x1: {  	s1 =	srdreg.scid  }
0x2: {  	s0 =	stileid.u32;
	s4 =	rddreg [dreg:$0x0]  }
0x3: {  	s2 =	simm.s32 $0x0;
	s15 =	simm.s32 $0x2;
	s16 =	simm.s32 $0x8  }
0x4: {  	s17 =	simm.s32 $0x1380;
	s18 =	simm.s32 $0x9400;
	s9 =	smul.u32 $0x138800, s0  }
0x5: {  	s19 =	simm.s32 $0x0;
	s6 =	sand.u32 $0x1, s1;
	s13 =	smul.u32 $0x27100, s0  }
0x6: {  	s28 =	sshll.u32 s0, $0x1;
	s1 =	rddreg [dreg:$0x1];
	s11 =	smul.u32 $0x9C400, s6  }
0x7: {  	[smem:$0x7FF] =	sst s2;
	s5 =	sor.u32 s6, s28;
	s14 =	smul.u32 $0x13880, s6  }
0x8: {  	s8 =	sadd.s32 $0x3D8C00, s4;
	s29 =	ssub.s32 $0x2, s6;
	s3 =	smul.u32 $0x1388, s5  }
0x9: {  	_ =	strace $0x8000004D;
	s5 =	smul.u32 $0x9C400, s5;
	s10 =	sshrl.u32 s29, $0x1  }
0xa: {  	s30 =	sadd.s32 s13, s8;
	s13 =	simm.s32 $0x5400;
	s10 =	ssub.s32 s29, s10  }
0xb: {  	s9 =	sadd.s32 s11, s9;
	s31 =	sadd.s32 s14, s30;
	s11 =	simm.s32 $0x80  }
0xc: {  	s14 =	simm.s32 $0x1;
	s7 =	sshrl.u32 s3, $0x3;
	s3 =	sadd.s32 $0x8200, s4  }
0xd: {  	s5 =	sshrl.u32 s5, $0x3;
	s9 =	sshrl.u32 s9, $0x3;
	s7 =	sadd.s32 s7, s4  }
0xe: {  	s12 =	sadd.s32 s8, s5;
	s8 =	sadd.s32 s9, s8;
	s9 =	sadd.s32 $0x800, s31  }
0xf: {  	s4 =	sadd.s32 $0x3200, s7;
	s5 =	sadd.s32 $0x13000, s12;
	s6 =	sadd.s32 $0x13800, s12  }
0x10: {  	s7 =	smax.u32 s10, $0x1;
	s10 =	simm.s32 $0x3;
	s12 =	simm.s32 $0x1400  }
.LBB2_1:
0x11: {  	[tilespmem:s2], [sflag:$0x3] =	stream.linear.gather [hbm4b:s4+s2], $0x1388, $0x38;
	[tilespmem:$0x9800] =	vst v63  }
0x12: {  	_ =	swait.ge [sflag:s10], $0x1388  }
0x13: {  	[sflag:s10] =	ssyncset.done $0x0  }
0x14: {  	[sflag:s10] =	ssyncadd.s32 $0xFFFFEC78  }
0x15: {  	[tilespmem:s12], [sflag:$0x1] =	stream.indirect.gather [hbm4b:s3+s11], $0x80, s2, s11, $0xb8;
	[tilespmem:$0x9800] =	vst v63  }
0x16: {  	s20 =	simm.s32 $0x80  }
0x17: {  	[tilespmem:s13], [sflag:$0x2] =	stream.indirect.gather [hbm4b:s3+s11], $0x80, s20, s11, $0xb8;
	[tilespmem:$0x9800] =	vst v63  }
0x18: {  	_ =	swait.ge [sflag:s14], $0x4000  }
0x19: {  	[sflag:s14] =	ssyncset.done $0x0  }
0x1a: {  	s29 =	sadd.s32 $0x0, s8;
	[sflag:s14] =	ssyncadd.s32 $0xFFFFC000  }
0x1b: {  	[hbm4b:s29+s2] =	stream.linear.scatter [tilespmem:s12], [sflag:$0x3], $0x4000, $0x38;
	[tilespmem:$0x9800] =	vst v63  }
0x1c: {  	_ =	swait.ge [sflag:s10], $0x4000  }
0x1d: {  	[sflag:s10] =	ssyncset.done $0x0  }
0x1e: {  	s30 =	simm.s32 $0x100;
	[sflag:s10] =	ssyncadd.s32 $0xFFFFC000  }
0x1f: {  	[tilespmem:s12], [sflag:$0x1] =	stream.indirect.gather [hbm4b:s3+s11], $0x80, s30, s11, $0xb8;
	[tilespmem:$0x9800] =	vst v63  }
0x20: {  	_ =	swait.ge [sflag:s15], $0x4000  }
0x21: {  	[sflag:s15] =	ssyncset.done $0x0  }
0x22: {  	s31 =	sadd.s32 $0x0, s9;
	[sflag:s15] =	ssyncadd.s32 $0xFFFFC000  }
0x23: {  	[hbm4b:s31+s2] =	stream.linear.scatter [tilespmem:s13], [sflag:$0x3], $0x4000, $0x38;
	[tilespmem:$0x9800] =	vst v63  }
0x24: {  	s22 =	simm.s32 $0x2000;
	_ =	swait.ge [sflag:s10], $0x4000  }
0x25: {  	s21 =	simm.s32 $0x200;
	s20 =	simm.s32 $0x1000;
	[sflag:s10] =	ssyncset.done $0x0  }
.LBB2_2:
0x26: {  	p0 =	sne.s32 s22, $0x12000;
	s23 =	sadd.s32 $0xFFFFFF80, s21;
	[sflag:s10] =	ssyncadd.s32 $0xFFFFC000  }
0x27: {  	[tilespmem:s13], [sflag:$0x2] =	stream.indirect.gather [hbm4b:s3+s11], $0x80, s23, s11, $0xb8;
	[tilespmem:$0x9800] =	vst v63  }
0x28: {  	s23 =	smov.u32 s22;
	s22 =	sadd.s32 $0x1000, s22;
	_ =	swait.ge [sflag:s14], $0x4000  }
0x29: {  	[sflag:s14] =	ssyncset.done $0x0  }
0x2a: {  	s24 =	sadd.s32 s20, s8;
	[sflag:s14] =	ssyncadd.s32 $0xFFFFC000  }
0x2b: {  	[hbm4b:s24+s2] =	stream.linear.scatter [tilespmem:s12], [sflag:$0x3], $0x4000, $0x38;
	[tilespmem:$0x9800] =	vst v63  }
0x2c: {  	_ =	swait.ge [sflag:s10], $0x4000  }
0x2d: {  	[sflag:s10] =	ssyncset.done $0x0  }
0x2e: {  	[sflag:s10] =	ssyncadd.s32 $0xFFFFC000  }
0x2f: {  	[tilespmem:s12], [sflag:$0x1] =	stream.indirect.gather [hbm4b:s3+s11], $0x80, s21, s11, $0xb8;
	[tilespmem:$0x9800] =	vst v63  }
0x30: {  	_ =	swait.ge [sflag:s15], $0x4000  }
.Ltmp0:
0x31: {  	[sflag:s15] =	ssyncset.done $0x0;
	(pc) =	sbr.rel @p0 .LBB2_2-.Ltmp0, $4  }
0x32: {  	s24 =	sadd.s32 s20, s9;
	s20 =	smov.u32 s23;
	[sflag:s15] =	ssyncadd.s32 $0xFFFFC000  }
0x33: {  	[hbm4b:s24+s2] =	stream.linear.scatter [tilespmem:s13], [sflag:$0x3], $0x4000, $0x38;
	[tilespmem:$0x9800] =	vst v63  }
0x34: {  	_ =	swait.ge [sflag:s10], $0x4000  }
0x35: {  	s21 =	sadd.s32 $0x100, s21;
	[sflag:s10] =	ssyncset.done $0x0  }
0x36: {  	s22 =	sadd.s32 $0xFFFFFF80, s21;
	[sflag:s10] =	ssyncadd.s32 $0xFFFFC000  }
0x37: {  	[tilespmem:s13], [sflag:$0x2] =	stream.indirect.gather [hbm4b:s3+s11], $0x80, s22, s11, $0xb8;
	[tilespmem:$0x9800] =	vst v63  }
0x38: {  	_ =	swait.ge [sflag:s14], $0x4000  }
0x39: {  	[sflag:s14] =	ssyncset.done $0x0  }
0x3a: {  	s30 =	sadd.s32 s20, s8;
	[sflag:s14] =	ssyncadd.s32 $0xFFFFC000  }
0x3b: {  	[hbm4b:s30+s2] =	stream.linear.scatter [tilespmem:s12], [sflag:$0x3], $0x4000, $0x38;
	[tilespmem:$0x9800] =	vst v63  }
0x3c: {  	_ =	swait.ge [sflag:s10], $0x4000  }
0x3d: {  	[sflag:s10] =	ssyncset.done $0x0  }
0x3e: {  	[sflag:s10] =	ssyncadd.s32 $0xFFFFC000  }
0x3f: {  	[tilespmem:s12], [sflag:$0x1] =	stream.indirect.gather [hbm4b:s3+s11], $0x80, s21, s11, $0xb8;
	[tilespmem:$0x9800] =	vst v63  }
0x40: {  	_ =	swait.ge [sflag:s15], $0x4000  }
0x41: {  	[sflag:s15] =	ssyncset.done $0x0  }
0x42: {  	s31 =	sadd.s32 s20, s9;
	[sflag:s15] =	ssyncadd.s32 $0xFFFFC000  }
0x43: {  	[hbm4b:s31+s2] =	stream.linear.scatter [tilespmem:s13], [sflag:$0x3], $0x4000, $0x38;
	[tilespmem:$0x9800] =	vst v63  }
0x44: {  	_ =	swait.ge [sflag:s10], $0x4000  }
0x45: {  	[sflag:s10] =	ssyncset.done $0x0  }
0x46: {  	[sflag:s10] =	ssyncadd.s32 $0xFFFFC000  }
0x47: {  	_ =	swait.ge [sflag:s14], $0x4000  }
0x48: {  	[sflag:s14] =	ssyncset.done $0x0  }
0x49: {  	[sflag:s14] =	ssyncadd.s32 $0xFFFFC000  }
0x4a: {  	[hbm4b:s5+s2] =	stream.linear.scatter [tilespmem:s12], [sflag:$0x3], $0x4000, $0x38;
	[tilespmem:$0x9800] =	vst v63  }
0x4b: {  	_ =	swait.ge [sflag:s10], $0x4000  }
0x4c: {  	[sflag:s10] =	ssyncset.done $0x0  }
0x4d: {  	[sflag:s10] =	ssyncadd.s32 $0xFFFFC000  }
0x4e: {  	[tilespmem:s18], [sflag:$0x1] =	stream.indirect.gather [hbm4b:s3+s16], $0x80, s17, s16, $0xb8;
	[tilespmem:$0x9800] =	vst v63  }
0x4f: {  	s19 =	sadd.s32 $0x1, s19;
	_ =	swait.ge [sflag:s14], $0x400  }
0x50: {  	p0 =	sne.s32 s19, s7;
	[sflag:s14] =	ssyncset.done $0x0  }
.Ltmp1:
0x51: {  	[sflag:s14] =	ssyncadd.s32 $0xFFFFFC00;
	(pc) =	sbr.rel @p0 .LBB2_1-.Ltmp1, $4  }
0x52: {  	[hbm4b:s6+s2] =	stream.linear.scatter [tilespmem:s18], [sflag:$0x3], $0x400, $0x38;
	[tilespmem:$0x9800] =	vst v63  }
0x53: {  	_ =	swait.ge [sflag:s10], $0x400  }
0x54: {  	[sflag:s10] =	ssyncset.done $0x0  }
0x55: {  	[sflag:s10] =	ssyncadd.s32 $0xFFFFFC00  }
0x56: {  	_ =	sfence.sel $0x180000  }
0x57: {  	[bflag:$0x0] =	sbarrier.arrive $0xFFFF  }
0x58: {  	p0 =	sne.s32 s0, $0x0;
	_ =	strace $0x9000004D  }
0x59: {  	s0 =	sadd.s32 @!p0 $0x100000, s1;
	[bflag:$0x2] =	sbarrier.arrive $0xFFFF  }
0x5a: {  	[sflag:s0] =	ssyncadd.tile.s32 @!p0 $0x1;
	_ =	shalt  }
.Lfunc_end2:
_tile_overlayer_lowered:
.L_overlay_start_2:
0x5b: {  	(tag) =	ssettag $0x2  }
0x5c: {  	s0 =	rddreg [dreg:$0x0];
	s2 =	stileid.u32  }
0x5d: {  	s1 =	rddreg [dreg:$0x1];
	p0 =	sne.s32 s2, $0x0  }
0x5e: {  	s3 =	rddreg [dreg:$0x2];
	[bflag:$0x3] =	sbarrier.arrive $0xFFFF;
	s2 =	simm.s32 @!p0 $0x1C03  }
0x5f: {  	[timem:s3], [sflag:s2] =	dma.local @!p0 [hbm:s0], s1  }
0x60: {  	s0 =	simm.s32 @!p0 $0x3  }
0x61: {  	_ =	swait.ge @!p0 [sflag:s0], s1  }
0x62: {  	s1 =	ssub.s32 @!p0 $0x0, s1;
	[sflag:s0] =	ssyncset.done @!p0 $0x0  }
0x63: {  	[sflag:s0] =	ssyncadd.s32 @!p0 s1  }
0x64: {  	[bflag:$0x3] =	sbarrier.arrive $0xFFFF  }
0x65: {  	_ =	shalt  }

// kernel: kernel.19.cloned.1.call-start
scs
__scs_entry_jumppad:
0x0: {  	(pc) =	sbr.rel $0x88, $3  }
0x1: {  	(tag) =	ssettag $0x0;
	lr =	simm.s32 $0x1  }
0x2: {  	[smem:$0x3F94] =	sst lr;
	_ =	strace $0xD0000000  }
0x3: {  	_ = 	snop  }
0x4: {  	_ = 	snop  }
0x5: {  	_ = 	snop  }
0x6: {  	_ = 	snop  }
0x7: {  	_ = 	snop  }
__scs_overlays_trampoline_lowered:
0x8: {  	[smem:$0x3FA3] =	sst s0  }
0x9: {  	[smem:$0x3FA4] =	sst s1  }
0xa: {  	[smem:$0x3FA5] =	sst s2  }
0xb: {  	[smem:$0x3FA6] =	sst s3  }
0xc: {  	[smem:$0x3FA7] =	sst s4  }
0xd: {  	[smem:$0x3FA8] =	sst s5  }
0xe: {  	[smem:$0x3FA9] =	sst s6  }
0xf: {  	[smem:$0x3FAA] =	sst s7  }
0x10: {  	[smem:$0x3FAB] =	sst s8  }
0x11: {  	[smem:$0x3FAC] =	sst s9;
	s0 =	simm.s32 @!p0 $0x0  }
0x12: {  	s1 =	sld [smem:$0x3F92];
	s0 =	simm.s32 @p0 $0x1  }
0x13: {  	[smem:$0x3FAD] =	sst s0;
	s0 =	simm.s32 @!p1 $0x0  }
0x14: {  	s2 =	sld [smem:$0x3F91];
	s0 =	simm.s32 @p1 $0x1  }
0x15: {  	[smem:$0x3FAE] =	sst s0;
	s0 =	simm.s32 @!p2 $0x0  }
0x16: {  	s3 =	sld [smem:$0x3FDB];
	s0 =	simm.s32 @p2 $0x1  }
0x17: {  	s4 =	simm.s32 $0x1BF5;
	[smem:$0x3FB0] =	sst s0  }
0x18: {  	s0 =	sld [smem:$0x3F93];
	_ =	swait.ge [sflag:s4], $0x0  }
0x19: {  	s7 =	sld [smem:$0x3F94]  }
0x1a: {  	s8 =	sadd.s32 $0xFFFFE003, lr  }
0x1b: {  	s9 =	sadd.s32 $0xFFFFFEF7, lr;
	s5 =	simm.s32 $0xFFFFFFFF;
	p2 =	slt.u32 s8, $0xFFFFF086  }
0x1c: {  	p1 =	slt.u32 s9, $0xF7A;
	s5 =	simm.s32 @!p2 $0x0  }
0x1d: {  	s5 =	simm.s32 @p1 $0x1;
	p0 =	seq.s32 s7, s2  }
0x1e: {  	s7 =	smul.u32 @!p0 $0xF7A, s2;
	p2 =	seq.s32 @!p0 s5, $0x0  }
0x1f: {  	s9 =	smul.u32 $0xF7A, s1;
	s8 =	simm.s32 @!p0 $0x1BF5;
	p2 =	por !p2, p0  }
0x20: {  	[sflag:s8] =	ssyncset.s32 @!p0 $0xFFFFF086;
	s6 =	sadd.s32 @!p0 s3, s7;
	s7 =	simm.s32 @!p0 $0x108  }
0x21: {  	s3 =	sadd.s32 s3, s9;
	s6 =	sadd.s32 @!p0 $0x88, s6;
	s7 =	simm.s32 @p2 $0x1082  }
0x22: {  	[simem:s7], [sflag:s8] =	dma.local @!p0 [hbm:s6], $0xF7A  }
0x23: {  	s9 =	sor.u32 $0xD0000000, s2;
	s6 =	simm.s32 $0x108;
	_ =	swait.ge @!p0 [sflag:s8], $0x0  }
0x24: {  	s3 =	sadd.s32 $0x88, s3;
	s6 =	simm.s32 @!p1 $0x1082;
	[sflag:s4] =	ssyncset.s32 $0xFFFFF086  }
0x25: {  	[simem:s6], [sflag:s4] =	dma.local [hbm:s3], $0xF7A  }
0x26: {  	[smem:$0x3F94] =	sst s1;
	(tag) =	ssettag s2;
	_ =	strace s9  }
0x27: {  	s1 =	sld [smem:$0x3FA4]  }
0x28: {  	s2 =	sld [smem:$0x3FA5]  }
0x29: {  	s4 =	sld [smem:$0x3FA7]  }
0x2a: {  	p0 =	seq.s32 s5, $0x0;
	s5 =	sld [smem:$0x3FA8]  }
0x2b: {  	s6 =	sld [smem:$0x3FA9]  }
0x2c: {  	s7 =	sld [smem:$0x3FAA]  }
0x2d: {  	s3 =	simm.s32 $0x108;
	s8 =	sld [smem:$0x3FAB]  }
0x2e: {  	s3 =	simm.s32 @!p0 $0x1082;
	s9 =	sld [smem:$0x3FAC]  }
0x2f: {  	lr =	sadd.s32 s0, s3;
	s0 =	sld [smem:$0x3FA3]  }
0x30: {  	s3 =	sld [smem:$0x3FA6]  }
0x31: {  	[smem:$0x3FAF] =	sst s10  }
0x32: {  	s10 =	sld [smem:$0x3FAD];
	_ =	sdelay $0x3  }
0x33: {  	p0 =	seq.s32 s10, $0x1;
	s10 =	sld [smem:$0x3FAF];
	_ =	sdelay $0x3  }
0x34: {  	[smem:$0x3FAF] =	sst s10  }
0x35: {  	s10 =	sld [smem:$0x3FAE];
	_ =	sdelay $0x3  }
0x36: {  	p1 =	seq.s32 s10, $0x1;
	s10 =	sld [smem:$0x3FAF];
	_ =	sdelay $0x3  }
0x37: {  	[smem:$0x3FAF] =	sst s10  }
0x38: {  	s10 =	sld [smem:$0x3FB0]  }
0x39: {  	_ = 	snop;
	(pc) =	sbr.ind lr, $3  }
0x3a: {  	_ = 	snop  }
0x3b: {  	_ = 	snop  }
0x3c: {  	p2 =	seq.s32 s10, $0x1;
	s10 =	sld [smem:$0x3FAF]  }
0x3d: {  	_ =	shalt  }
0x3e: {  	_ =	shalt  }
0x3f: {  	_ =	shalt  }
0x40: {  	_ =	shalt  }
0x41: {  	_ =	shalt  }
0x42: {  	_ =	shalt  }
0x43: {  	_ =	shalt  }
0x44: {  	_ =	shalt  }
0x45: {  	_ =	shalt  }
0x46: {  	_ =	shalt  }
0x47: {  	_ =	shalt  }
0x48: {  	_ =	shalt  }
0x49: {  	_ =	shalt  }
0x4a: {  	_ =	shalt  }
0x4b: {  	_ =	shalt  }
0x4c: {  	_ =	shalt  }
0x4d: {  	_ =	shalt  }
0x4e: {  	_ =	shalt  }
0x4f: {  	_ =	shalt  }
0x50: {  	_ =	shalt  }
0x51: {  	_ =	shalt  }
0x52: {  	_ =	shalt  }
0x53: {  	_ =	shalt  }
0x54: {  	_ =	shalt  }
0x55: {  	_ =	shalt  }
0x56: {  	_ =	shalt  }
0x57: {  	_ =	shalt  }
0x58: {  	_ =	shalt  }
0x59: {  	_ =	shalt  }
0x5a: {  	_ =	shalt  }
0x5b: {  	_ =	shalt  }
0x5c: {  	_ =	shalt  }
0x5d: {  	_ =	shalt  }
0x5e: {  	_ =	shalt  }
0x5f: {  	_ =	shalt  }
0x60: {  	_ =	shalt  }
0x61: {  	_ =	shalt  }
0x62: {  	_ =	shalt  }
0x63: {  	_ =	shalt  }
0x64: {  	_ =	shalt  }
0x65: {  	_ =	shalt  }
0x66: {  	_ =	shalt  }
0x67: {  	_ =	shalt  }
0x68: {  	_ =	shalt  }
0x69: {  	_ =	shalt  }
0x6a: {  	_ =	shalt  }
0x6b: {  	_ =	shalt  }
0x6c: {  	_ =	shalt  }
0x6d: {  	_ =	shalt  }
0x6e: {  	_ =	shalt  }
0x6f: {  	_ =	shalt  }
0x70: {  	_ =	shalt  }
0x71: {  	_ =	shalt  }
0x72: {  	_ =	shalt  }
0x73: {  	_ =	shalt  }
0x74: {  	_ =	shalt  }
0x75: {  	_ =	shalt  }
0x76: {  	_ =	shalt  }
0x77: {  	_ =	shalt  }
0x78: {  	_ =	shalt  }
0x79: {  	_ =	shalt  }
0x7a: {  	_ =	shalt  }
0x7b: {  	_ =	shalt  }
0x7c: {  	_ =	shalt  }
0x7d: {  	_ =	shalt  }
0x7e: {  	_ =	shalt  }
0x7f: {  	_ =	shalt  }
0x80: {  	_ =	shalt  }
0x81: {  	_ =	shalt  }
0x82: {  	_ =	shalt  }
0x83: {  	_ =	shalt  }
0x84: {  	_ =	shalt  }
0x85: {  	_ =	shalt  }
0x86: {  	_ =	shalt  }
0x87: {  	_ =	shalt  }
.Lfunc_end0:
.L_simem_size_0:
called_computation.3_lowered:
.L_overlay_start_0:
0x88: {  	s2 =	sld [smem:$0x3FD9]  }
0x89: {  	s3 =	sld [smem:$0x3FFE];
	_ =	sdelay $0x1  }
0x8a: {  	s1 =	srdreg.scid  }
0x8b: {  	s0 =	sand.u32 $0x1, s1  }
0x8c: {  	s17 =	sshll.u32 s0, $0xA;
	s2 =	sadd.s32 s3, s2  }
0x8d: {  	s2 =	sadd.s32 s2, s17  }
0x8e: {  	[smem:$0x3FBB] =	sst s2  }
0x8f: {  	_ = 	snop  }
0x90: {  	s2 =	sld [smem:$0x3FD0];
	(tm) =	ssettm $0x1  }
0x91: {  	s18 =	sld [smem:$0x3FFB];
	_ =	sdelay $0x3  }
0x92: {  	_ =	strace s18  }
0x93: {  	s3 =	sld [smem:$0x3FFC];
	_ =	sdelay $0x3  }
0x94: {  	_ =	strace s3  }
0x95: {  	s3 =	sld [smem:$0x3FFD];
	_ =	sdelay $0x3  }
0x96: {  	_ =	strace s3  }
0x97: {  	_ =	strace $0x8FFFFFFF  }
0x98: {  	s19 =	sld [smem:$0x3FDB];
	_ =	sdelay $0x1  }
0x99: {  	s4 =	simm.s32 $_scs_section_size  }
0x9a: {  	s5 =	simm.s32 $_size__tile_overlayer_lowered;
	s6 =	simm.s32 $_tile_overlayer_lowered  }
0x9b: {  	s22 =	simm.s32 $0x1BFF;
	s21 =	sshll.u32 s6, $0x1;
	s3 =	sadd.s32 s4, s19  }
0x9c: {  	s7 =	simm.s32 $0x0;
	s20 =	sshll.u32 s5, $0x1;
	s5 =	sadd.s32 s21, s3  }
0x9d: {  	[timem:s7], [sflag:s22] =	dma.local [hbm:s5], s20  }
0x9e: {  	_ =	swait.ge [sflag:s22], s20  }
0x9f: {  	s4 =	ssub.s32 $0x0, s20;
	[sflag:s22] =	ssyncset.done $0x0  }
0xa0: {  	[sflag:s22] =	ssyncadd.s32 s4;
	_ =	sdelay $0x1  }
0xa1: {  	s23 =	simm.s32 $0x1B8B  }
0xa2: {  	_ =	swait.ge [sflag:s23], $0x1  }
0xa3: {  	[sflag:s23] =	ssyncset.done $0x0  }
0xa4: {  	s25 =	simm.s32 $0x1B8E;
	s24 =	sld [smem:$0x3FFE];
	[sflag:s23] =	ssyncadd.s32 $0xFFFFFFFF  }
0xa5: {  	s26 =	simm.s32 $execute0_lowered;
	[smem:$0x3FD2] =	sst s25  }
0xa6: {  	s5 =	sshll.u32 s26, $0x1;
	_ =	strace $0x8000004F;
	[dreg:$0x1] =	wrdreg $0xFFFFFFFF  }
0xa7: {  	s28 =	simm.s32 $_size_execute0_lowered;
	s3 =	sadd.s32 s3, s5;
	[dreg:$0x0] =	wrdreg $0x0  }
0xa8: {  	s5 =	sshll.u32 s28, $0x1;
	[dreg:$0x2] =	wrdreg s3  }
0xa9: {  	[dreg:$0x3] =	wrdreg s5  }
0xaa: {  	[dreg:$0x4] =	wrdreg $0xC0  }
0xab: {  	_ =	task [dreg:s7], $0x5FFFF  }
0xac: {  	[dreg:$0x1] =	wrdreg $0xFFFFFFFF  }
0xad: {  	[dreg:$0x0] =	wrdreg $0x60  }
0xae: {  	[dreg:$0x2] =	wrdreg s24  }
0xaf: {  	[dreg:$0x3] =	wrdreg s2  }
0xb0: {  	[dreg:$0x4] =	wrdreg $0x85800  }
0xb1: {  	[dreg:$0x5] =	wrdreg $0x9  }
0xb2: {  	_ =	task.clear_ibuf [dreg:s7], $0x6FFFF;
	_ =	strace $0x9000004F  }
0xb3: {  	s29 =	simm.s32 $0x9;
	_ =	strace $0x80000051  }
0xb4: {  	_ =	swait.ge [sflag:s29], $0x1  }
0xb5: {  	[sflag:s29] =	ssyncadd.s32 $0xFFFFFFFF  }
0xb6: {  	_ =	strace $0x90000051  }
0xb7: {  	_ =	sfence  }
0xb8: {  	s30 =	sld [smem:$0x0];
	_ =	sdelay $0x2  }
0xb9: {  	s31 =	sshll.u32 s1, $0xD;
	s1 =	sshrl.u32 s1, $0x2  }
0xba: {  	s3 =	sand.u32 $0x4000, s31;
	s1 =	sadd.s32 s1, s30  }
0xbb: {  	s0 =	sor.u32 s3, s0;
	s1 =	sshll.u32 s1, $0x11  }
0xbc: {  	s0 =	sor.u32 s1, s0  }
0xbd: {  	s0 =	sadd.s32 $0x8F2B, s0  }
0xbe: {  	[sflag:s0] =	ssyncadd.remote.s32 $0x1  }
0xbf: {  	_ =	sfence.sel $0xFFFF  }
0xc0: {  	[dreg:$0x0] =	wrdreg $0xFFFFFFFF;
	(pc) =	sbr.abs _section_cstart, $3  }
0xc1: {  	[dreg:$0x1] =	wrdreg $0xFFFFFFFF  }
0xc2: {  	_ =	task.clear_ibuf [dreg:s7], $0x2FFFF;
	_ =	strace $0x9FFFFFFF  }
0xc3: {  	(tm) =	ssettm $0x7FFFFFFF  }
tec
execute0_lowered:
.L_overlay_start_1:
0x0: {  	(tag) =	ssettag $0x1  }
0x1: {  	s0 =	rddreg [dreg:$0x0]  }
0x2: {  	s2 =	rddreg [dreg:$0x1]  }
0x3: {  	s3 =	rddreg [dreg:$0x2]  }
0x4: {  	s1 =	srdreg.scid;
	s19 =	stileid.u32  }
0x5: {  	s4 =	simm.s32 $0x0;
	s28 =	simm.s32 $0x4;
	s29 =	simm.s32 $0x8100  }
0x6: {  	s30 =	simm.s32 $0x8180;
	s1 =	sand.u32 $0x1, s1;
	s5 =	smul.u32 $0x278, s19  }
0x7: {  	[smem:$0x7FF] =	sst s4;
	s7 =	sadd.s32 $0x649C00, s0;
	s8 =	sshll.u32 s19, $0x1  }
0x8: {  	s9 =	sadd.s32 $0x2F400, s0;
	s11 =	smul.u32 $0x4F000, s19;
	s18 =	sshll.u32 s19, $0x6  }
0x9: {  	p0 =	seq.s32 s19, $0xF;
	s6 =	smul.u32 $0x2710, s1;
	_ =	strace $0x80000050  }
0xa: {  	s13 =	sor.u32 s1, s8;
	s14 =	ssub.s32 $0x2, s1;
	s23 =	smul.u32 $0x13880, s1  }
0xb: {  	[dreg:$0x4] =	wrdreg s9;
	s10 =	smul.u32 $0x1388, s13;
	s15 =	sshrl.u32 s14, $0x1  }
0xc: {  	s17 =	sshrl.u32 s11, $0x2;
	s5 =	sadd.s32 s5, s6;
	s15 =	ssub.s32 s14, s15  }
0xd: {  	s6 =	smul.u32 $0x13880, s13;
	s5 =	sshll.u32 s5, $0x4;
	s16 =	sshrl.u32 s10, $0x3  }
0xe: {  	s12 =	sadd.s32 $0x1380, s10;
	s15 =	smax.u32 s15, $0x1;
	s5 =	sadd.s32 s5, s0  }
0xf: {  	s8 =	sadd.s32 s2, s16;
	s6 =	sadd.s32 s7, s6;
	s16 =	smul.u32 $0x27100, s19  }
0x10: {  	s0 =	sadd.s32 $0x31480, s0;
	s21 =	sshrl.u32 s12, $0x3;
	[dreg:$0x5] =	wrdreg s8  }
0x11: {  	s22 =	sshll.u32 s12, $0x4;
	[dreg:$0x6] =	wrdreg s6;
	s6 =	sadd.s32 s17, s3  }
0x12: {  	s8 =	sor.u32 $0x1C05, s18;
	[dreg:$0x8] =	wrdreg s0;
	s17 =	smul.u32 $0x2710, s19  }
0x13: {  	s11 =	sadd.s32 s2, s21;
	s18 =	smul.u32 $0x1388, s1;
	s12 =	sadd.s32 s7, s22  }
0x14: {  	s13 =	sadd.s32 $0x31C00, s5;
	s14 =	sadd.s32 $0x33C80, s5;
	s19 =	simm.s32 $0x100  }
0x15: {  	s21 =	simm.s32 $0x5;
	s22 =	simm.s32 $0x80;
	s20 =	sadd.s32 $0x10400, s6  }
0x16: {  	s24 =	sadd.s32 s16, s7;
	[dreg:$0x7] =	wrdreg s20;
	s25 =	sadd.s32 s18, s17  }
0x17: {  	s0 =	sadd.s32 s23, s24;
	s20 =	sshrl.u32 s6, $0x3;
	s23 =	simm.s32 $0x4100  }
0x18: {  	s24 =	simm.s32 $0x1;
	s26 =	sadd.s32 $0x80, s25;
	s16 =	sadd.s32 $0x1000, s0  }
0x19: {  	s17 =	sadd.s32 $0x100, s25;
	s25 =	simm.s32 $0x3;
	s31 =	sshrl.u32 s26, $0x3  }
0x1a: {  	s0 =	simm.s32 $0x0;
	s26 =	simm.s32 $0x2;
	s18 =	sadd.s32 s31, s2  }
.LBB2_1:
0x1b: {  	s1 =	rddreg [dreg:$0x5]  }
0x1c: {  	s5 =	rddreg [dreg:$0x6]  }
0x1d: {  	[tilespmem:s4], [sflag:$0x1] =	stream.linear.gather [hbm4b:s1+s4], $0x80, $0x38;
	[tilespmem:$0x1BE00] =	vst v63  }
0x1e: {  	s6 =	rddreg [dreg:$0x4]  }
0x1f: {  	[tilespmem:s19], [sflag:$0x3] =	stream.linear.gather [hbm4b:s5+s4], $0x4000, $0x38;
	[tilespmem:$0x1BE00] =	vst v63  }
0x20: {  	[spmem:s20], [sflag:s8] =	dma.local [hbm:s6], $0x2080  }
0x21: {  	_ =	swait.ge [sflag:s21], $0x2080  }
0x22: {  	[sflag:s21] =	ssyncset.done $0x0;
	s1 =	rddreg [dreg:$0x7]  }
0x23: {  	s5 =	rddreg [dreg:$0x8];
	[sflag:s21] =	ssyncadd.s32 $0xFFFFDF80;
	s1 =	sshrl.u32 @!p0 s1, $0x3  }
0x24: {  	[spmem:s1], [sflag:s8] =	dma.local @!p0 [hbm:s5], $0x700  }
0x25: {  	s5 =	simm.s32 @!p0 $0x5  }
0x26: {  	_ =	swait.ge @!p0 [sflag:s5], $0x700  }
0x27: {  	[sflag:s5] =	ssyncset.done @!p0 $0x0  }
0x28: {  	[sflag:s5] =	ssyncadd.s32 @!p0 $0xFFFFF900  }
0x29: {  	s7 =	sadd.s32 $0x0, s18;
	[bflag:$0x0] =	sbarrier.arrive $0xFFFF  }
0x2a: {  	[tilespmem:s22], [sflag:$0x2] =	stream.linear.gather [hbm4b:s7+s4], $0x80, $0x38;
	[tilespmem:$0x1BE00] =	vst v63  }
0x2b: {  	s9 =	sadd.s32 $0xFFFFF800, s16  }
0x2c: {  	[tilespmem:s23], [sflag:$0x4] =	stream.linear.gather [hbm4b:s9+s4], $0x4000, $0x38;
	[tilespmem:$0x1BE00] =	vst v63  }
0x2d: {  	_ =	swait.ge [sflag:s24], $0x80  }
0x2e: {  	[sflag:s24] =	ssyncset.done $0x0  }
0x2f: {  	[sflag:s24] =	ssyncadd.s32 $0xFFFFFF80  }
0x30: {  	_ =	swait.ge [sflag:s25], $0x4000  }
0x31: {  	[sflag:s25] =	ssyncset.done $0x0  }
0x32: {  	[sflag:s25] =	ssyncadd.s32 $0xFFFFC000  }
0x33: {  	[spmem:s3] =	stream.indirect.scatter.add.f32 [tilespmem:s19], [sflag:$0x5], $0x80, s4, s22, $0xb8;
	[tilespmem:$0x1BE00] =	vst v63  }
0x34: {  	_ =	swait.ge [sflag:s21], $0x4000  }
0x35: {  	s10 =	sshrl.u32 s17, $0x3;
	[sflag:s21] =	ssyncset.done $0x0  }
0x36: {  	s5 =	sadd.s32 s2, s10;
	[sflag:s21] =	ssyncadd.s32 $0xFFFFC000  }
0x37: {  	[tilespmem:s4], [sflag:$0x1] =	stream.linear.gather [hbm4b:s5+s4], $0x80, $0x38;
	[tilespmem:$0x1BE00] =	vst v63  }
0x38: {  	_ = 	snop  }
0x39: {  	[tilespmem:s19], [sflag:$0x3] =	stream.linear.gather [hbm4b:s16+s4], $0x4000, $0x38;
	[tilespmem:$0x1BE00] =	vst v63  }
0x3a: {  	_ =	swait.ge [sflag:s26], $0x80  }
0x3b: {  	[sflag:s26] =	ssyncset.done $0x0  }
0x3c: {  	[sflag:s26] =	ssyncadd.s32 $0xFFFFFF80  }
0x3d: {  	_ =	swait.ge [sflag:s28], $0x4000  }
0x3e: {  	[sflag:s28] =	ssyncset.done $0x0  }
0x3f: {  	[sflag:s28] =	ssyncadd.s32 $0xFFFFC000  }
0x40: {  	[spmem:s3] =	stream.indirect.scatter.add.f32 [tilespmem:s23], [sflag:$0x5], $0x80, s22, s22, $0xb8;
	[tilespmem:$0x1BE00] =	vst v63  }
0x41: {  	s31 =	sadd.s32 $0x1000, s16;
	s6 =	simm.s32 $0x20;
	_ =	swait.ge [sflag:s21], $0x4000  }
0x42: {  	s7 =	simm.s32 $0x40;
	s5 =	sadd.s32 $0x100, s17;
	[sflag:s21] =	ssyncset.done $0x0  }
.LBB2_2:
0x43: {  	s9 =	sadd.s32 s6, s18  }
0x44: {  	[sflag:s21] =	ssyncadd.s32 $0xFFFFC000;
	s6 =	smov.u32 s7;
	s10 =	sadd.s32 $0x20, s7  }
0x45: {  	[tilespmem:s22], [sflag:$0x2] =	stream.linear.gather [hbm4b:s9+s4], $0x80, $0x38;
	[tilespmem:$0x1BE00] =	vst v63  }
0x46: {  	p1 =	sne.s32 s7, $0x240;
	s7 =	sadd.s32 $0xFFFFF800, s31  }
0x47: {  	[tilespmem:s23], [sflag:$0x4] =	stream.linear.gather [hbm4b:s7+s4], $0x4000, $0x38;
	[tilespmem:$0x1BE00] =	vst v63  }
0x48: {  	_ =	swait.ge [sflag:s24], $0x80  }
0x49: {  	[sflag:s24] =	ssyncset.done $0x0  }
0x4a: {  	[sflag:s24] =	ssyncadd.s32 $0xFFFFFF80  }
0x4b: {  	_ =	swait.ge [sflag:s25], $0x4000  }
0x4c: {  	[sflag:s25] =	ssyncset.done $0x0  }
0x4d: {  	[sflag:s25] =	ssyncadd.s32 $0xFFFFC000  }
0x4e: {  	[spmem:s3] =	stream.indirect.scatter.add.f32 [tilespmem:s19], [sflag:$0x5], $0x80, s4, s22, $0xb8;
	[tilespmem:$0x1BE00] =	vst v63  }
0x4f: {  	_ =	swait.ge [sflag:s21], $0x4000  }
0x50: {  	s7 =	sshrl.u32 s5, $0x3;
	[sflag:s21] =	ssyncset.done $0x0  }
0x51: {  	s7 =	sadd.s32 s2, s7;
	[sflag:s21] =	ssyncadd.s32 $0xFFFFC000  }
0x52: {  	[tilespmem:s4], [sflag:$0x1] =	stream.linear.gather [hbm4b:s7+s4], $0x80, $0x38;
	[tilespmem:$0x1BE00] =	vst v63  }
0x53: {  	_ = 	snop  }
0x54: {  	[tilespmem:s19], [sflag:$0x3] =	stream.linear.gather [hbm4b:s31+s4], $0x4000, $0x38;
	[tilespmem:$0x1BE00] =	vst v63  }
0x55: {  	_ =	swait.ge [sflag:s26], $0x80  }
0x56: {  	[sflag:s26] =	ssyncset.done $0x0  }
0x57: {  	[sflag:s26] =	ssyncadd.s32 $0xFFFFFF80  }
0x58: {  	_ =	swait.ge [sflag:s28], $0x4000  }
.Ltmp0:
0x59: {  	[sflag:s28] =	ssyncset.done $0x0;
	(pc) =	sbr.rel @p1 .LBB2_2-.Ltmp0, $4  }
0x5a: {  	[sflag:s28] =	ssyncadd.s32 $0xFFFFC000  }
0x5b: {  	[spmem:s3] =	stream.indirect.scatter.add.f32 [tilespmem:s23], [sflag:$0x5], $0x80, s22, s22, $0xb8;
	[tilespmem:$0x1BE00] =	vst v63  }
0x5c: {  	s5 =	sadd.s32 $0x100, s5;
	_ =	swait.ge [sflag:s21], $0x4000  }
0x5d: {  	s7 =	smov.u32 s10;
	s31 =	sadd.s32 $0x1000, s31;
	[sflag:s21] =	ssyncset.done $0x0  }
0x5e: {  	s6 =	sadd.s32 s6, s18;
	[sflag:s21] =	ssyncadd.s32 $0xFFFFC000  }
0x5f: {  	[tilespmem:s22], [sflag:$0x2] =	stream.linear.gather [hbm4b:s6+s4], $0x80, $0x38;
	[tilespmem:$0x1BE00] =	vst v63  }
0x60: {  	s10 =	sadd.s32 $0xFFFFF800, s31  }
0x61: {  	[tilespmem:s23], [sflag:$0x4] =	stream.linear.gather [hbm4b:s10+s4], $0x4000, $0x38;
	[tilespmem:$0x1BE00] =	vst v63  }
0x62: {  	_ =	swait.ge [sflag:s24], $0x80  }
0x63: {  	[sflag:s24] =	ssyncset.done $0x0  }
0x64: {  	[sflag:s24] =	ssyncadd.s32 $0xFFFFFF80  }
0x65: {  	_ =	swait.ge [sflag:s25], $0x4000  }
0x66: {  	[sflag:s25] =	ssyncset.done $0x0  }
0x67: {  	[sflag:s25] =	ssyncadd.s32 $0xFFFFC000  }
0x68: {  	[spmem:s3] =	stream.indirect.scatter.add.f32 [tilespmem:s19], [sflag:$0x5], $0x80, s4, s22, $0xb8;
	[tilespmem:$0x1BE00] =	vst v63  }
0x69: {  	_ =	swait.ge [sflag:s21], $0x4000  }
0x6a: {  	s5 =	sshrl.u32 s5, $0x3;
	[sflag:s21] =	ssyncset.done $0x0  }
0x6b: {  	s5 =	sadd.s32 s2, s5;
	[sflag:s21] =	ssyncadd.s32 $0xFFFFC000  }
0x6c: {  	[tilespmem:s4], [sflag:$0x1] =	stream.linear.gather [hbm4b:s5+s4], $0x80, $0x38;
	[tilespmem:$0x1BE00] =	vst v63  }
0x6d: {  	_ = 	snop  }
0x6e: {  	[tilespmem:s19], [sflag:$0x3] =	stream.linear.gather [hbm4b:s31+s4], $0x4000, $0x38;
	[tilespmem:$0x1BE00] =	vst v63  }
0x6f: {  	_ =	swait.ge [sflag:s26], $0x80  }
0x70: {  	[sflag:s26] =	ssyncset.done $0x0  }
0x71: {  	[sflag:s26] =	ssyncadd.s32 $0xFFFFFF80  }
0x72: {  	_ =	swait.ge [sflag:s28], $0x4000  }
0x73: {  	[sflag:s28] =	ssyncset.done $0x0  }
0x74: {  	[sflag:s28] =	ssyncadd.s32 $0xFFFFC000  }
0x75: {  	[spmem:s3] =	stream.indirect.scatter.add.f32 [tilespmem:s23], [sflag:$0x5], $0x80, s22, s22, $0xb8;
	[tilespmem:$0x1BE00] =	vst v63  }
0x76: {  	_ =	swait.ge [sflag:s21], $0x4000  }
0x77: {  	[sflag:s21] =	ssyncset.done $0x0  }
0x78: {  	[sflag:s21] =	ssyncadd.s32 $0xFFFFC000  }
0x79: {  	_ =	swait.ge [sflag:s24], $0x80  }
0x7a: {  	[sflag:s24] =	ssyncset.done $0x0  }
0x7b: {  	[sflag:s24] =	ssyncadd.s32 $0xFFFFFF80  }
0x7c: {  	_ =	swait.ge [sflag:s25], $0x4000  }
0x7d: {  	[sflag:s25] =	ssyncset.done $0x0  }
0x7e: {  	[sflag:s25] =	ssyncadd.s32 $0xFFFFC000  }
0x7f: {  	[spmem:s3] =	stream.indirect.scatter.add.f32 [tilespmem:s19], [sflag:$0x5], $0x80, s4, s22, $0xb8;
	[tilespmem:$0x1BE00] =	vst v63  }
0x80: {  	_ =	swait.ge [sflag:s21], $0x4000  }
0x81: {  	[sflag:s21] =	ssyncset.done $0x0  }
0x82: {  	[sflag:s21] =	ssyncadd.s32 $0xFFFFC000  }
0x83: {  	[tilespmem:s29], [sflag:$0x5] =	stream.linear.gather [hbm4b:s11+s4], $0x8, $0x38;
	[tilespmem:$0x1BE00] =	vst v63  }
0x84: {  	_ =	swait.ge [sflag:s21], $0x8  }
0x85: {  	[sflag:s21] =	ssyncset.done $0x0  }
0x86: {  	[sflag:s21] =	ssyncadd.s32 $0xFFFFFFF8  }
0x87: {  	[tilespmem:s30], [sflag:$0x5] =	stream.linear.gather [hbm4b:s12+s4], $0x400, $0x38;
	[tilespmem:$0x1BE00] =	vst v63  }
0x88: {  	_ =	swait.ge [sflag:s21], $0x400  }
0x89: {  	[sflag:s21] =	ssyncset.done $0x0  }
0x8a: {  	s31 =	simm.s32 $0x8;
	[sflag:s21] =	ssyncadd.s32 $0xFFFFFC00  }
0x8b: {  	[spmem:s3] =	stream.indirect.scatter.add.f32 [tilespmem:s30], [sflag:$0x5], $0x80, s29, s31, $0xb8;
	[tilespmem:$0x1BE00] =	vst v63  }
0x8c: {  	_ =	swait.ge [sflag:s21], $0x400  }
0x8d: {  	[sflag:s21] =	ssyncset.done $0x0  }
0x8e: {  	[sflag:s21] =	ssyncadd.s32 $0xFFFFFC00  }
0x8f: {  	[bflag:$0x0] =	sbarrier.arrive $0xFFFF  }
0x90: {  	[hbm:s13], [sflag:s8] =	dma.local [spmem:s20], $0x2080  }
0x91: {  	_ =	swait.ge [sflag:s21], $0x2080  }
0x92: {  	s0 =	sadd.s32 $0x1, s0;
	[sflag:s21] =	ssyncset.done $0x0  }
0x93: {  	p1 =	sne.s32 s0, s15;
	[sflag:s21] =	ssyncadd.s32 $0xFFFFDF80  }
0x94: {  	[hbm:s14], [sflag:s8] =	dma.local @!p0 [spmem:s1], $0x700  }
.Ltmp1:
0x95: {  	_ = 	snop;
	(pc) =	sbr.rel @p1 .LBB2_1-.Ltmp1, $4  }
0x96: {  	s1 =	simm.s32 @!p0 $0x5  }
0x97: {  	_ =	swait.ge @!p0 [sflag:s1], $0x700  }
0x98: {  	[sflag:s1] =	ssyncset.done @!p0 $0x0  }
0x99: {  	[sflag:s1] =	ssyncadd.s32 @!p0 $0xFFFFF900  }
0x9a: {  	_ =	sfence.sel $0x180000  }
0x9b: {  	[bflag:$0x0] =	sbarrier.arrive $0xFFFF  }
0x9c: {  	_ =	strace $0x90000050  }
0x9d: {  	s0 =	stileid.u32;
	[bflag:$0x2] =	sbarrier.arrive $0xFFFF  }
0x9e: {  	p0 =	sne.s32 s0, $0x0;
	s0 =	rddreg [dreg:$0x3]  }
0x9f: {  	s0 =	sadd.s32 @!p0 $0x100000, s0  }
0xa0: {  	[sflag:s0] =	ssyncadd.tile.s32 @!p0 $0x1;
	_ =	shalt  }
.Lfunc_end2:
_tile_overlayer_lowered:
.L_overlay_start_2:
0xa1: {  	(tag) =	ssettag $0x2  }
0xa2: {  	s0 =	rddreg [dreg:$0x0];
	s2 =	stileid.u32  }
0xa3: {  	s1 =	rddreg [dreg:$0x1];
	p0 =	sne.s32 s2, $0x0  }
0xa4: {  	s3 =	rddreg [dreg:$0x2];
	[bflag:$0x3] =	sbarrier.arrive $0xFFFF;
	s2 =	simm.s32 @!p0 $0x1C05  }
0xa5: {  	[timem:s3], [sflag:s2] =	dma.local @!p0 [hbm:s0], s1  }
0xa6: {  	s0 =	simm.s32 @!p0 $0x5  }
0xa7: {  	_ =	swait.ge @!p0 [sflag:s0], s1  }
0xa8: {  	s1 =	ssub.s32 @!p0 $0x0, s1;
	[sflag:s0] =	ssyncset.done @!p0 $0x0  }
0xa9: {  	[sflag:s0] =	ssyncadd.s32 @!p0 s1  }
0xaa: {  	[bflag:$0x3] =	sbarrier.arrive $0xFFFF  }
0xab: {  	_ =	shalt  }

</sc_bundles>
